<compile_context>
chip_gen: v7x
topology: tpu7x:2x2x1
jax: 0.10.2.dev20260603
libtpu: 0.0.44.dev20260713+nightly
codegen_flags: <defaults>
</compile_context>

<pallas_src>
import functools

import jax
import jax.numpy as jnp
from jax import lax
from jax.experimental import pallas as pl
from jax.experimental.pallas import tpu as pltpu
from jax.experimental.pallas import tpu_sc as plsc

_SQRT2 = 1.4142135623730951
_INV_SQRT2 = 1.0 / _SQRT2

_B = 2048
_N = 4096
_T = _N // 2
_NW = 32
_RPW = _B // _NW
_RB = 2


def _sc_body(x_hbm, out_hbm, xbuf0, xbuf1, ca1, ca2, c0b, c1b, c2b, c3b,
             obuf0, obuf1, isem0, isem1, osem0, osem1):
    wid = lax.axis_index("s") * 2 + lax.axis_index("c")
    base = wid * _RPW
    iota = lax.iota(jnp.int32, 16)
    inv = jnp.full((16,), _INV_SQRT2, jnp.float32)
    ninf = jnp.full((16,), -jnp.inf, jnp.float32)
    zero = jnp.zeros((16,), jnp.float32)

    def masks(ref_, t0):
        c = ref_[pl.ds(t0, 16)]
        cn = plsc.load_gather(ref_, [t0 + 1 + iota])
        sb = plsc.bitcast(c, jnp.int32) < 0
        sbn = plsc.bitcast(cn, jnp.int32) < 0
        up = jnp.logical_and(sbn, jnp.logical_not(sb))
        dn = jnp.logical_and(sb, jnp.logical_not(sbn))
        return c, up, dn

    dnums = lax.GatherDimensionNumbers(
        offset_dims=(), collapsed_slice_dims=(0,), start_index_map=(0,))

    def vperm(a, idx):
        return lax.gather(a, idx[:, None], dnums, (1,),
                          mode=lax.GatherScatterMode.PROMISE_IN_BOUNDS)

    idx_e = (iota * 2) % 16
    idx_o = idx_e + 1
    lane_lo = iota < 8

    def compute_row(xb, ob, rb):
        rbv = jnp.full((16,), rb, jnp.int32)

        @plsc.parallel_loop(0, _T // 32, unroll=4, carry=ninf)
        def m2v(i, m):
            idx = i * 64 + iota * 2
            e_lo = plsc.load_gather(xb, [rbv, idx])
            o_lo = plsc.load_gather(xb, [rbv, idx + 1])
            e_hi = plsc.load_gather(xb, [rbv, idx + 32])
            o_hi = plsc.load_gather(xb, [rbv, idx + 33])
            c3b[pl.ds(i * 32, 16)] = (e_lo - o_lo) * inv
            c3b[pl.ds(i * 32 + 16, 16)] = (e_hi - o_hi) * inv
            a_lo = (e_lo + o_lo) * inv
            a_hi = (e_hi + o_hi) * inv
            ev = jnp.where(lane_lo, vperm(a_lo, idx_e), vperm(a_hi, idx_e))
            od = jnp.where(lane_lo, vperm(a_lo, idx_o), vperm(a_hi, idx_o))
            d = (ev - od) * inv
            ca2[pl.ds(i * 16, 16)] = (ev + od) * inv
            c2b[pl.ds(i * 16, 16)] = d
            return jnp.maximum(m, d)

        @plsc.parallel_loop(0, _T // 64, unroll=4, carry=(ninf, ninf))
        def m01v(i, ms):
            m0, m1 = ms
            idx = i * 32 + iota * 2
            e = plsc.load_gather(ca2, [idx])
            o = plsc.load_gather(ca2, [idx + 1])
            a = (e + o) * inv
            d = (e - o) * inv
            c0b[pl.ds(i * 16, 16)] = a
            c1b[pl.ds(i * 16, 16)] = d
            return jnp.maximum(m0, a), jnp.maximum(m1, d)

        mx0 = lax.reduce_max(m01v[0], (0,))
        mx1 = lax.reduce_max(m01v[1], (0,))
        mx2 = lax.reduce_max(m2v, (0,))
        sp0 = jnp.full((16,), 1.0, jnp.float32) * mx0
        sp1 = jnp.full((16,), 1.0, jnp.float32) * mx1
        sp2 = jnp.full((16,), 1.0, jnp.float32) * mx2
        c0b[pl.ds(_T // 4, 16)] = sp0
        c1b[pl.ds(_T // 4, 16)] = sp1
        c2b[pl.ds(_T // 2, 16)] = sp2
        last = plsc.load_gather(c3b, [jnp.full((16,), _T - 1, jnp.int32)])
        c3b[pl.ds(_T, 16)] = last

        @plsc.parallel_loop(0, _T // 64, unroll=2)
        def rega(i):
            t0 = i * 16
            c0, u0, _ = masks(c0b, t0)
            c1, u1, d1 = masks(c1b, t0)
            c2, u2, d2 = masks(c2b, t0)
            c3, _, d3 = masks(c3b, t0)
            ob[rb, 0, pl.ds(t0, 16)] = (jnp.where(u0, zero, c0)
                                      + jnp.where(d1, c1, zero))
            ob[rb, 1, pl.ds(t0, 16)] = (jnp.where(u0, c0, zero)
                                      + jnp.where(jnp.logical_or(u1, d1), zero, c1)
                                      + jnp.where(d2, c2, zero))
            ob[rb, 2, pl.ds(t0, 16)] = (jnp.where(u1, c1, zero)
                                      + jnp.where(jnp.logical_or(u2, d2), zero, c2)
                                      + jnp.where(d3, c3, zero))
            ob[rb, 3, pl.ds(t0, 16)] = (jnp.where(u2, c2, zero)
                                      + jnp.where(d3, zero, c3))

        @plsc.parallel_loop(_T // 64, _T // 32, unroll=2)
        def regb(i):
            t0 = i * 16
            c2, u2, d2 = masks(c2b, t0)
            c3, _, d3 = masks(c3b, t0)
            ob[rb, 0, pl.ds(t0, 16)] = sp0
            ob[rb, 1, pl.ds(t0, 16)] = sp1 + jnp.where(d2, c2, zero)
            ob[rb, 2, pl.ds(t0, 16)] = (jnp.where(jnp.logical_or(u2, d2), zero, c2)
                                      + jnp.where(d3, c3, zero))
            ob[rb, 3, pl.ds(t0, 16)] = (jnp.where(u2, c2, zero)
                                      + jnp.where(d3, zero, c3))

        @plsc.parallel_loop(_T // 32, _T // 16, unroll=8)
        def regc(i):
            t0 = i * 16
            c3, _, d3 = masks(c3b, t0)
            ob[rb, 0, pl.ds(t0, 16)] = sp0
            ob[rb, 1, pl.ds(t0, 16)] = sp1
            ob[rb, 2, pl.ds(t0, 16)] = sp2 + jnp.where(d3, c3, zero)
            ob[rb, 3, pl.ds(t0, 16)] = jnp.where(d3, zero, c3)


    nblk = _RPW // _RB
    pltpu.make_async_copy(x_hbm.at[pl.ds(base, _RB)], xbuf0, isem0).start()

    def per_pair(gg, carry):
        for ph, xb, xb_n, ob, isem, isem_n, osem in (
                (0, xbuf0, xbuf1, obuf0, isem0, isem1, osem0),
                (1, xbuf1, xbuf0, obuf1, isem1, isem0, osem1)):
            blk = gg * 2 + ph
            row0 = base + blk * _RB
            pltpu.make_async_copy(x_hbm.at[pl.ds(row0, _RB)], xb, isem).wait()

            @pl.when(blk < nblk - 1)
            def _():
                pltpu.make_async_copy(
                    x_hbm.at[pl.ds(row0 + _RB, _RB)], xb_n, isem_n).start()

            @pl.when(blk >= 2)
            def _():
                pltpu.make_async_copy(
                    ob, out_hbm.at[pl.ds(row0 - 2 * _RB, _RB)], osem).wait()

            for rb in range(_RB):
                compute_row(xb, ob, rb)
            pltpu.make_async_copy(
                ob, out_hbm.at[pl.ds(row0, _RB)], osem).start()
        return carry

    lax.fori_loop(0, nblk // 2, per_pair, 0)
    pltpu.make_async_copy(
        obuf0, out_hbm.at[pl.ds(base + _RPW - 2 * _RB, _RB)], osem0).wait()
    pltpu.make_async_copy(
        obuf1, out_hbm.at[pl.ds(base + _RPW - _RB, _RB)], osem1).wait()


@functools.partial(jax.jit, static_argnums=())
def _sst_sc(x):
    mesh = plsc.VectorSubcoreMesh(core_axis_name="c", subcore_axis_name="s")
    run = functools.partial(
        pl.kernel,
        mesh=mesh,
        out_type=jax.ShapeDtypeStruct((_B, 4, _T), jnp.float32),
        compiler_params=pltpu.CompilerParams(needs_layout_passes=False),
        scratch_types=[
            pltpu.VMEM((_RB, _N), jnp.float32),
            pltpu.VMEM((_RB, _N), jnp.float32),
            pltpu.VMEM((_T,), jnp.float32),
            pltpu.VMEM((_T // 2,), jnp.float32),
            pltpu.VMEM((_T // 4 + 16,), jnp.float32),
            pltpu.VMEM((_T // 4 + 16,), jnp.float32),
            pltpu.VMEM((_T // 2 + 16,), jnp.float32),
            pltpu.VMEM((_T + 16,), jnp.float32),
            pltpu.VMEM((_RB, 4, _T), jnp.float32),
            pltpu.VMEM((_RB, 4, _T), jnp.float32),
            pltpu.SemaphoreType.DMA,
            pltpu.SemaphoreType.DMA,
            pltpu.SemaphoreType.DMA,
            pltpu.SemaphoreType.DMA,
        ],
    )(_sc_body)
    return run(x)


def kernel(x):
    return _sst_sc(x)

# --- scband reference (transcript-rebuilt; emitter-appended) ---
"""Pipeline reference for scband-sstmodel-72541997630132 (READ-ONLY COPY).

The authoritative reference and input builder live on the scoring server;
editing this copy changes nothing except your own understanding.
"""

import jax, jax.numpy as jnp
import numpy as np

LEVEL = 3
SQRT2 = 1.4142135623730951


def haar_dwt(a):
    even = a[:, ::2]
    odd = a[:, 1::2]
    cA = (even + odd) / SQRT2
    cD = (even - odd) / SQRT2
    return cA, cD


def setup_inputs(seed: int = 0) -> dict:
    key = jax.random.key(seed)
    x = jax.random.normal(key, (2048, 4096), dtype=jnp.float32)
    return {"x": x}


def reference(x):
    # pywt.wavedec(x_i, 'db1', level=3) equivalent (Haar, periodization pairing)
    a = x
    details = []
    for _ in range(LEVEL):
        a, d = haar_dwt(a)
        details.append(d)
    coeffs = [a] + details[::-1]  # [cA3, cD3, cD2, cD1]
    B = x.shape[0]
    T = coeffs[-1].shape[1]
    # pad each level to common length T with the per-sample max value
    # (mirrors the F.pad(..., value=max_value) logic in the torch code)
    padded = []
    for c in coeffs:
        L = c.shape[1]
        if L < T:
            mx = jnp.max(c, axis=1, keepdims=True)
            pad = jnp.broadcast_to(mx, (B, T - L))
            c = jnp.concatenate([c, pad], axis=1)
        padded.append(c)
    coeffs_tensor = jnp.stack(padded, axis=1)  # [B, level+1, T]
    # torch.angle of a real tensor -> 0 or pi
    phase = jnp.arctan2(jnp.zeros_like(coeffs_tensor), coeffs_tensor)
    instf = jnp.diff(phase, axis=-1)
    instf = jnp.pad(instf, ((0, 0), (0, 0), (0, 1)))
    freq_adj = jnp.clip(instf, -1.0, 1.0)
    Fb = coeffs_tensor.shape[1]
    f_idx = jnp.arange(Fb, dtype=jnp.float32)[None, :, None]
    k = (f_idx + freq_adj).astype(jnp.int32)  # trunc-toward-zero like torch .long()
    k = jnp.clip(k, 0, Fb - 1)
    b_idx = jnp.broadcast_to(jnp.arange(B)[:, None, None], k.shape)
    t_idx = jnp.broadcast_to(jnp.arange(T)[None, None, :], k.shape)
    # histogram-style scatter-add: sst[b, k[b,f,t], t] += coeffs[b, f, t]
    sst = jnp.zeros_like(coeffs_tensor).at[b_idx, k, t_idx].add(coeffs_tensor)
    return sst

if __name__ == "__main__":
    import jax
    _d = setup_inputs()
    print(jax.jit(kernel)(*tuple(_d.values())))

</pallas_src>

<mosaic_0001>
#map = affine_map<(d0, d1) -> (0, 0)>
#map1 = affine_map<(d0, d1) -> (0, 0, 0)>
module attributes {stable_mosaic.version = 14 : i64} {
  func.func @_sc_body(%arg0: i32, %arg1: i32, %arg2: memref<2048x4096xf32, #tpu.memory_space<hbm>>, %arg3: memref<2048x4x2048xf32, #tpu.memory_space<hbm>>, %arg4: memref<2x4096xf32, #tpu.memory_space<vmem>>, %arg5: memref<2x4096xf32, #tpu.memory_space<vmem>>, %arg6: memref<2048xf32, #tpu.memory_space<vmem>>, %arg7: memref<1024xf32, #tpu.memory_space<vmem>>, %arg8: memref<528xf32, #tpu.memory_space<vmem>>, %arg9: memref<528xf32, #tpu.memory_space<vmem>>, %arg10: memref<1040xf32, #tpu.memory_space<vmem>>, %arg11: memref<2064xf32, #tpu.memory_space<vmem>>, %arg12: memref<2x4x2048xf32, #tpu.memory_space<vmem>>, %arg13: memref<2x4x2048xf32, #tpu.memory_space<vmem>>, %arg14: memref<!tpu.dma_semaphore, #tpu.memory_space<semaphore_mem>>, %arg15: memref<!tpu.dma_semaphore, #tpu.memory_space<semaphore_mem>>, %arg16: memref<!tpu.dma_semaphore, #tpu.memory_space<semaphore_mem>>, %arg17: memref<!tpu.dma_semaphore, #tpu.memory_space<semaphore_mem>>) attributes {dimension_semantics = [#tpu.dimension_semantics<core_parallel>, #tpu.dimension_semantics<subcore_parallel>], iteration_bounds = array<i64: 2, 16>, scalar_prefetch = 0 : i64, scratch_operands = 14 : i64, tpu.core_type = #tpu.core_type<sc_vector_subcore>, window_params = [{transform_indices = #map}, {transform_indices = #map1}]} {
    %mul3A = arith.constant 2 : i32
    %mul3A_0 = arith.muli %arg1, %mul3A : i32
    %add3A = arith.addi %mul3A_0, %arg0 : i32
    %mul3A_1 = arith.constant 64 : i32
    %mul3A_2 = arith.muli %add3A, %mul3A_1 : i32
    %iota3A = tpu.iota {dimensions = array<i32: 0>} : vector<16xi32>
    %broadcast_in_dim3A = arith.constant 0.707106769 : f32
    %broadcast_in_dim3A_3 = vector.broadcast %broadcast_in_dim3A : f32 to vector<16xf32>
    %broadcast_in_dim3A_4 = arith.constant 0xFF800000 : f32
    %broadcast_in_dim3A_5 = vector.broadcast %broadcast_in_dim3A_4 : f32 to vector<16xf32>
    %broadcast_in_dim3A_6 = arith.constant 0.000000e+00 : f32
    %broadcast_in_dim3A_7 = vector.broadcast %broadcast_in_dim3A_6 : f32 to vector<16xf32>
    %mul3A_8 = arith.constant 2 : i32
    %mul3A_9 = vector.broadcast %mul3A_8 : i32 to vector<16xi32>
    %mul3A_10 = arith.muli %iota3A, %mul3A_9 : vector<16xi32>
    %jit3A = arith.constant 16 : i32
    %eq3A = arith.constant 0 : i32
    %eq3A_11 = arith.cmpi eq, %jit3A, %eq3A : i32
    %jit3A_12 = arith.constant 1 : i32
    %select_n3A = arith.select %eq3A_11, %jit3A_12, %jit3A : i32
    %rem3A = vector.broadcast %select_n3A : i32 to vector<16xi32>
    %rem3A_13 = arith.remsi %mul3A_10, %rem3A : vector<16xi32>
    %ne3A = arith.constant 0 : i32
    %ne3A_14 = vector.broadcast %ne3A : i32 to vector<16xi32>
    %ne3A_15 = arith.cmpi ne, %rem3A_13, %ne3A_14 : vector<16xi32>
    %lt3A = arith.constant 0 : i32
    %lt3A_16 = vector.broadcast %lt3A : i32 to vector<16xi32>
    %lt3A_17 = arith.cmpi slt, %rem3A_13, %lt3A_16 : vector<16xi32>
    %lt3A_18 = arith.constant 0 : i32
    %lt3A_19 = arith.cmpi slt, %select_n3A, %lt3A_18 : i32
    %ne3A_20 = vector.broadcast %lt3A_19 : i1 to vector<16xi1>
    %ne3A_21 = vector.broadcast %ne3A_20 : vector<16xi1> to vector<16xi1>
    %ne3A_22 = arith.xori %lt3A_17, %ne3A_21 : vector<16xi1>
    %and3A = arith.andi %ne3A_22, %ne3A_15 : vector<16xi1>
    %add3A_23 = vector.broadcast %select_n3A : i32 to vector<16xi32>
    %add3A_24 = arith.addi %rem3A_13, %add3A_23 : vector<16xi32>
    %select_n3A_25 = arith.select %and3A, %add3A_24, %rem3A_13 : vector<16xi1>, vector<16xi32>
    %add3A_26 = arith.constant 1 : i32
    %add3A_27 = vector.broadcast %add3A_26 : i32 to vector<16xi32>
    %add3A_28 = arith.addi %select_n3A_25, %add3A_27 : vector<16xi32>
    %lt3A_29 = arith.constant 8 : i32
    %lt3A_30 = vector.broadcast %lt3A_29 : i32 to vector<16xi32>
    %lt3A_31 = arith.cmpi slt, %iota3A, %lt3A_30 : vector<16xi32>
    %dma_start3A = arith.constant 0 : i32
    %dma_start3A_32 = tpu.memref_slice %arg2[%mul3A_2, %dma_start3A] : memref<2048x4096xf32, #tpu.memory_space<hbm>> -> memref<2x4096xf32, #tpu.memory_space<hbm>>
    %dma_start3A_33 = arith.constant 0 : i32
    %dma_start3A_34 = tpu.memref_slice %arg2[%mul3A_2, %dma_start3A_33] : memref<2048x4096xf32, #tpu.memory_space<hbm>> -> memref<2x4096xf32, #tpu.memory_space<hbm>>
    tpu.enqueue_dma source(%dma_start3A_34 : memref<2x4096xf32, #tpu.memory_space<hbm>>) target(%arg4 : memref<2x4096xf32, #tpu.memory_space<vmem>>) target_semaphore(%arg14 : memref<!tpu.dma_semaphore, #tpu.memory_space<semaphore_mem>>)
    %scan3A = arith.constant 0 : i32
    %scan3A_35 = arith.constant 0 : i32
    %scan3A_36 = arith.constant 16 : i32
    %scan3A_37 = arith.addi %scan3A_35, %scan3A_36 : i32
    %scan3A_38 = arith.constant 1 : i32
    scf.for %scan3A_58 = %scan3A_35 to %scan3A_37 step %scan3A_38  : i32 {
      %mul3A_59 = arith.constant 2 : i32
      %mul3A_60 = arith.muli %scan3A_58, %mul3A_59 : i32
      %add3A_61 = arith.constant 0 : i32
      %add3A_62 = arith.addi %mul3A_60, %add3A_61 : i32
      %mul3A_63 = arith.constant 2 : i32
      %mul3A_64 = arith.muli %add3A_62, %mul3A_63 : i32
      %add3A_65 = arith.addi %mul3A_2, %mul3A_64 : i32
      %dma_wait3A_66 = arith.constant 0 : i32
      %dma_wait3A_67 = tpu.memref_slice %arg2[%add3A_65, %dma_wait3A_66] : memref<2048x4096xf32, #tpu.memory_space<hbm>> -> memref<2x4096xf32, #tpu.memory_space<hbm>>
      %dma_wait3A_68 = arith.constant 0 : i32
      %dma_wait3A_69 = tpu.memref_slice %arg2[%add3A_65, %dma_wait3A_68] : memref<2048x4096xf32, #tpu.memory_space<hbm>> -> memref<2x4096xf32, #tpu.memory_space<hbm>>
      tpu.wait_dma2 semaphore(%arg14 : memref<!tpu.dma_semaphore, #tpu.memory_space<semaphore_mem>>) src(%dma_wait3A_69 : memref<2x4096xf32, #tpu.memory_space<hbm>>) dst(%arg4 : memref<2x4096xf32, #tpu.memory_space<vmem>>)
      %lt3A_70 = arith.constant 31 : i32
      %lt3A_71 = arith.cmpi slt, %add3A_62, %lt3A_70 : i32
      %convert_element_type3A = arith.extui %lt3A_71 : i1 to i32
      %cond3A = arith.constant 0 : i32
      %cond3A_72 = arith.cmpi ne, %convert_element_type3A, %cond3A : i32
      scf.if %cond3A_72 {
        %add3A_322 = arith.constant 2 : i32
        %add3A_323 = arith.addi %add3A_65, %add3A_322 : i32
        %dma_start3A_324 = arith.constant 0 : i32
        %dma_start3A_325 = tpu.memref_slice %arg2[%add3A_323, %dma_start3A_324] : memref<2048x4096xf32, #tpu.memory_space<hbm>> -> memref<2x4096xf32, #tpu.memory_space<hbm>>
        %dma_start3A_326 = arith.constant 0 : i32
        %dma_start3A_327 = tpu.memref_slice %arg2[%add3A_323, %dma_start3A_326] : memref<2048x4096xf32, #tpu.memory_space<hbm>> -> memref<2x4096xf32, #tpu.memory_space<hbm>>
        tpu.enqueue_dma source(%dma_start3A_327 : memref<2x4096xf32, #tpu.memory_space<hbm>>) target(%arg5 : memref<2x4096xf32, #tpu.memory_space<vmem>>) target_semaphore(%arg15 : memref<!tpu.dma_semaphore, #tpu.memory_space<semaphore_mem>>)
      } else {
      }
      %ge3A = arith.constant 2 : i32
      %ge3A_73 = arith.cmpi sge, %add3A_62, %ge3A : i32
      %convert_element_type3A_74 = arith.extui %ge3A_73 : i1 to i32
      %cond3A_75 = arith.constant 0 : i32
      %cond3A_76 = arith.cmpi ne, %convert_element_type3A_74, %cond3A_75 : i32
      scf.if %cond3A_76 {
        %sub3A_322 = arith.constant 4 : i32
        %sub3A_323 = arith.subi %add3A_65, %sub3A_322 : i32
        %dma_wait3A_324 = arith.constant 0 : i32
        %dma_wait3A_325 = arith.constant 0 : i32
        %dma_wait3A_326 = tpu.memref_slice %arg3[%sub3A_323, %dma_wait3A_324, %dma_wait3A_325] : memref<2048x4x2048xf32, #tpu.memory_space<hbm>> -> memref<2x4x2048xf32, #tpu.memory_space<hbm>>
        %dma_wait3A_327 = arith.constant 0 : i32
        %dma_wait3A_328 = arith.constant 0 : i32
        %dma_wait3A_329 = tpu.memref_slice %arg3[%sub3A_323, %dma_wait3A_327, %dma_wait3A_328] : memref<2048x4x2048xf32, #tpu.memory_space<hbm>> -> memref<2x4x2048xf32, #tpu.memory_space<hbm>>
        tpu.wait_dma2 semaphore(%arg16 : memref<!tpu.dma_semaphore, #tpu.memory_space<semaphore_mem>>) src(%arg12 : memref<2x4x2048xf32, #tpu.memory_space<vmem>>) dst(%dma_wait3A_329 : memref<2x4x2048xf32, #tpu.memory_space<hbm>>)
      } else {
      }
      %broadcast_in_dim3A_77 = arith.constant 0 : i32
      %broadcast_in_dim3A_78 = vector.broadcast %broadcast_in_dim3A_77 : i32 to vector<16xi32>
      %parallel_loop3A = arith.constant 0 : i32
      %parallel_loop3A_79 = arith.constant 64 : i32
      %parallel_loop3A_80 = arith.constant 1 : i32
      %parallel_loop3A_81 = scf.for %parallel_loop3A_322 = %parallel_loop3A to %parallel_loop3A_79 step %parallel_loop3A_80 iter_args(%parallel_loop3A_323 = %broadcast_in_dim3A_5) -> (vector<16xf32>)  : i32 {
        %parallel_loop3A_324 = arith.constant 64 : i32
        %parallel_loop3A_325 = arith.muli %parallel_loop3A_322, %parallel_loop3A_324 : i32
        %parallel_loop3A_326 = arith.constant 2 : i32
        %parallel_loop3A_327 = vector.broadcast %parallel_loop3A_326 : i32 to vector<16xi32>
        %parallel_loop3A_328 = arith.muli %iota3A, %parallel_loop3A_327 : vector<16xi32>
        %parallel_loop3A_329 = vector.broadcast %parallel_loop3A_325 : i32 to vector<16xi32>
        %parallel_loop3A_330 = arith.addi %parallel_loop3A_329, %parallel_loop3A_328 : vector<16xi32>
        %parallel_loop3A_331 = tpu.vector_load_idx %arg4[%broadcast_in_dim3A_78, %parallel_loop3A_330] : memref<2x4096xf32, #tpu.memory_space<vmem>>[vector<16xi32>, vector<16xi32>], vector<16xf32>,
        %parallel_loop3A_332 = arith.constant 1 : i32
        %parallel_loop3A_333 = vector.broadcast %parallel_loop3A_332 : i32 to vector<16xi32>
        %parallel_loop3A_334 = arith.addi %parallel_loop3A_330, %parallel_loop3A_333 : vector<16xi32>
        %parallel_loop3A_335 = tpu.vector_load_idx %arg4[%broadcast_in_dim3A_78, %parallel_loop3A_334] : memref<2x4096xf32, #tpu.memory_space<vmem>>[vector<16xi32>, vector<16xi32>], vector<16xf32>,
        %parallel_loop3A_336 = arith.constant 32 : i32
        %parallel_loop3A_337 = vector.broadcast %parallel_loop3A_336 : i32 to vector<16xi32>
        %parallel_loop3A_338 = arith.addi %parallel_loop3A_330, %parallel_loop3A_337 : vector<16xi32>
        %parallel_loop3A_339 = tpu.vector_load_idx %arg4[%broadcast_in_dim3A_78, %parallel_loop3A_338] : memref<2x4096xf32, #tpu.memory_space<vmem>>[vector<16xi32>, vector<16xi32>], vector<16xf32>,
        %parallel_loop3A_340 = arith.constant 33 : i32
        %parallel_loop3A_341 = vector.broadcast %parallel_loop3A_340 : i32 to vector<16xi32>
        %parallel_loop3A_342 = arith.addi %parallel_loop3A_330, %parallel_loop3A_341 : vector<16xi32>
        %parallel_loop3A_343 = tpu.vector_load_idx %arg4[%broadcast_in_dim3A_78, %parallel_loop3A_342] : memref<2x4096xf32, #tpu.memory_space<vmem>>[vector<16xi32>, vector<16xi32>], vector<16xf32>,
        %parallel_loop3A_344 = arith.subf %parallel_loop3A_331, %parallel_loop3A_335 : vector<16xf32>
        %parallel_loop3A_345 = arith.mulf %parallel_loop3A_344, %broadcast_in_dim3A_3 : vector<16xf32>
        %parallel_loop3A_346 = arith.constant 32 : i32
        %parallel_loop3A_347 = arith.muli %parallel_loop3A_322, %parallel_loop3A_346 : i32
        %parallel_loop3A_348 = arith.index_cast %parallel_loop3A_347 : i32 to index
        %parallel_loop3A_349 = tpu.vector_load %arg11[%parallel_loop3A_348] {strides = array<i32>} : memref<2064xf32, #tpu.memory_space<vmem>>, vector<16xf32>,
        tpu.vector_store %arg11[%parallel_loop3A_348], %parallel_loop3A_345 {strides = array<i32>} : memref<2064xf32, #tpu.memory_space<vmem>>, vector<16xf32>,
        %parallel_loop3A_350 = arith.subf %parallel_loop3A_339, %parallel_loop3A_343 : vector<16xf32>
        %parallel_loop3A_351 = arith.mulf %parallel_loop3A_350, %broadcast_in_dim3A_3 : vector<16xf32>
        %parallel_loop3A_352 = arith.constant 32 : i32
        %parallel_loop3A_353 = arith.muli %parallel_loop3A_322, %parallel_loop3A_352 : i32
        %parallel_loop3A_354 = arith.constant 16 : i32
        %parallel_loop3A_355 = arith.addi %parallel_loop3A_353, %parallel_loop3A_354 : i32
        %parallel_loop3A_356 = arith.index_cast %parallel_loop3A_355 : i32 to index
        %parallel_loop3A_357 = tpu.vector_load %arg11[%parallel_loop3A_356] {strides = array<i32>} : memref<2064xf32, #tpu.memory_space<vmem>>, vector<16xf32>,
        tpu.vector_store %arg11[%parallel_loop3A_356], %parallel_loop3A_351 {strides = array<i32>} : memref<2064xf32, #tpu.memory_space<vmem>>, vector<16xf32>,
        %parallel_loop3A_358 = arith.addf %parallel_loop3A_331, %parallel_loop3A_335 : vector<16xf32>
        %parallel_loop3A_359 = arith.mulf %parallel_loop3A_358, %broadcast_in_dim3A_3 : vector<16xf32>
        %parallel_loop3A_360 = arith.addf %parallel_loop3A_339, %parallel_loop3A_343 : vector<16xf32>
        %parallel_loop3A_361 = arith.mulf %parallel_loop3A_360, %broadcast_in_dim3A_3 : vector<16xf32>
        %parallel_loop3A_362 = vector.shape_cast %select_n3A_25 : vector<16xi32> to vector<16x1xi32>
        %parallel_loop3A_363 = vector.shape_cast %parallel_loop3A_362 : vector<16x1xi32> to vector<16xi32>
        %parallel_loop3A_364 = tpu.dynamic_gather %parallel_loop3A_359[%parallel_loop3A_363] in [0] : vector<16xf32>, vector<16xi32> -> vector<16xf32>
        %parallel_loop3A_365 = vector.shape_cast %select_n3A_25 : vector<16xi32> to vector<16x1xi32>
        %parallel_loop3A_366 = vector.shape_cast %parallel_loop3A_365 : vector<16x1xi32> to vector<16xi32>
        %parallel_loop3A_367 = tpu.dynamic_gather %parallel_loop3A_361[%parallel_loop3A_366] in [0] : vector<16xf32>, vector<16xi32> -> vector<16xf32>
        %parallel_loop3A_368 = arith.select %lt3A_31, %parallel_loop3A_364, %parallel_loop3A_367 : vector<16xi1>, vector<16xf32>
        %parallel_loop3A_369 = vector.shape_cast %add3A_28 : vector<16xi32> to vector<16x1xi32>
        %parallel_loop3A_370 = vector.shape_cast %parallel_loop3A_369 : vector<16x1xi32> to vector<16xi32>
        %parallel_loop3A_371 = tpu.dynamic_gather %parallel_loop3A_359[%parallel_loop3A_370] in [0] : vector<16xf32>, vector<16xi32> -> vector<16xf32>
        %parallel_loop3A_372 = vector.shape_cast %add3A_28 : vector<16xi32> to vector<16x1xi32>
        %parallel_loop3A_373 = vector.shape_cast %parallel_loop3A_372 : vector<16x1xi32> to vector<16xi32>
        %parallel_loop3A_374 = tpu.dynamic_gather %parallel_loop3A_361[%parallel_loop3A_373] in [0] : vector<16xf32>, vector<16xi32> -> vector<16xf32>
        %parallel_loop3A_375 = arith.select %lt3A_31, %parallel_loop3A_371, %parallel_loop3A_374 : vector<16xi1>, vector<16xf32>
        %parallel_loop3A_376 = arith.subf %parallel_loop3A_368, %parallel_loop3A_375 : vector<16xf32>
        %parallel_loop3A_377 = arith.mulf %parallel_loop3A_376, %broadcast_in_dim3A_3 : vector<16xf32>
        %parallel_loop3A_378 = arith.addf %parallel_loop3A_368, %parallel_loop3A_375 : vector<16xf32>
        %parallel_loop3A_379 = arith.mulf %parallel_loop3A_378, %broadcast_in_dim3A_3 : vector<16xf32>
        %parallel_loop3A_380 = arith.constant 16 : i32
        %parallel_loop3A_381 = arith.muli %parallel_loop3A_322, %parallel_loop3A_380 : i32
        %parallel_loop3A_382 = arith.index_cast %parallel_loop3A_381 : i32 to index
        %parallel_loop3A_383 = tpu.vector_load %arg7[%parallel_loop3A_382] {strides = array<i32>} : memref<1024xf32, #tpu.memory_space<vmem>>, vector<16xf32>,
        tpu.vector_store %arg7[%parallel_loop3A_382], %parallel_loop3A_379 {strides = array<i32>} : memref<1024xf32, #tpu.memory_space<vmem>>, vector<16xf32>,
        %parallel_loop3A_384 = arith.constant 16 : i32
        %parallel_loop3A_385 = arith.muli %parallel_loop3A_322, %parallel_loop3A_384 : i32
        %parallel_loop3A_386 = arith.index_cast %parallel_loop3A_385 : i32 to index
        %parallel_loop3A_387 = tpu.vector_load %arg10[%parallel_loop3A_386] {strides = array<i32>} : memref<1040xf32, #tpu.memory_space<vmem>>, vector<16xf32>,
        tpu.vector_store %arg10[%parallel_loop3A_386], %parallel_loop3A_377 {strides = array<i32>} : memref<1040xf32, #tpu.memory_space<vmem>>, vector<16xf32>,
        %parallel_loop3A_388 = arith.maximumf %parallel_loop3A_323, %parallel_loop3A_377 : vector<16xf32>
        scf.yield %parallel_loop3A_388 : vector<16xf32>
      } {sc.loop_unroll_factor = 4 : i64, sc.parallel_access}
      %parallel_loop3A_82 = arith.constant 0 : i32
      %parallel_loop3A_83 = arith.constant 32 : i32
      %parallel_loop3A_84 = arith.constant 1 : i32
      %parallel_loop3A_85:2 = scf.for %parallel_loop3A_322 = %parallel_loop3A_82 to %parallel_loop3A_83 step %parallel_loop3A_84 iter_args(%parallel_loop3A_323 = %broadcast_in_dim3A_5, %parallel_loop3A_324 = %broadcast_in_dim3A_5) -> (vector<16xf32>, vector<16xf32>)  : i32 {
        %parallel_loop3A_325 = arith.constant 32 : i32
        %parallel_loop3A_326 = arith.muli %parallel_loop3A_322, %parallel_loop3A_325 : i32
        %parallel_loop3A_327 = arith.constant 2 : i32
        %parallel_loop3A_328 = vector.broadcast %parallel_loop3A_327 : i32 to vector<16xi32>
        %parallel_loop3A_329 = arith.muli %iota3A, %parallel_loop3A_328 : vector<16xi32>
        %parallel_loop3A_330 = vector.broadcast %parallel_loop3A_326 : i32 to vector<16xi32>
        %parallel_loop3A_331 = arith.addi %parallel_loop3A_330, %parallel_loop3A_329 : vector<16xi32>
        %parallel_loop3A_332 = tpu.vector_load_idx %arg7[%parallel_loop3A_331] : memref<1024xf32, #tpu.memory_space<vmem>>[vector<16xi32>], vector<16xf32>,
        %parallel_loop3A_333 = arith.constant 1 : i32
        %parallel_loop3A_334 = vector.broadcast %parallel_loop3A_333 : i32 to vector<16xi32>
        %parallel_loop3A_335 = arith.addi %parallel_loop3A_331, %parallel_loop3A_334 : vector<16xi32>
        %parallel_loop3A_336 = tpu.vector_load_idx %arg7[%parallel_loop3A_335] : memref<1024xf32, #tpu.memory_space<vmem>>[vector<16xi32>], vector<16xf32>,
        %parallel_loop3A_337 = arith.addf %parallel_loop3A_332, %parallel_loop3A_336 : vector<16xf32>
        %parallel_loop3A_338 = arith.mulf %parallel_loop3A_337, %broadcast_in_dim3A_3 : vector<16xf32>
        %parallel_loop3A_339 = arith.subf %parallel_loop3A_332, %parallel_loop3A_336 : vector<16xf32>
        %parallel_loop3A_340 = arith.mulf %parallel_loop3A_339, %broadcast_in_dim3A_3 : vector<16xf32>
        %parallel_loop3A_341 = arith.constant 16 : i32
        %parallel_loop3A_342 = arith.muli %parallel_loop3A_322, %parallel_loop3A_341 : i32
        %parallel_loop3A_343 = arith.index_cast %parallel_loop3A_342 : i32 to index
        %parallel_loop3A_344 = tpu.vector_load %arg8[%parallel_loop3A_343] {strides = array<i32>} : memref<528xf32, #tpu.memory_space<vmem>>, vector<16xf32>,
        tpu.vector_store %arg8[%parallel_loop3A_343], %parallel_loop3A_338 {strides = array<i32>} : memref<528xf32, #tpu.memory_space<vmem>>, vector<16xf32>,
        %parallel_loop3A_345 = arith.constant 16 : i32
        %parallel_loop3A_346 = arith.muli %parallel_loop3A_322, %parallel_loop3A_345 : i32
        %parallel_loop3A_347 = arith.index_cast %parallel_loop3A_346 : i32 to index
        %parallel_loop3A_348 = tpu.vector_load %arg9[%parallel_loop3A_347] {strides = array<i32>} : memref<528xf32, #tpu.memory_space<vmem>>, vector<16xf32>,
        tpu.vector_store %arg9[%parallel_loop3A_347], %parallel_loop3A_340 {strides = array<i32>} : memref<528xf32, #tpu.memory_space<vmem>>, vector<16xf32>,
        %parallel_loop3A_349 = arith.maximumf %parallel_loop3A_323, %parallel_loop3A_338 : vector<16xf32>
        %parallel_loop3A_350 = arith.maximumf %parallel_loop3A_324, %parallel_loop3A_340 : vector<16xf32>
        scf.yield %parallel_loop3A_349, %parallel_loop3A_350 : vector<16xf32>, vector<16xf32>
      } {sc.loop_unroll_factor = 4 : i64, sc.parallel_access}
      %reduce_max3A = arith.constant true
      %reduce_max3A_86 = vector.broadcast %reduce_max3A : i1 to vector<16xi1>
      %reduce_max3A_87 = tpu.scan <max>, %parallel_loop3A_85#0 masked %reduce_max3A_86 : vector<16xf32>, vector<16xi1> -> vector<16xf32>
      %reduce_max3A_88 = vector.extract %reduce_max3A_87[15] : f32 from vector<16xf32>
      %reduce_max3A_89 = arith.constant true
      %reduce_max3A_90 = vector.broadcast %reduce_max3A_89 : i1 to vector<16xi1>
      %reduce_max3A_91 = tpu.scan <max>, %parallel_loop3A_85#1 masked %reduce_max3A_90 : vector<16xf32>, vector<16xi1> -> vector<16xf32>
      %reduce_max3A_92 = vector.extract %reduce_max3A_91[15] : f32 from vector<16xf32>
      %reduce_max3A_93 = arith.constant true
      %reduce_max3A_94 = vector.broadcast %reduce_max3A_93 : i1 to vector<16xi1>
      %reduce_max3A_95 = tpu.scan <max>, %parallel_loop3A_81 masked %reduce_max3A_94 : vector<16xf32>, vector<16xi1> -> vector<16xf32>
      %reduce_max3A_96 = vector.extract %reduce_max3A_95[15] : f32 from vector<16xf32>
      %broadcast_in_dim3A_97 = arith.constant 1.000000e+00 : f32
      %broadcast_in_dim3A_98 = vector.broadcast %broadcast_in_dim3A_97 : f32 to vector<16xf32>
      %mul3A_99 = vector.broadcast %reduce_max3A_88 : f32 to vector<16xf32>
      %mul3A_100 = arith.mulf %broadcast_in_dim3A_98, %mul3A_99 : vector<16xf32>
      %broadcast_in_dim3A_101 = arith.constant 1.000000e+00 : f32
      %broadcast_in_dim3A_102 = vector.broadcast %broadcast_in_dim3A_101 : f32 to vector<16xf32>
      %mul3A_103 = vector.broadcast %reduce_max3A_92 : f32 to vector<16xf32>
      %mul3A_104 = arith.mulf %broadcast_in_dim3A_102, %mul3A_103 : vector<16xf32>
      %broadcast_in_dim3A_105 = arith.constant 1.000000e+00 : f32
      %broadcast_in_dim3A_106 = vector.broadcast %broadcast_in_dim3A_105 : f32 to vector<16xf32>
      %mul3A_107 = vector.broadcast %reduce_max3A_96 : f32 to vector<16xf32>
      %mul3A_108 = arith.mulf %broadcast_in_dim3A_106, %mul3A_107 : vector<16xf32>
      %swap3A = arith.constant 512 : index
      %swap3A_109 = tpu.vector_load %arg8[%swap3A] {strides = array<i32>} : memref<528xf32, #tpu.memory_space<vmem>>, vector<16xf32>,
      tpu.vector_store %arg8[%swap3A], %mul3A_100 {strides = array<i32>} : memref<528xf32, #tpu.memory_space<vmem>>, vector<16xf32>,
      %swap3A_110 = arith.constant 512 : index
      %swap3A_111 = tpu.vector_load %arg9[%swap3A_110] {strides = array<i32>} : memref<528xf32, #tpu.memory_space<vmem>>, vector<16xf32>,
      tpu.vector_store %arg9[%swap3A_110], %mul3A_104 {strides = array<i32>} : memref<528xf32, #tpu.memory_space<vmem>>, vector<16xf32>,
      %swap3A_112 = arith.constant 1024 : index
      %swap3A_113 = tpu.vector_load %arg10[%swap3A_112] {strides = array<i32>} : memref<1040xf32, #tpu.memory_space<vmem>>, vector<16xf32>,
      tpu.vector_store %arg10[%swap3A_112], %mul3A_108 {strides = array<i32>} : memref<1040xf32, #tpu.memory_space<vmem>>, vector<16xf32>,
      %broadcast_in_dim3A_114 = arith.constant 2047 : i32
      %broadcast_in_dim3A_115 = vector.broadcast %broadcast_in_dim3A_114 : i32 to vector<16xi32>
      %gather3A = tpu.vector_load_idx %arg11[%broadcast_in_dim3A_115] : memref<2064xf32, #tpu.memory_space<vmem>>[vector<16xi32>], vector<16xf32>,
      %swap3A_116 = arith.constant 2048 : index
      %swap3A_117 = tpu.vector_load %arg11[%swap3A_116] {strides = array<i32>} : memref<2064xf32, #tpu.memory_space<vmem>>, vector<16xf32>,
      tpu.vector_store %arg11[%swap3A_116], %gather3A {strides = array<i32>} : memref<2064xf32, #tpu.memory_space<vmem>>, vector<16xf32>,
      %parallel_loop3A_118 = arith.constant 0 : i32
      %parallel_loop3A_119 = arith.constant 32 : i32
      %parallel_loop3A_120 = arith.constant 1 : i32
      scf.for %parallel_loop3A_322 = %parallel_loop3A_118 to %parallel_loop3A_119 step %parallel_loop3A_120  : i32 {
        %parallel_loop3A_323 = arith.constant 16 : i32
        %parallel_loop3A_324 = arith.muli %parallel_loop3A_322, %parallel_loop3A_323 : i32
        %parallel_loop3A_325 = arith.index_cast %parallel_loop3A_324 : i32 to index
        %parallel_loop3A_326 = tpu.vector_load %arg8[%parallel_loop3A_325] {strides = array<i32>} : memref<528xf32, #tpu.memory_space<vmem>>, vector<16xf32>,
        %parallel_loop3A_327 = arith.constant 1 : i32
        %parallel_loop3A_328 = arith.addi %parallel_loop3A_324, %parallel_loop3A_327 : i32
        %parallel_loop3A_329 = vector.broadcast %parallel_loop3A_328 : i32 to vector<16xi32>
        %parallel_loop3A_330 = arith.addi %parallel_loop3A_329, %iota3A : vector<16xi32>
        %parallel_loop3A_331 = tpu.vector_load_idx %arg8[%parallel_loop3A_330] : memref<528xf32, #tpu.memory_space<vmem>>[vector<16xi32>], vector<16xf32>,
        %parallel_loop3A_332 = vector.bitcast %parallel_loop3A_326 : vector<16xf32> to vector<16xi32>
        %parallel_loop3A_333 = arith.constant 0 : i32
        %parallel_loop3A_334 = vector.broadcast %parallel_loop3A_333 : i32 to vector<16xi32>
        %parallel_loop3A_335 = arith.cmpi slt, %parallel_loop3A_332, %parallel_loop3A_334 : vector<16xi32>
        %parallel_loop3A_336 = vector.bitcast %parallel_loop3A_331 : vector<16xf32> to vector<16xi32>
        %parallel_loop3A_337 = arith.constant 0 : i32
        %parallel_loop3A_338 = vector.broadcast %parallel_loop3A_337 : i32 to vector<16xi32>
        %parallel_loop3A_339 = arith.cmpi slt, %parallel_loop3A_336, %parallel_loop3A_338 : vector<16xi32>
        %parallel_loop3A_340 = arith.constant dense<true> : vector<16xi1>
        %parallel_loop3A_341 = arith.xori %parallel_loop3A_335, %parallel_loop3A_340 : vector<16xi1>
        %parallel_loop3A_342 = arith.andi %parallel_loop3A_339, %parallel_loop3A_341 : vector<16xi1>
        %parallel_loop3A_343 = arith.constant dense<true> : vector<16xi1>
        %parallel_loop3A_344 = arith.xori %parallel_loop3A_339, %parallel_loop3A_343 : vector<16xi1>
        %parallel_loop3A_345 = arith.andi %parallel_loop3A_335, %parallel_loop3A_344 : vector<16xi1>
        %parallel_loop3A_346 = arith.index_cast %parallel_loop3A_324 : i32 to index
        %parallel_loop3A_347 = tpu.vector_load %arg9[%parallel_loop3A_346] {strides = array<i32>} : memref<528xf32, #tpu.memory_space<vmem>>, vector<16xf32>,
        %parallel_loop3A_348 = arith.constant 1 : i32
        %parallel_loop3A_349 = arith.addi %parallel_loop3A_324, %parallel_loop3A_348 : i32
        %parallel_loop3A_350 = vector.broadcast %parallel_loop3A_349 : i32 to vector<16xi32>
        %parallel_loop3A_351 = arith.addi %parallel_loop3A_350, %iota3A : vector<16xi32>
        %parallel_loop3A_352 = tpu.vector_load_idx %arg9[%parallel_loop3A_351] : memref<528xf32, #tpu.memory_space<vmem>>[vector<16xi32>], vector<16xf32>,
        %parallel_loop3A_353 = vector.bitcast %parallel_loop3A_347 : vector<16xf32> to vector<16xi32>
        %parallel_loop3A_354 = arith.constant 0 : i32
        %parallel_loop3A_355 = vector.broadcast %parallel_loop3A_354 : i32 to vector<16xi32>
        %parallel_loop3A_356 = arith.cmpi slt, %parallel_loop3A_353, %parallel_loop3A_355 : vector<16xi32>
        %parallel_loop3A_357 = vector.bitcast %parallel_loop3A_352 : vector<16xf32> to vector<16xi32>
        %parallel_loop3A_358 = arith.constant 0 : i32
        %parallel_loop3A_359 = vector.broadcast %parallel_loop3A_358 : i32 to vector<16xi32>
        %parallel_loop3A_360 = arith.cmpi slt, %parallel_loop3A_357, %parallel_loop3A_359 : vector<16xi32>
        %parallel_loop3A_361 = arith.constant dense<true> : vector<16xi1>
        %parallel_loop3A_362 = arith.xori %parallel_loop3A_356, %parallel_loop3A_361 : vector<16xi1>
        %parallel_loop3A_363 = arith.andi %parallel_loop3A_360, %parallel_loop3A_362 : vector<16xi1>
        %parallel_loop3A_364 = arith.constant dense<true> : vector<16xi1>
        %parallel_loop3A_365 = arith.xori %parallel_loop3A_360, %parallel_loop3A_364 : vector<16xi1>
        %parallel_loop3A_366 = arith.andi %parallel_loop3A_356, %parallel_loop3A_365 : vector<16xi1>
        %parallel_loop3A_367 = arith.index_cast %parallel_loop3A_324 : i32 to index
        %parallel_loop3A_368 = tpu.vector_load %arg10[%parallel_loop3A_367] {strides = array<i32>} : memref<1040xf32, #tpu.memory_space<vmem>>, vector<16xf32>,
        %parallel_loop3A_369 = arith.constant 1 : i32
        %parallel_loop3A_370 = arith.addi %parallel_loop3A_324, %parallel_loop3A_369 : i32
        %parallel_loop3A_371 = vector.broadcast %parallel_loop3A_370 : i32 to vector<16xi32>
        %parallel_loop3A_372 = arith.addi %parallel_loop3A_371, %iota3A : vector<16xi32>
        %parallel_loop3A_373 = tpu.vector_load_idx %arg10[%parallel_loop3A_372] : memref<1040xf32, #tpu.memory_space<vmem>>[vector<16xi32>], vector<16xf32>,
        %parallel_loop3A_374 = vector.bitcast %parallel_loop3A_368 : vector<16xf32> to vector<16xi32>
        %parallel_loop3A_375 = arith.constant 0 : i32
        %parallel_loop3A_376 = vector.broadcast %parallel_loop3A_375 : i32 to vector<16xi32>
        %parallel_loop3A_377 = arith.cmpi slt, %parallel_loop3A_374, %parallel_loop3A_376 : vector<16xi32>
        %parallel_loop3A_378 = vector.bitcast %parallel_loop3A_373 : vector<16xf32> to vector<16xi32>
        %parallel_loop3A_379 = arith.constant 0 : i32
        %parallel_loop3A_380 = vector.broadcast %parallel_loop3A_379 : i32 to vector<16xi32>
        %parallel_loop3A_381 = arith.cmpi slt, %parallel_loop3A_378, %parallel_loop3A_380 : vector<16xi32>
        %parallel_loop3A_382 = arith.constant dense<true> : vector<16xi1>
        %parallel_loop3A_383 = arith.xori %parallel_loop3A_377, %parallel_loop3A_382 : vector<16xi1>
        %parallel_loop3A_384 = arith.andi %parallel_loop3A_381, %parallel_loop3A_383 : vector<16xi1>
        %parallel_loop3A_385 = arith.constant dense<true> : vector<16xi1>
        %parallel_loop3A_386 = arith.xori %parallel_loop3A_381, %parallel_loop3A_385 : vector<16xi1>
        %parallel_loop3A_387 = arith.andi %parallel_loop3A_377, %parallel_loop3A_386 : vector<16xi1>
        %parallel_loop3A_388 = arith.index_cast %parallel_loop3A_324 : i32 to index
        %parallel_loop3A_389 = tpu.vector_load %arg11[%parallel_loop3A_388] {strides = array<i32>} : memref<2064xf32, #tpu.memory_space<vmem>>, vector<16xf32>,
        %parallel_loop3A_390 = arith.constant 1 : i32
        %parallel_loop3A_391 = arith.addi %parallel_loop3A_324, %parallel_loop3A_390 : i32
        %parallel_loop3A_392 = vector.broadcast %parallel_loop3A_391 : i32 to vector<16xi32>
        %parallel_loop3A_393 = arith.addi %parallel_loop3A_392, %iota3A : vector<16xi32>
        %parallel_loop3A_394 = tpu.vector_load_idx %arg11[%parallel_loop3A_393] : memref<2064xf32, #tpu.memory_space<vmem>>[vector<16xi32>], vector<16xf32>,
        %parallel_loop3A_395 = vector.bitcast %parallel_loop3A_389 : vector<16xf32> to vector<16xi32>
        %parallel_loop3A_396 = arith.constant 0 : i32
        %parallel_loop3A_397 = vector.broadcast %parallel_loop3A_396 : i32 to vector<16xi32>
        %parallel_loop3A_398 = arith.cmpi slt, %parallel_loop3A_395, %parallel_loop3A_397 : vector<16xi32>
        %parallel_loop3A_399 = vector.bitcast %parallel_loop3A_394 : vector<16xf32> to vector<16xi32>
        %parallel_loop3A_400 = arith.constant 0 : i32
        %parallel_loop3A_401 = vector.broadcast %parallel_loop3A_400 : i32 to vector<16xi32>
        %parallel_loop3A_402 = arith.cmpi slt, %parallel_loop3A_399, %parallel_loop3A_401 : vector<16xi32>
        %parallel_loop3A_403 = arith.constant dense<true> : vector<16xi1>
        %parallel_loop3A_404 = arith.xori %parallel_loop3A_398, %parallel_loop3A_403 : vector<16xi1>
        %parallel_loop3A_405 = arith.andi %parallel_loop3A_402, %parallel_loop3A_404 : vector<16xi1>
        %parallel_loop3A_406 = arith.constant dense<true> : vector<16xi1>
        %parallel_loop3A_407 = arith.xori %parallel_loop3A_402, %parallel_loop3A_406 : vector<16xi1>
        %parallel_loop3A_408 = arith.andi %parallel_loop3A_398, %parallel_loop3A_407 : vector<16xi1>
        %parallel_loop3A_409 = arith.select %parallel_loop3A_342, %broadcast_in_dim3A_7, %parallel_loop3A_326 : vector<16xi1>, vector<16xf32>
        %parallel_loop3A_410 = arith.select %parallel_loop3A_366, %parallel_loop3A_347, %broadcast_in_dim3A_7 : vector<16xi1>, vector<16xf32>
        %parallel_loop3A_411 = arith.addf %parallel_loop3A_409, %parallel_loop3A_410 : vector<16xf32>
        %parallel_loop3A_412 = arith.constant 0 : i32
        %parallel_loop3A_413 = arith.constant 0 : i32
        %parallel_loop3A_414 = arith.index_cast %parallel_loop3A_412 : i32 to index
        %parallel_loop3A_415 = arith.index_cast %parallel_loop3A_413 : i32 to index
        %parallel_loop3A_416 = arith.index_cast %parallel_loop3A_324 : i32 to index
        %parallel_loop3A_417 = tpu.vector_load %arg12[%parallel_loop3A_414, %parallel_loop3A_415, %parallel_loop3A_416] {strides = array<i32>} : memref<2x4x2048xf32, #tpu.memory_space<vmem>>, vector<16xf32>,
        tpu.vector_store %arg12[%parallel_loop3A_414, %parallel_loop3A_415, %parallel_loop3A_416], %parallel_loop3A_411 {strides = array<i32>} : memref<2x4x2048xf32, #tpu.memory_space<vmem>>, vector<16xf32>,
        %parallel_loop3A_418 = arith.select %parallel_loop3A_342, %parallel_loop3A_326, %broadcast_in_dim3A_7 : vector<16xi1>, vector<16xf32>
        %parallel_loop3A_419 = arith.ori %parallel_loop3A_363, %parallel_loop3A_366 : vector<16xi1>
        %parallel_loop3A_420 = arith.select %parallel_loop3A_419, %broadcast_in_dim3A_7, %parallel_loop3A_347 : vector<16xi1>, vector<16xf32>
        %parallel_loop3A_421 = arith.addf %parallel_loop3A_418, %parallel_loop3A_420 : vector<16xf32>
        %parallel_loop3A_422 = arith.select %parallel_loop3A_387, %parallel_loop3A_368, %broadcast_in_dim3A_7 : vector<16xi1>, vector<16xf32>
        %parallel_loop3A_423 = arith.addf %parallel_loop3A_421, %parallel_loop3A_422 : vector<16xf32>
        %parallel_loop3A_424 = arith.constant 0 : i32
        %parallel_loop3A_425 = arith.constant 1 : i32
        %parallel_loop3A_426 = arith.index_cast %parallel_loop3A_424 : i32 to index
        %parallel_loop3A_427 = arith.index_cast %parallel_loop3A_425 : i32 to index
        %parallel_loop3A_428 = arith.index_cast %parallel_loop3A_324 : i32 to index
        %parallel_loop3A_429 = tpu.vector_load %arg12[%parallel_loop3A_426, %parallel_loop3A_427, %parallel_loop3A_428] {strides = array<i32>} : memref<2x4x2048xf32, #tpu.memory_space<vmem>>, vector<16xf32>,
        tpu.vector_store %arg12[%parallel_loop3A_426, %parallel_loop3A_427, %parallel_loop3A_428], %parallel_loop3A_423 {strides = array<i32>} : memref<2x4x2048xf32, #tpu.memory_space<vmem>>, vector<16xf32>,
        %parallel_loop3A_430 = arith.select %parallel_loop3A_363, %parallel_loop3A_347, %broadcast_in_dim3A_7 : vector<16xi1>, vector<16xf32>
        %parallel_loop3A_431 = arith.ori %parallel_loop3A_384, %parallel_loop3A_387 : vector<16xi1>
        %parallel_loop3A_432 = arith.select %parallel_loop3A_431, %broadcast_in_dim3A_7, %parallel_loop3A_368 : vector<16xi1>, vector<16xf32>
        %parallel_loop3A_433 = arith.addf %parallel_loop3A_430, %parallel_loop3A_432 : vector<16xf32>
        %parallel_loop3A_434 = arith.select %parallel_loop3A_408, %parallel_loop3A_389, %broadcast_in_dim3A_7 : vector<16xi1>, vector<16xf32>
        %parallel_loop3A_435 = arith.addf %parallel_loop3A_433, %parallel_loop3A_434 : vector<16xf32>
        %parallel_loop3A_436 = arith.constant 0 : i32
        %parallel_loop3A_437 = arith.constant 2 : i32
        %parallel_loop3A_438 = arith.index_cast %parallel_loop3A_436 : i32 to index
        %parallel_loop3A_439 = arith.index_cast %parallel_loop3A_437 : i32 to index
        %parallel_loop3A_440 = arith.index_cast %parallel_loop3A_324 : i32 to index
        %parallel_loop3A_441 = tpu.vector_load %arg12[%parallel_loop3A_438, %parallel_loop3A_439, %parallel_loop3A_440] {strides = array<i32>} : memref<2x4x2048xf32, #tpu.memory_space<vmem>>, vector<16xf32>,
        tpu.vector_store %arg12[%parallel_loop3A_438, %parallel_loop3A_439, %parallel_loop3A_440], %parallel_loop3A_435 {strides = array<i32>} : memref<2x4x2048xf32, #tpu.memory_space<vmem>>, vector<16xf32>,
        %parallel_loop3A_442 = arith.select %parallel_loop3A_384, %parallel_loop3A_368, %broadcast_in_dim3A_7 : vector<16xi1>, vector<16xf32>
        %parallel_loop3A_443 = arith.select %parallel_loop3A_408, %broadcast_in_dim3A_7, %parallel_loop3A_389 : vector<16xi1>, vector<16xf32>
        %parallel_loop3A_444 = arith.addf %parallel_loop3A_442, %parallel_loop3A_443 : vector<16xf32>
        %parallel_loop3A_445 = arith.constant 0 : i32
        %parallel_loop3A_446 = arith.constant 3 : i32
        %parallel_loop3A_447 = arith.index_cast %parallel_loop3A_445 : i32 to index
        %parallel_loop3A_448 = arith.index_cast %parallel_loop3A_446 : i32 to index
        %parallel_loop3A_449 = arith.index_cast %parallel_loop3A_324 : i32 to index
        %parallel_loop3A_450 = tpu.vector_load %arg12[%parallel_loop3A_447, %parallel_loop3A_448, %parallel_loop3A_449] {strides = array<i32>} : memref<2x4x2048xf32, #tpu.memory_space<vmem>>, vector<16xf32>,
        tpu.vector_store %arg12[%parallel_loop3A_447, %parallel_loop3A_448, %parallel_loop3A_449], %parallel_loop3A_444 {strides = array<i32>} : memref<2x4x2048xf32, #tpu.memory_space<vmem>>, vector<16xf32>,
      } {sc.loop_unroll_factor = 2 : i64, sc.parallel_access}
      %parallel_loop3A_121 = arith.constant 32 : i32
      %parallel_loop3A_122 = arith.constant 64 : i32
      %parallel_loop3A_123 = arith.constant 1 : i32
      scf.for %parallel_loop3A_322 = %parallel_loop3A_121 to %parallel_loop3A_122 step %parallel_loop3A_123  : i32 {
        %parallel_loop3A_323 = arith.constant 16 : i32
        %parallel_loop3A_324 = arith.muli %parallel_loop3A_322, %parallel_loop3A_323 : i32
        %parallel_loop3A_325 = arith.index_cast %parallel_loop3A_324 : i32 to index
        %parallel_loop3A_326 = tpu.vector_load %arg10[%parallel_loop3A_325] {strides = array<i32>} : memref<1040xf32, #tpu.memory_space<vmem>>, vector<16xf32>,
        %parallel_loop3A_327 = arith.constant 1 : i32
        %parallel_loop3A_328 = arith.addi %parallel_loop3A_324, %parallel_loop3A_327 : i32
        %parallel_loop3A_329 = vector.broadcast %parallel_loop3A_328 : i32 to vector<16xi32>
        %parallel_loop3A_330 = arith.addi %parallel_loop3A_329, %iota3A : vector<16xi32>
        %parallel_loop3A_331 = tpu.vector_load_idx %arg10[%parallel_loop3A_330] : memref<1040xf32, #tpu.memory_space<vmem>>[vector<16xi32>], vector<16xf32>,
        %parallel_loop3A_332 = vector.bitcast %parallel_loop3A_326 : vector<16xf32> to vector<16xi32>
        %parallel_loop3A_333 = arith.constant 0 : i32
        %parallel_loop3A_334 = vector.broadcast %parallel_loop3A_333 : i32 to vector<16xi32>
        %parallel_loop3A_335 = arith.cmpi slt, %parallel_loop3A_332, %parallel_loop3A_334 : vector<16xi32>
        %parallel_loop3A_336 = vector.bitcast %parallel_loop3A_331 : vector<16xf32> to vector<16xi32>
        %parallel_loop3A_337 = arith.constant 0 : i32
        %parallel_loop3A_338 = vector.broadcast %parallel_loop3A_337 : i32 to vector<16xi32>
        %parallel_loop3A_339 = arith.cmpi slt, %parallel_loop3A_336, %parallel_loop3A_338 : vector<16xi32>
        %parallel_loop3A_340 = arith.constant dense<true> : vector<16xi1>
        %parallel_loop3A_341 = arith.xori %parallel_loop3A_335, %parallel_loop3A_340 : vector<16xi1>
        %parallel_loop3A_342 = arith.andi %parallel_loop3A_339, %parallel_loop3A_341 : vector<16xi1>
        %parallel_loop3A_343 = arith.constant dense<true> : vector<16xi1>
        %parallel_loop3A_344 = arith.xori %parallel_loop3A_339, %parallel_loop3A_343 : vector<16xi1>
        %parallel_loop3A_345 = arith.andi %parallel_loop3A_335, %parallel_loop3A_344 : vector<16xi1>
        %parallel_loop3A_346 = arith.index_cast %parallel_loop3A_324 : i32 to index
        %parallel_loop3A_347 = tpu.vector_load %arg11[%parallel_loop3A_346] {strides = array<i32>} : memref<2064xf32, #tpu.memory_space<vmem>>, vector<16xf32>,
        %parallel_loop3A_348 = arith.constant 1 : i32
        %parallel_loop3A_349 = arith.addi %parallel_loop3A_324, %parallel_loop3A_348 : i32
        %parallel_loop3A_350 = vector.broadcast %parallel_loop3A_349 : i32 to vector<16xi32>
        %parallel_loop3A_351 = arith.addi %parallel_loop3A_350, %iota3A : vector<16xi32>
        %parallel_loop3A_352 = tpu.vector_load_idx %arg11[%parallel_loop3A_351] : memref<2064xf32, #tpu.memory_space<vmem>>[vector<16xi32>], vector<16xf32>,
        %parallel_loop3A_353 = vector.bitcast %parallel_loop3A_347 : vector<16xf32> to vector<16xi32>
        %parallel_loop3A_354 = arith.constant 0 : i32
        %parallel_loop3A_355 = vector.broadcast %parallel_loop3A_354 : i32 to vector<16xi32>
        %parallel_loop3A_356 = arith.cmpi slt, %parallel_loop3A_353, %parallel_loop3A_355 : vector<16xi32>
        %parallel_loop3A_357 = vector.bitcast %parallel_loop3A_352 : vector<16xf32> to vector<16xi32>
        %parallel_loop3A_358 = arith.constant 0 : i32
        %parallel_loop3A_359 = vector.broadcast %parallel_loop3A_358 : i32 to vector<16xi32>
        %parallel_loop3A_360 = arith.cmpi slt, %parallel_loop3A_357, %parallel_loop3A_359 : vector<16xi32>
        %parallel_loop3A_361 = arith.constant dense<true> : vector<16xi1>
        %parallel_loop3A_362 = arith.xori %parallel_loop3A_356, %parallel_loop3A_361 : vector<16xi1>
        %parallel_loop3A_363 = arith.andi %parallel_loop3A_360, %parallel_loop3A_362 : vector<16xi1>
        %parallel_loop3A_364 = arith.constant dense<true> : vector<16xi1>
        %parallel_loop3A_365 = arith.xori %parallel_loop3A_360, %parallel_loop3A_364 : vector<16xi1>
        %parallel_loop3A_366 = arith.andi %parallel_loop3A_356, %parallel_loop3A_365 : vector<16xi1>
        %parallel_loop3A_367 = arith.constant 0 : i32
        %parallel_loop3A_368 = arith.constant 0 : i32
        %parallel_loop3A_369 = arith.index_cast %parallel_loop3A_367 : i32 to index
        %parallel_loop3A_370 = arith.index_cast %parallel_loop3A_368 : i32 to index
        %parallel_loop3A_371 = arith.index_cast %parallel_loop3A_324 : i32 to index
        %parallel_loop3A_372 = tpu.vector_load %arg12[%parallel_loop3A_369, %parallel_loop3A_370, %parallel_loop3A_371] {strides = array<i32>} : memref<2x4x2048xf32, #tpu.memory_space<vmem>>, vector<16xf32>,
        tpu.vector_store %arg12[%parallel_loop3A_369, %parallel_loop3A_370, %parallel_loop3A_371], %mul3A_100 {strides = array<i32>} : memref<2x4x2048xf32, #tpu.memory_space<vmem>>, vector<16xf32>,
        %parallel_loop3A_373 = arith.select %parallel_loop3A_345, %parallel_loop3A_326, %broadcast_in_dim3A_7 : vector<16xi1>, vector<16xf32>
        %parallel_loop3A_374 = arith.addf %mul3A_104, %parallel_loop3A_373 : vector<16xf32>
        %parallel_loop3A_375 = arith.constant 0 : i32
        %parallel_loop3A_376 = arith.constant 1 : i32
        %parallel_loop3A_377 = arith.index_cast %parallel_loop3A_375 : i32 to index
        %parallel_loop3A_378 = arith.index_cast %parallel_loop3A_376 : i32 to index
        %parallel_loop3A_379 = arith.index_cast %parallel_loop3A_324 : i32 to index
        %parallel_loop3A_380 = tpu.vector_load %arg12[%parallel_loop3A_377, %parallel_loop3A_378, %parallel_loop3A_379] {strides = array<i32>} : memref<2x4x2048xf32, #tpu.memory_space<vmem>>, vector<16xf32>,
        tpu.vector_store %arg12[%parallel_loop3A_377, %parallel_loop3A_378, %parallel_loop3A_379], %parallel_loop3A_374 {strides = array<i32>} : memref<2x4x2048xf32, #tpu.memory_space<vmem>>, vector<16xf32>,
        %parallel_loop3A_381 = arith.ori %parallel_loop3A_342, %parallel_loop3A_345 : vector<16xi1>
        %parallel_loop3A_382 = arith.select %parallel_loop3A_381, %broadcast_in_dim3A_7, %parallel_loop3A_326 : vector<16xi1>, vector<16xf32>
        %parallel_loop3A_383 = arith.select %parallel_loop3A_366, %parallel_loop3A_347, %broadcast_in_dim3A_7 : vector<16xi1>, vector<16xf32>
        %parallel_loop3A_384 = arith.addf %parallel_loop3A_382, %parallel_loop3A_383 : vector<16xf32>
        %parallel_loop3A_385 = arith.constant 0 : i32
        %parallel_loop3A_386 = arith.constant 2 : i32
        %parallel_loop3A_387 = arith.index_cast %parallel_loop3A_385 : i32 to index
        %parallel_loop3A_388 = arith.index_cast %parallel_loop3A_386 : i32 to index
        %parallel_loop3A_389 = arith.index_cast %parallel_loop3A_324 : i32 to index
        %parallel_loop3A_390 = tpu.vector_load %arg12[%parallel_loop3A_387, %parallel_loop3A_388, %parallel_loop3A_389] {strides = array<i32>} : memref<2x4x2048xf32, #tpu.memory_space<vmem>>, vector<16xf32>,
        tpu.vector_store %arg12[%parallel_loop3A_387, %parallel_loop3A_388, %parallel_loop3A_389], %parallel_loop3A_384 {strides = array<i32>} : memref<2x4x2048xf32, #tpu.memory_space<vmem>>, vector<16xf32>,
        %parallel_loop3A_391 = arith.select %parallel_loop3A_342, %parallel_loop3A_326, %broadcast_in_dim3A_7 : vector<16xi1>, vector<16xf32>
        %parallel_loop3A_392 = arith.select %parallel_loop3A_366, %broadcast_in_dim3A_7, %parallel_loop3A_347 : vector<16xi1>, vector<16xf32>
        %parallel_loop3A_393 = arith.addf %parallel_loop3A_391, %parallel_loop3A_392 : vector<16xf32>
        %parallel_loop3A_394 = arith.constant 0 : i32
        %parallel_loop3A_395 = arith.constant 3 : i32
        %parallel_loop3A_396 = arith.index_cast %parallel_loop3A_394 : i32 to index
        %parallel_loop3A_397 = arith.index_cast %parallel_loop3A_395 : i32 to index
        %parallel_loop3A_398 = arith.index_cast %parallel_loop3A_324 : i32 to index
        %parallel_loop3A_399 = tpu.vector_load %arg12[%parallel_loop3A_396, %parallel_loop3A_397, %parallel_loop3A_398] {strides = array<i32>} : memref<2x4x2048xf32, #tpu.memory_space<vmem>>, vector<16xf32>,
        tpu.vector_store %arg12[%parallel_loop3A_396, %parallel_loop3A_397, %parallel_loop3A_398], %parallel_loop3A_393 {strides = array<i32>} : memref<2x4x2048xf32, #tpu.memory_space<vmem>>, vector<16xf32>,
      } {sc.loop_unroll_factor = 2 : i64, sc.parallel_access}
      %parallel_loop3A_124 = arith.constant 64 : i32
      %parallel_loop3A_125 = arith.constant 128 : i32
      %parallel_loop3A_126 = arith.constant 1 : i32
      scf.for %parallel_loop3A_322 = %parallel_loop3A_124 to %parallel_loop3A_125 step %parallel_loop3A_126  : i32 {
        %parallel_loop3A_323 = arith.constant 16 : i32
        %parallel_loop3A_324 = arith.muli %parallel_loop3A_322, %parallel_loop3A_323 : i32
        %parallel_loop3A_325 = arith.index_cast %parallel_loop3A_324 : i32 to index
        %parallel_loop3A_326 = tpu.vector_load %arg11[%parallel_loop3A_325] {strides = array<i32>} : memref<2064xf32, #tpu.memory_space<vmem>>, vector<16xf32>,
        %parallel_loop3A_327 = arith.constant 1 : i32
        %parallel_loop3A_328 = arith.addi %parallel_loop3A_324, %parallel_loop3A_327 : i32
        %parallel_loop3A_329 = vector.broadcast %parallel_loop3A_328 : i32 to vector<16xi32>
        %parallel_loop3A_330 = arith.addi %parallel_loop3A_329, %iota3A : vector<16xi32>
        %parallel_loop3A_331 = tpu.vector_load_idx %arg11[%parallel_loop3A_330] : memref<2064xf32, #tpu.memory_space<vmem>>[vector<16xi32>], vector<16xf32>,
        %parallel_loop3A_332 = vector.bitcast %parallel_loop3A_326 : vector<16xf32> to vector<16xi32>
        %parallel_loop3A_333 = arith.constant 0 : i32
        %parallel_loop3A_334 = vector.broadcast %parallel_loop3A_333 : i32 to vector<16xi32>
        %parallel_loop3A_335 = arith.cmpi slt, %parallel_loop3A_332, %parallel_loop3A_334 : vector<16xi32>
        %parallel_loop3A_336 = vector.bitcast %parallel_loop3A_331 : vector<16xf32> to vector<16xi32>
        %parallel_loop3A_337 = arith.constant 0 : i32
        %parallel_loop3A_338 = vector.broadcast %parallel_loop3A_337 : i32 to vector<16xi32>
        %parallel_loop3A_339 = arith.cmpi slt, %parallel_loop3A_336, %parallel_loop3A_338 : vector<16xi32>
        %parallel_loop3A_340 = arith.constant dense<true> : vector<16xi1>
        %parallel_loop3A_341 = arith.xori %parallel_loop3A_335, %parallel_loop3A_340 : vector<16xi1>
        %parallel_loop3A_342 = arith.andi %parallel_loop3A_339, %parallel_loop3A_341 : vector<16xi1>
        %parallel_loop3A_343 = arith.constant dense<true> : vector<16xi1>
        %parallel_loop3A_344 = arith.xori %parallel_loop3A_339, %parallel_loop3A_343 : vector<16xi1>
        %parallel_loop3A_345 = arith.andi %parallel_loop3A_335, %parallel_loop3A_344 : vector<16xi1>
        %parallel_loop3A_346 = arith.constant 0 : i32
        %parallel_loop3A_347 = arith.constant 0 : i32
        %parallel_loop3A_348 = arith.index_cast %parallel_loop3A_346 : i32 to index
        %parallel_loop3A_349 = arith.index_cast %parallel_loop3A_347 : i32 to index
        %parallel_loop3A_350 = arith.index_cast %parallel_loop3A_324 : i32 to index
        %parallel_loop3A_351 = tpu.vector_load %arg12[%parallel_loop3A_348, %parallel_loop3A_349, %parallel_loop3A_350] {strides = array<i32>} : memref<2x4x2048xf32, #tpu.memory_space<vmem>>, vector<16xf32>,
        tpu.vector_store %arg12[%parallel_loop3A_348, %parallel_loop3A_349, %parallel_loop3A_350], %mul3A_100 {strides = array<i32>} : memref<2x4x2048xf32, #tpu.memory_space<vmem>>, vector<16xf32>,
        %parallel_loop3A_352 = arith.constant 0 : i32
        %parallel_loop3A_353 = arith.constant 1 : i32
        %parallel_loop3A_354 = arith.index_cast %parallel_loop3A_352 : i32 to index
        %parallel_loop3A_355 = arith.index_cast %parallel_loop3A_353 : i32 to index
        %parallel_loop3A_356 = arith.index_cast %parallel_loop3A_324 : i32 to index
        %parallel_loop3A_357 = tpu.vector_load %arg12[%parallel_loop3A_354, %parallel_loop3A_355, %parallel_loop3A_356] {strides = array<i32>} : memref<2x4x2048xf32, #tpu.memory_space<vmem>>, vector<16xf32>,
        tpu.vector_store %arg12[%parallel_loop3A_354, %parallel_loop3A_355, %parallel_loop3A_356], %mul3A_104 {strides = array<i32>} : memref<2x4x2048xf32, #tpu.memory_space<vmem>>, vector<16xf32>,
        %parallel_loop3A_358 = arith.select %parallel_loop3A_345, %parallel_loop3A_326, %broadcast_in_dim3A_7 : vector<16xi1>, vector<16xf32>
        %parallel_loop3A_359 = arith.addf %mul3A_108, %parallel_loop3A_358 : vector<16xf32>
        %parallel_loop3A_360 = arith.constant 0 : i32
        %parallel_loop3A_361 = arith.constant 2 : i32
        %parallel_loop3A_362 = arith.index_cast %parallel_loop3A_360 : i32 to index
        %parallel_loop3A_363 = arith.index_cast %parallel_loop3A_361 : i32 to index
        %parallel_loop3A_364 = arith.index_cast %parallel_loop3A_324 : i32 to index
        %parallel_loop3A_365 = tpu.vector_load %arg12[%parallel_loop3A_362, %parallel_loop3A_363, %parallel_loop3A_364] {strides = array<i32>} : memref<2x4x2048xf32, #tpu.memory_space<vmem>>, vector<16xf32>,
        tpu.vector_store %arg12[%parallel_loop3A_362, %parallel_loop3A_363, %parallel_loop3A_364], %parallel_loop3A_359 {strides = array<i32>} : memref<2x4x2048xf32, #tpu.memory_space<vmem>>, vector<16xf32>,
        %parallel_loop3A_366 = arith.select %parallel_loop3A_345, %broadcast_in_dim3A_7, %parallel_loop3A_326 : vector<16xi1>, vector<16xf32>
        %parallel_loop3A_367 = arith.constant 0 : i32
        %parallel_loop3A_368 = arith.constant 3 : i32
        %parallel_loop3A_369 = arith.index_cast %parallel_loop3A_367 : i32 to index
        %parallel_loop3A_370 = arith.index_cast %parallel_loop3A_368 : i32 to index
        %parallel_loop3A_371 = arith.index_cast %parallel_loop3A_324 : i32 to index
        %parallel_loop3A_372 = tpu.vector_load %arg12[%parallel_loop3A_369, %parallel_loop3A_370, %parallel_loop3A_371] {strides = array<i32>} : memref<2x4x2048xf32, #tpu.memory_space<vmem>>, vector<16xf32>,
        tpu.vector_store %arg12[%parallel_loop3A_369, %parallel_loop3A_370, %parallel_loop3A_371], %parallel_loop3A_366 {strides = array<i32>} : memref<2x4x2048xf32, #tpu.memory_space<vmem>>, vector<16xf32>,
      } {sc.loop_unroll_factor = 8 : i64, sc.parallel_access}
      %broadcast_in_dim3A_127 = arith.constant 1 : i32
      %broadcast_in_dim3A_128 = vector.broadcast %broadcast_in_dim3A_127 : i32 to vector<16xi32>
      %parallel_loop3A_129 = arith.constant 0 : i32
      %parallel_loop3A_130 = arith.constant 64 : i32
      %parallel_loop3A_131 = arith.constant 1 : i32
      %parallel_loop3A_132 = scf.for %parallel_loop3A_322 = %parallel_loop3A_129 to %parallel_loop3A_130 step %parallel_loop3A_131 iter_args(%parallel_loop3A_323 = %broadcast_in_dim3A_5) -> (vector<16xf32>)  : i32 {
        %parallel_loop3A_324 = arith.constant 64 : i32
        %parallel_loop3A_325 = arith.muli %parallel_loop3A_322, %parallel_loop3A_324 : i32
        %parallel_loop3A_326 = arith.constant 2 : i32
        %parallel_loop3A_327 = vector.broadcast %parallel_loop3A_326 : i32 to vector<16xi32>
        %parallel_loop3A_328 = arith.muli %iota3A, %parallel_loop3A_327 : vector<16xi32>
        %parallel_loop3A_329 = vector.broadcast %parallel_loop3A_325 : i32 to vector<16xi32>
        %parallel_loop3A_330 = arith.addi %parallel_loop3A_329, %parallel_loop3A_328 : vector<16xi32>
        %parallel_loop3A_331 = tpu.vector_load_idx %arg4[%broadcast_in_dim3A_128, %parallel_loop3A_330] : memref<2x4096xf32, #tpu.memory_space<vmem>>[vector<16xi32>, vector<16xi32>], vector<16xf32>,
        %parallel_loop3A_332 = arith.constant 1 : i32
        %parallel_loop3A_333 = vector.broadcast %parallel_loop3A_332 : i32 to vector<16xi32>
        %parallel_loop3A_334 = arith.addi %parallel_loop3A_330, %parallel_loop3A_333 : vector<16xi32>
        %parallel_loop3A_335 = tpu.vector_load_idx %arg4[%broadcast_in_dim3A_128, %parallel_loop3A_334] : memref<2x4096xf32, #tpu.memory_space<vmem>>[vector<16xi32>, vector<16xi32>], vector<16xf32>,
        %parallel_loop3A_336 = arith.constant 32 : i32
        %parallel_loop3A_337 = vector.broadcast %parallel_loop3A_336 : i32 to vector<16xi32>
        %parallel_loop3A_338 = arith.addi %parallel_loop3A_330, %parallel_loop3A_337 : vector<16xi32>
        %parallel_loop3A_339 = tpu.vector_load_idx %arg4[%broadcast_in_dim3A_128, %parallel_loop3A_338] : memref<2x4096xf32, #tpu.memory_space<vmem>>[vector<16xi32>, vector<16xi32>], vector<16xf32>,
        %parallel_loop3A_340 = arith.constant 33 : i32
        %parallel_loop3A_341 = vector.broadcast %parallel_loop3A_340 : i32 to vector<16xi32>
        %parallel_loop3A_342 = arith.addi %parallel_loop3A_330, %parallel_loop3A_341 : vector<16xi32>
        %parallel_loop3A_343 = tpu.vector_load_idx %arg4[%broadcast_in_dim3A_128, %parallel_loop3A_342] : memref<2x4096xf32, #tpu.memory_space<vmem>>[vector<16xi32>, vector<16xi32>], vector<16xf32>,
        %parallel_loop3A_344 = arith.subf %parallel_loop3A_331, %parallel_loop3A_335 : vector<16xf32>
        %parallel_loop3A_345 = arith.mulf %parallel_loop3A_344, %broadcast_in_dim3A_3 : vector<16xf32>
        %parallel_loop3A_346 = arith.constant 32 : i32
        %parallel_loop3A_347 = arith.muli %parallel_loop3A_322, %parallel_loop3A_346 : i32
        %parallel_loop3A_348 = arith.index_cast %parallel_loop3A_347 : i32 to index
        %parallel_loop3A_349 = tpu.vector_load %arg11[%parallel_loop3A_348] {strides = array<i32>} : memref<2064xf32, #tpu.memory_space<vmem>>, vector<16xf32>,
        tpu.vector_store %arg11[%parallel_loop3A_348], %parallel_loop3A_345 {strides = array<i32>} : memref<2064xf32, #tpu.memory_space<vmem>>, vector<16xf32>,
        %parallel_loop3A_350 = arith.subf %parallel_loop3A_339, %parallel_loop3A_343 : vector<16xf32>
        %parallel_loop3A_351 = arith.mulf %parallel_loop3A_350, %broadcast_in_dim3A_3 : vector<16xf32>
        %parallel_loop3A_352 = arith.constant 32 : i32
        %parallel_loop3A_353 = arith.muli %parallel_loop3A_322, %parallel_loop3A_352 : i32
        %parallel_loop3A_354 = arith.constant 16 : i32
        %parallel_loop3A_355 = arith.addi %parallel_loop3A_353, %parallel_loop3A_354 : i32
        %parallel_loop3A_356 = arith.index_cast %parallel_loop3A_355 : i32 to index
        %parallel_loop3A_357 = tpu.vector_load %arg11[%parallel_loop3A_356] {strides = array<i32>} : memref<2064xf32, #tpu.memory_space<vmem>>, vector<16xf32>,
        tpu.vector_store %arg11[%parallel_loop3A_356], %parallel_loop3A_351 {strides = array<i32>} : memref<2064xf32, #tpu.memory_space<vmem>>, vector<16xf32>,
        %parallel_loop3A_358 = arith.addf %parallel_loop3A_331, %parallel_loop3A_335 : vector<16xf32>
        %parallel_loop3A_359 = arith.mulf %parallel_loop3A_358, %broadcast_in_dim3A_3 : vector<16xf32>
        %parallel_loop3A_360 = arith.addf %parallel_loop3A_339, %parallel_loop3A_343 : vector<16xf32>
        %parallel_loop3A_361 = arith.mulf %parallel_loop3A_360, %broadcast_in_dim3A_3 : vector<16xf32>
        %parallel_loop3A_362 = vector.shape_cast %select_n3A_25 : vector<16xi32> to vector<16x1xi32>
        %parallel_loop3A_363 = vector.shape_cast %parallel_loop3A_362 : vector<16x1xi32> to vector<16xi32>
        %parallel_loop3A_364 = tpu.dynamic_gather %parallel_loop3A_359[%parallel_loop3A_363] in [0] : vector<16xf32>, vector<16xi32> -> vector<16xf32>
        %parallel_loop3A_365 = vector.shape_cast %select_n3A_25 : vector<16xi32> to vector<16x1xi32>
        %parallel_loop3A_366 = vector.shape_cast %parallel_loop3A_365 : vector<16x1xi32> to vector<16xi32>
        %parallel_loop3A_367 = tpu.dynamic_gather %parallel_loop3A_361[%parallel_loop3A_366] in [0] : vector<16xf32>, vector<16xi32> -> vector<16xf32>
        %parallel_loop3A_368 = arith.select %lt3A_31, %parallel_loop3A_364, %parallel_loop3A_367 : vector<16xi1>, vector<16xf32>
        %parallel_loop3A_369 = vector.shape_cast %add3A_28 : vector<16xi32> to vector<16x1xi32>
        %parallel_loop3A_370 = vector.shape_cast %parallel_loop3A_369 : vector<16x1xi32> to vector<16xi32>
        %parallel_loop3A_371 = tpu.dynamic_gather %parallel_loop3A_359[%parallel_loop3A_370] in [0] : vector<16xf32>, vector<16xi32> -> vector<16xf32>
        %parallel_loop3A_372 = vector.shape_cast %add3A_28 : vector<16xi32> to vector<16x1xi32>
        %parallel_loop3A_373 = vector.shape_cast %parallel_loop3A_372 : vector<16x1xi32> to vector<16xi32>
        %parallel_loop3A_374 = tpu.dynamic_gather %parallel_loop3A_361[%parallel_loop3A_373] in [0] : vector<16xf32>, vector<16xi32> -> vector<16xf32>
        %parallel_loop3A_375 = arith.select %lt3A_31, %parallel_loop3A_371, %parallel_loop3A_374 : vector<16xi1>, vector<16xf32>
        %parallel_loop3A_376 = arith.subf %parallel_loop3A_368, %parallel_loop3A_375 : vector<16xf32>
        %parallel_loop3A_377 = arith.mulf %parallel_loop3A_376, %broadcast_in_dim3A_3 : vector<16xf32>
        %parallel_loop3A_378 = arith.addf %parallel_loop3A_368, %parallel_loop3A_375 : vector<16xf32>
        %parallel_loop3A_379 = arith.mulf %parallel_loop3A_378, %broadcast_in_dim3A_3 : vector<16xf32>
        %parallel_loop3A_380 = arith.constant 16 : i32
        %parallel_loop3A_381 = arith.muli %parallel_loop3A_322, %parallel_loop3A_380 : i32
        %parallel_loop3A_382 = arith.index_cast %parallel_loop3A_381 : i32 to index
        %parallel_loop3A_383 = tpu.vector_load %arg7[%parallel_loop3A_382] {strides = array<i32>} : memref<1024xf32, #tpu.memory_space<vmem>>, vector<16xf32>,
        tpu.vector_store %arg7[%parallel_loop3A_382], %parallel_loop3A_379 {strides = array<i32>} : memref<1024xf32, #tpu.memory_space<vmem>>, vector<16xf32>,
        %parallel_loop3A_384 = arith.constant 16 : i32
        %parallel_loop3A_385 = arith.muli %parallel_loop3A_322, %parallel_loop3A_384 : i32
        %parallel_loop3A_386 = arith.index_cast %parallel_loop3A_385 : i32 to index
        %parallel_loop3A_387 = tpu.vector_load %arg10[%parallel_loop3A_386] {strides = array<i32>} : memref<1040xf32, #tpu.memory_space<vmem>>, vector<16xf32>,
        tpu.vector_store %arg10[%parallel_loop3A_386], %parallel_loop3A_377 {strides = array<i32>} : memref<1040xf32, #tpu.memory_space<vmem>>, vector<16xf32>,
        %parallel_loop3A_388 = arith.maximumf %parallel_loop3A_323, %parallel_loop3A_377 : vector<16xf32>
        scf.yield %parallel_loop3A_388 : vector<16xf32>
      } {sc.loop_unroll_factor = 4 : i64, sc.parallel_access}
      %parallel_loop3A_133 = arith.constant 0 : i32
      %parallel_loop3A_134 = arith.constant 32 : i32
      %parallel_loop3A_135 = arith.constant 1 : i32
      %parallel_loop3A_136:2 = scf.for %parallel_loop3A_322 = %parallel_loop3A_133 to %parallel_loop3A_134 step %parallel_loop3A_135 iter_args(%parallel_loop3A_323 = %broadcast_in_dim3A_5, %parallel_loop3A_324 = %broadcast_in_dim3A_5) -> (vector<16xf32>, vector<16xf32>)  : i32 {
        %parallel_loop3A_325 = arith.constant 32 : i32
        %parallel_loop3A_326 = arith.muli %parallel_loop3A_322, %parallel_loop3A_325 : i32
        %parallel_loop3A_327 = arith.constant 2 : i32
        %parallel_loop3A_328 = vector.broadcast %parallel_loop3A_327 : i32 to vector<16xi32>
        %parallel_loop3A_329 = arith.muli %iota3A, %parallel_loop3A_328 : vector<16xi32>
        %parallel_loop3A_330 = vector.broadcast %parallel_loop3A_326 : i32 to vector<16xi32>
        %parallel_loop3A_331 = arith.addi %parallel_loop3A_330, %parallel_loop3A_329 : vector<16xi32>
        %parallel_loop3A_332 = tpu.vector_load_idx %arg7[%parallel_loop3A_331] : memref<1024xf32, #tpu.memory_space<vmem>>[vector<16xi32>], vector<16xf32>,
        %parallel_loop3A_333 = arith.constant 1 : i32
        %parallel_loop3A_334 = vector.broadcast %parallel_loop3A_333 : i32 to vector<16xi32>
        %parallel_loop3A_335 = arith.addi %parallel_loop3A_331, %parallel_loop3A_334 : vector<16xi32>
        %parallel_loop3A_336 = tpu.vector_load_idx %arg7[%parallel_loop3A_335] : memref<1024xf32, #tpu.memory_space<vmem>>[vector<16xi32>], vector<16xf32>,
        %parallel_loop3A_337 = arith.addf %parallel_loop3A_332, %parallel_loop3A_336 : vector<16xf32>
        %parallel_loop3A_338 = arith.mulf %parallel_loop3A_337, %broadcast_in_dim3A_3 : vector<16xf32>
        %parallel_loop3A_339 = arith.subf %parallel_loop3A_332, %parallel_loop3A_336 : vector<16xf32>
        %parallel_loop3A_340 = arith.mulf %parallel_loop3A_339, %broadcast_in_dim3A_3 : vector<16xf32>
        %parallel_loop3A_341 = arith.constant 16 : i32
        %parallel_loop3A_342 = arith.muli %parallel_loop3A_322, %parallel_loop3A_341 : i32
        %parallel_loop3A_343 = arith.index_cast %parallel_loop3A_342 : i32 to index
        %parallel_loop3A_344 = tpu.vector_load %arg8[%parallel_loop3A_343] {strides = array<i32>} : memref<528xf32, #tpu.memory_space<vmem>>, vector<16xf32>,
        tpu.vector_store %arg8[%parallel_loop3A_343], %parallel_loop3A_338 {strides = array<i32>} : memref<528xf32, #tpu.memory_space<vmem>>, vector<16xf32>,
        %parallel_loop3A_345 = arith.constant 16 : i32
        %parallel_loop3A_346 = arith.muli %parallel_loop3A_322, %parallel_loop3A_345 : i32
        %parallel_loop3A_347 = arith.index_cast %parallel_loop3A_346 : i32 to index
        %parallel_loop3A_348 = tpu.vector_load %arg9[%parallel_loop3A_347] {strides = array<i32>} : memref<528xf32, #tpu.memory_space<vmem>>, vector<16xf32>,
        tpu.vector_store %arg9[%parallel_loop3A_347], %parallel_loop3A_340 {strides = array<i32>} : memref<528xf32, #tpu.memory_space<vmem>>, vector<16xf32>,
        %parallel_loop3A_349 = arith.maximumf %parallel_loop3A_323, %parallel_loop3A_338 : vector<16xf32>
        %parallel_loop3A_350 = arith.maximumf %parallel_loop3A_324, %parallel_loop3A_340 : vector<16xf32>
        scf.yield %parallel_loop3A_349, %parallel_loop3A_350 : vector<16xf32>, vector<16xf32>
      } {sc.loop_unroll_factor = 4 : i64, sc.parallel_access}
      %reduce_max3A_137 = arith.constant true
      %reduce_max3A_138 = vector.broadcast %reduce_max3A_137 : i1 to vector<16xi1>
      %reduce_max3A_139 = tpu.scan <max>, %parallel_loop3A_136#0 masked %reduce_max3A_138 : vector<16xf32>, vector<16xi1> -> vector<16xf32>
      %reduce_max3A_140 = vector.extract %reduce_max3A_139[15] : f32 from vector<16xf32>
      %reduce_max3A_141 = arith.constant true
      %reduce_max3A_142 = vector.broadcast %reduce_max3A_141 : i1 to vector<16xi1>
      %reduce_max3A_143 = tpu.scan <max>, %parallel_loop3A_136#1 masked %reduce_max3A_142 : vector<16xf32>, vector<16xi1> -> vector<16xf32>
      %reduce_max3A_144 = vector.extract %reduce_max3A_143[15] : f32 from vector<16xf32>
      %reduce_max3A_145 = arith.constant true
      %reduce_max3A_146 = vector.broadcast %reduce_max3A_145 : i1 to vector<16xi1>
      %reduce_max3A_147 = tpu.scan <max>, %parallel_loop3A_132 masked %reduce_max3A_146 : vector<16xf32>, vector<16xi1> -> vector<16xf32>
      %reduce_max3A_148 = vector.extract %reduce_max3A_147[15] : f32 from vector<16xf32>
      %broadcast_in_dim3A_149 = arith.constant 1.000000e+00 : f32
      %broadcast_in_dim3A_150 = vector.broadcast %broadcast_in_dim3A_149 : f32 to vector<16xf32>
      %mul3A_151 = vector.broadcast %reduce_max3A_140 : f32 to vector<16xf32>
      %mul3A_152 = arith.mulf %broadcast_in_dim3A_150, %mul3A_151 : vector<16xf32>
      %broadcast_in_dim3A_153 = arith.constant 1.000000e+00 : f32
      %broadcast_in_dim3A_154 = vector.broadcast %broadcast_in_dim3A_153 : f32 to vector<16xf32>
      %mul3A_155 = vector.broadcast %reduce_max3A_144 : f32 to vector<16xf32>
      %mul3A_156 = arith.mulf %broadcast_in_dim3A_154, %mul3A_155 : vector<16xf32>
      %broadcast_in_dim3A_157 = arith.constant 1.000000e+00 : f32
      %broadcast_in_dim3A_158 = vector.broadcast %broadcast_in_dim3A_157 : f32 to vector<16xf32>
      %mul3A_159 = vector.broadcast %reduce_max3A_148 : f32 to vector<16xf32>
      %mul3A_160 = arith.mulf %broadcast_in_dim3A_158, %mul3A_159 : vector<16xf32>
      %swap3A_161 = arith.constant 512 : index
      %swap3A_162 = tpu.vector_load %arg8[%swap3A_161] {strides = array<i32>} : memref<528xf32, #tpu.memory_space<vmem>>, vector<16xf32>,
      tpu.vector_store %arg8[%swap3A_161], %mul3A_152 {strides = array<i32>} : memref<528xf32, #tpu.memory_space<vmem>>, vector<16xf32>,
      %swap3A_163 = arith.constant 512 : index
      %swap3A_164 = tpu.vector_load %arg9[%swap3A_163] {strides = array<i32>} : memref<528xf32, #tpu.memory_space<vmem>>, vector<16xf32>,
      tpu.vector_store %arg9[%swap3A_163], %mul3A_156 {strides = array<i32>} : memref<528xf32, #tpu.memory_space<vmem>>, vector<16xf32>,
      %swap3A_165 = arith.constant 1024 : index
      %swap3A_166 = tpu.vector_load %arg10[%swap3A_165] {strides = array<i32>} : memref<1040xf32, #tpu.memory_space<vmem>>, vector<16xf32>,
      tpu.vector_store %arg10[%swap3A_165], %mul3A_160 {strides = array<i32>} : memref<1040xf32, #tpu.memory_space<vmem>>, vector<16xf32>,
      %broadcast_in_dim3A_167 = arith.constant 2047 : i32
      %broadcast_in_dim3A_168 = vector.broadcast %broadcast_in_dim3A_167 : i32 to vector<16xi32>
      %gather3A_169 = tpu.vector_load_idx %arg11[%broadcast_in_dim3A_168] : memref<2064xf32, #tpu.memory_space<vmem>>[vector<16xi32>], vector<16xf32>,
      %swap3A_170 = arith.constant 2048 : index
      %swap3A_171 = tpu.vector_load %arg11[%swap3A_170] {strides = array<i32>} : memref<2064xf32, #tpu.memory_space<vmem>>, vector<16xf32>,
      tpu.vector_store %arg11[%swap3A_170], %gather3A_169 {strides = array<i32>} : memref<2064xf32, #tpu.memory_space<vmem>>, vector<16xf32>,
      %parallel_loop3A_172 = arith.constant 0 : i32
      %parallel_loop3A_173 = arith.constant 32 : i32
      %parallel_loop3A_174 = arith.constant 1 : i32
      scf.for %parallel_loop3A_322 = %parallel_loop3A_172 to %parallel_loop3A_173 step %parallel_loop3A_174  : i32 {
        %parallel_loop3A_323 = arith.constant 16 : i32
        %parallel_loop3A_324 = arith.muli %parallel_loop3A_322, %parallel_loop3A_323 : i32
        %parallel_loop3A_325 = arith.index_cast %parallel_loop3A_324 : i32 to index
        %parallel_loop3A_326 = tpu.vector_load %arg8[%parallel_loop3A_325] {strides = array<i32>} : memref<528xf32, #tpu.memory_space<vmem>>, vector<16xf32>,
        %parallel_loop3A_327 = arith.constant 1 : i32
        %parallel_loop3A_328 = arith.addi %parallel_loop3A_324, %parallel_loop3A_327 : i32
        %parallel_loop3A_329 = vector.broadcast %parallel_loop3A_328 : i32 to vector<16xi32>
        %parallel_loop3A_330 = arith.addi %parallel_loop3A_329, %iota3A : vector<16xi32>
        %parallel_loop3A_331 = tpu.vector_load_idx %arg8[%parallel_loop3A_330] : memref<528xf32, #tpu.memory_space<vmem>>[vector<16xi32>], vector<16xf32>,
        %parallel_loop3A_332 = vector.bitcast %parallel_loop3A_326 : vector<16xf32> to vector<16xi32>
        %parallel_loop3A_333 = arith.constant 0 : i32
        %parallel_loop3A_334 = vector.broadcast %parallel_loop3A_333 : i32 to vector<16xi32>
        %parallel_loop3A_335 = arith.cmpi slt, %parallel_loop3A_332, %parallel_loop3A_334 : vector<16xi32>
        %parallel_loop3A_336 = vector.bitcast %parallel_loop3A_331 : vector<16xf32> to vector<16xi32>
        %parallel_loop3A_337 = arith.constant 0 : i32
        %parallel_loop3A_338 = vector.broadcast %parallel_loop3A_337 : i32 to vector<16xi32>
        %parallel_loop3A_339 = arith.cmpi slt, %parallel_loop3A_336, %parallel_loop3A_338 : vector<16xi32>
        %parallel_loop3A_340 = arith.constant dense<true> : vector<16xi1>
        %parallel_loop3A_341 = arith.xori %parallel_loop3A_335, %parallel_loop3A_340 : vector<16xi1>
        %parallel_loop3A_342 = arith.andi %parallel_loop3A_339, %parallel_loop3A_341 : vector<16xi1>
        %parallel_loop3A_343 = arith.constant dense<true> : vector<16xi1>
        %parallel_loop3A_344 = arith.xori %parallel_loop3A_339, %parallel_loop3A_343 : vector<16xi1>
        %parallel_loop3A_345 = arith.andi %parallel_loop3A_335, %parallel_loop3A_344 : vector<16xi1>
        %parallel_loop3A_346 = arith.index_cast %parallel_loop3A_324 : i32 to index
        %parallel_loop3A_347 = tpu.vector_load %arg9[%parallel_loop3A_346] {strides = array<i32>} : memref<528xf32, #tpu.memory_space<vmem>>, vector<16xf32>,
        %parallel_loop3A_348 = arith.constant 1 : i32
        %parallel_loop3A_349 = arith.addi %parallel_loop3A_324, %parallel_loop3A_348 : i32
        %parallel_loop3A_350 = vector.broadcast %parallel_loop3A_349 : i32 to vector<16xi32>
        %parallel_loop3A_351 = arith.addi %parallel_loop3A_350, %iota3A : vector<16xi32>
        %parallel_loop3A_352 = tpu.vector_load_idx %arg9[%parallel_loop3A_351] : memref<528xf32, #tpu.memory_space<vmem>>[vector<16xi32>], vector<16xf32>,
        %parallel_loop3A_353 = vector.bitcast %parallel_loop3A_347 : vector<16xf32> to vector<16xi32>
        %parallel_loop3A_354 = arith.constant 0 : i32
        %parallel_loop3A_355 = vector.broadcast %parallel_loop3A_354 : i32 to vector<16xi32>
        %parallel_loop3A_356 = arith.cmpi slt, %parallel_loop3A_353, %parallel_loop3A_355 : vector<16xi32>
        %parallel_loop3A_357 = vector.bitcast %parallel_loop3A_352 : vector<16xf32> to vector<16xi32>
        %parallel_loop3A_358 = arith.constant 0 : i32
        %parallel_loop3A_359 = vector.broadcast %parallel_loop3A_358 : i32 to vector<16xi32>
        %parallel_loop3A_360 = arith.cmpi slt, %parallel_loop3A_357, %parallel_loop3A_359 : vector<16xi32>
        %parallel_loop3A_361 = arith.constant dense<true> : vector<16xi1>
        %parallel_loop3A_362 = arith.xori %parallel_loop3A_356, %parallel_loop3A_361 : vector<16xi1>
        %parallel_loop3A_363 = arith.andi %parallel_loop3A_360, %parallel_loop3A_362 : vector<16xi1>
        %parallel_loop3A_364 = arith.constant dense<true> : vector<16xi1>
        %parallel_loop3A_365 = arith.xori %parallel_loop3A_360, %parallel_loop3A_364 : vector<16xi1>
        %parallel_loop3A_366 = arith.andi %parallel_loop3A_356, %parallel_loop3A_365 : vector<16xi1>
        %parallel_loop3A_367 = arith.index_cast %parallel_loop3A_324 : i32 to index
        %parallel_loop3A_368 = tpu.vector_load %arg10[%parallel_loop3A_367] {strides = array<i32>} : memref<1040xf32, #tpu.memory_space<vmem>>, vector<16xf32>,
        %parallel_loop3A_369 = arith.constant 1 : i32
        %parallel_loop3A_370 = arith.addi %parallel_loop3A_324, %parallel_loop3A_369 : i32
        %parallel_loop3A_371 = vector.broadcast %parallel_loop3A_370 : i32 to vector<16xi32>
        %parallel_loop3A_372 = arith.addi %parallel_loop3A_371, %iota3A : vector<16xi32>
        %parallel_loop3A_373 = tpu.vector_load_idx %arg10[%parallel_loop3A_372] : memref<1040xf32, #tpu.memory_space<vmem>>[vector<16xi32>], vector<16xf32>,
        %parallel_loop3A_374 = vector.bitcast %parallel_loop3A_368 : vector<16xf32> to vector<16xi32>
        %parallel_loop3A_375 = arith.constant 0 : i32
        %parallel_loop3A_376 = vector.broadcast %parallel_loop3A_375 : i32 to vector<16xi32>
        %parallel_loop3A_377 = arith.cmpi slt, %parallel_loop3A_374, %parallel_loop3A_376 : vector<16xi32>
        %parallel_loop3A_378 = vector.bitcast %parallel_loop3A_373 : vector<16xf32> to vector<16xi32>
        %parallel_loop3A_379 = arith.constant 0 : i32
        %parallel_loop3A_380 = vector.broadcast %parallel_loop3A_379 : i32 to vector<16xi32>
        %parallel_loop3A_381 = arith.cmpi slt, %parallel_loop3A_378, %parallel_loop3A_380 : vector<16xi32>
        %parallel_loop3A_382 = arith.constant dense<true> : vector<16xi1>
        %parallel_loop3A_383 = arith.xori %parallel_loop3A_377, %parallel_loop3A_382 : vector<16xi1>
        %parallel_loop3A_384 = arith.andi %parallel_loop3A_381, %parallel_loop3A_383 : vector<16xi1>
        %parallel_loop3A_385 = arith.constant dense<true> : vector<16xi1>
        %parallel_loop3A_386 = arith.xori %parallel_loop3A_381, %parallel_loop3A_385 : vector<16xi1>
        %parallel_loop3A_387 = arith.andi %parallel_loop3A_377, %parallel_loop3A_386 : vector<16xi1>
        %parallel_loop3A_388 = arith.index_cast %parallel_loop3A_324 : i32 to index
        %parallel_loop3A_389 = tpu.vector_load %arg11[%parallel_loop3A_388] {strides = array<i32>} : memref<2064xf32, #tpu.memory_space<vmem>>, vector<16xf32>,
        %parallel_loop3A_390 = arith.constant 1 : i32
        %parallel_loop3A_391 = arith.addi %parallel_loop3A_324, %parallel_loop3A_390 : i32
        %parallel_loop3A_392 = vector.broadcast %parallel_loop3A_391 : i32 to vector<16xi32>
        %parallel_loop3A_393 = arith.addi %parallel_loop3A_392, %iota3A : vector<16xi32>
        %parallel_loop3A_394 = tpu.vector_load_idx %arg11[%parallel_loop3A_393] : memref<2064xf32, #tpu.memory_space<vmem>>[vector<16xi32>], vector<16xf32>,
        %parallel_loop3A_395 = vector.bitcast %parallel_loop3A_389 : vector<16xf32> to vector<16xi32>
        %parallel_loop3A_396 = arith.constant 0 : i32
        %parallel_loop3A_397 = vector.broadcast %parallel_loop3A_396 : i32 to vector<16xi32>
        %parallel_loop3A_398 = arith.cmpi slt, %parallel_loop3A_395, %parallel_loop3A_397 : vector<16xi32>
        %parallel_loop3A_399 = vector.bitcast %parallel_loop3A_394 : vector<16xf32> to vector<16xi32>
        %parallel_loop3A_400 = arith.constant 0 : i32
        %parallel_loop3A_401 = vector.broadcast %parallel_loop3A_400 : i32 to vector<16xi32>
        %parallel_loop3A_402 = arith.cmpi slt, %parallel_loop3A_399, %parallel_loop3A_401 : vector<16xi32>
        %parallel_loop3A_403 = arith.constant dense<true> : vector<16xi1>
        %parallel_loop3A_404 = arith.xori %parallel_loop3A_398, %parallel_loop3A_403 : vector<16xi1>
        %parallel_loop3A_405 = arith.andi %parallel_loop3A_402, %parallel_loop3A_404 : vector<16xi1>
        %parallel_loop3A_406 = arith.constant dense<true> : vector<16xi1>
        %parallel_loop3A_407 = arith.xori %parallel_loop3A_402, %parallel_loop3A_406 : vector<16xi1>
        %parallel_loop3A_408 = arith.andi %parallel_loop3A_398, %parallel_loop3A_407 : vector<16xi1>
        %parallel_loop3A_409 = arith.select %parallel_loop3A_342, %broadcast_in_dim3A_7, %parallel_loop3A_326 : vector<16xi1>, vector<16xf32>
        %parallel_loop3A_410 = arith.select %parallel_loop3A_366, %parallel_loop3A_347, %broadcast_in_dim3A_7 : vector<16xi1>, vector<16xf32>
        %parallel_loop3A_411 = arith.addf %parallel_loop3A_409, %parallel_loop3A_410 : vector<16xf32>
        %parallel_loop3A_412 = arith.constant 1 : i32
        %parallel_loop3A_413 = arith.constant 0 : i32
        %parallel_loop3A_414 = arith.index_cast %parallel_loop3A_412 : i32 to index
        %parallel_loop3A_415 = arith.index_cast %parallel_loop3A_413 : i32 to index
        %parallel_loop3A_416 = arith.index_cast %parallel_loop3A_324 : i32 to index
        %parallel_loop3A_417 = tpu.vector_load %arg12[%parallel_loop3A_414, %parallel_loop3A_415, %parallel_loop3A_416] {strides = array<i32>} : memref<2x4x2048xf32, #tpu.memory_space<vmem>>, vector<16xf32>,
        tpu.vector_store %arg12[%parallel_loop3A_414, %parallel_loop3A_415, %parallel_loop3A_416], %parallel_loop3A_411 {strides = array<i32>} : memref<2x4x2048xf32, #tpu.memory_space<vmem>>, vector<16xf32>,
        %parallel_loop3A_418 = arith.select %parallel_loop3A_342, %parallel_loop3A_326, %broadcast_in_dim3A_7 : vector<16xi1>, vector<16xf32>
        %parallel_loop3A_419 = arith.ori %parallel_loop3A_363, %parallel_loop3A_366 : vector<16xi1>
        %parallel_loop3A_420 = arith.select %parallel_loop3A_419, %broadcast_in_dim3A_7, %parallel_loop3A_347 : vector<16xi1>, vector<16xf32>
        %parallel_loop3A_421 = arith.addf %parallel_loop3A_418, %parallel_loop3A_420 : vector<16xf32>
        %parallel_loop3A_422 = arith.select %parallel_loop3A_387, %parallel_loop3A_368, %broadcast_in_dim3A_7 : vector<16xi1>, vector<16xf32>
        %parallel_loop3A_423 = arith.addf %parallel_loop3A_421, %parallel_loop3A_422 : vector<16xf32>
        %parallel_loop3A_424 = arith.constant 1 : i32
        %parallel_loop3A_425 = arith.constant 1 : i32
        %parallel_loop3A_426 = arith.index_cast %parallel_loop3A_424 : i32 to index
        %parallel_loop3A_427 = arith.index_cast %parallel_loop3A_425 : i32 to index
        %parallel_loop3A_428 = arith.index_cast %parallel_loop3A_324 : i32 to index
        %parallel_loop3A_429 = tpu.vector_load %arg12[%parallel_loop3A_426, %parallel_loop3A_427, %parallel_loop3A_428] {strides = array<i32>} : memref<2x4x2048xf32, #tpu.memory_space<vmem>>, vector<16xf32>,
        tpu.vector_store %arg12[%parallel_loop3A_426, %parallel_loop3A_427, %parallel_loop3A_428], %parallel_loop3A_423 {strides = array<i32>} : memref<2x4x2048xf32, #tpu.memory_space<vmem>>, vector<16xf32>,
        %parallel_loop3A_430 = arith.select %parallel_loop3A_363, %parallel_loop3A_347, %broadcast_in_dim3A_7 : vector<16xi1>, vector<16xf32>
        %parallel_loop3A_431 = arith.ori %parallel_loop3A_384, %parallel_loop3A_387 : vector<16xi1>
        %parallel_loop3A_432 = arith.select %parallel_loop3A_431, %broadcast_in_dim3A_7, %parallel_loop3A_368 : vector<16xi1>, vector<16xf32>
        %parallel_loop3A_433 = arith.addf %parallel_loop3A_430, %parallel_loop3A_432 : vector<16xf32>
        %parallel_loop3A_434 = arith.select %parallel_loop3A_408, %parallel_loop3A_389, %broadcast_in_dim3A_7 : vector<16xi1>, vector<16xf32>
        %parallel_loop3A_435 = arith.addf %parallel_loop3A_433, %parallel_loop3A_434 : vector<16xf32>
        %parallel_loop3A_436 = arith.constant 1 : i32
        %parallel_loop3A_437 = arith.constant 2 : i32
        %parallel_loop3A_438 = arith.index_cast %parallel_loop3A_436 : i32 to index
        %parallel_loop3A_439 = arith.index_cast %parallel_loop3A_437 : i32 to index
        %parallel_loop3A_440 = arith.index_cast %parallel_loop3A_324 : i32 to index
        %parallel_loop3A_441 = tpu.vector_load %arg12[%parallel_loop3A_438, %parallel_loop3A_439, %parallel_loop3A_440] {strides = array<i32>} : memref<2x4x2048xf32, #tpu.memory_space<vmem>>, vector<16xf32>,
        tpu.vector_store %arg12[%parallel_loop3A_438, %parallel_loop3A_439, %parallel_loop3A_440], %parallel_loop3A_435 {strides = array<i32>} : memref<2x4x2048xf32, #tpu.memory_space<vmem>>, vector<16xf32>,
        %parallel_loop3A_442 = arith.select %parallel_loop3A_384, %parallel_loop3A_368, %broadcast_in_dim3A_7 : vector<16xi1>, vector<16xf32>
        %parallel_loop3A_443 = arith.select %parallel_loop3A_408, %broadcast_in_dim3A_7, %parallel_loop3A_389 : vector<16xi1>, vector<16xf32>
        %parallel_loop3A_444 = arith.addf %parallel_loop3A_442, %parallel_loop3A_443 : vector<16xf32>
        %parallel_loop3A_445 = arith.constant 1 : i32
        %parallel_loop3A_446 = arith.constant 3 : i32
        %parallel_loop3A_447 = arith.index_cast %parallel_loop3A_445 : i32 to index
        %parallel_loop3A_448 = arith.index_cast %parallel_loop3A_446 : i32 to index
        %parallel_loop3A_449 = arith.index_cast %parallel_loop3A_324 : i32 to index
        %parallel_loop3A_450 = tpu.vector_load %arg12[%parallel_loop3A_447, %parallel_loop3A_448, %parallel_loop3A_449] {strides = array<i32>} : memref<2x4x2048xf32, #tpu.memory_space<vmem>>, vector<16xf32>,
        tpu.vector_store %arg12[%parallel_loop3A_447, %parallel_loop3A_448, %parallel_loop3A_449], %parallel_loop3A_444 {strides = array<i32>} : memref<2x4x2048xf32, #tpu.memory_space<vmem>>, vector<16xf32>,
      } {sc.loop_unroll_factor = 2 : i64, sc.parallel_access}
      %parallel_loop3A_175 = arith.constant 32 : i32
      %parallel_loop3A_176 = arith.constant 64 : i32
      %parallel_loop3A_177 = arith.constant 1 : i32
      scf.for %parallel_loop3A_322 = %parallel_loop3A_175 to %parallel_loop3A_176 step %parallel_loop3A_177  : i32 {
        %parallel_loop3A_323 = arith.constant 16 : i32
        %parallel_loop3A_324 = arith.muli %parallel_loop3A_322, %parallel_loop3A_323 : i32
        %parallel_loop3A_325 = arith.index_cast %parallel_loop3A_324 : i32 to index
        %parallel_loop3A_326 = tpu.vector_load %arg10[%parallel_loop3A_325] {strides = array<i32>} : memref<1040xf32, #tpu.memory_space<vmem>>, vector<16xf32>,
        %parallel_loop3A_327 = arith.constant 1 : i32
        %parallel_loop3A_328 = arith.addi %parallel_loop3A_324, %parallel_loop3A_327 : i32
        %parallel_loop3A_329 = vector.broadcast %parallel_loop3A_328 : i32 to vector<16xi32>
        %parallel_loop3A_330 = arith.addi %parallel_loop3A_329, %iota3A : vector<16xi32>
        %parallel_loop3A_331 = tpu.vector_load_idx %arg10[%parallel_loop3A_330] : memref<1040xf32, #tpu.memory_space<vmem>>[vector<16xi32>], vector<16xf32>,
        %parallel_loop3A_332 = vector.bitcast %parallel_loop3A_326 : vector<16xf32> to vector<16xi32>
        %parallel_loop3A_333 = arith.constant 0 : i32
        %parallel_loop3A_334 = vector.broadcast %parallel_loop3A_333 : i32 to vector<16xi32>
        %parallel_loop3A_335 = arith.cmpi slt, %parallel_loop3A_332, %parallel_loop3A_334 : vector<16xi32>
        %parallel_loop3A_336 = vector.bitcast %parallel_loop3A_331 : vector<16xf32> to vector<16xi32>
        %parallel_loop3A_337 = arith.constant 0 : i32
        %parallel_loop3A_338 = vector.broadcast %parallel_loop3A_337 : i32 to vector<16xi32>
        %parallel_loop3A_339 = arith.cmpi slt, %parallel_loop3A_336, %parallel_loop3A_338 : vector<16xi32>
        %parallel_loop3A_340 = arith.constant dense<true> : vector<16xi1>
        %parallel_loop3A_341 = arith.xori %parallel_loop3A_335, %parallel_loop3A_340 : vector<16xi1>
        %parallel_loop3A_342 = arith.andi %parallel_loop3A_339, %parallel_loop3A_341 : vector<16xi1>
        %parallel_loop3A_343 = arith.constant dense<true> : vector<16xi1>
        %parallel_loop3A_344 = arith.xori %parallel_loop3A_339, %parallel_loop3A_343 : vector<16xi1>
        %parallel_loop3A_345 = arith.andi %parallel_loop3A_335, %parallel_loop3A_344 : vector<16xi1>
        %parallel_loop3A_346 = arith.index_cast %parallel_loop3A_324 : i32 to index
        %parallel_loop3A_347 = tpu.vector_load %arg11[%parallel_loop3A_346] {strides = array<i32>} : memref<2064xf32, #tpu.memory_space<vmem>>, vector<16xf32>,
        %parallel_loop3A_348 = arith.constant 1 : i32
        %parallel_loop3A_349 = arith.addi %parallel_loop3A_324, %parallel_loop3A_348 : i32
        %parallel_loop3A_350 = vector.broadcast %parallel_loop3A_349 : i32 to vector<16xi32>
        %parallel_loop3A_351 = arith.addi %parallel_loop3A_350, %iota3A : vector<16xi32>
        %parallel_loop3A_352 = tpu.vector_load_idx %arg11[%parallel_loop3A_351] : memref<2064xf32, #tpu.memory_space<vmem>>[vector<16xi32>], vector<16xf32>,
        %parallel_loop3A_353 = vector.bitcast %parallel_loop3A_347 : vector<16xf32> to vector<16xi32>
        %parallel_loop3A_354 = arith.constant 0 : i32
        %parallel_loop3A_355 = vector.broadcast %parallel_loop3A_354 : i32 to vector<16xi32>
        %parallel_loop3A_356 = arith.cmpi slt, %parallel_loop3A_353, %parallel_loop3A_355 : vector<16xi32>
        %parallel_loop3A_357 = vector.bitcast %parallel_loop3A_352 : vector<16xf32> to vector<16xi32>
        %parallel_loop3A_358 = arith.constant 0 : i32
        %parallel_loop3A_359 = vector.broadcast %parallel_loop3A_358 : i32 to vector<16xi32>
        %parallel_loop3A_360 = arith.cmpi slt, %parallel_loop3A_357, %parallel_loop3A_359 : vector<16xi32>
        %parallel_loop3A_361 = arith.constant dense<true> : vector<16xi1>
        %parallel_loop3A_362 = arith.xori %parallel_loop3A_356, %parallel_loop3A_361 : vector<16xi1>
        %parallel_loop3A_363 = arith.andi %parallel_loop3A_360, %parallel_loop3A_362 : vector<16xi1>
        %parallel_loop3A_364 = arith.constant dense<true> : vector<16xi1>
        %parallel_loop3A_365 = arith.xori %parallel_loop3A_360, %parallel_loop3A_364 : vector<16xi1>
        %parallel_loop3A_366 = arith.andi %parallel_loop3A_356, %parallel_loop3A_365 : vector<16xi1>
        %parallel_loop3A_367 = arith.constant 1 : i32
        %parallel_loop3A_368 = arith.constant 0 : i32
        %parallel_loop3A_369 = arith.index_cast %parallel_loop3A_367 : i32 to index
        %parallel_loop3A_370 = arith.index_cast %parallel_loop3A_368 : i32 to index
        %parallel_loop3A_371 = arith.index_cast %parallel_loop3A_324 : i32 to index
        %parallel_loop3A_372 = tpu.vector_load %arg12[%parallel_loop3A_369, %parallel_loop3A_370, %parallel_loop3A_371] {strides = array<i32>} : memref<2x4x2048xf32, #tpu.memory_space<vmem>>, vector<16xf32>,
        tpu.vector_store %arg12[%parallel_loop3A_369, %parallel_loop3A_370, %parallel_loop3A_371], %mul3A_152 {strides = array<i32>} : memref<2x4x2048xf32, #tpu.memory_space<vmem>>, vector<16xf32>,
        %parallel_loop3A_373 = arith.select %parallel_loop3A_345, %parallel_loop3A_326, %broadcast_in_dim3A_7 : vector<16xi1>, vector<16xf32>
        %parallel_loop3A_374 = arith.addf %mul3A_156, %parallel_loop3A_373 : vector<16xf32>
        %parallel_loop3A_375 = arith.constant 1 : i32
        %parallel_loop3A_376 = arith.constant 1 : i32
        %parallel_loop3A_377 = arith.index_cast %parallel_loop3A_375 : i32 to index
        %parallel_loop3A_378 = arith.index_cast %parallel_loop3A_376 : i32 to index
        %parallel_loop3A_379 = arith.index_cast %parallel_loop3A_324 : i32 to index
        %parallel_loop3A_380 = tpu.vector_load %arg12[%parallel_loop3A_377, %parallel_loop3A_378, %parallel_loop3A_379] {strides = array<i32>} : memref<2x4x2048xf32, #tpu.memory_space<vmem>>, vector<16xf32>,
        tpu.vector_store %arg12[%parallel_loop3A_377, %parallel_loop3A_378, %parallel_loop3A_379], %parallel_loop3A_374 {strides = array<i32>} : memref<2x4x2048xf32, #tpu.memory_space<vmem>>, vector<16xf32>,
        %parallel_loop3A_381 = arith.ori %parallel_loop3A_342, %parallel_loop3A_345 : vector<16xi1>
        %parallel_loop3A_382 = arith.select %parallel_loop3A_381, %broadcast_in_dim3A_7, %parallel_loop3A_326 : vector<16xi1>, vector<16xf32>
        %parallel_loop3A_383 = arith.select %parallel_loop3A_366, %parallel_loop3A_347, %broadcast_in_dim3A_7 : vector<16xi1>, vector<16xf32>
        %parallel_loop3A_384 = arith.addf %parallel_loop3A_382, %parallel_loop3A_383 : vector<16xf32>
        %parallel_loop3A_385 = arith.constant 1 : i32
        %parallel_loop3A_386 = arith.constant 2 : i32
        %parallel_loop3A_387 = arith.index_cast %parallel_loop3A_385 : i32 to index
        %parallel_loop3A_388 = arith.index_cast %parallel_loop3A_386 : i32 to index
        %parallel_loop3A_389 = arith.index_cast %parallel_loop3A_324 : i32 to index
        %parallel_loop3A_390 = tpu.vector_load %arg12[%parallel_loop3A_387, %parallel_loop3A_388, %parallel_loop3A_389] {strides = array<i32>} : memref<2x4x2048xf32, #tpu.memory_space<vmem>>, vector<16xf32>,
        tpu.vector_store %arg12[%parallel_loop3A_387, %parallel_loop3A_388, %parallel_loop3A_389], %parallel_loop3A_384 {strides = array<i32>} : memref<2x4x2048xf32, #tpu.memory_space<vmem>>, vector<16xf32>,
        %parallel_loop3A_391 = arith.select %parallel_loop3A_342, %parallel_loop3A_326, %broadcast_in_dim3A_7 : vector<16xi1>, vector<16xf32>
        %parallel_loop3A_392 = arith.select %parallel_loop3A_366, %broadcast_in_dim3A_7, %parallel_loop3A_347 : vector<16xi1>, vector<16xf32>
        %parallel_loop3A_393 = arith.addf %parallel_loop3A_391, %parallel_loop3A_392 : vector<16xf32>
        %parallel_loop3A_394 = arith.constant 1 : i32
        %parallel_loop3A_395 = arith.constant 3 : i32
        %parallel_loop3A_396 = arith.index_cast %parallel_loop3A_394 : i32 to index
        %parallel_loop3A_397 = arith.index_cast %parallel_loop3A_395 : i32 to index
        %parallel_loop3A_398 = arith.index_cast %parallel_loop3A_324 : i32 to index
        %parallel_loop3A_399 = tpu.vector_load %arg12[%parallel_loop3A_396, %parallel_loop3A_397, %parallel_loop3A_398] {strides = array<i32>} : memref<2x4x2048xf32, #tpu.memory_space<vmem>>, vector<16xf32>,
        tpu.vector_store %arg12[%parallel_loop3A_396, %parallel_loop3A_397, %parallel_loop3A_398], %parallel_loop3A_393 {strides = array<i32>} : memref<2x4x2048xf32, #tpu.memory_space<vmem>>, vector<16xf32>,
      } {sc.loop_unroll_factor = 2 : i64, sc.parallel_access}
      %parallel_loop3A_178 = arith.constant 64 : i32
      %parallel_loop3A_179 = arith.constant 128 : i32
      %parallel_loop3A_180 = arith.constant 1 : i32
      scf.for %parallel_loop3A_322 = %parallel_loop3A_178 to %parallel_loop3A_179 step %parallel_loop3A_180  : i32 {
        %parallel_loop3A_323 = arith.constant 16 : i32
        %parallel_loop3A_324 = arith.muli %parallel_loop3A_322, %parallel_loop3A_323 : i32
        %parallel_loop3A_325 = arith.index_cast %parallel_loop3A_324 : i32 to index
        %parallel_loop3A_326 = tpu.vector_load %arg11[%parallel_loop3A_325] {strides = array<i32>} : memref<2064xf32, #tpu.memory_space<vmem>>, vector<16xf32>,
        %parallel_loop3A_327 = arith.constant 1 : i32
        %parallel_loop3A_328 = arith.addi %parallel_loop3A_324, %parallel_loop3A_327 : i32
        %parallel_loop3A_329 = vector.broadcast %parallel_loop3A_328 : i32 to vector<16xi32>
        %parallel_loop3A_330 = arith.addi %parallel_loop3A_329, %iota3A : vector<16xi32>
        %parallel_loop3A_331 = tpu.vector_load_idx %arg11[%parallel_loop3A_330] : memref<2064xf32, #tpu.memory_space<vmem>>[vector<16xi32>], vector<16xf32>,
        %parallel_loop3A_332 = vector.bitcast %parallel_loop3A_326 : vector<16xf32> to vector<16xi32>
        %parallel_loop3A_333 = arith.constant 0 : i32
        %parallel_loop3A_334 = vector.broadcast %parallel_loop3A_333 : i32 to vector<16xi32>
        %parallel_loop3A_335 = arith.cmpi slt, %parallel_loop3A_332, %parallel_loop3A_334 : vector<16xi32>
        %parallel_loop3A_336 = vector.bitcast %parallel_loop3A_331 : vector<16xf32> to vector<16xi32>
        %parallel_loop3A_337 = arith.constant 0 : i32
        %parallel_loop3A_338 = vector.broadcast %parallel_loop3A_337 : i32 to vector<16xi32>
        %parallel_loop3A_339 = arith.cmpi slt, %parallel_loop3A_336, %parallel_loop3A_338 : vector<16xi32>
        %parallel_loop3A_340 = arith.constant dense<true> : vector<16xi1>
        %parallel_loop3A_341 = arith.xori %parallel_loop3A_335, %parallel_loop3A_340 : vector<16xi1>
        %parallel_loop3A_342 = arith.andi %parallel_loop3A_339, %parallel_loop3A_341 : vector<16xi1>
        %parallel_loop3A_343 = arith.constant dense<true> : vector<16xi1>
        %parallel_loop3A_344 = arith.xori %parallel_loop3A_339, %parallel_loop3A_343 : vector<16xi1>
        %parallel_loop3A_345 = arith.andi %parallel_loop3A_335, %parallel_loop3A_344 : vector<16xi1>
        %parallel_loop3A_346 = arith.constant 1 : i32
        %parallel_loop3A_347 = arith.constant 0 : i32
        %parallel_loop3A_348 = arith.index_cast %parallel_loop3A_346 : i32 to index
        %parallel_loop3A_349 = arith.index_cast %parallel_loop3A_347 : i32 to index
        %parallel_loop3A_350 = arith.index_cast %parallel_loop3A_324 : i32 to index
        %parallel_loop3A_351 = tpu.vector_load %arg12[%parallel_loop3A_348, %parallel_loop3A_349, %parallel_loop3A_350] {strides = array<i32>} : memref<2x4x2048xf32, #tpu.memory_space<vmem>>, vector<16xf32>,
        tpu.vector_store %arg12[%parallel_loop3A_348, %parallel_loop3A_349, %parallel_loop3A_350], %mul3A_152 {strides = array<i32>} : memref<2x4x2048xf32, #tpu.memory_space<vmem>>, vector<16xf32>,
        %parallel_loop3A_352 = arith.constant 1 : i32
        %parallel_loop3A_353 = arith.constant 1 : i32
        %parallel_loop3A_354 = arith.index_cast %parallel_loop3A_352 : i32 to index
        %parallel_loop3A_355 = arith.index_cast %parallel_loop3A_353 : i32 to index
        %parallel_loop3A_356 = arith.index_cast %parallel_loop3A_324 : i32 to index
        %parallel_loop3A_357 = tpu.vector_load %arg12[%parallel_loop3A_354, %parallel_loop3A_355, %parallel_loop3A_356] {strides = array<i32>} : memref<2x4x2048xf32, #tpu.memory_space<vmem>>, vector<16xf32>,
        tpu.vector_store %arg12[%parallel_loop3A_354, %parallel_loop3A_355, %parallel_loop3A_356], %mul3A_156 {strides = array<i32>} : memref<2x4x2048xf32, #tpu.memory_space<vmem>>, vector<16xf32>,
        %parallel_loop3A_358 = arith.select %parallel_loop3A_345, %parallel_loop3A_326, %broadcast_in_dim3A_7 : vector<16xi1>, vector<16xf32>
        %parallel_loop3A_359 = arith.addf %mul3A_160, %parallel_loop3A_358 : vector<16xf32>
        %parallel_loop3A_360 = arith.constant 1 : i32
        %parallel_loop3A_361 = arith.constant 2 : i32
        %parallel_loop3A_362 = arith.index_cast %parallel_loop3A_360 : i32 to index
        %parallel_loop3A_363 = arith.index_cast %parallel_loop3A_361 : i32 to index
        %parallel_loop3A_364 = arith.index_cast %parallel_loop3A_324 : i32 to index
        %parallel_loop3A_365 = tpu.vector_load %arg12[%parallel_loop3A_362, %parallel_loop3A_363, %parallel_loop3A_364] {strides = array<i32>} : memref<2x4x2048xf32, #tpu.memory_space<vmem>>, vector<16xf32>,
        tpu.vector_store %arg12[%parallel_loop3A_362, %parallel_loop3A_363, %parallel_loop3A_364], %parallel_loop3A_359 {strides = array<i32>} : memref<2x4x2048xf32, #tpu.memory_space<vmem>>, vector<16xf32>,
        %parallel_loop3A_366 = arith.select %parallel_loop3A_345, %broadcast_in_dim3A_7, %parallel_loop3A_326 : vector<16xi1>, vector<16xf32>
        %parallel_loop3A_367 = arith.constant 1 : i32
        %parallel_loop3A_368 = arith.constant 3 : i32
        %parallel_loop3A_369 = arith.index_cast %parallel_loop3A_367 : i32 to index
        %parallel_loop3A_370 = arith.index_cast %parallel_loop3A_368 : i32 to index
        %parallel_loop3A_371 = arith.index_cast %parallel_loop3A_324 : i32 to index
        %parallel_loop3A_372 = tpu.vector_load %arg12[%parallel_loop3A_369, %parallel_loop3A_370, %parallel_loop3A_371] {strides = array<i32>} : memref<2x4x2048xf32, #tpu.memory_space<vmem>>, vector<16xf32>,
        tpu.vector_store %arg12[%parallel_loop3A_369, %parallel_loop3A_370, %parallel_loop3A_371], %parallel_loop3A_366 {strides = array<i32>} : memref<2x4x2048xf32, #tpu.memory_space<vmem>>, vector<16xf32>,
      } {sc.loop_unroll_factor = 8 : i64, sc.parallel_access}
      %dma_start3A_181 = arith.constant 0 : i32
      %dma_start3A_182 = arith.constant 0 : i32
      %dma_start3A_183 = tpu.memref_slice %arg3[%add3A_65, %dma_start3A_181, %dma_start3A_182] : memref<2048x4x2048xf32, #tpu.memory_space<hbm>> -> memref<2x4x2048xf32, #tpu.memory_space<hbm>>
      %dma_start3A_184 = arith.constant 0 : i32
      %dma_start3A_185 = arith.constant 0 : i32
      %dma_start3A_186 = tpu.memref_slice %arg3[%add3A_65, %dma_start3A_184, %dma_start3A_185] : memref<2048x4x2048xf32, #tpu.memory_space<hbm>> -> memref<2x4x2048xf32, #tpu.memory_space<hbm>>
      tpu.enqueue_dma source(%arg12 : memref<2x4x2048xf32, #tpu.memory_space<vmem>>) target(%dma_start3A_186 : memref<2x4x2048xf32, #tpu.memory_space<hbm>>) target_semaphore(%arg16 : memref<!tpu.dma_semaphore, #tpu.memory_space<semaphore_mem>>)
      %mul3A_187 = arith.constant 2 : i32
      %mul3A_188 = arith.muli %scan3A_58, %mul3A_187 : i32
      %add3A_189 = arith.constant 1 : i32
      %add3A_190 = arith.addi %mul3A_188, %add3A_189 : i32
      %mul3A_191 = arith.constant 2 : i32
      %mul3A_192 = arith.muli %add3A_190, %mul3A_191 : i32
      %add3A_193 = arith.addi %mul3A_2, %mul3A_192 : i32
      %dma_wait3A_194 = arith.constant 0 : i32
      %dma_wait3A_195 = tpu.memref_slice %arg2[%add3A_193, %dma_wait3A_194] : memref<2048x4096xf32, #tpu.memory_space<hbm>> -> memref<2x4096xf32, #tpu.memory_space<hbm>>
      %dma_wait3A_196 = arith.constant 0 : i32
      %dma_wait3A_197 = tpu.memref_slice %arg2[%add3A_193, %dma_wait3A_196] : memref<2048x4096xf32, #tpu.memory_space<hbm>> -> memref<2x4096xf32, #tpu.memory_space<hbm>>
      tpu.wait_dma2 semaphore(%arg15 : memref<!tpu.dma_semaphore, #tpu.memory_space<semaphore_mem>>) src(%dma_wait3A_197 : memref<2x4096xf32, #tpu.memory_space<hbm>>) dst(%arg5 : memref<2x4096xf32, #tpu.memory_space<vmem>>)
      %lt3A_198 = arith.constant 31 : i32
      %lt3A_199 = arith.cmpi slt, %add3A_190, %lt3A_198 : i32
      %convert_element_type3A_200 = arith.extui %lt3A_199 : i1 to i32
      %cond3A_201 = arith.constant 0 : i32
      %cond3A_202 = arith.cmpi ne, %convert_element_type3A_200, %cond3A_201 : i32
      scf.if %cond3A_202 {
        %add3A_322 = arith.constant 2 : i32
        %add3A_323 = arith.addi %add3A_193, %add3A_322 : i32
        %dma_start3A_324 = arith.constant 0 : i32
        %dma_start3A_325 = tpu.memref_slice %arg2[%add3A_323, %dma_start3A_324] : memref<2048x4096xf32, #tpu.memory_space<hbm>> -> memref<2x4096xf32, #tpu.memory_space<hbm>>
        %dma_start3A_326 = arith.constant 0 : i32
        %dma_start3A_327 = tpu.memref_slice %arg2[%add3A_323, %dma_start3A_326] : memref<2048x4096xf32, #tpu.memory_space<hbm>> -> memref<2x4096xf32, #tpu.memory_space<hbm>>
        tpu.enqueue_dma source(%dma_start3A_327 : memref<2x4096xf32, #tpu.memory_space<hbm>>) target(%arg4 : memref<2x4096xf32, #tpu.memory_space<vmem>>) target_semaphore(%arg14 : memref<!tpu.dma_semaphore, #tpu.memory_space<semaphore_mem>>)
      } else {
      }
      %ge3A_203 = arith.constant 2 : i32
      %ge3A_204 = arith.cmpi sge, %add3A_190, %ge3A_203 : i32
      %convert_element_type3A_205 = arith.extui %ge3A_204 : i1 to i32
      %cond3A_206 = arith.constant 0 : i32
      %cond3A_207 = arith.cmpi ne, %convert_element_type3A_205, %cond3A_206 : i32
      scf.if %cond3A_207 {
        %sub3A_322 = arith.constant 4 : i32
        %sub3A_323 = arith.subi %add3A_193, %sub3A_322 : i32
        %dma_wait3A_324 = arith.constant 0 : i32
        %dma_wait3A_325 = arith.constant 0 : i32
        %dma_wait3A_326 = tpu.memref_slice %arg3[%sub3A_323, %dma_wait3A_324, %dma_wait3A_325] : memref<2048x4x2048xf32, #tpu.memory_space<hbm>> -> memref<2x4x2048xf32, #tpu.memory_space<hbm>>
        %dma_wait3A_327 = arith.constant 0 : i32
        %dma_wait3A_328 = arith.constant 0 : i32
        %dma_wait3A_329 = tpu.memref_slice %arg3[%sub3A_323, %dma_wait3A_327, %dma_wait3A_328] : memref<2048x4x2048xf32, #tpu.memory_space<hbm>> -> memref<2x4x2048xf32, #tpu.memory_space<hbm>>
        tpu.wait_dma2 semaphore(%arg17 : memref<!tpu.dma_semaphore, #tpu.memory_space<semaphore_mem>>) src(%arg13 : memref<2x4x2048xf32, #tpu.memory_space<vmem>>) dst(%dma_wait3A_329 : memref<2x4x2048xf32, #tpu.memory_space<hbm>>)
      } else {
      }
      %broadcast_in_dim3A_208 = arith.constant 0 : i32
      %broadcast_in_dim3A_209 = vector.broadcast %broadcast_in_dim3A_208 : i32 to vector<16xi32>
      %parallel_loop3A_210 = arith.constant 0 : i32
      %parallel_loop3A_211 = arith.constant 64 : i32
      %parallel_loop3A_212 = arith.constant 1 : i32
      %parallel_loop3A_213 = scf.for %parallel_loop3A_322 = %parallel_loop3A_210 to %parallel_loop3A_211 step %parallel_loop3A_212 iter_args(%parallel_loop3A_323 = %broadcast_in_dim3A_5) -> (vector<16xf32>)  : i32 {
        %parallel_loop3A_324 = arith.constant 64 : i32
        %parallel_loop3A_325 = arith.muli %parallel_loop3A_322, %parallel_loop3A_324 : i32
        %parallel_loop3A_326 = arith.constant 2 : i32
        %parallel_loop3A_327 = vector.broadcast %parallel_loop3A_326 : i32 to vector<16xi32>
        %parallel_loop3A_328 = arith.muli %iota3A, %parallel_loop3A_327 : vector<16xi32>
        %parallel_loop3A_329 = vector.broadcast %parallel_loop3A_325 : i32 to vector<16xi32>
        %parallel_loop3A_330 = arith.addi %parallel_loop3A_329, %parallel_loop3A_328 : vector<16xi32>
        %parallel_loop3A_331 = tpu.vector_load_idx %arg5[%broadcast_in_dim3A_209, %parallel_loop3A_330] : memref<2x4096xf32, #tpu.memory_space<vmem>>[vector<16xi32>, vector<16xi32>], vector<16xf32>,
        %parallel_loop3A_332 = arith.constant 1 : i32
        %parallel_loop3A_333 = vector.broadcast %parallel_loop3A_332 : i32 to vector<16xi32>
        %parallel_loop3A_334 = arith.addi %parallel_loop3A_330, %parallel_loop3A_333 : vector<16xi32>
        %parallel_loop3A_335 = tpu.vector_load_idx %arg5[%broadcast_in_dim3A_209, %parallel_loop3A_334] : memref<2x4096xf32, #tpu.memory_space<vmem>>[vector<16xi32>, vector<16xi32>], vector<16xf32>,
        %parallel_loop3A_336 = arith.constant 32 : i32
        %parallel_loop3A_337 = vector.broadcast %parallel_loop3A_336 : i32 to vector<16xi32>
        %parallel_loop3A_338 = arith.addi %parallel_loop3A_330, %parallel_loop3A_337 : vector<16xi32>
        %parallel_loop3A_339 = tpu.vector_load_idx %arg5[%broadcast_in_dim3A_209, %parallel_loop3A_338] : memref<2x4096xf32, #tpu.memory_space<vmem>>[vector<16xi32>, vector<16xi32>], vector<16xf32>,
        %parallel_loop3A_340 = arith.constant 33 : i32
        %parallel_loop3A_341 = vector.broadcast %parallel_loop3A_340 : i32 to vector<16xi32>
        %parallel_loop3A_342 = arith.addi %parallel_loop3A_330, %parallel_loop3A_341 : vector<16xi32>
        %parallel_loop3A_343 = tpu.vector_load_idx %arg5[%broadcast_in_dim3A_209, %parallel_loop3A_342] : memref<2x4096xf32, #tpu.memory_space<vmem>>[vector<16xi32>, vector<16xi32>], vector<16xf32>,
        %parallel_loop3A_344 = arith.subf %parallel_loop3A_331, %parallel_loop3A_335 : vector<16xf32>
        %parallel_loop3A_345 = arith.mulf %parallel_loop3A_344, %broadcast_in_dim3A_3 : vector<16xf32>
        %parallel_loop3A_346 = arith.constant 32 : i32
        %parallel_loop3A_347 = arith.muli %parallel_loop3A_322, %parallel_loop3A_346 : i32
        %parallel_loop3A_348 = arith.index_cast %parallel_loop3A_347 : i32 to index
        %parallel_loop3A_349 = tpu.vector_load %arg11[%parallel_loop3A_348] {strides = array<i32>} : memref<2064xf32, #tpu.memory_space<vmem>>, vector<16xf32>,
        tpu.vector_store %arg11[%parallel_loop3A_348], %parallel_loop3A_345 {strides = array<i32>} : memref<2064xf32, #tpu.memory_space<vmem>>, vector<16xf32>,
        %parallel_loop3A_350 = arith.subf %parallel_loop3A_339, %parallel_loop3A_343 : vector<16xf32>
        %parallel_loop3A_351 = arith.mulf %parallel_loop3A_350, %broadcast_in_dim3A_3 : vector<16xf32>
        %parallel_loop3A_352 = arith.constant 32 : i32
        %parallel_loop3A_353 = arith.muli %parallel_loop3A_322, %parallel_loop3A_352 : i32
        %parallel_loop3A_354 = arith.constant 16 : i32
        %parallel_loop3A_355 = arith.addi %parallel_loop3A_353, %parallel_loop3A_354 : i32
        %parallel_loop3A_356 = arith.index_cast %parallel_loop3A_355 : i32 to index
        %parallel_loop3A_357 = tpu.vector_load %arg11[%parallel_loop3A_356] {strides = array<i32>} : memref<2064xf32, #tpu.memory_space<vmem>>, vector<16xf32>,
        tpu.vector_store %arg11[%parallel_loop3A_356], %parallel_loop3A_351 {strides = array<i32>} : memref<2064xf32, #tpu.memory_space<vmem>>, vector<16xf32>,
        %parallel_loop3A_358 = arith.addf %parallel_loop3A_331, %parallel_loop3A_335 : vector<16xf32>
        %parallel_loop3A_359 = arith.mulf %parallel_loop3A_358, %broadcast_in_dim3A_3 : vector<16xf32>
        %parallel_loop3A_360 = arith.addf %parallel_loop3A_339, %parallel_loop3A_343 : vector<16xf32>
        %parallel_loop3A_361 = arith.mulf %parallel_loop3A_360, %broadcast_in_dim3A_3 : vector<16xf32>
        %parallel_loop3A_362 = vector.shape_cast %select_n3A_25 : vector<16xi32> to vector<16x1xi32>
        %parallel_loop3A_363 = vector.shape_cast %parallel_loop3A_362 : vector<16x1xi32> to vector<16xi32>
        %parallel_loop3A_364 = tpu.dynamic_gather %parallel_loop3A_359[%parallel_loop3A_363] in [0] : vector<16xf32>, vector<16xi32> -> vector<16xf32>
        %parallel_loop3A_365 = vector.shape_cast %select_n3A_25 : vector<16xi32> to vector<16x1xi32>
        %parallel_loop3A_366 = vector.shape_cast %parallel_loop3A_365 : vector<16x1xi32> to vector<16xi32>
        %parallel_loop3A_367 = tpu.dynamic_gather %parallel_loop3A_361[%parallel_loop3A_366] in [0] : vector<16xf32>, vector<16xi32> -> vector<16xf32>
        %parallel_loop3A_368 = arith.select %lt3A_31, %parallel_loop3A_364, %parallel_loop3A_367 : vector<16xi1>, vector<16xf32>
        %parallel_loop3A_369 = vector.shape_cast %add3A_28 : vector<16xi32> to vector<16x1xi32>
        %parallel_loop3A_370 = vector.shape_cast %parallel_loop3A_369 : vector<16x1xi32> to vector<16xi32>
        %parallel_loop3A_371 = tpu.dynamic_gather %parallel_loop3A_359[%parallel_loop3A_370] in [0] : vector<16xf32>, vector<16xi32> -> vector<16xf32>
        %parallel_loop3A_372 = vector.shape_cast %add3A_28 : vector<16xi32> to vector<16x1xi32>
        %parallel_loop3A_373 = vector.shape_cast %parallel_loop3A_372 : vector<16x1xi32> to vector<16xi32>
        %parallel_loop3A_374 = tpu.dynamic_gather %parallel_loop3A_361[%parallel_loop3A_373] in [0] : vector<16xf32>, vector<16xi32> -> vector<16xf32>
        %parallel_loop3A_375 = arith.select %lt3A_31, %parallel_loop3A_371, %parallel_loop3A_374 : vector<16xi1>, vector<16xf32>
        %parallel_loop3A_376 = arith.subf %parallel_loop3A_368, %parallel_loop3A_375 : vector<16xf32>
        %parallel_loop3A_377 = arith.mulf %parallel_loop3A_376, %broadcast_in_dim3A_3 : vector<16xf32>
        %parallel_loop3A_378 = arith.addf %parallel_loop3A_368, %parallel_loop3A_375 : vector<16xf32>
        %parallel_loop3A_379 = arith.mulf %parallel_loop3A_378, %broadcast_in_dim3A_3 : vector<16xf32>
        %parallel_loop3A_380 = arith.constant 16 : i32
        %parallel_loop3A_381 = arith.muli %parallel_loop3A_322, %parallel_loop3A_380 : i32
        %parallel_loop3A_382 = arith.index_cast %parallel_loop3A_381 : i32 to index
        %parallel_loop3A_383 = tpu.vector_load %arg7[%parallel_loop3A_382] {strides = array<i32>} : memref<1024xf32, #tpu.memory_space<vmem>>, vector<16xf32>,
        tpu.vector_store %arg7[%parallel_loop3A_382], %parallel_loop3A_379 {strides = array<i32>} : memref<1024xf32, #tpu.memory_space<vmem>>, vector<16xf32>,
        %parallel_loop3A_384 = arith.constant 16 : i32
        %parallel_loop3A_385 = arith.muli %parallel_loop3A_322, %parallel_loop3A_384 : i32
        %parallel_loop3A_386 = arith.index_cast %parallel_loop3A_385 : i32 to index
        %parallel_loop3A_387 = tpu.vector_load %arg10[%parallel_loop3A_386] {strides = array<i32>} : memref<1040xf32, #tpu.memory_space<vmem>>, vector<16xf32>,
        tpu.vector_store %arg10[%parallel_loop3A_386], %parallel_loop3A_377 {strides = array<i32>} : memref<1040xf32, #tpu.memory_space<vmem>>, vector<16xf32>,
        %parallel_loop3A_388 = arith.maximumf %parallel_loop3A_323, %parallel_loop3A_377 : vector<16xf32>
        scf.yield %parallel_loop3A_388 : vector<16xf32>
      } {sc.loop_unroll_factor = 4 : i64, sc.parallel_access}
      %parallel_loop3A_214 = arith.constant 0 : i32
      %parallel_loop3A_215 = arith.constant 32 : i32
      %parallel_loop3A_216 = arith.constant 1 : i32
      %parallel_loop3A_217:2 = scf.for %parallel_loop3A_322 = %parallel_loop3A_214 to %parallel_loop3A_215 step %parallel_loop3A_216 iter_args(%parallel_loop3A_323 = %broadcast_in_dim3A_5, %parallel_loop3A_324 = %broadcast_in_dim3A_5) -> (vector<16xf32>, vector<16xf32>)  : i32 {
        %parallel_loop3A_325 = arith.constant 32 : i32
        %parallel_loop3A_326 = arith.muli %parallel_loop3A_322, %parallel_loop3A_325 : i32
        %parallel_loop3A_327 = arith.constant 2 : i32
        %parallel_loop3A_328 = vector.broadcast %parallel_loop3A_327 : i32 to vector<16xi32>
        %parallel_loop3A_329 = arith.muli %iota3A, %parallel_loop3A_328 : vector<16xi32>
        %parallel_loop3A_330 = vector.broadcast %parallel_loop3A_326 : i32 to vector<16xi32>
        %parallel_loop3A_331 = arith.addi %parallel_loop3A_330, %parallel_loop3A_329 : vector<16xi32>
        %parallel_loop3A_332 = tpu.vector_load_idx %arg7[%parallel_loop3A_331] : memref<1024xf32, #tpu.memory_space<vmem>>[vector<16xi32>], vector<16xf32>,
        %parallel_loop3A_333 = arith.constant 1 : i32
        %parallel_loop3A_334 = vector.broadcast %parallel_loop3A_333 : i32 to vector<16xi32>
        %parallel_loop3A_335 = arith.addi %parallel_loop3A_331, %parallel_loop3A_334 : vector<16xi32>
        %parallel_loop3A_336 = tpu.vector_load_idx %arg7[%parallel_loop3A_335] : memref<1024xf32, #tpu.memory_space<vmem>>[vector<16xi32>], vector<16xf32>,
        %parallel_loop3A_337 = arith.addf %parallel_loop3A_332, %parallel_loop3A_336 : vector<16xf32>
        %parallel_loop3A_338 = arith.mulf %parallel_loop3A_337, %broadcast_in_dim3A_3 : vector<16xf32>
        %parallel_loop3A_339 = arith.subf %parallel_loop3A_332, %parallel_loop3A_336 : vector<16xf32>
        %parallel_loop3A_340 = arith.mulf %parallel_loop3A_339, %broadcast_in_dim3A_3 : vector<16xf32>
        %parallel_loop3A_341 = arith.constant 16 : i32
        %parallel_loop3A_342 = arith.muli %parallel_loop3A_322, %parallel_loop3A_341 : i32
        %parallel_loop3A_343 = arith.index_cast %parallel_loop3A_342 : i32 to index
        %parallel_loop3A_344 = tpu.vector_load %arg8[%parallel_loop3A_343] {strides = array<i32>} : memref<528xf32, #tpu.memory_space<vmem>>, vector<16xf32>,
        tpu.vector_store %arg8[%parallel_loop3A_343], %parallel_loop3A_338 {strides = array<i32>} : memref<528xf32, #tpu.memory_space<vmem>>, vector<16xf32>,
        %parallel_loop3A_345 = arith.constant 16 : i32
        %parallel_loop3A_346 = arith.muli %parallel_loop3A_322, %parallel_loop3A_345 : i32
        %parallel_loop3A_347 = arith.index_cast %parallel_loop3A_346 : i32 to index
        %parallel_loop3A_348 = tpu.vector_load %arg9[%parallel_loop3A_347] {strides = array<i32>} : memref<528xf32, #tpu.memory_space<vmem>>, vector<16xf32>,
        tpu.vector_store %arg9[%parallel_loop3A_347], %parallel_loop3A_340 {strides = array<i32>} : memref<528xf32, #tpu.memory_space<vmem>>, vector<16xf32>,
        %parallel_loop3A_349 = arith.maximumf %parallel_loop3A_323, %parallel_loop3A_338 : vector<16xf32>
        %parallel_loop3A_350 = arith.maximumf %parallel_loop3A_324, %parallel_loop3A_340 : vector<16xf32>
        scf.yield %parallel_loop3A_349, %parallel_loop3A_350 : vector<16xf32>, vector<16xf32>
      } {sc.loop_unroll_factor = 4 : i64, sc.parallel_access}
      %reduce_max3A_218 = arith.constant true
      %reduce_max3A_219 = vector.broadcast %reduce_max3A_218 : i1 to vector<16xi1>
      %reduce_max3A_220 = tpu.scan <max>, %parallel_loop3A_217#0 masked %reduce_max3A_219 : vector<16xf32>, vector<16xi1> -> vector<16xf32>
      %reduce_max3A_221 = vector.extract %reduce_max3A_220[15] : f32 from vector<16xf32>
      %reduce_max3A_222 = arith.constant true
      %reduce_max3A_223 = vector.broadcast %reduce_max3A_222 : i1 to vector<16xi1>
      %reduce_max3A_224 = tpu.scan <max>, %parallel_loop3A_217#1 masked %reduce_max3A_223 : vector<16xf32>, vector<16xi1> -> vector<16xf32>
      %reduce_max3A_225 = vector.extract %reduce_max3A_224[15] : f32 from vector<16xf32>
      %reduce_max3A_226 = arith.constant true
      %reduce_max3A_227 = vector.broadcast %reduce_max3A_226 : i1 to vector<16xi1>
      %reduce_max3A_228 = tpu.scan <max>, %parallel_loop3A_213 masked %reduce_max3A_227 : vector<16xf32>, vector<16xi1> -> vector<16xf32>
      %reduce_max3A_229 = vector.extract %reduce_max3A_228[15] : f32 from vector<16xf32>
      %broadcast_in_dim3A_230 = arith.constant 1.000000e+00 : f32
      %broadcast_in_dim3A_231 = vector.broadcast %broadcast_in_dim3A_230 : f32 to vector<16xf32>
      %mul3A_232 = vector.broadcast %reduce_max3A_221 : f32 to vector<16xf32>
      %mul3A_233 = arith.mulf %broadcast_in_dim3A_231, %mul3A_232 : vector<16xf32>
      %broadcast_in_dim3A_234 = arith.constant 1.000000e+00 : f32
      %broadcast_in_dim3A_235 = vector.broadcast %broadcast_in_dim3A_234 : f32 to vector<16xf32>
      %mul3A_236 = vector.broadcast %reduce_max3A_225 : f32 to vector<16xf32>
      %mul3A_237 = arith.mulf %broadcast_in_dim3A_235, %mul3A_236 : vector<16xf32>
      %broadcast_in_dim3A_238 = arith.constant 1.000000e+00 : f32
      %broadcast_in_dim3A_239 = vector.broadcast %broadcast_in_dim3A_238 : f32 to vector<16xf32>
      %mul3A_240 = vector.broadcast %reduce_max3A_229 : f32 to vector<16xf32>
      %mul3A_241 = arith.mulf %broadcast_in_dim3A_239, %mul3A_240 : vector<16xf32>
      %swap3A_242 = arith.constant 512 : index
      %swap3A_243 = tpu.vector_load %arg8[%swap3A_242] {strides = array<i32>} : memref<528xf32, #tpu.memory_space<vmem>>, vector<16xf32>,
      tpu.vector_store %arg8[%swap3A_242], %mul3A_233 {strides = array<i32>} : memref<528xf32, #tpu.memory_space<vmem>>, vector<16xf32>,
      %swap3A_244 = arith.constant 512 : index
      %swap3A_245 = tpu.vector_load %arg9[%swap3A_244] {strides = array<i32>} : memref<528xf32, #tpu.memory_space<vmem>>, vector<16xf32>,
      tpu.vector_store %arg9[%swap3A_244], %mul3A_237 {strides = array<i32>} : memref<528xf32, #tpu.memory_space<vmem>>, vector<16xf32>,
      %swap3A_246 = arith.constant 1024 : index
      %swap3A_247 = tpu.vector_load %arg10[%swap3A_246] {strides = array<i32>} : memref<1040xf32, #tpu.memory_space<vmem>>, vector<16xf32>,
      tpu.vector_store %arg10[%swap3A_246], %mul3A_241 {strides = array<i32>} : memref<1040xf32, #tpu.memory_space<vmem>>, vector<16xf32>,
      %broadcast_in_dim3A_248 = arith.constant 2047 : i32
      %broadcast_in_dim3A_249 = vector.broadcast %broadcast_in_dim3A_248 : i32 to vector<16xi32>
      %gather3A_250 = tpu.vector_load_idx %arg11[%broadcast_in_dim3A_249] : memref<2064xf32, #tpu.memory_space<vmem>>[vector<16xi32>], vector<16xf32>,
      %swap3A_251 = arith.constant 2048 : index
      %swap3A_252 = tpu.vector_load %arg11[%swap3A_251] {strides = array<i32>} : memref<2064xf32, #tpu.memory_space<vmem>>, vector<16xf32>,
      tpu.vector_store %arg11[%swap3A_251], %gather3A_250 {strides = array<i32>} : memref<2064xf32, #tpu.memory_space<vmem>>, vector<16xf32>,
      %parallel_loop3A_253 = arith.constant 0 : i32
      %parallel_loop3A_254 = arith.constant 32 : i32
      %parallel_loop3A_255 = arith.constant 1 : i32
      scf.for %parallel_loop3A_322 = %parallel_loop3A_253 to %parallel_loop3A_254 step %parallel_loop3A_255  : i32 {
        %parallel_loop3A_323 = arith.constant 16 : i32
        %parallel_loop3A_324 = arith.muli %parallel_loop3A_322, %parallel_loop3A_323 : i32
        %parallel_loop3A_325 = arith.index_cast %parallel_loop3A_324 : i32 to index
        %parallel_loop3A_326 = tpu.vector_load %arg8[%parallel_loop3A_325] {strides = array<i32>} : memref<528xf32, #tpu.memory_space<vmem>>, vector<16xf32>,
        %parallel_loop3A_327 = arith.constant 1 : i32
        %parallel_loop3A_328 = arith.addi %parallel_loop3A_324, %parallel_loop3A_327 : i32
        %parallel_loop3A_329 = vector.broadcast %parallel_loop3A_328 : i32 to vector<16xi32>
        %parallel_loop3A_330 = arith.addi %parallel_loop3A_329, %iota3A : vector<16xi32>
        %parallel_loop3A_331 = tpu.vector_load_idx %arg8[%parallel_loop3A_330] : memref<528xf32, #tpu.memory_space<vmem>>[vector<16xi32>], vector<16xf32>,
        %parallel_loop3A_332 = vector.bitcast %parallel_loop3A_326 : vector<16xf32> to vector<16xi32>
        %parallel_loop3A_333 = arith.constant 0 : i32
        %parallel_loop3A_334 = vector.broadcast %parallel_loop3A_333 : i32 to vector<16xi32>
        %parallel_loop3A_335 = arith.cmpi slt, %parallel_loop3A_332, %parallel_loop3A_334 : vector<16xi32>
        %parallel_loop3A_336 = vector.bitcast %parallel_loop3A_331 : vector<16xf32> to vector<16xi32>
        %parallel_loop3A_337 = arith.constant 0 : i32
        %parallel_loop3A_338 = vector.broadcast %parallel_loop3A_337 : i32 to vector<16xi32>
        %parallel_loop3A_339 = arith.cmpi slt, %parallel_loop3A_336, %parallel_loop3A_338 : vector<16xi32>
        %parallel_loop3A_340 = arith.constant dense<true> : vector<16xi1>
        %parallel_loop3A_341 = arith.xori %parallel_loop3A_335, %parallel_loop3A_340 : vector<16xi1>
        %parallel_loop3A_342 = arith.andi %parallel_loop3A_339, %parallel_loop3A_341 : vector<16xi1>
        %parallel_loop3A_343 = arith.constant dense<true> : vector<16xi1>
        %parallel_loop3A_344 = arith.xori %parallel_loop3A_339, %parallel_loop3A_343 : vector<16xi1>
        %parallel_loop3A_345 = arith.andi %parallel_loop3A_335, %parallel_loop3A_344 : vector<16xi1>
        %parallel_loop3A_346 = arith.index_cast %parallel_loop3A_324 : i32 to index
        %parallel_loop3A_347 = tpu.vector_load %arg9[%parallel_loop3A_346] {strides = array<i32>} : memref<528xf32, #tpu.memory_space<vmem>>, vector<16xf32>,
        %parallel_loop3A_348 = arith.constant 1 : i32
        %parallel_loop3A_349 = arith.addi %parallel_loop3A_324, %parallel_loop3A_348 : i32
        %parallel_loop3A_350 = vector.broadcast %parallel_loop3A_349 : i32 to vector<16xi32>
        %parallel_loop3A_351 = arith.addi %parallel_loop3A_350, %iota3A : vector<16xi32>
        %parallel_loop3A_352 = tpu.vector_load_idx %arg9[%parallel_loop3A_351] : memref<528xf32, #tpu.memory_space<vmem>>[vector<16xi32>], vector<16xf32>,
        %parallel_loop3A_353 = vector.bitcast %parallel_loop3A_347 : vector<16xf32> to vector<16xi32>
        %parallel_loop3A_354 = arith.constant 0 : i32
        %parallel_loop3A_355 = vector.broadcast %parallel_loop3A_354 : i32 to vector<16xi32>
        %parallel_loop3A_356 = arith.cmpi slt, %parallel_loop3A_353, %parallel_loop3A_355 : vector<16xi32>
        %parallel_loop3A_357 = vector.bitcast %parallel_loop3A_352 : vector<16xf32> to vector<16xi32>
        %parallel_loop3A_358 = arith.constant 0 : i32
        %parallel_loop3A_359 = vector.broadcast %parallel_loop3A_358 : i32 to vector<16xi32>
        %parallel_loop3A_360 = arith.cmpi slt, %parallel_loop3A_357, %parallel_loop3A_359 : vector<16xi32>
        %parallel_loop3A_361 = arith.constant dense<true> : vector<16xi1>
        %parallel_loop3A_362 = arith.xori %parallel_loop3A_356, %parallel_loop3A_361 : vector<16xi1>
        %parallel_loop3A_363 = arith.andi %parallel_loop3A_360, %parallel_loop3A_362 : vector<16xi1>
        %parallel_loop3A_364 = arith.constant dense<true> : vector<16xi1>
        %parallel_loop3A_365 = arith.xori %parallel_loop3A_360, %parallel_loop3A_364 : vector<16xi1>
        %parallel_loop3A_366 = arith.andi %parallel_loop3A_356, %parallel_loop3A_365 : vector<16xi1>
        %parallel_loop3A_367 = arith.index_cast %parallel_loop3A_324 : i32 to index
        %parallel_loop3A_368 = tpu.vector_load %arg10[%parallel_loop3A_367] {strides = array<i32>} : memref<1040xf32, #tpu.memory_space<vmem>>, vector<16xf32>,
        %parallel_loop3A_369 = arith.constant 1 : i32
        %parallel_loop3A_370 = arith.addi %parallel_loop3A_324, %parallel_loop3A_369 : i32
        %parallel_loop3A_371 = vector.broadcast %parallel_loop3A_370 : i32 to vector<16xi32>
        %parallel_loop3A_372 = arith.addi %parallel_loop3A_371, %iota3A : vector<16xi32>
        %parallel_loop3A_373 = tpu.vector_load_idx %arg10[%parallel_loop3A_372] : memref<1040xf32, #tpu.memory_space<vmem>>[vector<16xi32>], vector<16xf32>,
        %parallel_loop3A_374 = vector.bitcast %parallel_loop3A_368 : vector<16xf32> to vector<16xi32>
        %parallel_loop3A_375 = arith.constant 0 : i32
        %parallel_loop3A_376 = vector.broadcast %parallel_loop3A_375 : i32 to vector<16xi32>
        %parallel_loop3A_377 = arith.cmpi slt, %parallel_loop3A_374, %parallel_loop3A_376 : vector<16xi32>
        %parallel_loop3A_378 = vector.bitcast %parallel_loop3A_373 : vector<16xf32> to vector<16xi32>
        %parallel_loop3A_379 = arith.constant 0 : i32
        %parallel_loop3A_380 = vector.broadcast %parallel_loop3A_379 : i32 to vector<16xi32>
        %parallel_loop3A_381 = arith.cmpi slt, %parallel_loop3A_378, %parallel_loop3A_380 : vector<16xi32>
        %parallel_loop3A_382 = arith.constant dense<true> : vector<16xi1>
        %parallel_loop3A_383 = arith.xori %parallel_loop3A_377, %parallel_loop3A_382 : vector<16xi1>
        %parallel_loop3A_384 = arith.andi %parallel_loop3A_381, %parallel_loop3A_383 : vector<16xi1>
        %parallel_loop3A_385 = arith.constant dense<true> : vector<16xi1>
        %parallel_loop3A_386 = arith.xori %parallel_loop3A_381, %parallel_loop3A_385 : vector<16xi1>
        %parallel_loop3A_387 = arith.andi %parallel_loop3A_377, %parallel_loop3A_386 : vector<16xi1>
        %parallel_loop3A_388 = arith.index_cast %parallel_loop3A_324 : i32 to index
        %parallel_loop3A_389 = tpu.vector_load %arg11[%parallel_loop3A_388] {strides = array<i32>} : memref<2064xf32, #tpu.memory_space<vmem>>, vector<16xf32>,
        %parallel_loop3A_390 = arith.constant 1 : i32
        %parallel_loop3A_391 = arith.addi %parallel_loop3A_324, %parallel_loop3A_390 : i32
        %parallel_loop3A_392 = vector.broadcast %parallel_loop3A_391 : i32 to vector<16xi32>
        %parallel_loop3A_393 = arith.addi %parallel_loop3A_392, %iota3A : vector<16xi32>
        %parallel_loop3A_394 = tpu.vector_load_idx %arg11[%parallel_loop3A_393] : memref<2064xf32, #tpu.memory_space<vmem>>[vector<16xi32>], vector<16xf32>,
        %parallel_loop3A_395 = vector.bitcast %parallel_loop3A_389 : vector<16xf32> to vector<16xi32>
        %parallel_loop3A_396 = arith.constant 0 : i32
        %parallel_loop3A_397 = vector.broadcast %parallel_loop3A_396 : i32 to vector<16xi32>
        %parallel_loop3A_398 = arith.cmpi slt, %parallel_loop3A_395, %parallel_loop3A_397 : vector<16xi32>
        %parallel_loop3A_399 = vector.bitcast %parallel_loop3A_394 : vector<16xf32> to vector<16xi32>
        %parallel_loop3A_400 = arith.constant 0 : i32
        %parallel_loop3A_401 = vector.broadcast %parallel_loop3A_400 : i32 to vector<16xi32>
        %parallel_loop3A_402 = arith.cmpi slt, %parallel_loop3A_399, %parallel_loop3A_401 : vector<16xi32>
        %parallel_loop3A_403 = arith.constant dense<true> : vector<16xi1>
        %parallel_loop3A_404 = arith.xori %parallel_loop3A_398, %parallel_loop3A_403 : vector<16xi1>
        %parallel_loop3A_405 = arith.andi %parallel_loop3A_402, %parallel_loop3A_404 : vector<16xi1>
        %parallel_loop3A_406 = arith.constant dense<true> : vector<16xi1>
        %parallel_loop3A_407 = arith.xori %parallel_loop3A_402, %parallel_loop3A_406 : vector<16xi1>
        %parallel_loop3A_408 = arith.andi %parallel_loop3A_398, %parallel_loop3A_407 : vector<16xi1>
        %parallel_loop3A_409 = arith.select %parallel_loop3A_342, %broadcast_in_dim3A_7, %parallel_loop3A_326 : vector<16xi1>, vector<16xf32>
        %parallel_loop3A_410 = arith.select %parallel_loop3A_366, %parallel_loop3A_347, %broadcast_in_dim3A_7 : vector<16xi1>, vector<16xf32>
        %parallel_loop3A_411 = arith.addf %parallel_loop3A_409, %parallel_loop3A_410 : vector<16xf32>
        %parallel_loop3A_412 = arith.constant 0 : i32
        %parallel_loop3A_413 = arith.constant 0 : i32
        %parallel_loop3A_414 = arith.index_cast %parallel_loop3A_412 : i32 to index
        %parallel_loop3A_415 = arith.index_cast %parallel_loop3A_413 : i32 to index
        %parallel_loop3A_416 = arith.index_cast %parallel_loop3A_324 : i32 to index
        %parallel_loop3A_417 = tpu.vector_load %arg13[%parallel_loop3A_414, %parallel_loop3A_415, %parallel_loop3A_416] {strides = array<i32>} : memref<2x4x2048xf32, #tpu.memory_space<vmem>>, vector<16xf32>,
        tpu.vector_store %arg13[%parallel_loop3A_414, %parallel_loop3A_415, %parallel_loop3A_416], %parallel_loop3A_411 {strides = array<i32>} : memref<2x4x2048xf32, #tpu.memory_space<vmem>>, vector<16xf32>,
        %parallel_loop3A_418 = arith.select %parallel_loop3A_342, %parallel_loop3A_326, %broadcast_in_dim3A_7 : vector<16xi1>, vector<16xf32>
        %parallel_loop3A_419 = arith.ori %parallel_loop3A_363, %parallel_loop3A_366 : vector<16xi1>
        %parallel_loop3A_420 = arith.select %parallel_loop3A_419, %broadcast_in_dim3A_7, %parallel_loop3A_347 : vector<16xi1>, vector<16xf32>
        %parallel_loop3A_421 = arith.addf %parallel_loop3A_418, %parallel_loop3A_420 : vector<16xf32>
        %parallel_loop3A_422 = arith.select %parallel_loop3A_387, %parallel_loop3A_368, %broadcast_in_dim3A_7 : vector<16xi1>, vector<16xf32>
        %parallel_loop3A_423 = arith.addf %parallel_loop3A_421, %parallel_loop3A_422 : vector<16xf32>
        %parallel_loop3A_424 = arith.constant 0 : i32
        %parallel_loop3A_425 = arith.constant 1 : i32
        %parallel_loop3A_426 = arith.index_cast %parallel_loop3A_424 : i32 to index
        %parallel_loop3A_427 = arith.index_cast %parallel_loop3A_425 : i32 to index
        %parallel_loop3A_428 = arith.index_cast %parallel_loop3A_324 : i32 to index
        %parallel_loop3A_429 = tpu.vector_load %arg13[%parallel_loop3A_426, %parallel_loop3A_427, %parallel_loop3A_428] {strides = array<i32>} : memref<2x4x2048xf32, #tpu.memory_space<vmem>>, vector<16xf32>,
        tpu.vector_store %arg13[%parallel_loop3A_426, %parallel_loop3A_427, %parallel_loop3A_428], %parallel_loop3A_423 {strides = array<i32>} : memref<2x4x2048xf32, #tpu.memory_space<vmem>>, vector<16xf32>,
        %parallel_loop3A_430 = arith.select %parallel_loop3A_363, %parallel_loop3A_347, %broadcast_in_dim3A_7 : vector<16xi1>, vector<16xf32>
        %parallel_loop3A_431 = arith.ori %parallel_loop3A_384, %parallel_loop3A_387 : vector<16xi1>
        %parallel_loop3A_432 = arith.select %parallel_loop3A_431, %broadcast_in_dim3A_7, %parallel_loop3A_368 : vector<16xi1>, vector<16xf32>
        %parallel_loop3A_433 = arith.addf %parallel_loop3A_430, %parallel_loop3A_432 : vector<16xf32>
        %parallel_loop3A_434 = arith.select %parallel_loop3A_408, %parallel_loop3A_389, %broadcast_in_dim3A_7 : vector<16xi1>, vector<16xf32>
        %parallel_loop3A_435 = arith.addf %parallel_loop3A_433, %parallel_loop3A_434 : vector<16xf32>
        %parallel_loop3A_436 = arith.constant 0 : i32
        %parallel_loop3A_437 = arith.constant 2 : i32
        %parallel_loop3A_438 = arith.index_cast %parallel_loop3A_436 : i32 to index
        %parallel_loop3A_439 = arith.index_cast %parallel_loop3A_437 : i32 to index
        %parallel_loop3A_440 = arith.index_cast %parallel_loop3A_324 : i32 to index
        %parallel_loop3A_441 = tpu.vector_load %arg13[%parallel_loop3A_438, %parallel_loop3A_439, %parallel_loop3A_440] {strides = array<i32>} : memref<2x4x2048xf32, #tpu.memory_space<vmem>>, vector<16xf32>,
        tpu.vector_store %arg13[%parallel_loop3A_438, %parallel_loop3A_439, %parallel_loop3A_440], %parallel_loop3A_435 {strides = array<i32>} : memref<2x4x2048xf32, #tpu.memory_space<vmem>>, vector<16xf32>,
        %parallel_loop3A_442 = arith.select %parallel_loop3A_384, %parallel_loop3A_368, %broadcast_in_dim3A_7 : vector<16xi1>, vector<16xf32>
        %parallel_loop3A_443 = arith.select %parallel_loop3A_408, %broadcast_in_dim3A_7, %parallel_loop3A_389 : vector<16xi1>, vector<16xf32>
        %parallel_loop3A_444 = arith.addf %parallel_loop3A_442, %parallel_loop3A_443 : vector<16xf32>
        %parallel_loop3A_445 = arith.constant 0 : i32
        %parallel_loop3A_446 = arith.constant 3 : i32
        %parallel_loop3A_447 = arith.index_cast %parallel_loop3A_445 : i32 to index
        %parallel_loop3A_448 = arith.index_cast %parallel_loop3A_446 : i32 to index
        %parallel_loop3A_449 = arith.index_cast %parallel_loop3A_324 : i32 to index
        %parallel_loop3A_450 = tpu.vector_load %arg13[%parallel_loop3A_447, %parallel_loop3A_448, %parallel_loop3A_449] {strides = array<i32>} : memref<2x4x2048xf32, #tpu.memory_space<vmem>>, vector<16xf32>,
        tpu.vector_store %arg13[%parallel_loop3A_447, %parallel_loop3A_448, %parallel_loop3A_449], %parallel_loop3A_444 {strides = array<i32>} : memref<2x4x2048xf32, #tpu.memory_space<vmem>>, vector<16xf32>,
      } {sc.loop_unroll_factor = 2 : i64, sc.parallel_access}
      %parallel_loop3A_256 = arith.constant 32 : i32
      %parallel_loop3A_257 = arith.constant 64 : i32
      %parallel_loop3A_258 = arith.constant 1 : i32
      scf.for %parallel_loop3A_322 = %parallel_loop3A_256 to %parallel_loop3A_257 step %parallel_loop3A_258  : i32 {
        %parallel_loop3A_323 = arith.constant 16 : i32
        %parallel_loop3A_324 = arith.muli %parallel_loop3A_322, %parallel_loop3A_323 : i32
        %parallel_loop3A_325 = arith.index_cast %parallel_loop3A_324 : i32 to index
        %parallel_loop3A_326 = tpu.vector_load %arg10[%parallel_loop3A_325] {strides = array<i32>} : memref<1040xf32, #tpu.memory_space<vmem>>, vector<16xf32>,
        %parallel_loop3A_327 = arith.constant 1 : i32
        %parallel_loop3A_328 = arith.addi %parallel_loop3A_324, %parallel_loop3A_327 : i32
        %parallel_loop3A_329 = vector.broadcast %parallel_loop3A_328 : i32 to vector<16xi32>
        %parallel_loop3A_330 = arith.addi %parallel_loop3A_329, %iota3A : vector<16xi32>
        %parallel_loop3A_331 = tpu.vector_load_idx %arg10[%parallel_loop3A_330] : memref<1040xf32, #tpu.memory_space<vmem>>[vector<16xi32>], vector<16xf32>,
        %parallel_loop3A_332 = vector.bitcast %parallel_loop3A_326 : vector<16xf32> to vector<16xi32>
        %parallel_loop3A_333 = arith.constant 0 : i32
        %parallel_loop3A_334 = vector.broadcast %parallel_loop3A_333 : i32 to vector<16xi32>
        %parallel_loop3A_335 = arith.cmpi slt, %parallel_loop3A_332, %parallel_loop3A_334 : vector<16xi32>
        %parallel_loop3A_336 = vector.bitcast %parallel_loop3A_331 : vector<16xf32> to vector<16xi32>
        %parallel_loop3A_337 = arith.constant 0 : i32
        %parallel_loop3A_338 = vector.broadcast %parallel_loop3A_337 : i32 to vector<16xi32>
        %parallel_loop3A_339 = arith.cmpi slt, %parallel_loop3A_336, %parallel_loop3A_338 : vector<16xi32>
        %parallel_loop3A_340 = arith.constant dense<true> : vector<16xi1>
        %parallel_loop3A_341 = arith.xori %parallel_loop3A_335, %parallel_loop3A_340 : vector<16xi1>
        %parallel_loop3A_342 = arith.andi %parallel_loop3A_339, %parallel_loop3A_341 : vector<16xi1>
        %parallel_loop3A_343 = arith.constant dense<true> : vector<16xi1>
        %parallel_loop3A_344 = arith.xori %parallel_loop3A_339, %parallel_loop3A_343 : vector<16xi1>
        %parallel_loop3A_345 = arith.andi %parallel_loop3A_335, %parallel_loop3A_344 : vector<16xi1>
        %parallel_loop3A_346 = arith.index_cast %parallel_loop3A_324 : i32 to index
        %parallel_loop3A_347 = tpu.vector_load %arg11[%parallel_loop3A_346] {strides = array<i32>} : memref<2064xf32, #tpu.memory_space<vmem>>, vector<16xf32>,
        %parallel_loop3A_348 = arith.constant 1 : i32
        %parallel_loop3A_349 = arith.addi %parallel_loop3A_324, %parallel_loop3A_348 : i32
        %parallel_loop3A_350 = vector.broadcast %parallel_loop3A_349 : i32 to vector<16xi32>
        %parallel_loop3A_351 = arith.addi %parallel_loop3A_350, %iota3A : vector<16xi32>
        %parallel_loop3A_352 = tpu.vector_load_idx %arg11[%parallel_loop3A_351] : memref<2064xf32, #tpu.memory_space<vmem>>[vector<16xi32>], vector<16xf32>,
        %parallel_loop3A_353 = vector.bitcast %parallel_loop3A_347 : vector<16xf32> to vector<16xi32>
        %parallel_loop3A_354 = arith.constant 0 : i32
        %parallel_loop3A_355 = vector.broadcast %parallel_loop3A_354 : i32 to vector<16xi32>
        %parallel_loop3A_356 = arith.cmpi slt, %parallel_loop3A_353, %parallel_loop3A_355 : vector<16xi32>
        %parallel_loop3A_357 = vector.bitcast %parallel_loop3A_352 : vector<16xf32> to vector<16xi32>
        %parallel_loop3A_358 = arith.constant 0 : i32
        %parallel_loop3A_359 = vector.broadcast %parallel_loop3A_358 : i32 to vector<16xi32>
        %parallel_loop3A_360 = arith.cmpi slt, %parallel_loop3A_357, %parallel_loop3A_359 : vector<16xi32>
        %parallel_loop3A_361 = arith.constant dense<true> : vector<16xi1>
        %parallel_loop3A_362 = arith.xori %parallel_loop3A_356, %parallel_loop3A_361 : vector<16xi1>
        %parallel_loop3A_363 = arith.andi %parallel_loop3A_360, %parallel_loop3A_362 : vector<16xi1>
        %parallel_loop3A_364 = arith.constant dense<true> : vector<16xi1>
        %parallel_loop3A_365 = arith.xori %parallel_loop3A_360, %parallel_loop3A_364 : vector<16xi1>
        %parallel_loop3A_366 = arith.andi %parallel_loop3A_356, %parallel_loop3A_365 : vector<16xi1>
        %parallel_loop3A_367 = arith.constant 0 : i32
        %parallel_loop3A_368 = arith.constant 0 : i32
        %parallel_loop3A_369 = arith.index_cast %parallel_loop3A_367 : i32 to index
        %parallel_loop3A_370 = arith.index_cast %parallel_loop3A_368 : i32 to index
        %parallel_loop3A_371 = arith.index_cast %parallel_loop3A_324 : i32 to index
        %parallel_loop3A_372 = tpu.vector_load %arg13[%parallel_loop3A_369, %parallel_loop3A_370, %parallel_loop3A_371] {strides = array<i32>} : memref<2x4x2048xf32, #tpu.memory_space<vmem>>, vector<16xf32>,
        tpu.vector_store %arg13[%parallel_loop3A_369, %parallel_loop3A_370, %parallel_loop3A_371], %mul3A_233 {strides = array<i32>} : memref<2x4x2048xf32, #tpu.memory_space<vmem>>, vector<16xf32>,
        %parallel_loop3A_373 = arith.select %parallel_loop3A_345, %parallel_loop3A_326, %broadcast_in_dim3A_7 : vector<16xi1>, vector<16xf32>
        %parallel_loop3A_374 = arith.addf %mul3A_237, %parallel_loop3A_373 : vector<16xf32>
        %parallel_loop3A_375 = arith.constant 0 : i32
        %parallel_loop3A_376 = arith.constant 1 : i32
        %parallel_loop3A_377 = arith.index_cast %parallel_loop3A_375 : i32 to index
        %parallel_loop3A_378 = arith.index_cast %parallel_loop3A_376 : i32 to index
        %parallel_loop3A_379 = arith.index_cast %parallel_loop3A_324 : i32 to index
        %parallel_loop3A_380 = tpu.vector_load %arg13[%parallel_loop3A_377, %parallel_loop3A_378, %parallel_loop3A_379] {strides = array<i32>} : memref<2x4x2048xf32, #tpu.memory_space<vmem>>, vector<16xf32>,
        tpu.vector_store %arg13[%parallel_loop3A_377, %parallel_loop3A_378, %parallel_loop3A_379], %parallel_loop3A_374 {strides = array<i32>} : memref<2x4x2048xf32, #tpu.memory_space<vmem>>, vector<16xf32>,
        %parallel_loop3A_381 = arith.ori %parallel_loop3A_342, %parallel_loop3A_345 : vector<16xi1>
        %parallel_loop3A_382 = arith.select %parallel_loop3A_381, %broadcast_in_dim3A_7, %parallel_loop3A_326 : vector<16xi1>, vector<16xf32>
        %parallel_loop3A_383 = arith.select %parallel_loop3A_366, %parallel_loop3A_347, %broadcast_in_dim3A_7 : vector<16xi1>, vector<16xf32>
        %parallel_loop3A_384 = arith.addf %parallel_loop3A_382, %parallel_loop3A_383 : vector<16xf32>
        %parallel_loop3A_385 = arith.constant 0 : i32
        %parallel_loop3A_386 = arith.constant 2 : i32
        %parallel_loop3A_387 = arith.index_cast %parallel_loop3A_385 : i32 to index
        %parallel_loop3A_388 = arith.index_cast %parallel_loop3A_386 : i32 to index
        %parallel_loop3A_389 = arith.index_cast %parallel_loop3A_324 : i32 to index
        %parallel_loop3A_390 = tpu.vector_load %arg13[%parallel_loop3A_387, %parallel_loop3A_388, %parallel_loop3A_389] {strides = array<i32>} : memref<2x4x2048xf32, #tpu.memory_space<vmem>>, vector<16xf32>,
        tpu.vector_store %arg13[%parallel_loop3A_387, %parallel_loop3A_388, %parallel_loop3A_389], %parallel_loop3A_384 {strides = array<i32>} : memref<2x4x2048xf32, #tpu.memory_space<vmem>>, vector<16xf32>,
        %parallel_loop3A_391 = arith.select %parallel_loop3A_342, %parallel_loop3A_326, %broadcast_in_dim3A_7 : vector<16xi1>, vector<16xf32>
        %parallel_loop3A_392 = arith.select %parallel_loop3A_366, %broadcast_in_dim3A_7, %parallel_loop3A_347 : vector<16xi1>, vector<16xf32>
        %parallel_loop3A_393 = arith.addf %parallel_loop3A_391, %parallel_loop3A_392 : vector<16xf32>
        %parallel_loop3A_394 = arith.constant 0 : i32
        %parallel_loop3A_395 = arith.constant 3 : i32
        %parallel_loop3A_396 = arith.index_cast %parallel_loop3A_394 : i32 to index
        %parallel_loop3A_397 = arith.index_cast %parallel_loop3A_395 : i32 to index
        %parallel_loop3A_398 = arith.index_cast %parallel_loop3A_324 : i32 to index
        %parallel_loop3A_399 = tpu.vector_load %arg13[%parallel_loop3A_396, %parallel_loop3A_397, %parallel_loop3A_398] {strides = array<i32>} : memref<2x4x2048xf32, #tpu.memory_space<vmem>>, vector<16xf32>,
        tpu.vector_store %arg13[%parallel_loop3A_396, %parallel_loop3A_397, %parallel_loop3A_398], %parallel_loop3A_393 {strides = array<i32>} : memref<2x4x2048xf32, #tpu.memory_space<vmem>>, vector<16xf32>,
      } {sc.loop_unroll_factor = 2 : i64, sc.parallel_access}
      %parallel_loop3A_259 = arith.constant 64 : i32
      %parallel_loop3A_260 = arith.constant 128 : i32
      %parallel_loop3A_261 = arith.constant 1 : i32
      scf.for %parallel_loop3A_322 = %parallel_loop3A_259 to %parallel_loop3A_260 step %parallel_loop3A_261  : i32 {
        %parallel_loop3A_323 = arith.constant 16 : i32
        %parallel_loop3A_324 = arith.muli %parallel_loop3A_322, %parallel_loop3A_323 : i32
        %parallel_loop3A_325 = arith.index_cast %parallel_loop3A_324 : i32 to index
        %parallel_loop3A_326 = tpu.vector_load %arg11[%parallel_loop3A_325] {strides = array<i32>} : memref<2064xf32, #tpu.memory_space<vmem>>, vector<16xf32>,
        %parallel_loop3A_327 = arith.constant 1 : i32
        %parallel_loop3A_328 = arith.addi %parallel_loop3A_324, %parallel_loop3A_327 : i32
        %parallel_loop3A_329 = vector.broadcast %parallel_loop3A_328 : i32 to vector<16xi32>
        %parallel_loop3A_330 = arith.addi %parallel_loop3A_329, %iota3A : vector<16xi32>
        %parallel_loop3A_331 = tpu.vector_load_idx %arg11[%parallel_loop3A_330] : memref<2064xf32, #tpu.memory_space<vmem>>[vector<16xi32>], vector<16xf32>,
        %parallel_loop3A_332 = vector.bitcast %parallel_loop3A_326 : vector<16xf32> to vector<16xi32>
        %parallel_loop3A_333 = arith.constant 0 : i32
        %parallel_loop3A_334 = vector.broadcast %parallel_loop3A_333 : i32 to vector<16xi32>
        %parallel_loop3A_335 = arith.cmpi slt, %parallel_loop3A_332, %parallel_loop3A_334 : vector<16xi32>
        %parallel_loop3A_336 = vector.bitcast %parallel_loop3A_331 : vector<16xf32> to vector<16xi32>
        %parallel_loop3A_337 = arith.constant 0 : i32
        %parallel_loop3A_338 = vector.broadcast %parallel_loop3A_337 : i32 to vector<16xi32>
        %parallel_loop3A_339 = arith.cmpi slt, %parallel_loop3A_336, %parallel_loop3A_338 : vector<16xi32>
        %parallel_loop3A_340 = arith.constant dense<true> : vector<16xi1>
        %parallel_loop3A_341 = arith.xori %parallel_loop3A_335, %parallel_loop3A_340 : vector<16xi1>
        %parallel_loop3A_342 = arith.andi %parallel_loop3A_339, %parallel_loop3A_341 : vector<16xi1>
        %parallel_loop3A_343 = arith.constant dense<true> : vector<16xi1>
        %parallel_loop3A_344 = arith.xori %parallel_loop3A_339, %parallel_loop3A_343 : vector<16xi1>
        %parallel_loop3A_345 = arith.andi %parallel_loop3A_335, %parallel_loop3A_344 : vector<16xi1>
        %parallel_loop3A_346 = arith.constant 0 : i32
        %parallel_loop3A_347 = arith.constant 0 : i32
        %parallel_loop3A_348 = arith.index_cast %parallel_loop3A_346 : i32 to index
        %parallel_loop3A_349 = arith.index_cast %parallel_loop3A_347 : i32 to index
        %parallel_loop3A_350 = arith.index_cast %parallel_loop3A_324 : i32 to index
        %parallel_loop3A_351 = tpu.vector_load %arg13[%parallel_loop3A_348, %parallel_loop3A_349, %parallel_loop3A_350] {strides = array<i32>} : memref<2x4x2048xf32, #tpu.memory_space<vmem>>, vector<16xf32>,
        tpu.vector_store %arg13[%parallel_loop3A_348, %parallel_loop3A_349, %parallel_loop3A_350], %mul3A_233 {strides = array<i32>} : memref<2x4x2048xf32, #tpu.memory_space<vmem>>, vector<16xf32>,
        %parallel_loop3A_352 = arith.constant 0 : i32
        %parallel_loop3A_353 = arith.constant 1 : i32
        %parallel_loop3A_354 = arith.index_cast %parallel_loop3A_352 : i32 to index
        %parallel_loop3A_355 = arith.index_cast %parallel_loop3A_353 : i32 to index
        %parallel_loop3A_356 = arith.index_cast %parallel_loop3A_324 : i32 to index
        %parallel_loop3A_357 = tpu.vector_load %arg13[%parallel_loop3A_354, %parallel_loop3A_355, %parallel_loop3A_356] {strides = array<i32>} : memref<2x4x2048xf32, #tpu.memory_space<vmem>>, vector<16xf32>,
        tpu.vector_store %arg13[%parallel_loop3A_354, %parallel_loop3A_355, %parallel_loop3A_356], %mul3A_237 {strides = array<i32>} : memref<2x4x2048xf32, #tpu.memory_space<vmem>>, vector<16xf32>,
        %parallel_loop3A_358 = arith.select %parallel_loop3A_345, %parallel_loop3A_326, %broadcast_in_dim3A_7 : vector<16xi1>, vector<16xf32>
        %parallel_loop3A_359 = arith.addf %mul3A_241, %parallel_loop3A_358 : vector<16xf32>
        %parallel_loop3A_360 = arith.constant 0 : i32
        %parallel_loop3A_361 = arith.constant 2 : i32
        %parallel_loop3A_362 = arith.index_cast %parallel_loop3A_360 : i32 to index
        %parallel_loop3A_363 = arith.index_cast %parallel_loop3A_361 : i32 to index
        %parallel_loop3A_364 = arith.index_cast %parallel_loop3A_324 : i32 to index
        %parallel_loop3A_365 = tpu.vector_load %arg13[%parallel_loop3A_362, %parallel_loop3A_363, %parallel_loop3A_364] {strides = array<i32>} : memref<2x4x2048xf32, #tpu.memory_space<vmem>>, vector<16xf32>,
        tpu.vector_store %arg13[%parallel_loop3A_362, %parallel_loop3A_363, %parallel_loop3A_364], %parallel_loop3A_359 {strides = array<i32>} : memref<2x4x2048xf32, #tpu.memory_space<vmem>>, vector<16xf32>,
        %parallel_loop3A_366 = arith.select %parallel_loop3A_345, %broadcast_in_dim3A_7, %parallel_loop3A_326 : vector<16xi1>, vector<16xf32>
        %parallel_loop3A_367 = arith.constant 0 : i32
        %parallel_loop3A_368 = arith.constant 3 : i32
        %parallel_loop3A_369 = arith.index_cast %parallel_loop3A_367 : i32 to index
        %parallel_loop3A_370 = arith.index_cast %parallel_loop3A_368 : i32 to index
        %parallel_loop3A_371 = arith.index_cast %parallel_loop3A_324 : i32 to index
        %parallel_loop3A_372 = tpu.vector_load %arg13[%parallel_loop3A_369, %parallel_loop3A_370, %parallel_loop3A_371] {strides = array<i32>} : memref<2x4x2048xf32, #tpu.memory_space<vmem>>, vector<16xf32>,
        tpu.vector_store %arg13[%parallel_loop3A_369, %parallel_loop3A_370, %parallel_loop3A_371], %parallel_loop3A_366 {strides = array<i32>} : memref<2x4x2048xf32, #tpu.memory_space<vmem>>, vector<16xf32>,
      } {sc.loop_unroll_factor = 8 : i64, sc.parallel_access}
      %broadcast_in_dim3A_262 = arith.constant 1 : i32
      %broadcast_in_dim3A_263 = vector.broadcast %broadcast_in_dim3A_262 : i32 to vector<16xi32>
      %parallel_loop3A_264 = arith.constant 0 : i32
      %parallel_loop3A_265 = arith.constant 64 : i32
      %parallel_loop3A_266 = arith.constant 1 : i32
      %parallel_loop3A_267 = scf.for %parallel_loop3A_322 = %parallel_loop3A_264 to %parallel_loop3A_265 step %parallel_loop3A_266 iter_args(%parallel_loop3A_323 = %broadcast_in_dim3A_5) -> (vector<16xf32>)  : i32 {
        %parallel_loop3A_324 = arith.constant 64 : i32
        %parallel_loop3A_325 = arith.muli %parallel_loop3A_322, %parallel_loop3A_324 : i32
        %parallel_loop3A_326 = arith.constant 2 : i32
        %parallel_loop3A_327 = vector.broadcast %parallel_loop3A_326 : i32 to vector<16xi32>
        %parallel_loop3A_328 = arith.muli %iota3A, %parallel_loop3A_327 : vector<16xi32>
        %parallel_loop3A_329 = vector.broadcast %parallel_loop3A_325 : i32 to vector<16xi32>
        %parallel_loop3A_330 = arith.addi %parallel_loop3A_329, %parallel_loop3A_328 : vector<16xi32>
        %parallel_loop3A_331 = tpu.vector_load_idx %arg5[%broadcast_in_dim3A_263, %parallel_loop3A_330] : memref<2x4096xf32, #tpu.memory_space<vmem>>[vector<16xi32>, vector<16xi32>], vector<16xf32>,
        %parallel_loop3A_332 = arith.constant 1 : i32
        %parallel_loop3A_333 = vector.broadcast %parallel_loop3A_332 : i32 to vector<16xi32>
        %parallel_loop3A_334 = arith.addi %parallel_loop3A_330, %parallel_loop3A_333 : vector<16xi32>
        %parallel_loop3A_335 = tpu.vector_load_idx %arg5[%broadcast_in_dim3A_263, %parallel_loop3A_334] : memref<2x4096xf32, #tpu.memory_space<vmem>>[vector<16xi32>, vector<16xi32>], vector<16xf32>,
        %parallel_loop3A_336 = arith.constant 32 : i32
        %parallel_loop3A_337 = vector.broadcast %parallel_loop3A_336 : i32 to vector<16xi32>
        %parallel_loop3A_338 = arith.addi %parallel_loop3A_330, %parallel_loop3A_337 : vector<16xi32>
        %parallel_loop3A_339 = tpu.vector_load_idx %arg5[%broadcast_in_dim3A_263, %parallel_loop3A_338] : memref<2x4096xf32, #tpu.memory_space<vmem>>[vector<16xi32>, vector<16xi32>], vector<16xf32>,
        %parallel_loop3A_340 = arith.constant 33 : i32
        %parallel_loop3A_341 = vector.broadcast %parallel_loop3A_340 : i32 to vector<16xi32>
        %parallel_loop3A_342 = arith.addi %parallel_loop3A_330, %parallel_loop3A_341 : vector<16xi32>
        %parallel_loop3A_343 = tpu.vector_load_idx %arg5[%broadcast_in_dim3A_263, %parallel_loop3A_342] : memref<2x4096xf32, #tpu.memory_space<vmem>>[vector<16xi32>, vector<16xi32>], vector<16xf32>,
        %parallel_loop3A_344 = arith.subf %parallel_loop3A_331, %parallel_loop3A_335 : vector<16xf32>
        %parallel_loop3A_345 = arith.mulf %parallel_loop3A_344, %broadcast_in_dim3A_3 : vector<16xf32>
        %parallel_loop3A_346 = arith.constant 32 : i32
        %parallel_loop3A_347 = arith.muli %parallel_loop3A_322, %parallel_loop3A_346 : i32
        %parallel_loop3A_348 = arith.index_cast %parallel_loop3A_347 : i32 to index
        %parallel_loop3A_349 = tpu.vector_load %arg11[%parallel_loop3A_348] {strides = array<i32>} : memref<2064xf32, #tpu.memory_space<vmem>>, vector<16xf32>,
        tpu.vector_store %arg11[%parallel_loop3A_348], %parallel_loop3A_345 {strides = array<i32>} : memref<2064xf32, #tpu.memory_space<vmem>>, vector<16xf32>,
        %parallel_loop3A_350 = arith.subf %parallel_loop3A_339, %parallel_loop3A_343 : vector<16xf32>
        %parallel_loop3A_351 = arith.mulf %parallel_loop3A_350, %broadcast_in_dim3A_3 : vector<16xf32>
        %parallel_loop3A_352 = arith.constant 32 : i32
        %parallel_loop3A_353 = arith.muli %parallel_loop3A_322, %parallel_loop3A_352 : i32
        %parallel_loop3A_354 = arith.constant 16 : i32
        %parallel_loop3A_355 = arith.addi %parallel_loop3A_353, %parallel_loop3A_354 : i32
        %parallel_loop3A_356 = arith.index_cast %parallel_loop3A_355 : i32 to index
        %parallel_loop3A_357 = tpu.vector_load %arg11[%parallel_loop3A_356] {strides = array<i32>} : memref<2064xf32, #tpu.memory_space<vmem>>, vector<16xf32>,
        tpu.vector_store %arg11[%parallel_loop3A_356], %parallel_loop3A_351 {strides = array<i32>} : memref<2064xf32, #tpu.memory_space<vmem>>, vector<16xf32>,
        %parallel_loop3A_358 = arith.addf %parallel_loop3A_331, %parallel_loop3A_335 : vector<16xf32>
        %parallel_loop3A_359 = arith.mulf %parallel_loop3A_358, %broadcast_in_dim3A_3 : vector<16xf32>
        %parallel_loop3A_360 = arith.addf %parallel_loop3A_339, %parallel_loop3A_343 : vector<16xf32>
        %parallel_loop3A_361 = arith.mulf %parallel_loop3A_360, %broadcast_in_dim3A_3 : vector<16xf32>
        %parallel_loop3A_362 = vector.shape_cast %select_n3A_25 : vector<16xi32> to vector<16x1xi32>
        %parallel_loop3A_363 = vector.shape_cast %parallel_loop3A_362 : vector<16x1xi32> to vector<16xi32>
        %parallel_loop3A_364 = tpu.dynamic_gather %parallel_loop3A_359[%parallel_loop3A_363] in [0] : vector<16xf32>, vector<16xi32> -> vector<16xf32>
        %parallel_loop3A_365 = vector.shape_cast %select_n3A_25 : vector<16xi32> to vector<16x1xi32>
        %parallel_loop3A_366 = vector.shape_cast %parallel_loop3A_365 : vector<16x1xi32> to vector<16xi32>
        %parallel_loop3A_367 = tpu.dynamic_gather %parallel_loop3A_361[%parallel_loop3A_366] in [0] : vector<16xf32>, vector<16xi32> -> vector<16xf32>
        %parallel_loop3A_368 = arith.select %lt3A_31, %parallel_loop3A_364, %parallel_loop3A_367 : vector<16xi1>, vector<16xf32>
        %parallel_loop3A_369 = vector.shape_cast %add3A_28 : vector<16xi32> to vector<16x1xi32>
        %parallel_loop3A_370 = vector.shape_cast %parallel_loop3A_369 : vector<16x1xi32> to vector<16xi32>
        %parallel_loop3A_371 = tpu.dynamic_gather %parallel_loop3A_359[%parallel_loop3A_370] in [0] : vector<16xf32>, vector<16xi32> -> vector<16xf32>
        %parallel_loop3A_372 = vector.shape_cast %add3A_28 : vector<16xi32> to vector<16x1xi32>
        %parallel_loop3A_373 = vector.shape_cast %parallel_loop3A_372 : vector<16x1xi32> to vector<16xi32>
        %parallel_loop3A_374 = tpu.dynamic_gather %parallel_loop3A_361[%parallel_loop3A_373] in [0] : vector<16xf32>, vector<16xi32> -> vector<16xf32>
        %parallel_loop3A_375 = arith.select %lt3A_31, %parallel_loop3A_371, %parallel_loop3A_374 : vector<16xi1>, vector<16xf32>
        %parallel_loop3A_376 = arith.subf %parallel_loop3A_368, %parallel_loop3A_375 : vector<16xf32>
        %parallel_loop3A_377 = arith.mulf %parallel_loop3A_376, %broadcast_in_dim3A_3 : vector<16xf32>
        %parallel_loop3A_378 = arith.addf %parallel_loop3A_368, %parallel_loop3A_375 : vector<16xf32>
        %parallel_loop3A_379 = arith.mulf %parallel_loop3A_378, %broadcast_in_dim3A_3 : vector<16xf32>
        %parallel_loop3A_380 = arith.constant 16 : i32
        %parallel_loop3A_381 = arith.muli %parallel_loop3A_322, %parallel_loop3A_380 : i32
        %parallel_loop3A_382 = arith.index_cast %parallel_loop3A_381 : i32 to index
        %parallel_loop3A_383 = tpu.vector_load %arg7[%parallel_loop3A_382] {strides = array<i32>} : memref<1024xf32, #tpu.memory_space<vmem>>, vector<16xf32>,
        tpu.vector_store %arg7[%parallel_loop3A_382], %parallel_loop3A_379 {strides = array<i32>} : memref<1024xf32, #tpu.memory_space<vmem>>, vector<16xf32>,
        %parallel_loop3A_384 = arith.constant 16 : i32
        %parallel_loop3A_385 = arith.muli %parallel_loop3A_322, %parallel_loop3A_384 : i32
        %parallel_loop3A_386 = arith.index_cast %parallel_loop3A_385 : i32 to index
        %parallel_loop3A_387 = tpu.vector_load %arg10[%parallel_loop3A_386] {strides = array<i32>} : memref<1040xf32, #tpu.memory_space<vmem>>, vector<16xf32>,
        tpu.vector_store %arg10[%parallel_loop3A_386], %parallel_loop3A_377 {strides = array<i32>} : memref<1040xf32, #tpu.memory_space<vmem>>, vector<16xf32>,
        %parallel_loop3A_388 = arith.maximumf %parallel_loop3A_323, %parallel_loop3A_377 : vector<16xf32>
        scf.yield %parallel_loop3A_388 : vector<16xf32>
      } {sc.loop_unroll_factor = 4 : i64, sc.parallel_access}
      %parallel_loop3A_268 = arith.constant 0 : i32
      %parallel_loop3A_269 = arith.constant 32 : i32
      %parallel_loop3A_270 = arith.constant 1 : i32
      %parallel_loop3A_271:2 = scf.for %parallel_loop3A_322 = %parallel_loop3A_268 to %parallel_loop3A_269 step %parallel_loop3A_270 iter_args(%parallel_loop3A_323 = %broadcast_in_dim3A_5, %parallel_loop3A_324 = %broadcast_in_dim3A_5) -> (vector<16xf32>, vector<16xf32>)  : i32 {
        %parallel_loop3A_325 = arith.constant 32 : i32
        %parallel_loop3A_326 = arith.muli %parallel_loop3A_322, %parallel_loop3A_325 : i32
        %parallel_loop3A_327 = arith.constant 2 : i32
        %parallel_loop3A_328 = vector.broadcast %parallel_loop3A_327 : i32 to vector<16xi32>
        %parallel_loop3A_329 = arith.muli %iota3A, %parallel_loop3A_328 : vector<16xi32>
        %parallel_loop3A_330 = vector.broadcast %parallel_loop3A_326 : i32 to vector<16xi32>
        %parallel_loop3A_331 = arith.addi %parallel_loop3A_330, %parallel_loop3A_329 : vector<16xi32>
        %parallel_loop3A_332 = tpu.vector_load_idx %arg7[%parallel_loop3A_331] : memref<1024xf32, #tpu.memory_space<vmem>>[vector<16xi32>], vector<16xf32>,
        %parallel_loop3A_333 = arith.constant 1 : i32
        %parallel_loop3A_334 = vector.broadcast %parallel_loop3A_333 : i32 to vector<16xi32>
        %parallel_loop3A_335 = arith.addi %parallel_loop3A_331, %parallel_loop3A_334 : vector<16xi32>
        %parallel_loop3A_336 = tpu.vector_load_idx %arg7[%parallel_loop3A_335] : memref<1024xf32, #tpu.memory_space<vmem>>[vector<16xi32>], vector<16xf32>,
        %parallel_loop3A_337 = arith.addf %parallel_loop3A_332, %parallel_loop3A_336 : vector<16xf32>
        %parallel_loop3A_338 = arith.mulf %parallel_loop3A_337, %broadcast_in_dim3A_3 : vector<16xf32>
        %parallel_loop3A_339 = arith.subf %parallel_loop3A_332, %parallel_loop3A_336 : vector<16xf32>
        %parallel_loop3A_340 = arith.mulf %parallel_loop3A_339, %broadcast_in_dim3A_3 : vector<16xf32>
        %parallel_loop3A_341 = arith.constant 16 : i32
        %parallel_loop3A_342 = arith.muli %parallel_loop3A_322, %parallel_loop3A_341 : i32
        %parallel_loop3A_343 = arith.index_cast %parallel_loop3A_342 : i32 to index
        %parallel_loop3A_344 = tpu.vector_load %arg8[%parallel_loop3A_343] {strides = array<i32>} : memref<528xf32, #tpu.memory_space<vmem>>, vector<16xf32>,
        tpu.vector_store %arg8[%parallel_loop3A_343], %parallel_loop3A_338 {strides = array<i32>} : memref<528xf32, #tpu.memory_space<vmem>>, vector<16xf32>,
        %parallel_loop3A_345 = arith.constant 16 : i32
        %parallel_loop3A_346 = arith.muli %parallel_loop3A_322, %parallel_loop3A_345 : i32
        %parallel_loop3A_347 = arith.index_cast %parallel_loop3A_346 : i32 to index
        %parallel_loop3A_348 = tpu.vector_load %arg9[%parallel_loop3A_347] {strides = array<i32>} : memref<528xf32, #tpu.memory_space<vmem>>, vector<16xf32>,
        tpu.vector_store %arg9[%parallel_loop3A_347], %parallel_loop3A_340 {strides = array<i32>} : memref<528xf32, #tpu.memory_space<vmem>>, vector<16xf32>,
        %parallel_loop3A_349 = arith.maximumf %parallel_loop3A_323, %parallel_loop3A_338 : vector<16xf32>
        %parallel_loop3A_350 = arith.maximumf %parallel_loop3A_324, %parallel_loop3A_340 : vector<16xf32>
        scf.yield %parallel_loop3A_349, %parallel_loop3A_350 : vector<16xf32>, vector<16xf32>
      } {sc.loop_unroll_factor = 4 : i64, sc.parallel_access}
      %reduce_max3A_272 = arith.constant true
      %reduce_max3A_273 = vector.broadcast %reduce_max3A_272 : i1 to vector<16xi1>
      %reduce_max3A_274 = tpu.scan <max>, %parallel_loop3A_271#0 masked %reduce_max3A_273 : vector<16xf32>, vector<16xi1> -> vector<16xf32>
      %reduce_max3A_275 = vector.extract %reduce_max3A_274[15] : f32 from vector<16xf32>
      %reduce_max3A_276 = arith.constant true
      %reduce_max3A_277 = vector.broadcast %reduce_max3A_276 : i1 to vector<16xi1>
      %reduce_max3A_278 = tpu.scan <max>, %parallel_loop3A_271#1 masked %reduce_max3A_277 : vector<16xf32>, vector<16xi1> -> vector<16xf32>
      %reduce_max3A_279 = vector.extract %reduce_max3A_278[15] : f32 from vector<16xf32>
      %reduce_max3A_280 = arith.constant true
      %reduce_max3A_281 = vector.broadcast %reduce_max3A_280 : i1 to vector<16xi1>
      %reduce_max3A_282 = tpu.scan <max>, %parallel_loop3A_267 masked %reduce_max3A_281 : vector<16xf32>, vector<16xi1> -> vector<16xf32>
      %reduce_max3A_283 = vector.extract %reduce_max3A_282[15] : f32 from vector<16xf32>
      %broadcast_in_dim3A_284 = arith.constant 1.000000e+00 : f32
      %broadcast_in_dim3A_285 = vector.broadcast %broadcast_in_dim3A_284 : f32 to vector<16xf32>
      %mul3A_286 = vector.broadcast %reduce_max3A_275 : f32 to vector<16xf32>
      %mul3A_287 = arith.mulf %broadcast_in_dim3A_285, %mul3A_286 : vector<16xf32>
      %broadcast_in_dim3A_288 = arith.constant 1.000000e+00 : f32
      %broadcast_in_dim3A_289 = vector.broadcast %broadcast_in_dim3A_288 : f32 to vector<16xf32>
      %mul3A_290 = vector.broadcast %reduce_max3A_279 : f32 to vector<16xf32>
      %mul3A_291 = arith.mulf %broadcast_in_dim3A_289, %mul3A_290 : vector<16xf32>
      %broadcast_in_dim3A_292 = arith.constant 1.000000e+00 : f32
      %broadcast_in_dim3A_293 = vector.broadcast %broadcast_in_dim3A_292 : f32 to vector<16xf32>
      %mul3A_294 = vector.broadcast %reduce_max3A_283 : f32 to vector<16xf32>
      %mul3A_295 = arith.mulf %broadcast_in_dim3A_293, %mul3A_294 : vector<16xf32>
      %swap3A_296 = arith.constant 512 : index
      %swap3A_297 = tpu.vector_load %arg8[%swap3A_296] {strides = array<i32>} : memref<528xf32, #tpu.memory_space<vmem>>, vector<16xf32>,
      tpu.vector_store %arg8[%swap3A_296], %mul3A_287 {strides = array<i32>} : memref<528xf32, #tpu.memory_space<vmem>>, vector<16xf32>,
      %swap3A_298 = arith.constant 512 : index
      %swap3A_299 = tpu.vector_load %arg9[%swap3A_298] {strides = array<i32>} : memref<528xf32, #tpu.memory_space<vmem>>, vector<16xf32>,
      tpu.vector_store %arg9[%swap3A_298], %mul3A_291 {strides = array<i32>} : memref<528xf32, #tpu.memory_space<vmem>>, vector<16xf32>,
      %swap3A_300 = arith.constant 1024 : index
      %swap3A_301 = tpu.vector_load %arg10[%swap3A_300] {strides = array<i32>} : memref<1040xf32, #tpu.memory_space<vmem>>, vector<16xf32>,
      tpu.vector_store %arg10[%swap3A_300], %mul3A_295 {strides = array<i32>} : memref<1040xf32, #tpu.memory_space<vmem>>, vector<16xf32>,
      %broadcast_in_dim3A_302 = arith.constant 2047 : i32
      %broadcast_in_dim3A_303 = vector.broadcast %broadcast_in_dim3A_302 : i32 to vector<16xi32>
      %gather3A_304 = tpu.vector_load_idx %arg11[%broadcast_in_dim3A_303] : memref<2064xf32, #tpu.memory_space<vmem>>[vector<16xi32>], vector<16xf32>,
      %swap3A_305 = arith.constant 2048 : index
      %swap3A_306 = tpu.vector_load %arg11[%swap3A_305] {strides = array<i32>} : memref<2064xf32, #tpu.memory_space<vmem>>, vector<16xf32>,
      tpu.vector_store %arg11[%swap3A_305], %gather3A_304 {strides = array<i32>} : memref<2064xf32, #tpu.memory_space<vmem>>, vector<16xf32>,
      %parallel_loop3A_307 = arith.constant 0 : i32
      %parallel_loop3A_308 = arith.constant 32 : i32
      %parallel_loop3A_309 = arith.constant 1 : i32
      scf.for %parallel_loop3A_322 = %parallel_loop3A_307 to %parallel_loop3A_308 step %parallel_loop3A_309  : i32 {
        %parallel_loop3A_323 = arith.constant 16 : i32
        %parallel_loop3A_324 = arith.muli %parallel_loop3A_322, %parallel_loop3A_323 : i32
        %parallel_loop3A_325 = arith.index_cast %parallel_loop3A_324 : i32 to index
        %parallel_loop3A_326 = tpu.vector_load %arg8[%parallel_loop3A_325] {strides = array<i32>} : memref<528xf32, #tpu.memory_space<vmem>>, vector<16xf32>,
        %parallel_loop3A_327 = arith.constant 1 : i32
        %parallel_loop3A_328 = arith.addi %parallel_loop3A_324, %parallel_loop3A_327 : i32
        %parallel_loop3A_329 = vector.broadcast %parallel_loop3A_328 : i32 to vector<16xi32>
        %parallel_loop3A_330 = arith.addi %parallel_loop3A_329, %iota3A : vector<16xi32>
        %parallel_loop3A_331 = tpu.vector_load_idx %arg8[%parallel_loop3A_330] : memref<528xf32, #tpu.memory_space<vmem>>[vector<16xi32>], vector<16xf32>,
        %parallel_loop3A_332 = vector.bitcast %parallel_loop3A_326 : vector<16xf32> to vector<16xi32>
        %parallel_loop3A_333 = arith.constant 0 : i32
        %parallel_loop3A_334 = vector.broadcast %parallel_loop3A_333 : i32 to vector<16xi32>
        %parallel_loop3A_335 = arith.cmpi slt, %parallel_loop3A_332, %parallel_loop3A_334 : vector<16xi32>
        %parallel_loop3A_336 = vector.bitcast %parallel_loop3A_331 : vector<16xf32> to vector<16xi32>
        %parallel_loop3A_337 = arith.constant 0 : i32
        %parallel_loop3A_338 = vector.broadcast %parallel_loop3A_337 : i32 to vector<16xi32>
        %parallel_loop3A_339 = arith.cmpi slt, %parallel_loop3A_336, %parallel_loop3A_338 : vector<16xi32>
        %parallel_loop3A_340 = arith.constant dense<true> : vector<16xi1>
        %parallel_loop3A_341 = arith.xori %parallel_loop3A_335, %parallel_loop3A_340 : vector<16xi1>
        %parallel_loop3A_342 = arith.andi %parallel_loop3A_339, %parallel_loop3A_341 : vector<16xi1>
        %parallel_loop3A_343 = arith.constant dense<true> : vector<16xi1>
        %parallel_loop3A_344 = arith.xori %parallel_loop3A_339, %parallel_loop3A_343 : vector<16xi1>
        %parallel_loop3A_345 = arith.andi %parallel_loop3A_335, %parallel_loop3A_344 : vector<16xi1>
        %parallel_loop3A_346 = arith.index_cast %parallel_loop3A_324 : i32 to index
        %parallel_loop3A_347 = tpu.vector_load %arg9[%parallel_loop3A_346] {strides = array<i32>} : memref<528xf32, #tpu.memory_space<vmem>>, vector<16xf32>,
        %parallel_loop3A_348 = arith.constant 1 : i32
        %parallel_loop3A_349 = arith.addi %parallel_loop3A_324, %parallel_loop3A_348 : i32
        %parallel_loop3A_350 = vector.broadcast %parallel_loop3A_349 : i32 to vector<16xi32>
        %parallel_loop3A_351 = arith.addi %parallel_loop3A_350, %iota3A : vector<16xi32>
        %parallel_loop3A_352 = tpu.vector_load_idx %arg9[%parallel_loop3A_351] : memref<528xf32, #tpu.memory_space<vmem>>[vector<16xi32>], vector<16xf32>,
        %parallel_loop3A_353 = vector.bitcast %parallel_loop3A_347 : vector<16xf32> to vector<16xi32>
        %parallel_loop3A_354 = arith.constant 0 : i32
        %parallel_loop3A_355 = vector.broadcast %parallel_loop3A_354 : i32 to vector<16xi32>
        %parallel_loop3A_356 = arith.cmpi slt, %parallel_loop3A_353, %parallel_loop3A_355 : vector<16xi32>
        %parallel_loop3A_357 = vector.bitcast %parallel_loop3A_352 : vector<16xf32> to vector<16xi32>
        %parallel_loop3A_358 = arith.constant 0 : i32
        %parallel_loop3A_359 = vector.broadcast %parallel_loop3A_358 : i32 to vector<16xi32>
        %parallel_loop3A_360 = arith.cmpi slt, %parallel_loop3A_357, %parallel_loop3A_359 : vector<16xi32>
        %parallel_loop3A_361 = arith.constant dense<true> : vector<16xi1>
        %parallel_loop3A_362 = arith.xori %parallel_loop3A_356, %parallel_loop3A_361 : vector<16xi1>
        %parallel_loop3A_363 = arith.andi %parallel_loop3A_360, %parallel_loop3A_362 : vector<16xi1>
        %parallel_loop3A_364 = arith.constant dense<true> : vector<16xi1>
        %parallel_loop3A_365 = arith.xori %parallel_loop3A_360, %parallel_loop3A_364 : vector<16xi1>
        %parallel_loop3A_366 = arith.andi %parallel_loop3A_356, %parallel_loop3A_365 : vector<16xi1>
        %parallel_loop3A_367 = arith.index_cast %parallel_loop3A_324 : i32 to index
        %parallel_loop3A_368 = tpu.vector_load %arg10[%parallel_loop3A_367] {strides = array<i32>} : memref<1040xf32, #tpu.memory_space<vmem>>, vector<16xf32>,
        %parallel_loop3A_369 = arith.constant 1 : i32
        %parallel_loop3A_370 = arith.addi %parallel_loop3A_324, %parallel_loop3A_369 : i32
        %parallel_loop3A_371 = vector.broadcast %parallel_loop3A_370 : i32 to vector<16xi32>
        %parallel_loop3A_372 = arith.addi %parallel_loop3A_371, %iota3A : vector<16xi32>
        %parallel_loop3A_373 = tpu.vector_load_idx %arg10[%parallel_loop3A_372] : memref<1040xf32, #tpu.memory_space<vmem>>[vector<16xi32>], vector<16xf32>,
        %parallel_loop3A_374 = vector.bitcast %parallel_loop3A_368 : vector<16xf32> to vector<16xi32>
        %parallel_loop3A_375 = arith.constant 0 : i32
        %parallel_loop3A_376 = vector.broadcast %parallel_loop3A_375 : i32 to vector<16xi32>
        %parallel_loop3A_377 = arith.cmpi slt, %parallel_loop3A_374, %parallel_loop3A_376 : vector<16xi32>
        %parallel_loop3A_378 = vector.bitcast %parallel_loop3A_373 : vector<16xf32> to vector<16xi32>
        %parallel_loop3A_379 = arith.constant 0 : i32
        %parallel_loop3A_380 = vector.broadcast %parallel_loop3A_379 : i32 to vector<16xi32>
        %parallel_loop3A_381 = arith.cmpi slt, %parallel_loop3A_378, %parallel_loop3A_380 : vector<16xi32>
        %parallel_loop3A_382 = arith.constant dense<true> : vector<16xi1>
        %parallel_loop3A_383 = arith.xori %parallel_loop3A_377, %parallel_loop3A_382 : vector<16xi1>
        %parallel_loop3A_384 = arith.andi %parallel_loop3A_381, %parallel_loop3A_383 : vector<16xi1>
        %parallel_loop3A_385 = arith.constant dense<true> : vector<16xi1>
        %parallel_loop3A_386 = arith.xori %parallel_loop3A_381, %parallel_loop3A_385 : vector<16xi1>
        %parallel_loop3A_387 = arith.andi %parallel_loop3A_377, %parallel_loop3A_386 : vector<16xi1>
        %parallel_loop3A_388 = arith.index_cast %parallel_loop3A_324 : i32 to index
        %parallel_loop3A_389 = tpu.vector_load %arg11[%parallel_loop3A_388] {strides = array<i32>} : memref<2064xf32, #tpu.memory_space<vmem>>, vector<16xf32>,
        %parallel_loop3A_390 = arith.constant 1 : i32
        %parallel_loop3A_391 = arith.addi %parallel_loop3A_324, %parallel_loop3A_390 : i32
        %parallel_loop3A_392 = vector.broadcast %parallel_loop3A_391 : i32 to vector<16xi32>
        %parallel_loop3A_393 = arith.addi %parallel_loop3A_392, %iota3A : vector<16xi32>
        %parallel_loop3A_394 = tpu.vector_load_idx %arg11[%parallel_loop3A_393] : memref<2064xf32, #tpu.memory_space<vmem>>[vector<16xi32>], vector<16xf32>,
        %parallel_loop3A_395 = vector.bitcast %parallel_loop3A_389 : vector<16xf32> to vector<16xi32>
        %parallel_loop3A_396 = arith.constant 0 : i32
        %parallel_loop3A_397 = vector.broadcast %parallel_loop3A_396 : i32 to vector<16xi32>
        %parallel_loop3A_398 = arith.cmpi slt, %parallel_loop3A_395, %parallel_loop3A_397 : vector<16xi32>
        %parallel_loop3A_399 = vector.bitcast %parallel_loop3A_394 : vector<16xf32> to vector<16xi32>
        %parallel_loop3A_400 = arith.constant 0 : i32
        %parallel_loop3A_401 = vector.broadcast %parallel_loop3A_400 : i32 to vector<16xi32>
        %parallel_loop3A_402 = arith.cmpi slt, %parallel_loop3A_399, %parallel_loop3A_401 : vector<16xi32>
        %parallel_loop3A_403 = arith.constant dense<true> : vector<16xi1>
        %parallel_loop3A_404 = arith.xori %parallel_loop3A_398, %parallel_loop3A_403 : vector<16xi1>
        %parallel_loop3A_405 = arith.andi %parallel_loop3A_402, %parallel_loop3A_404 : vector<16xi1>
        %parallel_loop3A_406 = arith.constant dense<true> : vector<16xi1>
        %parallel_loop3A_407 = arith.xori %parallel_loop3A_402, %parallel_loop3A_406 : vector<16xi1>
        %parallel_loop3A_408 = arith.andi %parallel_loop3A_398, %parallel_loop3A_407 : vector<16xi1>
        %parallel_loop3A_409 = arith.select %parallel_loop3A_342, %broadcast_in_dim3A_7, %parallel_loop3A_326 : vector<16xi1>, vector<16xf32>
        %parallel_loop3A_410 = arith.select %parallel_loop3A_366, %parallel_loop3A_347, %broadcast_in_dim3A_7 : vector<16xi1>, vector<16xf32>
        %parallel_loop3A_411 = arith.addf %parallel_loop3A_409, %parallel_loop3A_410 : vector<16xf32>
        %parallel_loop3A_412 = arith.constant 1 : i32
        %parallel_loop3A_413 = arith.constant 0 : i32
        %parallel_loop3A_414 = arith.index_cast %parallel_loop3A_412 : i32 to index
        %parallel_loop3A_415 = arith.index_cast %parallel_loop3A_413 : i32 to index
        %parallel_loop3A_416 = arith.index_cast %parallel_loop3A_324 : i32 to index
        %parallel_loop3A_417 = tpu.vector_load %arg13[%parallel_loop3A_414, %parallel_loop3A_415, %parallel_loop3A_416] {strides = array<i32>} : memref<2x4x2048xf32, #tpu.memory_space<vmem>>, vector<16xf32>,
        tpu.vector_store %arg13[%parallel_loop3A_414, %parallel_loop3A_415, %parallel_loop3A_416], %parallel_loop3A_411 {strides = array<i32>} : memref<2x4x2048xf32, #tpu.memory_space<vmem>>, vector<16xf32>,
        %parallel_loop3A_418 = arith.select %parallel_loop3A_342, %parallel_loop3A_326, %broadcast_in_dim3A_7 : vector<16xi1>, vector<16xf32>
        %parallel_loop3A_419 = arith.ori %parallel_loop3A_363, %parallel_loop3A_366 : vector<16xi1>
        %parallel_loop3A_420 = arith.select %parallel_loop3A_419, %broadcast_in_dim3A_7, %parallel_loop3A_347 : vector<16xi1>, vector<16xf32>
        %parallel_loop3A_421 = arith.addf %parallel_loop3A_418, %parallel_loop3A_420 : vector<16xf32>
        %parallel_loop3A_422 = arith.select %parallel_loop3A_387, %parallel_loop3A_368, %broadcast_in_dim3A_7 : vector<16xi1>, vector<16xf32>
        %parallel_loop3A_423 = arith.addf %parallel_loop3A_421, %parallel_loop3A_422 : vector<16xf32>
        %parallel_loop3A_424 = arith.constant 1 : i32
        %parallel_loop3A_425 = arith.constant 1 : i32
        %parallel_loop3A_426 = arith.index_cast %parallel_loop3A_424 : i32 to index
        %parallel_loop3A_427 = arith.index_cast %parallel_loop3A_425 : i32 to index
        %parallel_loop3A_428 = arith.index_cast %parallel_loop3A_324 : i32 to index
        %parallel_loop3A_429 = tpu.vector_load %arg13[%parallel_loop3A_426, %parallel_loop3A_427, %parallel_loop3A_428] {strides = array<i32>} : memref<2x4x2048xf32, #tpu.memory_space<vmem>>, vector<16xf32>,
        tpu.vector_store %arg13[%parallel_loop3A_426, %parallel_loop3A_427, %parallel_loop3A_428], %parallel_loop3A_423 {strides = array<i32>} : memref<2x4x2048xf32, #tpu.memory_space<vmem>>, vector<16xf32>,
        %parallel_loop3A_430 = arith.select %parallel_loop3A_363, %parallel_loop3A_347, %broadcast_in_dim3A_7 : vector<16xi1>, vector<16xf32>
        %parallel_loop3A_431 = arith.ori %parallel_loop3A_384, %parallel_loop3A_387 : vector<16xi1>
        %parallel_loop3A_432 = arith.select %parallel_loop3A_431, %broadcast_in_dim3A_7, %parallel_loop3A_368 : vector<16xi1>, vector<16xf32>
        %parallel_loop3A_433 = arith.addf %parallel_loop3A_430, %parallel_loop3A_432 : vector<16xf32>
        %parallel_loop3A_434 = arith.select %parallel_loop3A_408, %parallel_loop3A_389, %broadcast_in_dim3A_7 : vector<16xi1>, vector<16xf32>
        %parallel_loop3A_435 = arith.addf %parallel_loop3A_433, %parallel_loop3A_434 : vector<16xf32>
        %parallel_loop3A_436 = arith.constant 1 : i32
        %parallel_loop3A_437 = arith.constant 2 : i32
        %parallel_loop3A_438 = arith.index_cast %parallel_loop3A_436 : i32 to index
        %parallel_loop3A_439 = arith.index_cast %parallel_loop3A_437 : i32 to index
        %parallel_loop3A_440 = arith.index_cast %parallel_loop3A_324 : i32 to index
        %parallel_loop3A_441 = tpu.vector_load %arg13[%parallel_loop3A_438, %parallel_loop3A_439, %parallel_loop3A_440] {strides = array<i32>} : memref<2x4x2048xf32, #tpu.memory_space<vmem>>, vector<16xf32>,
        tpu.vector_store %arg13[%parallel_loop3A_438, %parallel_loop3A_439, %parallel_loop3A_440], %parallel_loop3A_435 {strides = array<i32>} : memref<2x4x2048xf32, #tpu.memory_space<vmem>>, vector<16xf32>,
        %parallel_loop3A_442 = arith.select %parallel_loop3A_384, %parallel_loop3A_368, %broadcast_in_dim3A_7 : vector<16xi1>, vector<16xf32>
        %parallel_loop3A_443 = arith.select %parallel_loop3A_408, %broadcast_in_dim3A_7, %parallel_loop3A_389 : vector<16xi1>, vector<16xf32>
        %parallel_loop3A_444 = arith.addf %parallel_loop3A_442, %parallel_loop3A_443 : vector<16xf32>
        %parallel_loop3A_445 = arith.constant 1 : i32
        %parallel_loop3A_446 = arith.constant 3 : i32
        %parallel_loop3A_447 = arith.index_cast %parallel_loop3A_445 : i32 to index
        %parallel_loop3A_448 = arith.index_cast %parallel_loop3A_446 : i32 to index
        %parallel_loop3A_449 = arith.index_cast %parallel_loop3A_324 : i32 to index
        %parallel_loop3A_450 = tpu.vector_load %arg13[%parallel_loop3A_447, %parallel_loop3A_448, %parallel_loop3A_449] {strides = array<i32>} : memref<2x4x2048xf32, #tpu.memory_space<vmem>>, vector<16xf32>,
        tpu.vector_store %arg13[%parallel_loop3A_447, %parallel_loop3A_448, %parallel_loop3A_449], %parallel_loop3A_444 {strides = array<i32>} : memref<2x4x2048xf32, #tpu.memory_space<vmem>>, vector<16xf32>,
      } {sc.loop_unroll_factor = 2 : i64, sc.parallel_access}
      %parallel_loop3A_310 = arith.constant 32 : i32
      %parallel_loop3A_311 = arith.constant 64 : i32
      %parallel_loop3A_312 = arith.constant 1 : i32
      scf.for %parallel_loop3A_322 = %parallel_loop3A_310 to %parallel_loop3A_311 step %parallel_loop3A_312  : i32 {
        %parallel_loop3A_323 = arith.constant 16 : i32
        %parallel_loop3A_324 = arith.muli %parallel_loop3A_322, %parallel_loop3A_323 : i32
        %parallel_loop3A_325 = arith.index_cast %parallel_loop3A_324 : i32 to index
        %parallel_loop3A_326 = tpu.vector_load %arg10[%parallel_loop3A_325] {strides = array<i32>} : memref<1040xf32, #tpu.memory_space<vmem>>, vector<16xf32>,
        %parallel_loop3A_327 = arith.constant 1 : i32
        %parallel_loop3A_328 = arith.addi %parallel_loop3A_324, %parallel_loop3A_327 : i32
        %parallel_loop3A_329 = vector.broadcast %parallel_loop3A_328 : i32 to vector<16xi32>
        %parallel_loop3A_330 = arith.addi %parallel_loop3A_329, %iota3A : vector<16xi32>
        %parallel_loop3A_331 = tpu.vector_load_idx %arg10[%parallel_loop3A_330] : memref<1040xf32, #tpu.memory_space<vmem>>[vector<16xi32>], vector<16xf32>,
        %parallel_loop3A_332 = vector.bitcast %parallel_loop3A_326 : vector<16xf32> to vector<16xi32>
        %parallel_loop3A_333 = arith.constant 0 : i32
        %parallel_loop3A_334 = vector.broadcast %parallel_loop3A_333 : i32 to vector<16xi32>
        %parallel_loop3A_335 = arith.cmpi slt, %parallel_loop3A_332, %parallel_loop3A_334 : vector<16xi32>
        %parallel_loop3A_336 = vector.bitcast %parallel_loop3A_331 : vector<16xf32> to vector<16xi32>
        %parallel_loop3A_337 = arith.constant 0 : i32
        %parallel_loop3A_338 = vector.broadcast %parallel_loop3A_337 : i32 to vector<16xi32>
        %parallel_loop3A_339 = arith.cmpi slt, %parallel_loop3A_336, %parallel_loop3A_338 : vector<16xi32>
        %parallel_loop3A_340 = arith.constant dense<true> : vector<16xi1>
        %parallel_loop3A_341 = arith.xori %parallel_loop3A_335, %parallel_loop3A_340 : vector<16xi1>
        %parallel_loop3A_342 = arith.andi %parallel_loop3A_339, %parallel_loop3A_341 : vector<16xi1>
        %parallel_loop3A_343 = arith.constant dense<true> : vector<16xi1>
        %parallel_loop3A_344 = arith.xori %parallel_loop3A_339, %parallel_loop3A_343 : vector<16xi1>
        %parallel_loop3A_345 = arith.andi %parallel_loop3A_335, %parallel_loop3A_344 : vector<16xi1>
        %parallel_loop3A_346 = arith.index_cast %parallel_loop3A_324 : i32 to index
        %parallel_loop3A_347 = tpu.vector_load %arg11[%parallel_loop3A_346] {strides = array<i32>} : memref<2064xf32, #tpu.memory_space<vmem>>, vector<16xf32>,
        %parallel_loop3A_348 = arith.constant 1 : i32
        %parallel_loop3A_349 = arith.addi %parallel_loop3A_324, %parallel_loop3A_348 : i32
        %parallel_loop3A_350 = vector.broadcast %parallel_loop3A_349 : i32 to vector<16xi32>
        %parallel_loop3A_351 = arith.addi %parallel_loop3A_350, %iota3A : vector<16xi32>
        %parallel_loop3A_352 = tpu.vector_load_idx %arg11[%parallel_loop3A_351] : memref<2064xf32, #tpu.memory_space<vmem>>[vector<16xi32>], vector<16xf32>,
        %parallel_loop3A_353 = vector.bitcast %parallel_loop3A_347 : vector<16xf32> to vector<16xi32>
        %parallel_loop3A_354 = arith.constant 0 : i32
        %parallel_loop3A_355 = vector.broadcast %parallel_loop3A_354 : i32 to vector<16xi32>
        %parallel_loop3A_356 = arith.cmpi slt, %parallel_loop3A_353, %parallel_loop3A_355 : vector<16xi32>
        %parallel_loop3A_357 = vector.bitcast %parallel_loop3A_352 : vector<16xf32> to vector<16xi32>
        %parallel_loop3A_358 = arith.constant 0 : i32
        %parallel_loop3A_359 = vector.broadcast %parallel_loop3A_358 : i32 to vector<16xi32>
        %parallel_loop3A_360 = arith.cmpi slt, %parallel_loop3A_357, %parallel_loop3A_359 : vector<16xi32>
        %parallel_loop3A_361 = arith.constant dense<true> : vector<16xi1>
        %parallel_loop3A_362 = arith.xori %parallel_loop3A_356, %parallel_loop3A_361 : vector<16xi1>
        %parallel_loop3A_363 = arith.andi %parallel_loop3A_360, %parallel_loop3A_362 : vector<16xi1>
        %parallel_loop3A_364 = arith.constant dense<true> : vector<16xi1>
        %parallel_loop3A_365 = arith.xori %parallel_loop3A_360, %parallel_loop3A_364 : vector<16xi1>
        %parallel_loop3A_366 = arith.andi %parallel_loop3A_356, %parallel_loop3A_365 : vector<16xi1>
        %parallel_loop3A_367 = arith.constant 1 : i32
        %parallel_loop3A_368 = arith.constant 0 : i32
        %parallel_loop3A_369 = arith.index_cast %parallel_loop3A_367 : i32 to index
        %parallel_loop3A_370 = arith.index_cast %parallel_loop3A_368 : i32 to index
        %parallel_loop3A_371 = arith.index_cast %parallel_loop3A_324 : i32 to index
        %parallel_loop3A_372 = tpu.vector_load %arg13[%parallel_loop3A_369, %parallel_loop3A_370, %parallel_loop3A_371] {strides = array<i32>} : memref<2x4x2048xf32, #tpu.memory_space<vmem>>, vector<16xf32>,
        tpu.vector_store %arg13[%parallel_loop3A_369, %parallel_loop3A_370, %parallel_loop3A_371], %mul3A_287 {strides = array<i32>} : memref<2x4x2048xf32, #tpu.memory_space<vmem>>, vector<16xf32>,
        %parallel_loop3A_373 = arith.select %parallel_loop3A_345, %parallel_loop3A_326, %broadcast_in_dim3A_7 : vector<16xi1>, vector<16xf32>
        %parallel_loop3A_374 = arith.addf %mul3A_291, %parallel_loop3A_373 : vector<16xf32>
        %parallel_loop3A_375 = arith.constant 1 : i32
        %parallel_loop3A_376 = arith.constant 1 : i32
        %parallel_loop3A_377 = arith.index_cast %parallel_loop3A_375 : i32 to index
        %parallel_loop3A_378 = arith.index_cast %parallel_loop3A_376 : i32 to index
        %parallel_loop3A_379 = arith.index_cast %parallel_loop3A_324 : i32 to index
        %parallel_loop3A_380 = tpu.vector_load %arg13[%parallel_loop3A_377, %parallel_loop3A_378, %parallel_loop3A_379] {strides = array<i32>} : memref<2x4x2048xf32, #tpu.memory_space<vmem>>, vector<16xf32>,
        tpu.vector_store %arg13[%parallel_loop3A_377, %parallel_loop3A_378, %parallel_loop3A_379], %parallel_loop3A_374 {strides = array<i32>} : memref<2x4x2048xf32, #tpu.memory_space<vmem>>, vector<16xf32>,
        %parallel_loop3A_381 = arith.ori %parallel_loop3A_342, %parallel_loop3A_345 : vector<16xi1>
        %parallel_loop3A_382 = arith.select %parallel_loop3A_381, %broadcast_in_dim3A_7, %parallel_loop3A_326 : vector<16xi1>, vector<16xf32>
        %parallel_loop3A_383 = arith.select %parallel_loop3A_366, %parallel_loop3A_347, %broadcast_in_dim3A_7 : vector<16xi1>, vector<16xf32>
        %parallel_loop3A_384 = arith.addf %parallel_loop3A_382, %parallel_loop3A_383 : vector<16xf32>
        %parallel_loop3A_385 = arith.constant 1 : i32
        %parallel_loop3A_386 = arith.constant 2 : i32
        %parallel_loop3A_387 = arith.index_cast %parallel_loop3A_385 : i32 to index
        %parallel_loop3A_388 = arith.index_cast %parallel_loop3A_386 : i32 to index
        %parallel_loop3A_389 = arith.index_cast %parallel_loop3A_324 : i32 to index
        %parallel_loop3A_390 = tpu.vector_load %arg13[%parallel_loop3A_387, %parallel_loop3A_388, %parallel_loop3A_389] {strides = array<i32>} : memref<2x4x2048xf32, #tpu.memory_space<vmem>>, vector<16xf32>,
        tpu.vector_store %arg13[%parallel_loop3A_387, %parallel_loop3A_388, %parallel_loop3A_389], %parallel_loop3A_384 {strides = array<i32>} : memref<2x4x2048xf32, #tpu.memory_space<vmem>>, vector<16xf32>,
        %parallel_loop3A_391 = arith.select %parallel_loop3A_342, %parallel_loop3A_326, %broadcast_in_dim3A_7 : vector<16xi1>, vector<16xf32>
        %parallel_loop3A_392 = arith.select %parallel_loop3A_366, %broadcast_in_dim3A_7, %parallel_loop3A_347 : vector<16xi1>, vector<16xf32>
        %parallel_loop3A_393 = arith.addf %parallel_loop3A_391, %parallel_loop3A_392 : vector<16xf32>
        %parallel_loop3A_394 = arith.constant 1 : i32
        %parallel_loop3A_395 = arith.constant 3 : i32
        %parallel_loop3A_396 = arith.index_cast %parallel_loop3A_394 : i32 to index
        %parallel_loop3A_397 = arith.index_cast %parallel_loop3A_395 : i32 to index
        %parallel_loop3A_398 = arith.index_cast %parallel_loop3A_324 : i32 to index
        %parallel_loop3A_399 = tpu.vector_load %arg13[%parallel_loop3A_396, %parallel_loop3A_397, %parallel_loop3A_398] {strides = array<i32>} : memref<2x4x2048xf32, #tpu.memory_space<vmem>>, vector<16xf32>,
        tpu.vector_store %arg13[%parallel_loop3A_396, %parallel_loop3A_397, %parallel_loop3A_398], %parallel_loop3A_393 {strides = array<i32>} : memref<2x4x2048xf32, #tpu.memory_space<vmem>>, vector<16xf32>,
      } {sc.loop_unroll_factor = 2 : i64, sc.parallel_access}
      %parallel_loop3A_313 = arith.constant 64 : i32
      %parallel_loop3A_314 = arith.constant 128 : i32
      %parallel_loop3A_315 = arith.constant 1 : i32
      scf.for %parallel_loop3A_322 = %parallel_loop3A_313 to %parallel_loop3A_314 step %parallel_loop3A_315  : i32 {
        %parallel_loop3A_323 = arith.constant 16 : i32
        %parallel_loop3A_324 = arith.muli %parallel_loop3A_322, %parallel_loop3A_323 : i32
        %parallel_loop3A_325 = arith.index_cast %parallel_loop3A_324 : i32 to index
        %parallel_loop3A_326 = tpu.vector_load %arg11[%parallel_loop3A_325] {strides = array<i32>} : memref<2064xf32, #tpu.memory_space<vmem>>, vector<16xf32>,
        %parallel_loop3A_327 = arith.constant 1 : i32
        %parallel_loop3A_328 = arith.addi %parallel_loop3A_324, %parallel_loop3A_327 : i32
        %parallel_loop3A_329 = vector.broadcast %parallel_loop3A_328 : i32 to vector<16xi32>
        %parallel_loop3A_330 = arith.addi %parallel_loop3A_329, %iota3A : vector<16xi32>
        %parallel_loop3A_331 = tpu.vector_load_idx %arg11[%parallel_loop3A_330] : memref<2064xf32, #tpu.memory_space<vmem>>[vector<16xi32>], vector<16xf32>,
        %parallel_loop3A_332 = vector.bitcast %parallel_loop3A_326 : vector<16xf32> to vector<16xi32>
        %parallel_loop3A_333 = arith.constant 0 : i32
        %parallel_loop3A_334 = vector.broadcast %parallel_loop3A_333 : i32 to vector<16xi32>
        %parallel_loop3A_335 = arith.cmpi slt, %parallel_loop3A_332, %parallel_loop3A_334 : vector<16xi32>
        %parallel_loop3A_336 = vector.bitcast %parallel_loop3A_331 : vector<16xf32> to vector<16xi32>
        %parallel_loop3A_337 = arith.constant 0 : i32
        %parallel_loop3A_338 = vector.broadcast %parallel_loop3A_337 : i32 to vector<16xi32>
        %parallel_loop3A_339 = arith.cmpi slt, %parallel_loop3A_336, %parallel_loop3A_338 : vector<16xi32>
        %parallel_loop3A_340 = arith.constant dense<true> : vector<16xi1>
        %parallel_loop3A_341 = arith.xori %parallel_loop3A_335, %parallel_loop3A_340 : vector<16xi1>
        %parallel_loop3A_342 = arith.andi %parallel_loop3A_339, %parallel_loop3A_341 : vector<16xi1>
        %parallel_loop3A_343 = arith.constant dense<true> : vector<16xi1>
        %parallel_loop3A_344 = arith.xori %parallel_loop3A_339, %parallel_loop3A_343 : vector<16xi1>
        %parallel_loop3A_345 = arith.andi %parallel_loop3A_335, %parallel_loop3A_344 : vector<16xi1>
        %parallel_loop3A_346 = arith.constant 1 : i32
        %parallel_loop3A_347 = arith.constant 0 : i32
        %parallel_loop3A_348 = arith.index_cast %parallel_loop3A_346 : i32 to index
        %parallel_loop3A_349 = arith.index_cast %parallel_loop3A_347 : i32 to index
        %parallel_loop3A_350 = arith.index_cast %parallel_loop3A_324 : i32 to index
        %parallel_loop3A_351 = tpu.vector_load %arg13[%parallel_loop3A_348, %parallel_loop3A_349, %parallel_loop3A_350] {strides = array<i32>} : memref<2x4x2048xf32, #tpu.memory_space<vmem>>, vector<16xf32>,
        tpu.vector_store %arg13[%parallel_loop3A_348, %parallel_loop3A_349, %parallel_loop3A_350], %mul3A_287 {strides = array<i32>} : memref<2x4x2048xf32, #tpu.memory_space<vmem>>, vector<16xf32>,
        %parallel_loop3A_352 = arith.constant 1 : i32
        %parallel_loop3A_353 = arith.constant 1 : i32
        %parallel_loop3A_354 = arith.index_cast %parallel_loop3A_352 : i32 to index
        %parallel_loop3A_355 = arith.index_cast %parallel_loop3A_353 : i32 to index
        %parallel_loop3A_356 = arith.index_cast %parallel_loop3A_324 : i32 to index
        %parallel_loop3A_357 = tpu.vector_load %arg13[%parallel_loop3A_354, %parallel_loop3A_355, %parallel_loop3A_356] {strides = array<i32>} : memref<2x4x2048xf32, #tpu.memory_space<vmem>>, vector<16xf32>,
        tpu.vector_store %arg13[%parallel_loop3A_354, %parallel_loop3A_355, %parallel_loop3A_356], %mul3A_291 {strides = array<i32>} : memref<2x4x2048xf32, #tpu.memory_space<vmem>>, vector<16xf32>,
        %parallel_loop3A_358 = arith.select %parallel_loop3A_345, %parallel_loop3A_326, %broadcast_in_dim3A_7 : vector<16xi1>, vector<16xf32>
        %parallel_loop3A_359 = arith.addf %mul3A_295, %parallel_loop3A_358 : vector<16xf32>
        %parallel_loop3A_360 = arith.constant 1 : i32
        %parallel_loop3A_361 = arith.constant 2 : i32
        %parallel_loop3A_362 = arith.index_cast %parallel_loop3A_360 : i32 to index
        %parallel_loop3A_363 = arith.index_cast %parallel_loop3A_361 : i32 to index
        %parallel_loop3A_364 = arith.index_cast %parallel_loop3A_324 : i32 to index
        %parallel_loop3A_365 = tpu.vector_load %arg13[%parallel_loop3A_362, %parallel_loop3A_363, %parallel_loop3A_364] {strides = array<i32>} : memref<2x4x2048xf32, #tpu.memory_space<vmem>>, vector<16xf32>,
        tpu.vector_store %arg13[%parallel_loop3A_362, %parallel_loop3A_363, %parallel_loop3A_364], %parallel_loop3A_359 {strides = array<i32>} : memref<2x4x2048xf32, #tpu.memory_space<vmem>>, vector<16xf32>,
        %parallel_loop3A_366 = arith.select %parallel_loop3A_345, %broadcast_in_dim3A_7, %parallel_loop3A_326 : vector<16xi1>, vector<16xf32>
        %parallel_loop3A_367 = arith.constant 1 : i32
        %parallel_loop3A_368 = arith.constant 3 : i32
        %parallel_loop3A_369 = arith.index_cast %parallel_loop3A_367 : i32 to index
        %parallel_loop3A_370 = arith.index_cast %parallel_loop3A_368 : i32 to index
        %parallel_loop3A_371 = arith.index_cast %parallel_loop3A_324 : i32 to index
        %parallel_loop3A_372 = tpu.vector_load %arg13[%parallel_loop3A_369, %parallel_loop3A_370, %parallel_loop3A_371] {strides = array<i32>} : memref<2x4x2048xf32, #tpu.memory_space<vmem>>, vector<16xf32>,
        tpu.vector_store %arg13[%parallel_loop3A_369, %parallel_loop3A_370, %parallel_loop3A_371], %parallel_loop3A_366 {strides = array<i32>} : memref<2x4x2048xf32, #tpu.memory_space<vmem>>, vector<16xf32>,
      } {sc.loop_unroll_factor = 8 : i64, sc.parallel_access}
      %dma_start3A_316 = arith.constant 0 : i32
      %dma_start3A_317 = arith.constant 0 : i32
      %dma_start3A_318 = tpu.memref_slice %arg3[%add3A_193, %dma_start3A_316, %dma_start3A_317] : memref<2048x4x2048xf32, #tpu.memory_space<hbm>> -> memref<2x4x2048xf32, #tpu.memory_space<hbm>>
      %dma_start3A_319 = arith.constant 0 : i32
      %dma_start3A_320 = arith.constant 0 : i32
      %dma_start3A_321 = tpu.memref_slice %arg3[%add3A_193, %dma_start3A_319, %dma_start3A_320] : memref<2048x4x2048xf32, #tpu.memory_space<hbm>> -> memref<2x4x2048xf32, #tpu.memory_space<hbm>>
      tpu.enqueue_dma source(%arg13 : memref<2x4x2048xf32, #tpu.memory_space<vmem>>) target(%dma_start3A_321 : memref<2x4x2048xf32, #tpu.memory_space<hbm>>) target_semaphore(%arg17 : memref<!tpu.dma_semaphore, #tpu.memory_space<semaphore_mem>>)
    }
    %scan3A_39 = arith.constant 16 : i32
    %add3A_40 = arith.constant 64 : i32
    %add3A_41 = arith.addi %mul3A_2, %add3A_40 : i32
    %sub3A = arith.constant 4 : i32
    %sub3A_42 = arith.subi %add3A_41, %sub3A : i32
    %dma_wait3A = arith.constant 0 : i32
    %dma_wait3A_43 = arith.constant 0 : i32
    %dma_wait3A_44 = tpu.memref_slice %arg3[%sub3A_42, %dma_wait3A, %dma_wait3A_43] : memref<2048x4x2048xf32, #tpu.memory_space<hbm>> -> memref<2x4x2048xf32, #tpu.memory_space<hbm>>
    %dma_wait3A_45 = arith.constant 0 : i32
    %dma_wait3A_46 = arith.constant 0 : i32
    %dma_wait3A_47 = tpu.memref_slice %arg3[%sub3A_42, %dma_wait3A_45, %dma_wait3A_46] : memref<2048x4x2048xf32, #tpu.memory_space<hbm>> -> memref<2x4x2048xf32, #tpu.memory_space<hbm>>
    tpu.wait_dma2 semaphore(%arg16 : memref<!tpu.dma_semaphore, #tpu.memory_space<semaphore_mem>>) src(%arg12 : memref<2x4x2048xf32, #tpu.memory_space<vmem>>) dst(%dma_wait3A_47 : memref<2x4x2048xf32, #tpu.memory_space<hbm>>)
    %add3A_48 = arith.constant 64 : i32
    %add3A_49 = arith.addi %mul3A_2, %add3A_48 : i32
    %sub3A_50 = arith.constant 2 : i32
    %sub3A_51 = arith.subi %add3A_49, %sub3A_50 : i32
    %dma_wait3A_52 = arith.constant 0 : i32
    %dma_wait3A_53 = arith.constant 0 : i32
    %dma_wait3A_54 = tpu.memref_slice %arg3[%sub3A_51, %dma_wait3A_52, %dma_wait3A_53] : memref<2048x4x2048xf32, #tpu.memory_space<hbm>> -> memref<2x4x2048xf32, #tpu.memory_space<hbm>>
    %dma_wait3A_55 = arith.constant 0 : i32
    %dma_wait3A_56 = arith.constant 0 : i32
    %dma_wait3A_57 = tpu.memref_slice %arg3[%sub3A_51, %dma_wait3A_55, %dma_wait3A_56] : memref<2048x4x2048xf32, #tpu.memory_space<hbm>> -> memref<2x4x2048xf32, #tpu.memory_space<hbm>>
    tpu.wait_dma2 semaphore(%arg17 : memref<!tpu.dma_semaphore, #tpu.memory_space<semaphore_mem>>) src(%arg13 : memref<2x4x2048xf32, #tpu.memory_space<vmem>>) dst(%dma_wait3A_57 : memref<2x4x2048xf32, #tpu.memory_space<hbm>>)
    return
  }
}

</mosaic_0001>

<sc_bundles>
// kernel: _sst_sc.3.cloned.1.call-start
scs
__scs_entry_jumppad:
0x0: {  	(pc) =	sbr.rel $0x88, $3  }
0x1: {  	(tag) =	ssettag $0x0;
	lr =	simm.s32 $0x1  }
0x2: {  	[smem:$0x3FA0] =	sst lr;
	_ =	strace $0xD0000000  }
0x3: {  	_ = 	snop  }
0x4: {  	_ = 	snop  }
0x5: {  	_ = 	snop  }
0x6: {  	_ = 	snop  }
0x7: {  	_ = 	snop  }
__scs_overlays_trampoline_lowered:
0x8: {  	[smem:$0x3FAF] =	sst s0  }
0x9: {  	[smem:$0x3FB0] =	sst s1  }
0xa: {  	[smem:$0x3FB1] =	sst s2  }
0xb: {  	[smem:$0x3FB2] =	sst s3  }
0xc: {  	[smem:$0x3FB3] =	sst s4  }
0xd: {  	[smem:$0x3FB4] =	sst s5  }
0xe: {  	[smem:$0x3FB5] =	sst s6  }
0xf: {  	[smem:$0x3FB6] =	sst s7  }
0x10: {  	[smem:$0x3FB7] =	sst s8  }
0x11: {  	[smem:$0x3FB8] =	sst s9;
	s0 =	simm.s32 @!p0 $0x0  }
0x12: {  	s1 =	sld [smem:$0x3F9E];
	s0 =	simm.s32 @p0 $0x1  }
0x13: {  	[smem:$0x3FB9] =	sst s0;
	s0 =	simm.s32 @!p1 $0x0  }
0x14: {  	s2 =	sld [smem:$0x3F9D];
	s0 =	simm.s32 @p1 $0x1  }
0x15: {  	[smem:$0x3FBA] =	sst s0;
	s0 =	simm.s32 @!p2 $0x0  }
0x16: {  	s3 =	sld [smem:$0x3FDB];
	s0 =	simm.s32 @p2 $0x1  }
0x17: {  	s4 =	simm.s32 $0x1BF5;
	[smem:$0x3FBC] =	sst s0  }
0x18: {  	s0 =	sld [smem:$0x3F9F];
	_ =	swait.ge [sflag:s4], $0x0  }
0x19: {  	s7 =	sld [smem:$0x3FA0]  }
0x1a: {  	s8 =	sadd.s32 $0xFFFFE003, lr  }
0x1b: {  	s9 =	sadd.s32 $0xFFFFFEF7, lr;
	s5 =	simm.s32 $0xFFFFFFFF;
	p2 =	slt.u32 s8, $0xFFFFF086  }
0x1c: {  	p1 =	slt.u32 s9, $0xF7A;
	s5 =	simm.s32 @!p2 $0x0  }
0x1d: {  	s5 =	simm.s32 @p1 $0x1;
	p0 =	seq.s32 s7, s2  }
0x1e: {  	s7 =	smul.u32 @!p0 $0xF7A, s2;
	p2 =	seq.s32 @!p0 s5, $0x0  }
0x1f: {  	s9 =	smul.u32 $0xF7A, s1;
	s8 =	simm.s32 @!p0 $0x1BF5;
	p2 =	por !p2, p0  }
0x20: {  	[sflag:s8] =	ssyncset.s32 @!p0 $0xFFFFF086;
	s6 =	sadd.s32 @!p0 s3, s7;
	s7 =	simm.s32 @!p0 $0x108  }
0x21: {  	s3 =	sadd.s32 s3, s9;
	s6 =	sadd.s32 @!p0 $0x88, s6;
	s7 =	simm.s32 @p2 $0x1082  }
0x22: {  	[simem:s7], [sflag:s8] =	dma.local @!p0 [hbm:s6], $0xF7A  }
0x23: {  	s9 =	sor.u32 $0xD0000000, s2;
	s6 =	simm.s32 $0x108;
	_ =	swait.ge @!p0 [sflag:s8], $0x0  }
0x24: {  	s3 =	sadd.s32 $0x88, s3;
	s6 =	simm.s32 @!p1 $0x1082;
	[sflag:s4] =	ssyncset.s32 $0xFFFFF086  }
0x25: {  	[simem:s6], [sflag:s4] =	dma.local [hbm:s3], $0xF7A  }
0x26: {  	[smem:$0x3FA0] =	sst s1;
	(tag) =	ssettag s2;
	_ =	strace s9  }
0x27: {  	s1 =	sld [smem:$0x3FB0]  }
0x28: {  	s2 =	sld [smem:$0x3FB1]  }
0x29: {  	s4 =	sld [smem:$0x3FB3]  }
0x2a: {  	p0 =	seq.s32 s5, $0x0;
	s5 =	sld [smem:$0x3FB4]  }
0x2b: {  	s6 =	sld [smem:$0x3FB5]  }
0x2c: {  	s7 =	sld [smem:$0x3FB6]  }
0x2d: {  	s3 =	simm.s32 $0x108;
	s8 =	sld [smem:$0x3FB7]  }
0x2e: {  	s3 =	simm.s32 @!p0 $0x1082;
	s9 =	sld [smem:$0x3FB8]  }
0x2f: {  	lr =	sadd.s32 s0, s3;
	s0 =	sld [smem:$0x3FAF]  }
0x30: {  	s3 =	sld [smem:$0x3FB2]  }
0x31: {  	[smem:$0x3FBB] =	sst s10  }
0x32: {  	s10 =	sld [smem:$0x3FB9];
	_ =	sdelay $0x3  }
0x33: {  	p0 =	seq.s32 s10, $0x1;
	s10 =	sld [smem:$0x3FBB];
	_ =	sdelay $0x3  }
0x34: {  	[smem:$0x3FBB] =	sst s10  }
0x35: {  	s10 =	sld [smem:$0x3FBA];
	_ =	sdelay $0x3  }
0x36: {  	p1 =	seq.s32 s10, $0x1;
	s10 =	sld [smem:$0x3FBB];
	_ =	sdelay $0x3  }
0x37: {  	[smem:$0x3FBB] =	sst s10  }
0x38: {  	s10 =	sld [smem:$0x3FBC]  }
0x39: {  	_ = 	snop;
	(pc) =	sbr.ind lr, $3  }
0x3a: {  	_ = 	snop  }
0x3b: {  	_ = 	snop  }
0x3c: {  	p2 =	seq.s32 s10, $0x1;
	s10 =	sld [smem:$0x3FBB]  }
0x3d: {  	_ =	shalt  }
0x3e: {  	_ =	shalt  }
0x3f: {  	_ =	shalt  }
0x40: {  	_ =	shalt  }
0x41: {  	_ =	shalt  }
0x42: {  	_ =	shalt  }
0x43: {  	_ =	shalt  }
0x44: {  	_ =	shalt  }
0x45: {  	_ =	shalt  }
0x46: {  	_ =	shalt  }
0x47: {  	_ =	shalt  }
0x48: {  	_ =	shalt  }
0x49: {  	_ =	shalt  }
0x4a: {  	_ =	shalt  }
0x4b: {  	_ =	shalt  }
0x4c: {  	_ =	shalt  }
0x4d: {  	_ =	shalt  }
0x4e: {  	_ =	shalt  }
0x4f: {  	_ =	shalt  }
0x50: {  	_ =	shalt  }
0x51: {  	_ =	shalt  }
0x52: {  	_ =	shalt  }
0x53: {  	_ =	shalt  }
0x54: {  	_ =	shalt  }
0x55: {  	_ =	shalt  }
0x56: {  	_ =	shalt  }
0x57: {  	_ =	shalt  }
0x58: {  	_ =	shalt  }
0x59: {  	_ =	shalt  }
0x5a: {  	_ =	shalt  }
0x5b: {  	_ =	shalt  }
0x5c: {  	_ =	shalt  }
0x5d: {  	_ =	shalt  }
0x5e: {  	_ =	shalt  }
0x5f: {  	_ =	shalt  }
0x60: {  	_ =	shalt  }
0x61: {  	_ =	shalt  }
0x62: {  	_ =	shalt  }
0x63: {  	_ =	shalt  }
0x64: {  	_ =	shalt  }
0x65: {  	_ =	shalt  }
0x66: {  	_ =	shalt  }
0x67: {  	_ =	shalt  }
0x68: {  	_ =	shalt  }
0x69: {  	_ =	shalt  }
0x6a: {  	_ =	shalt  }
0x6b: {  	_ =	shalt  }
0x6c: {  	_ =	shalt  }
0x6d: {  	_ =	shalt  }
0x6e: {  	_ =	shalt  }
0x6f: {  	_ =	shalt  }
0x70: {  	_ =	shalt  }
0x71: {  	_ =	shalt  }
0x72: {  	_ =	shalt  }
0x73: {  	_ =	shalt  }
0x74: {  	_ =	shalt  }
0x75: {  	_ =	shalt  }
0x76: {  	_ =	shalt  }
0x77: {  	_ =	shalt  }
0x78: {  	_ =	shalt  }
0x79: {  	_ =	shalt  }
0x7a: {  	_ =	shalt  }
0x7b: {  	_ =	shalt  }
0x7c: {  	_ =	shalt  }
0x7d: {  	_ =	shalt  }
0x7e: {  	_ =	shalt  }
0x7f: {  	_ =	shalt  }
0x80: {  	_ =	shalt  }
0x81: {  	_ =	shalt  }
0x82: {  	_ =	shalt  }
0x83: {  	_ =	shalt  }
0x84: {  	_ =	shalt  }
0x85: {  	_ =	shalt  }
0x86: {  	_ =	shalt  }
0x87: {  	_ =	shalt  }
.Lfunc_end0:
.L_simem_size_0:
called_computation_lowered:
.L_overlay_start_0:
0x88: {  	s2 =	sld [smem:$0x3FD9]  }
0x89: {  	s3 =	sld [smem:$0x3FFE];
	_ =	sdelay $0x1  }
0x8a: {  	s1 =	srdreg.scid  }
0x8b: {  	s0 =	sand.u32 $0x1, s1  }
0x8c: {  	s18 =	sshll.u32 s0, $0xA;
	s2 =	sadd.s32 s3, s2  }
0x8d: {  	s2 =	sadd.s32 s2, s18  }
0x8e: {  	[smem:$0x3FC7] =	sst s2  }
0x8f: {  	_ = 	snop  }
0x90: {  	s2 =	sld [smem:$0x3FC9]  }
0x91: {  	s19 =	sld [smem:$0x3FD0];
	(tm) =	ssettm $0x1  }
0x92: {  	s4 =	sld [smem:$0x3FFB];
	_ =	sdelay $0x3  }
0x93: {  	_ =	strace s4  }
0x94: {  	s4 =	sld [smem:$0x3FFC];
	_ =	sdelay $0x3  }
0x95: {  	_ =	strace s4  }
0x96: {  	s4 =	sld [smem:$0x3FFD];
	_ =	sdelay $0x3  }
0x97: {  	_ =	strace s4  }
0x98: {  	_ =	strace $0x8FFFFFFF  }
0x99: {  	s20 =	sld [smem:$0x3FDB];
	_ =	sdelay $0x1  }
0x9a: {  	s5 =	simm.s32 $_scs_section_size  }
0x9b: {  	s6 =	simm.s32 $_size__tile_overlayer_lowered;
	s7 =	simm.s32 $_tile_overlayer_lowered  }
0x9c: {  	s23 =	simm.s32 $0x1BFF;
	s22 =	sshll.u32 s7, $0x1;
	s4 =	sadd.s32 s5, s20  }
0x9d: {  	s8 =	simm.s32 $0x0;
	s21 =	sshll.u32 s6, $0x1;
	s6 =	sadd.s32 s22, s4  }
0x9e: {  	[timem:s8], [sflag:s23] =	dma.local [hbm:s6], s21  }
0x9f: {  	_ =	swait.ge [sflag:s23], s21  }
0xa0: {  	s5 =	ssub.s32 $0x0, s21;
	[sflag:s23] =	ssyncset.done $0x0  }
0xa1: {  	[sflag:s23] =	ssyncadd.s32 s5;
	_ =	sdelay $0x1  }
0xa2: {  	s24 =	simm.s32 $0x1B8B  }
0xa3: {  	_ =	swait.ge [sflag:s24], $0x1  }
0xa4: {  	[sflag:s24] =	ssyncset.done $0x0  }
0xa5: {  	s25 =	simm.s32 $0x1B8E;
	[sflag:s24] =	ssyncadd.s32 $0xFFFFFFFF  }
0xa6: {  	s26 =	simm.s32 $execute0_lowered;
	[smem:$0x3FD2] =	sst s25  }
0xa7: {  	s5 =	sshll.u32 s26, $0x1;
	_ =	strace $0x80000046;
	[dreg:$0x1] =	wrdreg $0xFFFFFFFF  }
0xa8: {  	s28 =	simm.s32 $_size_execute0_lowered;
	s4 =	sadd.s32 s4, s5;
	[dreg:$0x0] =	wrdreg $0x0  }
0xa9: {  	s5 =	sshll.u32 s28, $0x1;
	[dreg:$0x2] =	wrdreg s4  }
0xaa: {  	[dreg:$0x3] =	wrdreg s5  }
0xab: {  	[dreg:$0x4] =	wrdreg $0xC0  }
0xac: {  	_ =	task [dreg:s8], $0x5FFFF  }
0xad: {  	[dreg:$0x1] =	wrdreg $0xFFFFFFFF  }
0xae: {  	[dreg:$0x0] =	wrdreg $0x60  }
0xaf: {  	[dreg:$0x2] =	wrdreg s2  }
0xb0: {  	[dreg:$0x3] =	wrdreg s19  }
0xb1: {  	[dreg:$0x4] =	wrdreg $0x9  }
0xb2: {  	_ =	task.clear_ibuf [dreg:s8], $0x5FFFF;
	_ =	strace $0x90000046  }
0xb3: {  	s29 =	simm.s32 $0x9;
	_ =	strace $0x80000048  }
0xb4: {  	_ =	swait.ge [sflag:s29], $0x1  }
0xb5: {  	[sflag:s29] =	ssyncadd.s32 $0xFFFFFFFF  }
0xb6: {  	_ =	strace $0x90000048  }
0xb7: {  	_ =	sfence  }
0xb8: {  	s30 =	sld [smem:$0x0];
	_ =	sdelay $0x2  }
0xb9: {  	s31 =	sshll.u32 s1, $0xD;
	s1 =	sshrl.u32 s1, $0x2  }
0xba: {  	s3 =	sand.u32 $0x4000, s31;
	s1 =	sadd.s32 s1, s30  }
0xbb: {  	s0 =	sor.u32 s3, s0;
	s1 =	sshll.u32 s1, $0x11  }
0xbc: {  	s0 =	sor.u32 s1, s0  }
0xbd: {  	s0 =	sadd.s32 $0x8F2B, s0  }
0xbe: {  	[sflag:s0] =	ssyncadd.remote.s32 $0x1  }
0xbf: {  	_ =	sfence.sel $0xFFFF  }
0xc0: {  	[dreg:$0x0] =	wrdreg $0xFFFFFFFF;
	(pc) =	sbr.abs _section_cstart, $3  }
0xc1: {  	[dreg:$0x1] =	wrdreg $0xFFFFFFFF  }
0xc2: {  	_ =	task.clear_ibuf [dreg:s8], $0x2FFFF;
	_ =	strace $0x9FFFFFFF  }
0xc3: {  	(tm) =	ssettm $0x7FFFFFFF  }
tec
execute0_lowered:
.L_overlay_start_1:
0x0: {  	(tag) =	ssettag $0x1  }
0x1: {  	s2 =	rddreg [dreg:$0x0]  }
0x2: {  	s3 =	rddreg [dreg:$0x1]  }
0x3: {  	s0 =	srdreg.scid;
	s4 =	stileid.u32;
	s10 =	simm.s32 $0x1  }
0x4: {  	s11 =	simm.s32 $0x2000;
	s12 =	simm.s32 $0x4000;
	s13 =	simm.s32 $0x4D80  }
0x5: {  	s14 =	simm.s32 $0x4400;
	s15 =	simm.s32 $0x4680;
	s0 =	sand.u32 $0x1, s0  }
0x6: {  	v0 =	vlaneseq.u32;
	s5 =	sshll.u32 s4, $0x7;
	s1 =	ssub.s32 $0x2, s0;
	s0 =	sshll.u32 s0, $0x6  }
.Ltmp0:
0x7: {  	s16 =	simm.s32 $0x4900;
	v1 =	vmul.u32 $0x2, v0;
	s5 =	sor.u32 s0, s5;
	(pc) =	sbr.rel .LBB2_1-.Ltmp0, $4  }
0x8: {  	vm0 =	vmmov $0xff;
	v11 =	vimm.s32 $0x7FF;
	s4 =	simm.s32 $0x0;
	v3 =	vand.u32 $0x7, v0;
	s6 =	sshrl.u32 s1, $0x1;
	s31 =	sshll.u32 s5, $0x9  }
0x9: {  	[smem:$0x7FF] =	sst s4;
	v3 =	vmul.u32 $0x2, v3;
	v2 =	vor.u32 $0x1, v1;
	v4 =	vor.u32 $0x20, v1;
	s30 =	ssub.s32 s1, s6;
	s1 =	sadd.s32 s2, s31  }
0xa: {  	_ =	strace $0x80000047;
	v5 =	vor.u32 $0x21, v1;
	v7 =	vor.u32 $0x40, v1;
	v8 =	vor.u32 $0x41, v1;
	s0 =	smax.u32 s30, $0x1;
	[dreg:$0x3] =	wrdreg s1  }
0xb: {  	s18 =	simm.s32 $0x2;
	v9 =	vor.u32 $0x60, v1;
	v10 =	vor.u32 $0x61, v1;
	v6 =	vor.u32 $0x1, v3;
	s6 =	simm.s32 $0x0;
	[dreg:$0x4] =	wrdreg s0  }
.LBB2_56:
0xc: {  	s0 =	simm.s32 $0x3  }
0xd: {  	_ =	swait.ge [sflag:s0], $0x4000  }
0xe: {  	[sflag:s0] =	ssyncset.done $0x0  }
0xf: {  	s1 =	simm.s32 $0x4;
	[sflag:s0] =	ssyncadd.s32 $0xFFFFC000  }
0x10: {  	_ =	swait.ge [sflag:s1], $0x4000  }
0x11: {  	s6 =	rddreg [dreg:$0x5]  }
0x12: {  	s31 =	rddreg [dreg:$0x4];
	s6 =	sadd.s32 $0x1, s6  }
0x13: {  	p0 =	sne.s32 s6, s31  }
.Ltmp1:
0x14: {  	_ = 	snop;
	(pc) =	sbr.rel @!p0 .LBB2_57-.Ltmp1, $3  }
0x15: {  	_ =	sdelay $0x1  }
0x16: {  	[sflag:s1] =	ssyncset.done $0x0  }
0x17: {  	[sflag:s1] =	ssyncadd.s32 $0xFFFFC000  }
.LBB2_1:
0x18: {  	[dreg:$0x5] =	wrdreg s6  }
0x19: {  	s0 =	rddreg [dreg:$0x3]  }
0x1a: {  	s1 =	simm.s32 $0x100;
	s31 =	simm.s32 $0x400;
	s23 =	simm.s32 $0x0  }
0x1b: {  	[tilespmem:s4], [sflag:$0x1] =	stream.strided.gather [hbm4b:s0+s1], $0x2000, s31, s1, $0x38;
	[tilespmem:$0xD600] =	vst v63  }
.LBB2_2:
0x1c: {  	s0 =	sshll.u32 s23, $0x2;
	s1 =	sshll.u32 s23, $0x6;
	s6 =	simm.s32 $0x40  }
0x1d: {  	s24 =	sadd.s32 s5, s0;
	s7 =	sand.u32 $0x40, s1;
	s1 =	simm.s32 $0x80  }
0x1e: {  	_ =	swait.ge [sflag:s10], $0x2000;
	v12 =	vmov s6;
	s0 =	sshll.u32 s24, $0x9;
	v13 =	vmov s1  }
0x1f: {  	s25 =	simm.s32 $0x100;
	s7 =	sadd.s32 s7, s2;
	v12 =	vshll.u32 v12, $0x1;
	s0 =	sand.u32 $0xFF000, s0;
	v13 =	vshll.u32 v13, $0x1  }
0x20: {  	s8 =	simm.s32 $0x400;
	[sflag:s10] =	ssyncset.done $0x0;
	v12 =	vand.u32 $0x1E00, v12;
	s0 =	sadd.s32 s0, s7;
	v13 =	vbroadcast v13, $0x0  }
0x21: {  	p0 =	seq.s32 s23, $0x0;
	[sflag:s10] =	ssyncadd.s32 $0xFFFFE000;
	v12 =	vbroadcast v12, $0x0;
	s0 =	sadd.s32 $0x20, s0  }
0x22: {  	[tilespmem:s11], [sflag:$0x2] =	stream.strided.gather [hbm4b:s0+s25], $0x2000, s8, s25, $0x38;
	v14 =	vor.u32 v1, v13;
	[tilespmem:$0xD600] =	vst v63  }
0x23: {  	s0 =	simm.s32 @!p0 $0x3;
	v15 =	vor.u32 v8, v12  }
0x24: {  	s26 =	simm.s32 $0xC0;
	v16 =	vor.u32 v2, v13;
	_ =	swait.ge @!p0 [sflag:s0], $0x4000  }
0x25: {  	v19 =	vmov s26;
	v17 =	vor.u32 v10, v12;
	[sflag:s0] =	ssyncset.done @!p0 $0x0  }
0x26: {  	v19 =	vshll.u32 v19, $0x1;
	s7 =	simm.s32 $0x0;
	v18 =	vor.u32 v5, v13;
	[sflag:s0] =	ssyncadd.s32 @!p0 $0xFFFFC000  }
0x27: {  	v19 =	vand.u32 $0x1F00, v19;
	v13 =	vor.u32 v4, v13;
	v14 =	vld.idx.msk [tilespmem:v14+s7+$0x0], $0xffff  }
0x28: {  	v19 =	vbroadcast v19, $0x0;
	v20 =	vmov s7;
	v21 =	vor.u32 v7, v12;
	v15 =	vld.idx.msk [tilespmem:v15+s7+$0x0], $0xffff  }
0x29: {  	v20 =	vshll.u32 v20, $0x1;
	v12 =	vor.u32 v9, v12;
	v16 =	vld.idx.msk [tilespmem:v16+s7+$0x0], $0xffff  }
0x2a: {  	v23 =	vor.u32 v8, v19;
	v20 =	vbroadcast v20, $0x0;
	v17 =	vld.idx.msk [tilespmem:v17+s7+$0x0], $0xffff  }
0x2b: {  	v25 =	vor.u32 v10, v19;
	v18 =	vld.idx.msk [tilespmem:v18+s7+$0x0], $0xffff  }
0x2c: {  	v22 =	vor.u32 v4, v20;
	v13 =	vld.idx.msk [tilespmem:v13+s7+$0x0], $0xffff  }
0x2d: {  	v29 =	vor.u32 v2, v20;
	v24 =	vld.idx.msk [tilespmem:v21+s7+$0x0], $0xffff  }
0x2e: {  	v27 =	vor.u32 v5, v20;
	v20 =	vor.u32 v1, v20;
	v12 =	vld.idx.msk [tilespmem:v12+s7+$0x0], $0xffff  }
0x2f: {  	v26 =	vor.u32 v7, v19;
	v21 =	vor.u32 v9, v19;
	v19 =	vld.idx.msk [tilespmem:v23+s7+$0x0], $0xffff  }
0x30: {  	v25 =	vld.idx.msk [tilespmem:v25+s7+$0x0], $0xffff  }
0x31: {  	v28 =	vld.idx.msk [tilespmem:v22+s7+$0x0], $0xffff;
	v22 =	vsub.f32 v14, v16  }
0x32: {  	v34 =	vld.idx.msk [tilespmem:v29+s7+$0x0], $0xffff;
	v23 =	vadd.f32 v18, v13;
	v14 =	vadd.f32 v16, v14  }
0x33: {  	v35 =	vld.idx.msk [tilespmem:v20+s7+$0x0], $0xffff;
	v30 =	vadd.f32 v15, v24;
	v13 =	vsub.f32 v13, v18  }
0x34: {  	v16 =	vld.idx.msk [tilespmem:v21+s7+$0x0], $0xffff;
	v31 =	vmul.f32 $7.071067690e-01, v22;
	v22 =	vadd.f32 v17, v12;
	v23 =	vmul.f32 $7.071067690e-01, v23  }
0x35: {  	v21 =	vld.idx.msk [tilespmem:v26+s7+$0x0], $0xffff;
	v32 =	vmul.f32 $7.071067690e-01, v14;
	v26 =	vmul.f32 $7.071067690e-01, v30  }
0x36: {  	v12 =	vsub.f32 v12, v17;
	v37 =	vmul.f32 $7.071067690e-01, v13;
	v33 =	vmul.f32 $7.071067690e-01, v22  }
0x37: {  	v22 =	vperm.xlane v23, v6;
	v17 =	vperm.xlane v26, v3  }
0x38: {  	v30 =	vld.idx.msk [tilespmem:v27+s7+$0x0], $0xffff;
	v18 =	vperm.xlane v32, v3;
	v13 =	vmul.f32 $7.071067690e-01, v12  }
0x39: {  	v14 =	vsub.f32 v24, v15;
	v27 =	vperm.xlane v32, v6;
	v15 =	vperm.xlane v23, v3  }
0x3a: {  	v26 =	vperm.xlane v26, v6;
	v32 =	vsub.f32 v35, v34;
	v12 =	vsub.f32 v16, v25  }
0x3b: {  	v23 =	vadd.f32 v19, v21;
	v24 =	vadd.f32 v25, v16;
	v36 =	vperm.xlane v33, v3  }
0x3c: {  	v63 =	vperm.xlane v33, v6;
	v16 =	vsel vm0, v18, v15;
	v18 =	vadd.f32 v34, v35  }
0x3d: {  	v29 =	vadd.f32 v30, v28;
	v20 =	vmul.f32 $7.071067690e-01, v12;
	v15 =	vmul.f32 $7.071067690e-01, v24  }
0x3e: {  	s20 =	simm.s32 $0x60;
	s31 =	simm.s32 $0x40;
	s21 =	simm.s32 $0x4DC0;
	v28 =	vsub.f32 v28, v30;
	v12 =	vimm.f32 $-Inf;
	v25 =	vmul.f32 $7.071067690e-01, v23  }
0x3f: {  	s29 =	simm.s32 $0x0;
	s30 =	simm.s32 $0x100;
	s22 =	simm.s32 $0x4E40;
	v17 =	vsel vm0, v17, v36;
	v30 =	vmul.f32 $7.071067690e-01, v18;
	v29 =	vmul.f32 $7.071067690e-01, v29  }
0x40: {  	s28 =	simm.s32 $0x0;
	s17 =	sor.u32 $0x50, s31;
	s26 =	simm.s32 $0x4420;
	[tilespmem:s21+$0x0] =	vst v31;
	v18 =	vsel vm0, v26, v63;
	v23 =	vperm.xlane v15, v3;
	v24 =	vperm.xlane v15, v6  }
0x41: {  	s25 =	sshll.u32 s23, $0x1;
	s0 =	simm.s32 $0x46A0;
	[tilespmem:s17+$0x4D80] =	vst v37;
	s17 =	simm.s32 $0xE0;
	v26 =	vperm.xlane v25, v3;
	v15 =	vimm.f32 $-Inf;
	v31 =	vperm.xlane v29, v3  }
.LBB2_3:
0x42: {  	s19 =	sadd.s32 $0x40, s30;
	s31 =	sadd.s32 $0x80, s30;
	s8 =	sadd.s32 $0xC0, s30;
	v33 =	vperm.xlane v30, v3;
	v34 =	vsub.f32 v17, v18;
	v22 =	vsel vm0, v27, v22  }
0x43: {  	s29 =	sadd.s32 $0x4, s29;
	v27 =	vmov s19;
	v35 =	vmov s31;
	v36 =	vsub.f32 v16, v22  }
0x44: {  	v19 =	vsub.f32 v21, v19;
	p1 =	slt.u32 s29, $0x3C;
	v27 =	vshll.u32 v27, $0x1;
	v35 =	vshll.u32 v35, $0x1  }
0x45: {  	v32 =	vmul.f32 $7.071067690e-01, v32;
	v21 =	vand.u32 $0x1E00, v27;
	v27 =	vbroadcast v35, $0x0  }
0x46: {  	v28 =	vmul.f32 $7.071067690e-01, v28;
	v35 =	vmov s8;
	v21 =	vbroadcast v21, $0x0  }
0x47: {  	v29 =	vperm.xlane v29, v6;
	v37 =	vor.u32 v1, v27;
	v38 =	vor.u32 v2, v27;
	[tilespmem:s21+$0xFFFFFFC0] =	vst v32  }
0x48: {  	v32 =	vor.u32 v7, v21;
	v39 =	vor.u32 v8, v21;
	[tilespmem:s21+$0xFFFFFFD0] =	vst v28;
	v28 =	vperm.xlane v30, v6  }
0x49: {  	v31 =	vsel vm0, v33, v31;
	v30 =	vmov s30;
	v40 =	vor.u32 v10, v21  }
0x4a: {  	v21 =	vor.u32 v9, v21;
	v30 =	vshll.u32 v30, $0x1;
	v28 =	vsel vm0, v28, v29  }
0x4b: {  	v33 =	vshll.u32 v35, $0x1;
	v29 =	vbroadcast v30, $0x0;
	v30 =	vor.u32 v5, v27  }
0x4c: {  	v25 =	vperm.xlane v25, v6;
	v33 =	vand.u32 $0x1F00, v33;
	v27 =	vor.u32 v4, v27;
	v35 =	vld.idx.msk [tilespmem:v37+s7+$0x0], $0xffff  }
0x4d: {  	v42 =	vadd.f32 v28, v31;
	v37 =	vor.u32 v2, v29;
	v41 =	vor.u32 v4, v29;
	v39 =	vld.idx.msk [tilespmem:v39+s7+$0x0], $0xffff  }
0x4e: {  	v33 =	vbroadcast v33, $0x0;
	v28 =	vsub.f32 v31, v28;
	v43 =	vor.u32 v5, v29;
	v38 =	vld.idx.msk [tilespmem:v38+s7+$0x0], $0xffff  }
0x4f: {  	v23 =	vsel vm0, v26, v23;
	v19 =	vmul.f32 $7.071067690e-01, v19;
	v24 =	vsel vm0, v25, v24;
	v31 =	vld.idx.msk [tilespmem:v40+s7+$0x0], $0xffff  }
0x50: {  	v26 =	vor.u32 v7, v33;
	v28 =	vmul.f32 $7.071067690e-01, v28;
	v25 =	vld.idx.msk [tilespmem:v30+s7+$0x0], $0xffff;
	v30 =	vor.u32 v8, v33  }
0x51: {  	s8 =	sor.u32 $0x70, s20;
	v29 =	vor.u32 v1, v29;
	v42 =	vmul.f32 $7.071067690e-01, v42;
	v40 =	vor.u32 v10, v33;
	v27 =	vld.idx.msk [tilespmem:v27+s7+$0x0], $0xffff;
	[tilespmem:s21+$0x20] =	vst v19  }
0x52: {  	s31 =	sshra.s32 s28, $0x2;
	s28 =	smov.u32 s30;
	v34 =	vmul.f32 $7.071067690e-01, v34;
	v33 =	vor.u32 v9, v33;
	v19 =	vsub.f32 v23, v24;
	v32 =	vld.idx.msk [tilespmem:v32+s7+$0x0], $0xffff;
	[tilespmem:s8+$0x4D80] =	vst v20  }
0x53: {  	v15 =	vmax.f32 v15, v28;
	v23 =	vadd.f32 v24, v23;
	v20 =	vld.idx.msk [tilespmem:v21+s7+$0x0], $0xffff;
	[tilespmem:s31+$0x4000] =	vst v42;
	v21 =	vmul.f32 $7.071067690e-01, v36  }
0x54: {  	v15 =	vmax.f32 v15, v34;
	v36 =	vsub.f32 v35, v38;
	v24 =	vld.idx.msk [tilespmem:v41+s7+$0x0], $0xffff;
	[tilespmem:s31+$0x4900] =	vst v28;
	v28 =	vmul.f32 $7.071067690e-01, v19  }
0x55: {  	v14 =	vmul.f32 $7.071067690e-01, v14;
	v23 =	vmul.f32 $7.071067690e-01, v23;
	v37 =	vld.idx.msk [tilespmem:v37+s7+$0x0], $0xffff;
	[tilespmem:s31+$0x4920] =	vst v21;
	v15 =	vmax.f32 v15, v21  }
0x56: {  	v17 =	vadd.f32 v18, v17;
	v21 =	vadd.f32 v38, v35;
	v19 =	vld.idx.msk [tilespmem:v30+s7+$0x0], $0xffff;
	v15 =	vmax.f32 v15, v28  }
0x57: {  	v16 =	vadd.f32 v22, v16;
	v18 =	vmul.f32 $7.071067690e-01, v36;
	v30 =	vadd.f32 v25, v27;
	v33 =	vld.idx.msk [tilespmem:v33+s7+$0x0], $0xffff;
	[tilespmem:s21+$0xFFFFFFE0] =	vst v14;
	s21 =	smov.u32 s22  }
0x58: {  	v17 =	vmul.f32 $7.071067690e-01, v17;
	s8 =	sadd.s32 $0xFFFFFFC0, s20;
	s20 =	smov.u32 s17;
	v22 =	vadd.f32 v39, v32;
	v35 =	vmul.f32 $7.071067690e-01, v21;
	v36 =	vld.idx.msk [tilespmem:v40+s7+$0x0], $0xffff;
	[tilespmem:s31+$0x4930] =	vst v28  }
0x59: {  	s8 =	sor.u32 $0x30, s8;
	v14 =	vsub.f32 v32, v39;
	v28 =	vadd.f32 v31, v20;
	v30 =	vmul.f32 $7.071067690e-01, v30;
	v21 =	vld.idx.msk [tilespmem:v26+s7+$0x0], $0xffff;
	[tilespmem:s31+$0x4030] =	vst v23  }
0x5a: {  	v20 =	vsub.f32 v20, v31;
	v26 =	vmul.f32 $7.071067690e-01, v22;
	v23 =	vld.idx.msk [tilespmem:v43+s7+$0x0], $0xffff;
	[tilespmem:s8+$0x4D80] =	vst v13;
	v13 =	vmul.f32 $7.071067690e-01, v16  }
0x5b: {  	v25 =	vsub.f32 v27, v25;
	v16 =	vmul.f32 $7.071067690e-01, v28;
	v22 =	vperm.xlane v30, v6;
	v31 =	vld.idx.msk [tilespmem:v29+s7+$0x0], $0xffff;
	[tilespmem:s31+$0x4010] =	vst v17  }
0x5c: {  	v28 =	vperm.xlane v35, v3;
	v17 =	vperm.xlane v26, v3;
	[tilespmem:s31+$0x4020] =	vst v13  }
0x5d: {  	v25 =	vmul.f32 $7.071067690e-01, v25;
	s8 =	sadd.s32 $0xFFFFFFE0, s17;
	v32 =	vperm.xlane v16, v3;
	[tilespmem:s31+$0x4910] =	vst v34  }
0x5e: {  	v27 =	vperm.xlane v35, v6;
	s8 =	sor.u32 $0x50, s8;
	v13 =	vmul.f32 $7.071067690e-01, v20;
	[tilespmem:s22+$0x0] =	vst v18;
	v18 =	vsub.f32 v33, v36  }
0x5f: {  	v20 =	vperm.xlane v30, v3;
	v29 =	vadd.f32 v36, v33;
	[tilespmem:s8+$0x4D80] =	vst v25;
	v25 =	vadd.f32 v19, v21  }
0x60: {  	v26 =	vperm.xlane v26, v6;
	v33 =	vperm.xlane v16, v6;
	v30 =	vadd.f32 v23, v24  }
.Ltmp2:
0x61: {  	v16 =	vsel vm0, v28, v20;
	v34 =	vmul.f32 $7.071067690e-01, v29;
	v20 =	vmul.f32 $7.071067690e-01, v18;
	(pc) =	sbr.rel @p1 .LBB2_3-.Ltmp2, $4  }
0x62: {  	v28 =	vsub.f32 v24, v23;
	v18 =	vadd.f32 v37, v31;
	v25 =	vmul.f32 $7.071067690e-01, v25  }
0x63: {  	v17 =	vsel vm0, v17, v32;
	v29 =	vmul.f32 $7.071067690e-01, v30;
	v23 =	vperm.xlane v34, v3  }
0x64: {  	v24 =	vperm.xlane v34, v6;
	v30 =	vmul.f32 $7.071067690e-01, v18;
	v18 =	vsel vm0, v26, v33  }
0x65: {  	s30 =	sadd.s32 $0x100, s30;
	s17 =	sadd.s32 $0x80, s17;
	s22 =	sadd.s32 $0x80, s22;
	v32 =	vsub.f32 v31, v37;
	v31 =	vperm.xlane v29, v3;
	v26 =	vperm.xlane v25, v3  }
0x66: {  	v33 =	vperm.xlane v30, v3  }
0x67: {  	v29 =	vperm.xlane v29, v6;
	v28 =	vmul.f32 $7.071067690e-01, v28  }
0x68: {  	v30 =	vperm.xlane v30, v6;
	v19 =	vsub.f32 v21, v19;
	v14 =	vmul.f32 $7.071067690e-01, v14  }
0x69: {  	v21 =	vmul.f32 $7.071067690e-01, v32;
	[tilespmem:s21+$0xFFFFFFD0] =	vst v28  }
0x6a: {  	v31 =	vsel vm0, v33, v31;
	v29 =	vsel vm0, v30, v29;
	v19 =	vmul.f32 $7.071067690e-01, v19;
	[tilespmem:s21+$0xFFFFFFE0] =	vst v14  }
0x6b: {  	v22 =	vsel vm0, v27, v22;
	[tilespmem:s21+$0xFFFFFFC0] =	vst v21;
	v21 =	vadd.f32 v29, v31  }
0x6c: {  	v25 =	vperm.xlane v25, v6;
	s8 =	sor.u32 $0x70, s20;
	s22 =	sadd.s32 $0xFFFFFFC0, s20;
	v28 =	vsub.f32 v16, v22;
	v27 =	vsub.f32 v31, v29;
	[tilespmem:s21+$0x20] =	vst v19  }
0x6d: {  	v14 =	vadd.f32 v22, v16;
	v16 =	vsub.f32 v17, v18;
	v21 =	vmul.f32 $7.071067690e-01, v21;
	[tilespmem:s8+$0x4D80] =	vst v20;
	s8 =	sor.u32 $0x30, s22  }
0x6e: {  	s17 =	sshra.s32 s28, $0x2;
	v19 =	vsel vm0, v26, v23;
	v23 =	vsel vm0, v25, v24;
	v24 =	vmul.f32 $7.071067690e-01, v27;
	[tilespmem:s8+$0x4D80] =	vst v13  }
0x6f: {  	v16 =	vmul.f32 $7.071067690e-01, v16;
	[tilespmem:s17+$0x4000] =	vst v21  }
0x70: {  	v20 =	vsub.f32 v19, v23;
	v13 =	vmul.f32 $7.071067690e-01, v14;
	[tilespmem:s17+$0x4900] =	vst v24  }
0x71: {  	s19 =	simm.s32 $0x20;
	v19 =	vadd.f32 v23, v19;
	v21 =	vmul.f32 $7.071067690e-01, v28;
	[tilespmem:s17+$0x4910] =	vst v16  }
0x72: {  	v23 =	vadd.f32 v18, v17;
	v18 =	vor.u32 s19, v5;
	v20 =	vmul.f32 $7.071067690e-01, v20;
	[tilespmem:s17+$0x4020] =	vst v13  }
0x73: {  	v22 =	vor.u32 s7, v2;
	v19 =	vmul.f32 $7.071067690e-01, v19;
	[tilespmem:s17+$0x4920] =	vst v21  }
0x74: {  	v14 =	vor.u32 s19, v1;
	v17 =	vmul.f32 $7.071067690e-01, v23;
	[tilespmem:s17+$0x4930] =	vst v20  }
0x75: {  	v13 =	vor.u32 s6, v8;
	[tilespmem:s17+$0x4030] =	vst v19  }
0x76: {  	[tilespmem:s17+$0x4010] =	vst v17;
	v17 =	vor.u32 s6, v1  }
0x77: {  	s28 =	simm.s32 $0x60;
	v19 =	vor.u32 s7, v1;
	v18 =	vld.idx.msk [tilespmem:v18+s12+$0x0], $0xffff  }
0x78: {  	v23 =	vor.u32 s28, v10;
	v28 =	vld.idx.msk [tilespmem:v22+s12+$0x0], $0xffff  }
0x79: {  	v25 =	vld.idx.msk [tilespmem:v14+s12+$0x0], $0xffff;
	v14 =	vor.u32 s28, v1  }
0x7a: {  	v27 =	vld.idx.msk [tilespmem:v13+s12+$0x0], $0xffff  }
0x7b: {  	s30 =	simm.s32 $0xC0;
	v13 =	vmax.f32 v15, v24;
	v17 =	vld.idx.msk [tilespmem:v17+s12+$0x0], $0xffff  }
0x7c: {  	s29 =	simm.s32 $0xA0;
	v29 =	vor.u32 s30, v1;
	v15 =	vld.idx.msk [tilespmem:v19+s12+$0x0], $0xffff;
	v13 =	vmax.f32 v13, v16  }
0x7d: {  	v23 =	vld.idx.msk [tilespmem:v23+s12+$0x0], $0xffff;
	v16 =	vor.u32 s29, v5;
	v13 =	vmax.f32 v13, v21  }
0x7e: {  	v21 =	vor.u32 s29, v1;
	v13 =	vmax.f32 v13, v20;
	v20 =	vld.idx.msk [tilespmem:v14+s12+$0x0], $0xffff;
	v19 =	vadd.f32 v18, v25  }
0x7f: {  	v31 =	vor.u32 s1, v1;
	v18 =	vsub.f32 v25, v18  }
0x80: {  	v30 =	vor.u32 s30, v8;
	v24 =	vor.u32 s1, v2;
	v26 =	vmul.f32 $7.071067690e-01, v19  }
0x81: {  	s31 =	simm.s32 $0xE0;
	v19 =	vmul.f32 $7.071067690e-01, v18;
	v18 =	vld.idx.msk [tilespmem:v29+s12+$0x0], $0xffff;
	v61 =	vadd.f32 v27, v17;
	v62 =	vadd.f32 v28, v15  }
0x82: {  	v14 =	vor.u32 s31, v10;
	v16 =	vld.idx.msk [tilespmem:v16+s12+$0x0], $0xffff;
	v17 =	vsub.f32 v17, v27;
	v15 =	vsub.f32 v15, v28  }
0x83: {  	v25 =	vor.u32 s31, v1;
	v22 =	vld.idx.msk [tilespmem:v21+s12+$0x0], $0xffff;
	[tilespmem:s26+$0xFFFFFFF0] =	vst v26;
	v27 =	vmul.f32 $7.071067690e-01, v62;
	v63 =	vadd.f32 v23, v20  }
0x84: {  	s7 =	simm.s32 $0x4;
	v21 =	vld.idx.msk [tilespmem:v31+s12+$0x0], $0xffff;
	v28 =	vsub.f32 v20, v23;
	v15 =	vmul.f32 $7.071067690e-01, v15;
	[tilespmem:s0+$0xFFFFFFF0] =	vst v19;
	v17 =	vmul.f32 $7.071067690e-01, v17  }
0x85: {  	s17 =	simm.s32 $0x100;
	s6 =	simm.s32 $0x4460;
	s1 =	simm.s32 $0x46E0;
	v23 =	vld.idx.msk [tilespmem:v30+s12+$0x0], $0xffff;
	[tilespmem:s26+$0xFFFFFFE0] =	vst v27;
	v29 =	vmax.f32 v12, v27;
	v27 =	vmul.f32 $7.071067690e-01, v61;
	v20 =	vmul.f32 $7.071067690e-01, v63  }
.LBB2_5:
0x86: {  	s8 =	sadd.s32 $0x20, s17;
	s19 =	sadd.s32 $0x40, s17;
	s20 =	sadd.s32 $0x60, s17;
	v30 =	vld.idx.msk [tilespmem:v24+s12+$0x0], $0xffff;
	v12 =	vmax.f32 v12, v15;
	v24 =	vmax.f32 v29, v26;
	v26 =	vmul.f32 $7.071067690e-01, v28  }
0x87: {  	s7 =	sadd.s32 $0x4, s7;
	v28 =	vor.u32 s8, v1;
	v29 =	vor.u32 s8, v5;
	v31 =	vld.idx.msk [tilespmem:v14+s12+$0x0], $0xffff;
	v14 =	vor.u32 s20, v10;
	[tilespmem:s26+$0x0] =	vst v27  }
0x88: {  	v32 =	vor.u32 s19, v8;
	p1 =	slt.u32 s7, $0x1C;
	v33 =	vadd.f32 v16, v22;
	v27 =	vmax.f32 v24, v27;
	v34 =	vld.idx.msk [tilespmem:v25+s12+$0x0], $0xffff;
	[tilespmem:s26+$0x10] =	vst v20;
	s26 =	smov.u32 s6  }
0x89: {  	v35 =	vor.u32 s19, v1;
	v22 =	vsub.f32 v22, v16;
	v12 =	vmax.f32 v12, v19;
	[tilespmem:s0+$0x10] =	vst v26  }
0x8a: {  	v36 =	vor.u32 s17, v1;
	v24 =	vor.u32 s17, v2;
	v12 =	vmax.f32 v12, v17;
	[tilespmem:s0+$0x0] =	vst v17  }
0x8b: {  	v37 =	vadd.f32 v23, v18;
	v12 =	vmax.f32 v12, v26;
	v17 =	vsub.f32 v18, v23;
	[tilespmem:s0+$0xFFFFFFE0] =	vst v15;
	s0 =	smov.u32 s1  }
.Ltmp3:
0x8c: {  	v26 =	vmul.f32 $7.071067690e-01, v33;
	v19 =	vmul.f32 $7.071067690e-01, v22;
	v15 =	vadd.f32 v30, v21;
	v16 =	vld.idx.msk [tilespmem:v29+s12+$0x0], $0xffff;
	(pc) =	sbr.rel @p1 .LBB2_5-.Ltmp3, $4  }
0x8d: {  	v25 =	vor.u32 s20, v1;
	v20 =	vmax.f32 v27, v20;
	v21 =	vsub.f32 v21, v30;
	v22 =	vld.idx.msk [tilespmem:v28+s12+$0x0], $0xffff  }
0x8e: {  	v27 =	vmul.f32 $7.071067690e-01, v15;
	v30 =	vadd.f32 v31, v34;
	v28 =	vsub.f32 v34, v31;
	v18 =	vld.idx.msk [tilespmem:v35+s12+$0x0], $0xffff;
	[tilespmem:s6+$0xFFFFFFF0] =	vst v26  }
0x8f: {  	v17 =	vmul.f32 $7.071067690e-01, v17;
	v15 =	vmul.f32 $7.071067690e-01, v21;
	v23 =	vld.idx.msk [tilespmem:v32+s12+$0x0], $0xffff;
	[tilespmem:s1+$0xFFFFFFF0] =	vst v19  }
0x90: {  	s17 =	sadd.s32 $0x80, s17;
	s6 =	sadd.s32 $0x40, s6;
	v29 =	vmax.f32 v20, v27;
	v20 =	vmul.f32 $7.071067690e-01, v30;
	s1 =	sadd.s32 $0x40, s1;
	v21 =	vld.idx.msk [tilespmem:v36+s12+$0x0], $0xffff;
	[tilespmem:s26+$0xFFFFFFE0] =	vst v27;
	v27 =	vmul.f32 $7.071067690e-01, v37  }
0x91: {  	_ =	sdelay $0x3  }
0x92: {  	v24 =	vld.idx.msk [tilespmem:v24+s12+$0x0], $0xffff;
	_ =	sdelay $0x1  }
0x93: {  	v12 =	vmax.f32 v12, v15;
	v26 =	vmax.f32 v29, v26;
	v14 =	vld.idx.msk [tilespmem:v14+s12+$0x0], $0xffff  }
0x94: {  	v28 =	vmul.f32 $7.071067690e-01, v28;
	v25 =	vld.idx.msk [tilespmem:v25+s12+$0x0], $0xffff;
	v55 =	vadd.f32 v16, v22;
	v12 =	vmax.f32 v12, v19  }
0x95: {  	v26 =	vmax.f32 v26, v27;
	v16 =	vsub.f32 v22, v16;
	v12 =	vmax.f32 v12, v17  }
0x96: {  	v56 =	vmax.f32 v26, v20;
	v19 =	vadd.f32 v23, v18;
	v22 =	vadd.f32 v24, v21  }
0x97: {  	v18 =	vsub.f32 v18, v23;
	v23 =	vmul.f32 $7.071067690e-01, v55;
	v21 =	vsub.f32 v21, v24  }
0x98: {  	v12 =	vmax.f32 v12, v28;
	v16 =	vmul.f32 $7.071067690e-01, v16;
	v22 =	vmul.f32 $7.071067690e-01, v22  }
0x99: {  	v57 =	vadd.f32 v14, v25;
	v14 =	vsub.f32 v25, v14;
	v21 =	vmul.f32 $7.071067690e-01, v21  }
0x9a: {  	[tilespmem:s0+$0xFFFFFFE0] =	vst v15;
	v18 =	vmul.f32 $7.071067690e-01, v18;
	v19 =	vmul.f32 $7.071067690e-01, v19;
	v24 =	vmax.f32 v56, v22  }
0x9b: {  	[tilespmem:s26+$0x10] =	vst v20;
	v20 =	vmul.f32 $7.071067690e-01, v57;
	v12 =	vmax.f32 v12, v21;
	v24 =	vmax.f32 v24, v23  }
0x9c: {  	[tilespmem:s26+$0x0] =	vst v27;
	v14 =	vmul.f32 $7.071067690e-01, v14;
	v12 =	vmax.f32 v12, v16;
	v24 =	vmax.f32 v24, v19  }
0x9d: {  	[tilespmem:s0+$0x0] =	vst v17;
	v12 =	vmax.f32 v12, v18;
	v17 =	vmax.f32 v24, v20  }
0x9e: {  	[tilespmem:s0+$0x10] =	vst v28;
	v12 =	vmax.f32 v12, v14;
	(xrf0) =	vmax.scan.msk.f32 $0xffff, v17  }
0x9f: {  	[tilespmem:s6+$0xFFFFFFF0] =	vst v23;
	(xrf0) =	vmax.scan.msk.f32 $0xffff, v12  }
0xa0: {  	[tilespmem:s1+$0xFFFFFFF0] =	vst v16;
	(xrf0) =	vmax.scan.msk.f32 $0xffff, v13  }
0xa1: {  	[tilespmem:s6+$0x0] =	vst v19  }
0xa2: {  	[tilespmem:s1+$0x0] =	vst v18  }
0xa3: {  	[tilespmem:s6+$0xFFFFFFE0] =	vst v22  }
0xa4: {  	[tilespmem:s6+$0x10] =	vst v20;
	v12, _, _ =	vpop (xrf0)  }
0xa5: {  	[tilespmem:s1+$0x10] =	vst v14;
	v13, _, _ =	vpop (xrf0);
	v14 =	vbroadcast v12, $0xF  }
0xa6: {  	[tilespmem:s1+$0xFFFFFFE0] =	vst v21;
	v15, _, _ =	vpop (xrf0);
	v12 =	vbroadcast v13, $0xF  }
0xa7: {  	v13 =	vbroadcast v15, $0xF;
	[tilespmem:$0x4600] =	vst v14  }
0xa8: {  	[tilespmem:$0x4880] =	vst v12  }
0xa9: {  	[tilespmem:$0x4D00] =	vst v13  }
0xaa: {  	v15 =	vld.idx.msk [tilespmem:v11+s13+$0x0], $0xffff;
	_ =	sdelay $0x3  }
0xab: {  	s28 =	simm.s32 $0x11  }
0xac: {  	s21 =	simm.s32 $0x0;
	[tilespmem:$0x5580] =	vst v15;
	v15 =	vadd.s32 s28, v0  }
0xad: {  	v20 =	vld [tilespmem:s21+$0x4D90]  }
0xae: {  	v16 =	vld [tilespmem:s21+$0x4410]  }
0xaf: {  	v17 =	vld [tilespmem:s21+$0x4690]  }
0xb0: {  	v23 =	vld [tilespmem:s21+$0x4910]  }
0xb1: {  	v18 =	vld.idx.msk [tilespmem:v15+s13+$0x0], $0xffff  }
0xb2: {  	v19 =	vld.idx.msk [tilespmem:v15+s15+$0x0], $0xffff  }
0xb3: {  	v21 =	vld.idx.msk [tilespmem:v15+s16+$0x0], $0xffff  }
0xb4: {  	s29 =	simm.s32 $0x1;
	v15 =	vld.idx.msk [tilespmem:v15+s14+$0x0], $0xffff  }
0xb5: {  	v22 =	vadd.s32 s29, v0  }
0xb6: {  	vm1 =	vge.s32 v23, $0x0;
	vm2 =	vlt.s32 v20, $0x0  }
0xb7: {  	vm3 =	vgt.s32 v16, $0xFFFFFFFF;
	vm4 =	vlt.s32 v17, $0x0;
	vm5 =	vge.s32 v17, $0x0  }
0xb8: {  	vm7 =	vlt.s32 v23, $0x0;
	vm6 =	vge.s32 v19, $0x0;
	vm8 =	vge.s32 v21, $0x0  }
0xb9: {  	vm9 =	vlt.s32 v15, $0x0;
	vm10 =	vlt.s32 v19, $0x0;
	vm11 =	vgt.s32 v18, $0xFFFFFFFF  }
0xba: {  	v58 =	vld.idx.msk [tilespmem:v22+s14+$0x0], $0xffff;
	vm12 =	vlt.s32 v21, $0x0;
	vm6 =	vmand vm4, vm6;
	vm8 =	vmand vm7, vm8  }
0xbb: {  	v18 =	vld.idx.msk [tilespmem:v22+s15+$0x0], $0xffff;
	vm3 =	vmand vm3, vm9;
	vm5 =	vmand vm10, vm5;
	vm2 =	vmand vm2, vm11  }
0xbc: {  	v19 =	vld.idx.msk [tilespmem:v22+s16+$0x0], $0xffff;
	vm4 =	vmxor vm4, vm10;
	vm7 =	vmxor vm7, vm12;
	v21 =	vsel vm3, $0x0, v16  }
0xbd: {  	s0 =	simm.s32 $0x0;
	v15 =	vld [tilespmem:s21+$0x4400];
	v59 =	vnsel vm6, $0x0, v17;
	v16 =	vnsel vm3, $0x0, v16;
	v60 =	vsel vm4, $0x0, v17  }
0xbe: {  	s8 =	simm.s32 $0x10;
	s17 =	simm.s32 $0x0;
	s31 =	sand.u32 $0x600, s0;
	v17 =	vnsel vm5, $0x0, v17;
	v61 =	vsel vm7, $0x0, v23;
	v26 =	vadd.f32 v60, v16;
	v16 =	vld [tilespmem:s21+$0x4680]  }
0xbf: {  	s22 =	simm.s32 $0x0;
	s20 =	sand.u32 $0x70, s8;
	s19 =	sadd.s32 $0x5600, s31;
	v25 =	vadd.f32 v59, v21;
	v21 =	vnsel vm8, $0x0, v23;
	v27 =	vadd.f32 v61, v17;
	v17 =	vld [tilespmem:s21+$0x4900]  }
0xc0: {  	s30 =	sor.u32 s0, s0;
	s7 =	sand.u32 $0x60, s0;
	s26 =	sor.u32 s20, s19;
	vm1 =	vmand vm12, vm1;
	v62 =	vnsel vm2, $0x0, v20;
	v26 =	vadd.f32 v21, v26  }
0xc1: {  	s20 =	sor.u32 s7, s19;
	s7 =	simm.s32 $0x211;
	s19 =	sor.u32 s8, s0;
	v63 =	vsel vm2, $0x0, v20;
	v23 =	vnsel vm1, $0x0, v23;
	v21 =	vld.idx.msk [tilespmem:v22+s13+$0x0], $0xffff;
	[tilespmem:s26+$0x0] =	vst v25;
	v22 =	vadd.f32 v62, v27  }
0xc2: {  	s6 =	sor.u32 $0x180, s30;
	s1 =	simm.s32 $0x800;
	v20 =	vld [tilespmem:s21+$0x4D80];
	vm4 =	vlt.s32 v58, $0x0;
	s21 =	simm.s32 $0x20;
	v23 =	vadd.f32 v63, v23;
	vm1 =	vlt.s32 v18, $0x0;
	[tilespmem:s26+$0x80] =	vst v26  }
.LBB2_7:
0xc3: {  	s8 =	sadd.s32 $0x11, s21;
	vm6 =	vgt.s32 v15, $0xFFFFFFFF;
	vm2 =	vlt.s32 v16, $0x0;
	vm3 =	vlt.s32 v19, $0x0;
	[tilespmem:s26+$0x100] =	vst v22;
	s19 =	sor.u32 $0x180, s19;
	s22 =	sadd.s32 $0x80, s22  }
0xc4: {  	s29 =	sadd.s32 $0x1, s21;
	vm7 =	vge.s32 v16, $0x0;
	vm5 =	vlt.s32 v17, $0x0;
	s28 =	sshra.s32 s22, $0x2;
	s30 =	sor.u32 s21, s22;
	v22 =	vadd.s32 s8, v0;
	[tilespmem:s19+$0x5600] =	vst v23  }
0xc5: {  	s26 =	sand.u32 $0x60, s21;
	v23 =	vadd.s32 s29, v0;
	vm4 =	vmand vm6, vm4;
	vm6 =	vmand vm1, vm7;
	s29 =	sor.u32 $0x180, s30;
	v24 =	vld [tilespmem:s28+$0x4D90]  }
0xc6: {  	vm1 =	vmxor vm2, vm1;
	vm7 =	vmxor vm5, vm3;
	v26 =	vnsel vm4, $0x0, v15;
	v25 =	vld [tilespmem:s28+$0x4410]  }
0xc7: {  	v28 =	vsel vm1, $0x0, v16;
	v29 =	vnsel vm6, $0x0, v16;
	v30 =	vsel vm7, $0x0, v17;
	v27 =	vld [tilespmem:s28+$0x4690]  }
0xc8: {  	vm1 =	vge.s32 v18, $0x0;
	vm6 =	vge.s32 v19, $0x0;
	vm7 =	vgt.s32 v21, $0xFFFFFFFF;
	v31 =	vld [tilespmem:s28+$0x4910]  }
0xc9: {  	vm8 =	vge.s32 v17, $0x0;
	vm9 =	vlt.s32 v20, $0x0;
	v18 =	vadd.f32 v28, v26;
	v21 =	vld.idx.msk [tilespmem:v22+s13+$0x0], $0xffff  }
0xca: {  	s17 =	sadd.s32 $0x2, s17;
	vm1 =	vmand vm2, vm1;
	vm2 =	vmand vm3, vm8;
	v19 =	vadd.f32 v30, v29;
	v26 =	vld.idx.msk [tilespmem:v22+s15+$0x0], $0xffff  }
0xcb: {  	p1 =	slt.u32 s17, $0x1E;
	v15 =	vsel vm4, $0x0, v15;
	vm3 =	vmand vm5, vm6;
	vm5 =	vmand vm9, vm7;
	v28 =	vld.idx.msk [tilespmem:v22+s16+$0x0], $0xffff  }
0xcc: {  	v16 =	vnsel vm1, $0x0, v16;
	v29 =	vnsel vm3, $0x0, v17;
	v30 =	vnsel vm5, $0x0, v20;
	v22 =	vld.idx.msk [tilespmem:v22+s14+$0x0], $0xffff  }
0xcd: {  	v17 =	vnsel vm2, $0x0, v17;
	v20 =	vsel vm5, $0x0, v20;
	v29 =	vadd.f32 v29, v18;
	v32 =	vld.idx.msk [tilespmem:v23+s14+$0x0], $0xffff  }
0xce: {  	v33 =	vadd.f32 v16, v15;
	v16 =	vadd.f32 v30, v19;
	v18 =	vld.idx.msk [tilespmem:v23+s15+$0x0], $0xffff  }
0xcf: {  	v20 =	vadd.f32 v20, v17;
	vm2 =	vlt.s32 v24, $0x0;
	vm1 =	vge.s32 v31, $0x0;
	v19 =	vld.idx.msk [tilespmem:v23+s16+$0x0], $0xffff;
	[tilespmem:s20+$0x80] =	vst v29  }
0xd0: {  	vm3 =	vgt.s32 v25, $0xFFFFFFFF;
	vm4 =	vlt.s32 v27, $0x0;
	vm5 =	vge.s32 v27, $0x0;
	v15 =	vld [tilespmem:s28+$0x4400];
	[tilespmem:s20+$0x100] =	vst v16  }
0xd1: {  	vm7 =	vlt.s32 v31, $0x0;
	vm6 =	vge.s32 v26, $0x0;
	vm8 =	vge.s32 v28, $0x0;
	v16 =	vld [tilespmem:s28+$0x4680];
	[tilespmem:s20+$0x0] =	vst v33  }
0xd2: {  	vm11 =	vgt.s32 v21, $0xFFFFFFFF;
	vm10 =	vlt.s32 v26, $0x0;
	vm9 =	vlt.s32 v22, $0x0;
	v17 =	vld [tilespmem:s28+$0x4900];
	[tilespmem:s6+$0x5600] =	vst v20;
	s6 =	smov.u32 s29  }
0xd3: {  	vm6 =	vmand vm4, vm6;
	vm12 =	vlt.s32 v28, $0x0;
	vm8 =	vmand vm7, vm8;
	v21 =	vld.idx.msk [tilespmem:v23+s13+$0x0], $0xffff  }
0xd4: {  	vm2 =	vmand vm2, vm11;
	vm5 =	vmand vm10, vm5;
	vm3 =	vmand vm3, vm9;
	v20 =	vld [tilespmem:s28+$0x4D80]  }
0xd5: {  	vm4 =	vmxor vm4, vm10;
	vm7 =	vmxor vm7, vm12;
	v22 =	vsel vm3, $0x0, v25  }
0xd6: {  	v26 =	vsel vm4, $0x0, v27;
	v23 =	vnsel vm6, $0x0, v27;
	v25 =	vnsel vm3, $0x0, v25  }
.Ltmp4:
0xd7: {  	s8 =	sand.u32 $0x600, s22;
	s19 =	sadd.s32 $0x10, s21;
	v25 =	vadd.f32 v26, v25;
	v26 =	vnsel vm5, $0x0, v27;
	v27 =	vsel vm7, $0x0, v31;
	(pc) =	sbr.rel @p1 .LBB2_7-.Ltmp4, $4  }
0xd8: {  	s8 =	sadd.s32 $0x5600, s8;
	s28 =	sand.u32 $0x70, s19;
	v22 =	vadd.f32 v23, v22;
	v23 =	vnsel vm8, $0x0, v31;
	v26 =	vadd.f32 v27, v26  }
0xd9: {  	s20 =	sor.u32 s26, s8;
	vm1 =	vmand vm12, vm1;
	s26 =	sor.u32 s28, s8;
	v23 =	vadd.f32 v23, v25;
	v25 =	vnsel vm2, $0x0, v24  }
0xda: {  	v24 =	vsel vm2, $0x0, v24;
	[tilespmem:s26+$0x0] =	vst v22;
	v22 =	vadd.f32 v25, v26;
	v25 =	vnsel vm1, $0x0, v31  }
0xdb: {  	s21 =	sadd.s32 $0x20, s21;
	vm4 =	vlt.s32 v32, $0x0;
	s19 =	sor.u32 s19, s22;
	vm1 =	vlt.s32 v18, $0x0;
	[tilespmem:s26+$0x80] =	vst v23;
	v23 =	vadd.f32 v24, v25  }
0xdc: {  	vm2 =	vgt.s32 v15, $0xFFFFFFFF  }
0xdd: {  	vm3 =	vlt.s32 v16, $0x0;
	vm5 =	vlt.s32 v19, $0x0;
	vm6 =	vge.s32 v16, $0x0  }
0xde: {  	vm7 =	vlt.s32 v17, $0x0;
	vm15 =	vgt.s32 v21, $0xFFFFFFFF;
	vm8 =	vge.s32 v17, $0x0  }
0xdf: {  	vm2 =	vmand vm2, vm4;
	vm4 =	vmand vm1, vm6;
	vm1 =	vmxor vm3, vm1  }
0xe0: {  	vm14 =	vmxor vm7, vm5;
	vm5 =	vmand vm5, vm8;
	v24 =	vnsel vm2, $0x0, v15  }
0xe1: {  	v25 =	vsel vm1, $0x0, v16;
	v26 =	vnsel vm4, $0x0, v16;
	vm1 =	vge.s32 v18, $0x0  }
0xe2: {  	v18 =	vsel vm14, $0x0, v17;
	vm4 =	vge.s32 v19, $0x0;
	v15 =	vsel vm2, $0x0, v15  }
0xe3: {  	v19 =	vadd.f32 v25, v24;
	vm1 =	vmand vm3, vm1;
	vm4 =	vmand vm7, vm4  }
0xe4: {  	vm3 =	vlt.s32 v20, $0x0;
	v18 =	vadd.f32 v18, v26;
	v21 =	vnsel vm4, $0x0, v17  }
0xe5: {  	[tilespmem:s26+$0x100] =	vst v22;
	s8 =	sor.u32 $0x180, s19;
	vm3 =	vmand vm3, vm15;
	v16 =	vnsel vm1, $0x0, v16;
	v19 =	vadd.f32 v21, v19  }
0xe6: {  	[tilespmem:s8+$0x5600] =	vst v23;
	v22 =	vnsel vm3, $0x0, v20;
	v21 =	vadd.s32 s7, v0;
	v15 =	vadd.f32 v16, v15  }
0xe7: {  	v17 =	vnsel vm5, $0x0, v17;
	v20 =	vsel vm3, $0x0, v20;
	v18 =	vadd.f32 v22, v18;
	[tilespmem:s20+$0x80] =	vst v19  }
0xe8: {  	v16 =	vadd.f32 v20, v17;
	[tilespmem:s20+$0x0] =	vst v15  }
0xe9: {  	[tilespmem:s20+$0x100] =	vst v18  }
0xea: {  	s17 =	simm.s32 $0x201;
	[tilespmem:s6+$0x5600] =	vst v16  }
0xeb: {  	v15 =	vadd.s32 s17, v0;
	v16 =	vld.idx.msk [tilespmem:v21+s16+$0x0], $0xffff  }
0xec: {  	s19 =	simm.s32 $0x200;
	v17 =	vld.idx.msk [tilespmem:v21+s13+$0x0], $0xffff  }
0xed: {  	v18 =	vld [tilespmem:s19+$0x4900]  }
0xee: {  	v19 =	vld [tilespmem:s19+$0x4D80]  }
0xef: {  	v22 =	vld [tilespmem:s19+$0x4D90]  }
0xf0: {  	v20 =	vld.idx.msk [tilespmem:v15+s16+$0x0], $0xffff  }
0xf1: {  	v15 =	vld.idx.msk [tilespmem:v15+s13+$0x0], $0xffff  }
0xf2: {  	s20 =	simm.s32 $0x231;
	vm3 =	vge.s32 v16, $0x0  }
0xf3: {  	s21 =	simm.s32 $0x221;
	vm1 =	vlt.s32 v16, $0x0;
	vm2 =	vgt.s32 v17, $0xFFFFFFFF;
	v16 =	vadd.s32 s20, v0  }
0xf4: {  	v17 =	vadd.s32 s21, v0;
	vm4 =	vlt.s32 v18, $0x0;
	vm5 =	vge.s32 v18, $0x0  }
0xf5: {  	s22 =	sand.u32 $0x7, s0;
	v21 =	vld [tilespmem:s19+$0x4910];
	vm14 =	vlt.s32 v19, $0x0;
	vm15 =	vlt.s32 v22, $0x0;
	vm13 =	vlt.s32 v20, $0x0  }
0xf6: {  	s30 =	simm.s32 $0x210;
	s26 =	sshll.u32 s22, $0x4;
	vm12 =	vge.s32 v20, $0x0;
	vm9 =	vgt.s32 v15, $0xFFFFFFFF;
	vm5 =	vmand vm13, vm5  }
0xf7: {  	s1 =	sand.u32 $0xE00, s1;
	s8 =	sand.u32 $0x70, s30;
	s7 =	sadd.s32 $0x800, s26;
	vm6 =	vmand vm4, vm12;
	vm8 =	vmand vm14, vm9;
	vm4 =	vmxor vm4, vm13  }
0xf8: {  	s1 =	sadd.s32 $0x5600, s1;
	s31 =	sadd.s32 $0x10, s7;
	s7 =	simm.s32 $0x200;
	v15 =	vnsel vm6, $0x0, v18;
	v24 =	vnsel vm8, $0x0, v19;
	v19 =	vsel vm8, $0x0, v19;
	v23 =	vld.idx.msk [tilespmem:v16+s16+$0x0], $0xffff  }
0xf9: {  	s9 =	simm.s32 $0x220;
	s29 =	sor.u32 s8, s1;
	s6 =	sand.u32 $0x60, s7;
	vm6 =	vmand vm15, vm2;
	v20 =	vadd.f32 v15, v12;
	v15 =	vsel vm4, $0x0, v18;
	v25 =	vld.idx.msk [tilespmem:v16+s13+$0x0], $0xffff  }
0xfa: {  	s17 =	sand.u32 $0x3, s0;
	s7 =	simm.s32 $0x2;
	s22 =	sor.u32 s6, s1;
	v18 =	vnsel vm5, $0x0, v18;
	vm4 =	vlt.s32 v21, $0x0;
	v16 =	vadd.f32 v24, v15;
	v15 =	vld [tilespmem:s9+$0x4900]  }
0xfb: {  	s26 =	simm.s32 $0x230;
	s17 =	sshll.u32 s17, $0x5;
	s30 =	sand.u32 $0x7, s7;
	[tilespmem:s22+$0x0] =	vst v14;
	vm5 =	vge.s32 v21, $0x0;
	v28 =	vnsel vm6, $0x0, v22;
	v24 =	vadd.f32 v19, v18;
	v18 =	vld [tilespmem:s9+$0x4D80]  }
0xfc: {  	s28 =	sadd.s32 $0x800, s17;
	s6 =	sand.u32 $0x70, s26;
	s26 =	sshll.u32 s30, $0x4;
	vm5 =	vmand vm1, vm5;
	vm3 =	vmand vm4, vm3;
	v19 =	vld.idx.msk [tilespmem:v17+s16+$0x0], $0xffff;
	vm1 =	vmxor vm4, vm1;
	[tilespmem:s22+$0x80] =	vst v20  }
0xfd: {  	s17 =	simm.s32 $0x880;
	s28 =	sor.u32 $0x180, s28;
	s26 =	sadd.s32 $0x880, s26;
	v26 =	vnsel vm3, $0x0, v21;
	v20 =	vld.idx.msk [tilespmem:v17+s13+$0x0], $0xffff;
	v27 =	vsel vm1, $0x0, v21;
	v21 =	vnsel vm5, $0x0, v21;
	[tilespmem:s22+$0x100] =	vst v16  }
0xfe: {  	s21 =	sor.u32 $0x180, s31;
	s31 =	sadd.s32 $0x10, s26;
	s26 =	simm.s32 $0x251;
	v17 =	vld [tilespmem:s9+$0x4D90];
	[tilespmem:s28+$0x5600] =	vst v24;
	v24 =	vsel vm6, $0x0, v22;
	v22 =	vadd.f32 v28, v27;
	vm2 =	vge.s32 v23, $0x0  }
0xff: {  	[tilespmem:s29+$0x0] =	vst v14;
	s1 =	sor.u32 $0x180, s31;
	s22 =	simm.s32 $0x22;
	v16 =	vld [tilespmem:s9+$0x4910];
	s28 =	simm.s32 $0x880;
	vm1 =	vlt.s32 v23, $0x0;
	vm3 =	vgt.s32 v25, $0xFFFFFFFF;
	v23 =	vadd.f32 v26, v12  }
.LBB2_9:
0x100: {  	s8 =	sadd.s32 $0xFFFFFFF0, s26;
	s19 =	sadd.s32 $0xFFFFFFFF, s26;
	v25 =	vadd.s32 s26, v0;
	s7 =	sadd.s32 $0x2, s7;
	v21 =	vadd.f32 v24, v21  }
0x101: {  	vm4 =	vlt.s32 v15, $0x0;
	vm5 =	vge.s32 v15, $0x0;
	s31 =	sand.u32 $0x7, s7;
	v24 =	vadd.s32 s8, v0;
	s30 =	sand.u32 $0x70, s19;
	[tilespmem:s29+$0x80] =	vst v23  }
0x102: {  	vm8 =	vlt.s32 v18, $0x0;
	vm6 =	vge.s32 v19, $0x0;
	vm7 =	vlt.s32 v19, $0x0;
	s8 =	sshll.u32 s31, $0x4;
	[tilespmem:s29+$0x100] =	vst v22  }
0x103: {  	s28 =	sadd.s32 $0x80, s28;
	s19 =	sadd.s32 $0xFFFFFFEF, s20;
	s20 =	sand.u32 $0xE00, s17;
	vm5 =	vmand vm7, vm5;
	vm6 =	vmand vm4, vm6;
	vm9 =	vgt.s32 v20, $0xFFFFFFFF;
	[tilespmem:s21+$0x5600] =	vst v21  }
0x104: {  	s0 =	sadd.s32 $0x1, s0;
	s19 =	sand.u32 $0x60, s19;
	s20 =	sadd.s32 $0x5600, s20;
	vm4 =	vmxor vm4, vm7;
	vm8 =	vmand vm8, vm9;
	v19 =	vnsel vm6, $0x0, v15  }
0x105: {  	s22 =	sadd.s32 $0x2, s22;
	s21 =	sand.u32 $0x3, s0;
	s19 =	sor.u32 s19, s20;
	v20 =	vsel vm4, $0x0, v15;
	v19 =	vadd.f32 v19, v12;
	v21 =	vnsel vm8, $0x0, v18;
	v22 =	vld.idx.msk [tilespmem:v25+s16+$0x0], $0xffff  }
0x106: {  	p1 =	slt.u32 s22, $0x3E;
	s31 =	sshra.s32 s28, $0x2;
	s21 =	sshll.u32 s21, $0x5;
	v18 =	vsel vm8, $0x0, v18;
	v20 =	vadd.f32 v21, v20;
	v21 =	vnsel vm5, $0x0, v15;
	v23 =	vld.idx.msk [tilespmem:v25+s13+$0x0], $0xffff;
	[tilespmem:s19+$0x0] =	vst v14  }
0x107: {  	s8 =	sadd.s32 s28, s8;
	vm4 =	vlt.s32 v16, $0x0;
	s29 =	sor.u32 s6, s20;
	s17 =	sadd.s32 s17, s21;
	vm5 =	vge.s32 v16, $0x0;
	v21 =	vadd.f32 v18, v21;
	v15 =	vld [tilespmem:s31+$0x4900];
	[tilespmem:s19+$0x80] =	vst v19  }
.Ltmp5:
0x108: {  	s6 =	sadd.s32 $0x10, s8;
	vm2 =	vmand vm4, vm2;
	vm6 =	vlt.s32 v17, $0x0;
	s8 =	sor.u32 $0x180, s17;
	vm5 =	vmand vm1, vm5;
	v18 =	vld [tilespmem:s31+$0x4D80];
	[tilespmem:s19+$0x100] =	vst v20;
	(pc) =	sbr.rel @p1 .LBB2_9-.Ltmp5, $4  }
0x109: {  	vm3 =	vmand vm6, vm3;
	v25 =	vnsel vm2, $0x0, v16;
	vm1 =	vmxor vm4, vm1;
	s19 =	sor.u32 $0x180, s6;
	v19 =	vld.idx.msk [tilespmem:v24+s16+$0x0], $0xffff;
	[tilespmem:s8+$0x5600] =	vst v21  }
0x10a: {  	s21 =	smov.u32 s1;
	v27 =	vnsel vm3, $0x0, v17;
	s17 =	smov.u32 s28;
	v26 =	vsel vm1, $0x0, v16;
	s6 =	smov.u32 s30;
	v21 =	vnsel vm5, $0x0, v16;
	v20 =	vld.idx.msk [tilespmem:v24+s13+$0x0], $0xffff;
	[tilespmem:s29+$0x0] =	vst v14  }
0x10b: {  	s20 =	smov.u32 s26;
	s1 =	smov.u32 s19;
	vm2 =	vge.s32 v22, $0x0;
	vm1 =	vlt.s32 v22, $0x0;
	v24 =	vsel vm3, $0x0, v17;
	v16 =	vld [tilespmem:s31+$0x4910]  }
0x10c: {  	s26 =	sadd.s32 $0x20, s26;
	v22 =	vadd.f32 v27, v26;
	vm3 =	vgt.s32 v23, $0xFFFFFFFF;
	v23 =	vadd.f32 v25, v12;
	v17 =	vld [tilespmem:s31+$0x4D90]  }
0x10d: {  	v21 =	vadd.f32 v24, v21  }
0x10e: {  	vm4 =	vlt.s32 v15, $0x0;
	vm5 =	vge.s32 v15, $0x0;
	vm7 =	vlt.s32 v19, $0x0  }
0x10f: {  	vm8 =	vlt.s32 v18, $0x0;
	vm6 =	vge.s32 v19, $0x0;
	vm5 =	vmand vm7, vm5  }
0x110: {  	vm6 =	vmand vm4, vm6;
	vm9 =	vgt.s32 v20, $0xFFFFFFFF;
	vm4 =	vmxor vm4, vm7  }
0x111: {  	s7 =	sadd.s32 $0xFFFFFFEF, s20;
	s8 =	sand.u32 $0xE00, s17;
	[tilespmem:s29+$0x80] =	vst v23;
	v19 =	vnsel vm6, $0x0, v15;
	vm11 =	vmand vm8, vm9;
	v20 =	vsel vm4, $0x0, v15  }
0x112: {  	s0 =	sadd.s32 $0x1, s0;
	[tilespmem:s29+$0x100] =	vst v22;
	s7 =	sand.u32 $0x60, s7;
	s8 =	sadd.s32 $0x5600, s8;
	v15 =	vnsel vm5, $0x0, v15;
	vm12 =	vge.s32 v16, $0x0;
	vm13 =	vlt.s32 v16, $0x0  }
0x113: {  	s0 =	sand.u32 $0x3, s0;
	[tilespmem:s21+$0x5600] =	vst v21;
	s7 =	sor.u32 s7, s8;
	v19 =	vadd.f32 v19, v12;
	v22 =	vnsel vm11, $0x0, v18;
	v18 =	vsel vm11, $0x0, v18  }
0x114: {  	s0 =	sshll.u32 s0, $0x5;
	[tilespmem:s7+$0x0] =	vst v14;
	vm4 =	vmand vm1, vm12;
	vm14 =	vlt.s32 v17, $0x0;
	v20 =	vadd.f32 v22, v20  }
0x115: {  	s0 =	sadd.s32 s17, s0;
	vm2 =	vmand vm13, vm2;
	vm1 =	vmxor vm13, vm1;
	v15 =	vadd.f32 v18, v15;
	[tilespmem:s7+$0x80] =	vst v19  }
0x116: {  	s0 =	sor.u32 $0x180, s0;
	vm3 =	vmand vm14, vm3;
	v18 =	vnsel vm2, $0x0, v16;
	v19 =	vsel vm1, $0x0, v16;
	[tilespmem:s7+$0x100] =	vst v20  }
0x117: {  	s30 =	simm.s32 $0x441;
	s6 =	sor.u32 s6, s8;
	v20 =	vnsel vm3, $0x0, v17;
	[tilespmem:s0+$0x5600] =	vst v15;
	v15 =	vnsel vm4, $0x0, v16;
	v16 =	vadd.f32 v18, v12  }
0x118: {  	v21 =	vadd.s32 s30, v0;
	[tilespmem:s6+$0x0] =	vst v14;
	v17 =	vsel vm3, $0x0, v17;
	v19 =	vadd.f32 v20, v19  }
0x119: {  	s20 =	simm.s32 $0x471;
	v15 =	vadd.f32 v17, v15;
	[tilespmem:s6+$0x80] =	vst v16  }
0x11a: {  	s21 =	simm.s32 $0x461;
	v18 =	vadd.s32 s20, v0;
	[tilespmem:s6+$0x100] =	vst v19  }
0x11b: {  	s28 =	simm.s32 $0x421;
	v20 =	vadd.s32 s21, v0;
	s6 =	simm.s32 $0x51F0;
	[tilespmem:s1+$0x5600] =	vst v15  }
0x11c: {  	s22 =	simm.s32 $0x401;
	v17 =	vadd.s32 s28, v0;
	v22 =	vld [tilespmem:s6+$0xFFFFFFF0]  }
0x11d: {  	s29 =	simm.s32 $0x431;
	v16 =	vadd.s32 s22, v0;
	v21 =	vld.idx.msk [tilespmem:v21+s13+$0x0], $0xffff  }
0x11e: {  	s26 =	simm.s32 $0x411;
	v19 =	vadd.s32 s29, v0;
	v27 =	vld [tilespmem:s6+$0xFFFFFFC0]  }
0x11f: {  	s31 =	simm.s32 $0x451;
	v15 =	vadd.s32 s26, v0;
	v18 =	vld.idx.msk [tilespmem:v18+s13+$0x0], $0xffff  }
0x120: {  	v23 =	vadd.s32 s31, v0;
	v20 =	vld.idx.msk [tilespmem:v20+s13+$0x0], $0xffff  }
0x121: {  	v17 =	vld.idx.msk [tilespmem:v17+s13+$0x0], $0xffff  }
0x122: {  	v16 =	vld.idx.msk [tilespmem:v16+s13+$0x0], $0xffff  }
0x123: {  	v19 =	vld.idx.msk [tilespmem:v19+s13+$0x0], $0xffff  }
0x124: {  	v15 =	vld.idx.msk [tilespmem:v15+s13+$0x0], $0xffff  }
0x125: {  	vm2 =	vgt.s32 v20, $0xFFFFFFFF;
	v20 =	vld.idx.msk [tilespmem:v23+s13+$0x0], $0xffff  }
0x126: {  	v23 =	vld [tilespmem:s6+$0xFFFFFFA0]  }
0x127: {  	s0 =	simm.s32 $0x67F0;
	v26 =	vld [tilespmem:s6+$0xFFFFFFB0];
	vm1 =	vlt.s32 v22, $0x0;
	vm13 =	vgt.s32 v21, $0xFFFFFFFF;
	vm14 =	vlt.s32 v27, $0x0  }
0x128: {  	v28 =	vld [tilespmem:s6+$0xFFFFFFD0];
	[tilespmem:s0+$0xFFFFFE50] =	vst v14;
	vm2 =	vmand vm1, vm2;
	vm1 =	vgt.s32 v18, $0xFFFFFFFF;
	vm15 =	vgt.s32 v17, $0xFFFFFFFF  }
0x129: {  	v29 =	vld [tilespmem:s6+$0xFFFFFFE0];
	[tilespmem:s0+$0xFFFFFE30] =	vst v14;
	v24 =	vnsel vm2, $0x0, v22;
	v18 =	vsel vm2, $0x0, v22;
	vm3 =	vgt.s32 v16, $0xFFFFFFFF  }
0x12a: {  	vm6 =	vgt.s32 v19, $0xFFFFFFFF;
	v16 =	vimm.f32 $-Inf;
	vm2 =	vgt.s32 v15, $0xFFFFFFFF;
	[tilespmem:s0+$0xFFFFFFF0] =	vst v18;
	v18 =	vld [tilespmem:s6+$0x0]  }
0x12b: {  	[tilespmem:s0+$0xFFFFFEB0] =	vst v12;
	v15 =	vld [tilespmem:s6+$0xFFFFFF90];
	vm6 =	vmand vm14, vm6;
	vm12 =	vlt.s32 v23, $0x0;
	vm8 =	vgt.s32 v20, $0xFFFFFFFF  }
0x12c: {  	[tilespmem:s0+$0xFFFFFE40] =	vst v14;
	v20 =	vnsel vm6, $0x0, v27;
	vm4 =	vmand vm12, vm2;
	vm2 =	vlt.s32 v26, $0x0  }
0x12d: {  	[tilespmem:s0+$0xFFFFFEC0] =	vst v12;
	v24 =	vadd.f32 v24, v13;
	v20 =	vadd.f32 v20, v13;
	vm2 =	vmand vm2, vm15  }
0x12e: {  	[tilespmem:s0+$0xFFFFFE20] =	vst v14;
	v17 =	vnsel vm4, $0x0, v23;
	vm15 =	vlt.s32 v28, $0x0;
	v19 =	vnsel vm2, $0x0, v26  }
0x12f: {  	[tilespmem:s0+$0xFFFFFEA0] =	vst v12;
	vm12 =	vmand vm15, vm13;
	vm13 =	vlt.s32 v29, $0x0;
	vm14 =	vlt.s32 v18, $0x0  }
0x130: {  	[tilespmem:s0+$0xFFFFFE10] =	vst v14;
	vm15 =	vlt.s32 v15, $0x0;
	v17 =	vadd.f32 v17, v13;
	v21 =	vnsel vm12, $0x0, v28  }
0x131: {  	p1 =	por $0x1, $0x1;
	[tilespmem:s0+$0xFFFFFE90] =	vst v12;
	vm7 =	vmand vm13, vm8;
	vm1 =	vmand vm14, vm1;
	vm3 =	vmand vm15, vm3  }
.Ltmp6:
0x132: {  	[tilespmem:s0+$0xFFFFFF70] =	vst v24;
	v19 =	vadd.f32 v19, v13;
	v22 =	vnsel vm7, $0x0, v29;
	v30 =	vnsel vm1, $0x0, v18;
	(pc) =	sbr.rel @!p1 .LBB2_12-.Ltmp6, $4  }
0x133: {  	[tilespmem:s0+$0xFFFFFF40] =	vst v20;
	v24 =	vnsel vm3, $0x0, v15;
	v15 =	vsel vm3, $0x0, v15;
	v25 =	vadd.f32 v21, v13  }
0x134: {  	[tilespmem:s0+$0xFFFFFF20] =	vst v17;
	v17 =	vsel vm4, $0x0, v23;
	v21 =	vsel vm6, $0x0, v27;
	v31 =	vadd.f32 v24, v13  }
0x135: {  	s17 =	simm.s32 $0x4F1;
	s7 =	simm.s32 $0x40;
	s21 =	simm.s32 $0x4DC0;
	v20 =	vsel vm7, $0x0, v29;
	v18 =	vsel vm1, $0x0, v18;
	[tilespmem:s0+$0xFFFFFF30] =	vst v19;
	v24 =	vadd.f32 v22, v13  }
0x136: {  	s20 =	simm.s32 $0x60;
	s1 =	simm.s32 $0xFFFFFFFC;
	s26 =	simm.s32 $0x0;
	v23 =	vadd.f32 v30, v13;
	v22 =	vsel vm2, $0x0, v26;
	v19 =	vsel vm12, $0x0, v28;
	[tilespmem:s0+$0xFFFFFF10] =	vst v31  }
.LBB2_11:
0x137: {  	s8 =	sadd.s32 $0xFFFFFF90, s17;
	s19 =	sadd.s32 $0xFFFFFFF0, s17;
	v26 =	vadd.s32 s17, v0;
	s7 =	sadd.s32 $0x8, s7;
	[tilespmem:s0+$0xFFFFFF50] =	vst v25  }
0x138: {  	s22 =	sadd.s32 $0xFFFFFFB0, s17;
	v25 =	vadd.s32 s8, v0;
	s8 =	sadd.s32 $0xFFFFFFA0, s17;
	v27 =	vadd.s32 s19, v0;
	p1 =	slt.u32 s7, $0x78;
	[tilespmem:s0+$0xFFFFFF60] =	vst v24  }
0x139: {  	v28 =	vadd.s32 s22, v0;
	s19 =	sadd.s32 $0xFFFFFFD0, s17;
	s22 =	sadd.s32 $0xFFFFFFE0, s17;
	v24 =	vadd.s32 s8, v0;
	s8 =	sadd.s32 $0xFFFFFFC0, s17;
	[tilespmem:s0+$0xFFFFFF80] =	vst v23  }
0x13a: {  	v29 =	vadd.s32 s19, v0;
	v30 =	vadd.s32 s22, v0;
	v23 =	vadd.s32 s8, v0;
	[tilespmem:s0+$0xFFFFFF90] =	vst v15  }
0x13b: {  	[tilespmem:s0+$0xFFFFFFA0] =	vst v17  }
0x13c: {  	v15 =	vld.idx.msk [tilespmem:v26+s13+$0x0], $0xffff;
	[tilespmem:s0+$0xFFFFFFB0] =	vst v22  }
0x13d: {  	s6 =	sadd.s32 $0x80, s6;
	v17 =	vld.idx.msk [tilespmem:v27+s13+$0x0], $0xffff;
	[tilespmem:s0+$0xFFFFFFC0] =	vst v21  }
0x13e: {  	v21 =	vld [tilespmem:s6+$0xFFFFFFF0];
	[tilespmem:s0+$0xFFFFFFD0] =	vst v19  }
0x13f: {  	v19 =	vld.idx.msk [tilespmem:v25+s13+$0x0], $0xffff;
	[tilespmem:s0+$0xFFFFFFE0] =	vst v20  }
0x140: {  	v20 =	vld.idx.msk [tilespmem:v24+s13+$0x0], $0xffff;
	[tilespmem:s0+$0x0] =	vst v18  }
0x141: {  	v18 =	vld.idx.msk [tilespmem:v28+s13+$0x0], $0xffff;
	[tilespmem:s0+$0xFFFFFED0] =	vst v12  }
0x142: {  	vm1 =	vgt.s32 v15, $0xFFFFFFFF;
	v22 =	vld.idx.msk [tilespmem:v23+s13+$0x0], $0xffff;
	[tilespmem:s0+$0xFFFFFE60] =	vst v14  }
0x143: {  	vm3 =	vgt.s32 v17, $0xFFFFFFFF;
	v15 =	vld.idx.msk [tilespmem:v29+s13+$0x0], $0xffff;
	vm2 =	vlt.s32 v21, $0x0;
	[tilespmem:s0+$0xFFFFFEE0] =	vst v12  }
0x144: {  	v17 =	vld.idx.msk [tilespmem:v30+s13+$0x0], $0xffff;
	vm3 =	vmand vm2, vm3;
	[tilespmem:s0+$0xFFFFFE70] =	vst v14  }
0x145: {  	vm2 =	vgt.s32 v19, $0xFFFFFFFF;
	v19 =	vld [tilespmem:s6+$0xFFFFFFA0];
	v23 =	vnsel vm3, $0x0, v21;
	v21 =	vsel vm3, $0x0, v21;
	[tilespmem:s0+$0xFFFFFEF0] =	vst v12  }
0x146: {  	vm3 =	vgt.s32 v20, $0xFFFFFFFF;
	v20 =	vld [tilespmem:s6+$0xFFFFFFB0];
	v23 =	vadd.f32 v23, v13;
	[tilespmem:s0+$0xFFFFFE80] =	vst v14  }
0x147: {  	vm5 =	vgt.s32 v18, $0xFFFFFFFF;
	v18 =	vld [tilespmem:s6+$0xFFFFFFC0];
	[tilespmem:s0+$0xFFFFFF00] =	vst v12;
	s0 =	sadd.s32 $0x200, s0  }
0x148: {  	vm6 =	vgt.s32 v22, $0xFFFFFFFF;
	v26 =	vld [tilespmem:s6+$0xFFFFFFD0];
	[tilespmem:s0+$0xFFFFFF70] =	vst v23  }
0x149: {  	vm7 =	vgt.s32 v15, $0xFFFFFFFF;
	v27 =	vld [tilespmem:s6+$0xFFFFFFE0];
	[tilespmem:s0+$0xFFFFFFF0] =	vst v21  }
0x14a: {  	vm8 =	vgt.s32 v17, $0xFFFFFFFF;
	vm4 =	vlt.s32 v19, $0x0;
	[tilespmem:s0+$0xFFFFFE20] =	vst v14;
	v28 =	vld [tilespmem:s6+$0x0]  }
0x14b: {  	v15 =	vld [tilespmem:s6+$0xFFFFFF90];
	[tilespmem:s0+$0xFFFFFE10] =	vst v14;
	vm4 =	vmand vm4, vm3;
	vm3 =	vlt.s32 v20, $0x0  }
0x14c: {  	[tilespmem:s0+$0xFFFFFE90] =	vst v12;
	v17 =	vnsel vm4, $0x0, v19;
	vm3 =	vmand vm3, vm5;
	vm5 =	vlt.s32 v18, $0x0  }
0x14d: {  	[tilespmem:s0+$0xFFFFFEA0] =	vst v12;
	v21 =	vnsel vm3, $0x0, v20;
	vm5 =	vmand vm5, vm6;
	vm6 =	vlt.s32 v26, $0x0  }
0x14e: {  	[tilespmem:s0+$0xFFFFFE30] =	vst v14;
	v22 =	vnsel vm5, $0x0, v18;
	vm6 =	vmand vm6, vm7;
	vm7 =	vlt.s32 v27, $0x0  }
0x14f: {  	[tilespmem:s0+$0xFFFFFEB0] =	vst v12;
	v23 =	vnsel vm6, $0x0, v26;
	vm7 =	vmand vm7, vm8;
	vm8 =	vlt.s32 v28, $0x0  }
0x150: {  	vm9 =	vlt.s32 v15, $0x0;
	[tilespmem:s0+$0xFFFFFE40] =	vst v14;
	v24 =	vnsel vm7, $0x0, v27;
	vm1 =	vmand vm8, vm1  }
0x151: {  	v17 =	vadd.f32 v17, v13;
	vm2 =	vmand vm9, vm2;
	[tilespmem:s0+$0xFFFFFEC0] =	vst v12;
	v29 =	vnsel vm1, $0x0, v28  }
.Ltmp7:
0x152: {  	v21 =	vadd.f32 v21, v13;
	v30 =	vadd.f32 v22, v13;
	v25 =	vnsel vm2, $0x0, v15;
	[tilespmem:s0+$0xFFFFFE50] =	vst v14;
	(pc) =	sbr.rel @p1 .LBB2_11-.Ltmp7, $4  }
0x153: {  	v15 =	vsel vm2, $0x0, v15;
	v22 =	vadd.f32 v25, v13;
	[tilespmem:s0+$0xFFFFFF20] =	vst v17;
	v25 =	vadd.f32 v23, v13  }
0x154: {  	v24 =	vadd.f32 v24, v13;
	v17 =	vsel vm4, $0x0, v19;
	v23 =	vadd.f32 v29, v13;
	[tilespmem:s0+$0xFFFFFF30] =	vst v21  }
0x155: {  	v19 =	vsel vm6, $0x0, v26;
	v21 =	vsel vm5, $0x0, v18;
	[tilespmem:s0+$0xFFFFFF10] =	vst v22;
	v22 =	vsel vm3, $0x0, v20  }
0x156: {  	s17 =	sadd.s32 $0x80, s17;
	v18 =	vsel vm1, $0x0, v28;
	v20 =	vsel vm7, $0x0, v27;
	[tilespmem:s0+$0xFFFFFF40] =	vst v30  }
.LBB2_12:
0x157: {  	[tilespmem:s0+$0xFFFFFF50] =	vst v25  }
0x158: {  	[tilespmem:s0+$0xFFFFFF60] =	vst v24  }
0x159: {  	[tilespmem:s0+$0xFFFFFF90] =	vst v15  }
0x15a: {  	[tilespmem:s0+$0xFFFFFFA0] =	vst v17  }
0x15b: {  	[tilespmem:s0+$0xFFFFFFB0] =	vst v22  }
0x15c: {  	[tilespmem:s0+$0xFFFFFFC0] =	vst v21  }
0x15d: {  	[tilespmem:s0+$0xFFFFFFD0] =	vst v19  }
0x15e: {  	[tilespmem:s0+$0xFFFFFFE0] =	vst v20  }
0x15f: {  	s31 =	sadd.s32 $0x40, s26;
	[tilespmem:s0+$0x0] =	vst v18;
	v15 =	vmov s26  }
0x160: {  	[tilespmem:s0+$0xFFFFFE60] =	vst v14;
	v13 =	vmov s31;
	v15 =	vshll.u32 v15, $0x1  }
0x161: {  	[tilespmem:s0+$0xFFFFFE70] =	vst v14;
	v13 =	vshll.u32 v13, $0x1;
	v22 =	vbroadcast v15, $0x0  }
0x162: {  	[tilespmem:s0+$0xFFFFFE80] =	vst v14;
	v14 =	vor.u32 $0x81, v1;
	v17 =	vbroadcast v13, $0x0  }
0x163: {  	[tilespmem:s0+$0xFFFFFED0] =	vst v12;
	s19 =	sadd.s32 $0xC0, s26;
	v26 =	vor.u32 v14, v22  }
0x164: {  	[tilespmem:s0+$0xFFFFFEE0] =	vst v12;
	v25 =	vmov s19;
	v18 =	vor.u32 v7, v17  }
0x165: {  	s30 =	sadd.s32 $0x80, s26;
	[tilespmem:s0+$0xFFFFFEF0] =	vst v12;
	v25 =	vshll.u32 v25, $0x1;
	v19 =	vor.u32 v10, v17  }
0x166: {  	[tilespmem:s0+$0xFFFFFF00] =	vst v12;
	v13 =	vmov s30;
	v25 =	vbroadcast v25, $0x0;
	v21 =	vor.u32 v8, v17  }
0x167: {  	[tilespmem:s0+$0xFFFFFF80] =	vst v23;
	v13 =	vshll.u32 v13, $0x1;
	v17 =	vor.u32 v9, v17  }
0x168: {  	v20 =	vbroadcast v13, $0x0;
	v27 =	vor.u32 v8, v25;
	v30 =	vld.idx.msk [tilespmem:v26+s26+$0x0], $0xffff  }
0x169: {  	v13 =	vor.u32 $0x80, v1;
	v28 =	vor.u32 v10, v25;
	v18 =	vld.idx.msk [tilespmem:v18+s26+$0x0], $0xffff  }
0x16a: {  	v15 =	vor.u32 $0xA0, v1;
	v23 =	vor.u32 v13, v20;
	v29 =	vld.idx.msk [tilespmem:v19+s26+$0x0], $0xffff  }
0x16b: {  	v24 =	vor.u32 v15, v20;
	v21 =	vld.idx.msk [tilespmem:v21+s26+$0x0], $0xffff  }
0x16c: {  	v12 =	vor.u32 $0xA1, v1;
	v26 =	vor.u32 v7, v25;
	v31 =	vld.idx.msk [tilespmem:v17+s26+$0x0], $0xffff  }
0x16d: {  	v19 =	vor.u32 v12, v20;
	v36 =	vld.idx.msk [tilespmem:v27+s26+$0x0], $0xffff  }
0x16e: {  	v20 =	vor.u32 v14, v20;
	v34 =	vld.idx.msk [tilespmem:v28+s26+$0x0], $0xffff  }
0x16f: {  	v25 =	vor.u32 v9, v25;
	v23 =	vld.idx.msk [tilespmem:v23+s26+$0x0], $0xffff  }
0x170: {  	v17 =	vor.u32 v13, v22;
	v24 =	vld.idx.msk [tilespmem:v24+s26+$0x0], $0xffff  }
0x171: {  	v32 =	vor.u32 v15, v22;
	v22 =	vor.u32 v12, v22;
	v37 =	vld.idx.msk [tilespmem:v26+s26+$0x0], $0xffff  }
0x172: {  	v19 =	vld.idx.msk [tilespmem:v19+s26+$0x0], $0xffff  }
0x173: {  	v20 =	vld.idx.msk [tilespmem:v20+s26+$0x0], $0xffff;
	v27 =	vadd.f32 v21, v18  }
0x174: {  	v18 =	vsub.f32 v18, v21;
	v21 =	vld.idx.msk [tilespmem:v25+s26+$0x0], $0xffff  }
0x175: {  	v38 =	vld.idx.msk [tilespmem:v17+s26+$0x0], $0xffff;
	v25 =	vmul.f32 $7.071067690e-01, v27  }
0x176: {  	v35 =	vsub.f32 v31, v29;
	v28 =	vld.idx.msk [tilespmem:v22+s26+$0x0], $0xffff;
	v22 =	vadd.f32 v29, v31  }
0x177: {  	v26 =	vmul.f32 $7.071067690e-01, v18;
	v27 =	vld.idx.msk [tilespmem:v32+s26+$0x0], $0xffff;
	v17 =	vperm.xlane v25, v6;
	v62 =	vadd.f32 v36, v37  }
0x178: {  	s0 =	sadd.s32 $0x4, s1;
	v18 =	vperm.xlane v25, v3;
	v61 =	vadd.f32 v19, v24;
	v19 =	vsub.f32 v24, v19  }
0x179: {  	p2 =	slt.u32 s0, $0x3C;
	v24 =	vmul.f32 $7.071067690e-01, v35;
	v25 =	vsub.f32 v23, v20;
	v31 =	vadd.f32 v20, v23  }
.Ltmp8:
0x17a: {  	s22 =	sadd.s32 $0xFFFFFFC0, s20;
	v20 =	vadd.f32 v34, v21;
	v23 =	vadd.f32 v30, v38;
	v35 =	vmul.f32 $7.071067690e-01, v62;
	(pc) =	sbr.rel @!p2 .LBB2_13-.Ltmp8, $4  }
0x17b: {  	s1 =	sor.u32 $0x30, s22;
	[tilespmem:s21+$0xFFFFFFE0] =	vst v26;
	v21 =	vsub.f32 v21, v34;
	v33 =	vmul.f32 $7.071067690e-01, v61;
	v39 =	vmul.f32 $7.071067690e-01, v25  }
0x17c: {  	v26 =	vmul.f32 $7.071067690e-01, v20;
	v63 =	vadd.f32 v28, v27;
	[tilespmem:s1+$0x4D80] =	vst v24;
	v24 =	vmul.f32 $7.071067690e-01, v23  }
0x17d: {  	s29 =	simm.s32 $0x4420;
	s28 =	simm.s32 $0x46A0;
	s6 =	sadd.s32 $0x100, s26;
	v20 =	vmul.f32 $7.071067690e-01, v22;
	v25 =	vsub.f32 v38, v30;
	v29 =	vperm.xlane v33, v3  }
0x17e: {  	s7 =	sadd.s32 $0x80, s20;
	p1 =	por $0x0, $0x0;
	v23 =	vsub.f32 v37, v36;
	s1 =	sadd.s32 $0x80, s21;
	[tilespmem:s21+$0x0] =	vst v39;
	v34 =	vperm.xlane v26, v6;
	v32 =	vmul.f32 $7.071067690e-01, v63  }
0x17f: {  	v12 =	vor.u32 $0xA1, v1;
	v22 =	vperm.xlane v35, v3  }
0x180: {  	s8 =	sadd.s32 $0x40, s6;
	v15 =	vperm.xlane v33, v6;
	v54 =	vperm.xlane v20, v6;
	v27 =	vsub.f32 v27, v28  }
0x181: {  	v28 =	vmul.f32 $7.071067690e-01, v31;
	v31 =	vperm.xlane v35, v6;
	v13 =	vmov s8  }
0x182: {  	v26 =	vperm.xlane v26, v3;
	v47 =	vperm.xlane v24, v3;
	v13 =	vshll.u32 v13, $0x1  }
0x183: {  	s17 =	sadd.s32 $0x80, s6;
	v40 =	vmov s6;
	v25 =	vmul.f32 $7.071067690e-01, v25;
	v36 =	vbroadcast v13, $0x0  }
0x184: {  	v19 =	vmul.f32 $7.071067690e-01, v19;
	v20 =	vperm.xlane v20, v3;
	v14 =	vmov s17  }
0x185: {  	v30 =	vshll.u32 v14, $0x1;
	v38 =	vperm.xlane v28, v3;
	v55 =	vor.u32 v7, v36  }
0x186: {  	s22 =	sadd.s32 $0xC0, s6;
	v28 =	vperm.xlane v28, v6;
	v30 =	vbroadcast v30, $0x0;
	v37 =	vor.u32 v8, v36  }
0x187: {  	v41 =	vmov s22;
	v13 =	vor.u32 $0x80, v1;
	v39 =	vor.u32 v10, v36  }
0x188: {  	v28 =	vsel vm0, v28, v15;
	v15 =	vor.u32 $0xA0, v1;
	v58 =	vor.u32 v13, v30  }
0x189: {  	v56 =	vshll.u32 v40, $0x1;
	v44 =	vperm.xlane v32, v3;
	v42 =	vor.u32 v15, v30  }
0x18a: {  	v60 =	vperm.xlane v32, v6;
	v57 =	vshll.u32 v41, $0x1;
	v46 =	vor.u32 v12, v30;
	v35 =	vld.idx.msk [tilespmem:v55+s26+$0x0], $0xffff  }
0x18b: {  	v14 =	vor.u32 $0x81, v1;
	v40 =	vbroadcast v57, $0x0;
	v36 =	vor.u32 v9, v36;
	v37 =	vld.idx.msk [tilespmem:v37+s26+$0x0], $0xffff  }
0x18c: {  	v23 =	vmul.f32 $7.071067690e-01, v23;
	v31 =	vsel vm0, v31, v34;
	v30 =	vor.u32 v14, v30;
	v39 =	vld.idx.msk [tilespmem:v39+s26+$0x0], $0xffff  }
0x18d: {  	s9 =	sadd.s32 $0xFFFFFFE0, s20;
	v26 =	vsel vm0, v22, v26;
	v22 =	vperm.xlane v24, v6;
	v49 =	vor.u32 v8, v40;
	v41 =	vld.idx.msk [tilespmem:v58+s26+$0x0], $0xffff  }
0x18e: {  	s8 =	sor.u32 $0x50, s9;
	v27 =	vmul.f32 $7.071067690e-01, v27;
	[tilespmem:s21+$0xFFFFFFC0] =	vst v25;
	v20 =	vsel vm0, v18, v20;
	v50 =	vor.u32 v10, v40;
	v24 =	vld.idx.msk [tilespmem:v42+s26+$0x0], $0xffff  }
0x18f: {  	[tilespmem:s8+$0x4D80] =	vst v19;
	v29 =	vsel vm0, v38, v29;
	v38 =	vbroadcast v56, $0x0;
	v48 =	vor.u32 v7, v40;
	v46 =	vld.idx.msk [tilespmem:v46+s26+$0x0], $0xffff  }
0x190: {  	v61 =	vsel vm0, v47, v44;
	v51 =	vsub.f32 v26, v31;
	v40 =	vor.u32 v9, v40;
	v36 =	vld.idx.msk [tilespmem:v36+s26+$0x0], $0xffff  }
0x191: {  	v62 =	vsub.f32 v29, v28;
	v28 =	vadd.f32 v28, v29;
	v43 =	vor.u32 v12, v38;
	v25 =	vld.idx.msk [tilespmem:v30+s26+$0x0], $0xffff  }
0x192: {  	v59 =	vor.u32 v14, v38;
	v45 =	vor.u32 v13, v38;
	v38 =	vor.u32 v15, v38;
	v53 =	vld.idx.msk [tilespmem:v49+s26+$0x0], $0xffff  }
0x193: {  	v21 =	vmul.f32 $7.071067690e-01, v21;
	v26 =	vadd.f32 v31, v26;
	[tilespmem:s21+$0x20] =	vst v23;
	v31 =	vsel vm0, v17, v54;
	v23 =	vld.idx.msk [tilespmem:v50+s26+$0x0], $0xffff  }
0x194: {  	s17 =	sor.u32 $0x70, s20;
	[tilespmem:s21+$0xFFFFFFD0] =	vst v27;
	v27 =	vsel vm0, v22, v60;
	v57 =	vadd.f32 v31, v20;
	v28 =	vmul.f32 $7.071067690e-01, v28;
	v54 =	vld.idx.msk [tilespmem:v48+s26+$0x0], $0xffff  }
0x195: {  	s19 =	sshra.s32 s26, $0x2;
	[tilespmem:s17+$0x4D80] =	vst v21;
	v21 =	vmul.f32 $7.071067690e-01, v26;
	v30 =	vadd.f32 v27, v61;
	v27 =	vsub.f32 v61, v27;
	v26 =	vld.idx.msk [tilespmem:v40+s26+$0x0], $0xffff  }
0x196: {  	v20 =	vsub.f32 v20, v31;
	v22 =	vmul.f32 $7.071067690e-01, v51;
	v52 =	vmul.f32 $7.071067690e-01, v62;
	[tilespmem:s19+$0x4020] =	vst v28;
	v28 =	vld.idx.msk [tilespmem:v43+s26+$0x0], $0xffff  }
0x197: {  	v56 =	vmul.f32 $7.071067690e-01, v27;
	v27 =	vld.idx.msk [tilespmem:v38+s26+$0x0], $0xffff;
	v63 =	vsub.f32 v35, v37;
	v35 =	vadd.f32 v37, v35  }
0x198: {  	v61 =	vmul.f32 $7.071067690e-01, v57;
	v55 =	vsub.f32 v36, v39;
	v58 =	vadd.f32 v46, v24  }
0x199: {  	[tilespmem:s19+$0x4030] =	vst v21;
	v34 =	vld.idx.msk [tilespmem:v59+s26+$0x0], $0xffff;
	v30 =	vmul.f32 $7.071067690e-01, v30;
	v59 =	vadd.f32 v39, v36;
	v21 =	vadd.f32 v53, v54  }
0x19a: {  	[tilespmem:s19+$0x4930] =	vst v22;
	v45 =	vld.idx.msk [tilespmem:v45+s26+$0x0], $0xffff;
	v31 =	vadd.f32 v25, v41;
	v29 =	vmul.f32 $7.071067690e-01, v63;
	v19 =	vmul.f32 $7.071067690e-01, v35  }
0x19b: {  	[tilespmem:s19+$0x4920] =	vst v52;
	v33 =	vmul.f32 $7.071067690e-01, v58;
	v35 =	vmul.f32 $7.071067690e-01, v21;
	v21 =	vsub.f32 v26, v23  }
0x19c: {  	s20 =	sadd.s32 $0x4, s0;
	[tilespmem:s19+$0x4000] =	vst v30;
	v30 =	vadd.f32 v28, v27;
	v17 =	vperm.xlane v19, v6;
	v18 =	vperm.xlane v19, v3  }
0x19d: {  	s22 =	sadd.s32 $0xFFFFFFC0, s7;
	p3 =	slt.u32 s20, $0x3C;
	[tilespmem:s1+$0xFFFFFFE0] =	vst v29;
	v29 =	vmul.f32 $7.071067690e-01, v55;
	v19 =	vsub.f32 v24, v46;
	v24 =	vsub.f32 v41, v25  }
.Ltmp9:
0x19e: {  	s8 =	sor.u32 $0x30, s22;
	[tilespmem:s19+$0x4010] =	vst v61;
	v25 =	vadd.f32 v23, v26;
	v23 =	vmul.f32 $7.071067690e-01, v20;
	v20 =	vmul.f32 $7.071067690e-01, v59;
	(pc) =	sbr.rel @!p3 .LBB2_15-.Ltmp9, $4  }
0x19f: {  	v62 =	vadd.f32 v34, v45;
	v32 =	vmul.f32 $7.071067690e-01, v30;
	[tilespmem:s8+$0x4D80] =	vst v29;
	v29 =	vperm.xlane v33, v3  }
0x1a0: {  	[tilespmem:s19+$0x4900] =	vst v56;
	v60 =	vmax.f32 v16, v56;
	v63 =	vmul.f32 $7.071067690e-01, v24;
	v26 =	vmul.f32 $7.071067690e-01, v25  }
0x1a1: {  	p2 =	por $0x1, $0x1;
	v24 =	vmul.f32 $7.071067690e-01, v62;
	v25 =	vsub.f32 v45, v34;
	v36 =	vmax.f32 v60, v23;
	[tilespmem:s19+$0x4910] =	vst v23  }
0x1a2: {  	s22 =	sadd.s32 $0x80, s7;
	s21 =	sadd.s32 $0x100, s6;
	s17 =	sadd.s32 $0x80, s1;
	v23 =	vsub.f32 v54, v53;
	v30 =	vmax.f32 v36, v52;
	[tilespmem:s1+$0x0] =	vst v63;
	v34 =	vperm.xlane v26, v6  }
.LBB2_16:
0x1a3: {  	v12 =	vor.u32 $0xA1, v1;
	s8 =	sadd.s32 $0x40, s21;
	s19 =	sadd.s32 $0x80, s21;
	s9 =	sadd.s32 $0xC0, s21;
	v36 =	vperm.xlane v35, v3;
	v30 =	vmax.f32 v30, v22  }
0x1a4: {  	s20 =	sadd.s32 $0x4, s20;
	v15 =	vperm.xlane v33, v6;
	v13 =	vmov s8;
	v14 =	vmov s19  }
0x1a5: {  	v33 =	vperm.xlane v20, v6;
	p3 =	slt.u32 s20, $0x3C;
	v13 =	vshll.u32 v13, $0x1;
	v22 =	vshll.u32 v14, $0x1  }
0x1a6: {  	v27 =	vsub.f32 v27, v28;
	v28 =	vmul.f32 $7.071067690e-01, v31;
	v37 =	vbroadcast v13, $0x0  }
0x1a7: {  	v31 =	vperm.xlane v35, v6;
	v14 =	vor.u32 $0x81, v1;
	v13 =	vor.u32 $0x80, v1  }
0x1a8: {  	v39 =	vperm.xlane v28, v3;
	v35 =	vor.u32 v7, v37;
	v38 =	vor.u32 v8, v37  }
0x1a9: {  	v28 =	vperm.xlane v28, v6;
	v22 =	vbroadcast v22, $0x0;
	v40 =	vor.u32 v10, v37  }
0x1aa: {  	v41 =	vmov s21;
	v42 =	vmov s9;
	v29 =	vsel vm0, v39, v29  }
0x1ab: {  	v39 =	vshll.u32 v41, $0x1;
	v41 =	vshll.u32 v42, $0x1;
	v28 =	vsel vm0, v28, v15  }
0x1ac: {  	v27 =	vmul.f32 $7.071067690e-01, v27;
	v15 =	vor.u32 $0xA0, v1;
	v39 =	vbroadcast v39, $0x0  }
0x1ad: {  	v31 =	vsel vm0, v31, v34;
	v42 =	vor.u32 v13, v22;
	v43 =	vor.u32 v15, v22  }
0x1ae: {  	v45 =	vperm.xlane v32, v3;
	v34 =	vor.u32 v14, v39;
	v44 =	vor.u32 v12, v39;
	v35 =	vld.idx.msk [tilespmem:v35+s26+$0x0], $0xffff  }
0x1af: {  	v32 =	vperm.xlane v32, v6;
	v47 =	vor.u32 v12, v22;
	v46 =	vor.u32 v13, v39;
	v40 =	vld.idx.msk [tilespmem:v40+s26+$0x0], $0xffff  }
0x1b0: {  	v26 =	vperm.xlane v26, v3;
	v41 =	vbroadcast v41, $0x0;
	v39 =	vor.u32 v15, v39;
	v38 =	vld.idx.msk [tilespmem:v38+s26+$0x0], $0xffff  }
0x1b1: {  	v48 =	vperm.xlane v24, v3;
	v37 =	vor.u32 v9, v37;
	v22 =	vor.u32 v14, v22  }
0x1b2: {  	v26 =	vsel vm0, v36, v26;
	v49 =	vor.u32 v7, v41;
	v50 =	vor.u32 v8, v41;
	v42 =	vld.idx.msk [tilespmem:v42+s26+$0x0], $0xffff  }
0x1b3: {  	v25 =	vmul.f32 $7.071067690e-01, v25;
	v24 =	vperm.xlane v24, v6;
	v36 =	vld.idx.msk [tilespmem:v43+s26+$0x0], $0xffff;
	v43 =	vor.u32 v10, v41;
	[tilespmem:s1+$0xFFFFFFD0] =	vst v27  }
0x1b4: {  	v19 =	vmul.f32 $7.071067690e-01, v19;
	s8 =	sadd.s32 $0xFFFFFFE0, s7;
	v27 =	vsel vm0, v48, v45;
	v45 =	vsub.f32 v29, v28;
	v34 =	vld.idx.msk [tilespmem:v34+s26+$0x0], $0xffff  }
0x1b5: {  	v21 =	vmul.f32 $7.071067690e-01, v21;
	s8 =	sor.u32 $0x50, s8;
	v41 =	vor.u32 v9, v41;
	v47 =	vld.idx.msk [tilespmem:v47+s26+$0x0], $0xffff;
	[tilespmem:s1+$0xFFFFFFC0] =	vst v25;
	v25 =	vsub.f32 v26, v31  }
0x1b6: {  	v48 =	vsub.f32 v35, v38;
	v35 =	vadd.f32 v38, v35;
	v37 =	vld.idx.msk [tilespmem:v37+s26+$0x0], $0xffff;
	[tilespmem:s8+$0x4D80] =	vst v19;
	v19 =	vmul.f32 $7.071067690e-01, v23  }
0x1b7: {  	v24 =	vsel vm0, v24, v32;
	v28 =	vadd.f32 v28, v29;
	v23 =	vld.idx.msk [tilespmem:v22+s26+$0x0], $0xffff;
	v22 =	vmul.f32 $7.071067690e-01, v25  }
0x1b8: {  	v29 =	vadd.f32 v24, v27;
	v45 =	vmul.f32 $7.071067690e-01, v45;
	v25 =	vmul.f32 $7.071067690e-01, v48;
	v38 =	vld.idx.msk [tilespmem:v50+s26+$0x0], $0xffff;
	[tilespmem:s1+$0x20] =	vst v19;
	s1 =	smov.u32 s17  }
0x1b9: {  	v20 =	vperm.xlane v20, v3;
	v26 =	vadd.f32 v31, v26;
	s8 =	sor.u32 $0x70, s7;
	s7 =	smov.u32 s22;
	v19 =	vmul.f32 $7.071067690e-01, v35;
	v32 =	vld.idx.msk [tilespmem:v43+s26+$0x0], $0xffff  }
0x1ba: {  	s19 =	sshra.s32 s6, $0x2;
	s6 =	smov.u32 s21;
	v24 =	vsub.f32 v27, v24;
	v31 =	vsel vm0, v17, v33;
	v27 =	vmul.f32 $7.071067690e-01, v28;
	v43 =	vld.idx.msk [tilespmem:v49+s26+$0x0], $0xffff;
	[tilespmem:s8+$0x4D80] =	vst v21  }
0x1bb: {  	v20 =	vsel vm0, v18, v20;
	v26 =	vmul.f32 $7.071067690e-01, v26;
	v17 =	vperm.xlane v19, v6;
	v21 =	vld.idx.msk [tilespmem:v41+s26+$0x0], $0xffff;
	[tilespmem:s19+$0x4920] =	vst v45  }
0x1bc: {  	v24 =	vmul.f32 $7.071067690e-01, v24;
	v35 =	vadd.f32 v31, v20;
	v33 =	vsub.f32 v37, v40;
	v41 =	vld.idx.msk [tilespmem:v46+s26+$0x0], $0xffff;
	[tilespmem:s19+$0x4020] =	vst v27  }
0x1bd: {  	v18 =	vperm.xlane v19, v3;
	v27 =	vld.idx.msk [tilespmem:v39+s26+$0x0], $0xffff;
	[tilespmem:s17+$0xFFFFFFE0] =	vst v25;
	v25 =	vadd.f32 v47, v36;
	v39 =	vmul.f32 $7.071067690e-01, v29  }
0x1be: {  	v20 =	vsub.f32 v20, v31;
	s8 =	sadd.s32 $0xFFFFFFC0, s22;
	v19 =	vsub.f32 v36, v47;
	v29 =	vmul.f32 $7.071067690e-01, v33;
	v28 =	vld.idx.msk [tilespmem:v44+s26+$0x0], $0xffff;
	[tilespmem:s19+$0x4900] =	vst v24  }
0x1bf: {  	s8 =	sor.u32 $0x30, s8;
	v36 =	vadd.f32 v40, v37;
	v37 =	vsub.f32 v42, v23;
	v33 =	vmul.f32 $7.071067690e-01, v25;
	[tilespmem:s19+$0x4030] =	vst v26  }
0x1c0: {  	v30 =	vmax.f32 v30, v24;
	v31 =	vadd.f32 v23, v42;
	v23 =	vadd.f32 v38, v43;
	[tilespmem:s8+$0x4D80] =	vst v29  }
0x1c1: {  	v25 =	vmul.f32 $7.071067690e-01, v35;
	v24 =	vadd.f32 v32, v21;
	v29 =	vperm.xlane v33, v3;
	[tilespmem:s19+$0x4930] =	vst v22  }
.Ltmp10:
0x1c2: {  	v37 =	vmul.f32 $7.071067690e-01, v37;
	v40 =	vadd.f32 v34, v41;
	v35 =	vmul.f32 $7.071067690e-01, v23;
	[tilespmem:s19+$0x4000] =	vst v39;
	(pc) =	sbr.rel @p3 .LBB2_16-.Ltmp10, $4  }
0x1c3: {  	v21 =	vsub.f32 v21, v32;
	v23 =	vmul.f32 $7.071067690e-01, v20;
	v26 =	vmul.f32 $7.071067690e-01, v24;
	[tilespmem:s19+$0x4010] =	vst v25  }
0x1c4: {  	v20 =	vmul.f32 $7.071067690e-01, v36;
	v24 =	vmul.f32 $7.071067690e-01, v40;
	v32 =	vadd.f32 v28, v27;
	[tilespmem:s17+$0x0] =	vst v37  }
0x1c5: {  	v25 =	vsub.f32 v41, v34;
	v30 =	vmax.f32 v30, v23;
	v34 =	vperm.xlane v26, v6;
	[tilespmem:s19+$0x4910] =	vst v23  }
0x1c6: {  	s21 =	sadd.s32 $0x100, s21;
	s22 =	sadd.s32 $0x80, s22;
	s17 =	sadd.s32 $0x80, s17;
	v30 =	vmax.f32 v30, v45;
	v32 =	vmul.f32 $7.071067690e-01, v32;
	v23 =	vsub.f32 v43, v38  }
0x1c7: {  	s21 =	smov.u32 s1;
	s20 =	smov.u32 s7  }
.LBB2_18:
0x1c8: {  	v36 =	vperm.xlane v35, v3  }
0x1c9: {  	v33 =	vperm.xlane v33, v6;
	v31 =	vmul.f32 $7.071067690e-01, v31  }
0x1ca: {  	v37 =	vperm.xlane v20, v6;
	v58 =	vperm.xlane v35, v6  }
0x1cb: {  	v38 =	vperm.xlane v32, v3;
	v60 =	vperm.xlane v32, v6  }
0x1cc: {  	v26 =	vperm.xlane v26, v3;
	v61 =	vperm.xlane v24, v3  }
0x1cd: {  	v25 =	vmul.f32 $7.071067690e-01, v25;
	v24 =	vperm.xlane v24, v6  }
0x1ce: {  	v19 =	vmul.f32 $7.071067690e-01, v19;
	v23 =	vmul.f32 $7.071067690e-01, v23  }
0x1cf: {  	v27 =	vsub.f32 v27, v28;
	v21 =	vmul.f32 $7.071067690e-01, v21;
	v20 =	vperm.xlane v20, v3  }
0x1d0: {  	s1 =	sadd.s32 $0xFFFFFFE0, s20;
	v59 =	vperm.xlane v31, v3;
	v31 =	vperm.xlane v31, v6  }
0x1d1: {  	s1 =	sor.u32 $0x50, s1;
	v27 =	vmul.f32 $7.071067690e-01, v27;
	v28 =	vsel vm0, v58, v34;
	[tilespmem:s21+$0xFFFFFFC0] =	vst v25;
	v25 =	vsel vm0, v36, v26  }
0x1d2: {  	[tilespmem:s1+$0x4D80] =	vst v19;
	v63 =	vadd.f32 v28, v25;
	v29 =	vsel vm0, v59, v29;
	v31 =	vsel vm0, v31, v33  }
0x1d3: {  	v19 =	vsel vm0, v24, v60;
	[tilespmem:s21+$0x20] =	vst v23;
	v18 =	vsel vm0, v18, v20;
	v62 =	vsub.f32 v29, v31  }
0x1d4: {  	[tilespmem:s21+$0xFFFFFFD0] =	vst v27;
	v27 =	vsel vm0, v61, v38;
	s21 =	sor.u32 $0x70, s20;
	v24 =	vadd.f32 v31, v29;
	v20 =	vmul.f32 $7.071067690e-01, v63  }
0x1d5: {  	s6 =	sshra.s32 s6, $0x2;
	v23 =	vsub.f32 v27, v19;
	[tilespmem:s21+$0x4D80] =	vst v21;
	v26 =	vmul.f32 $7.071067690e-01, v62  }
0x1d6: {  	v19 =	vadd.f32 v19, v27;
	v24 =	vmul.f32 $7.071067690e-01, v24;
	[tilespmem:s6+$0x4030] =	vst v20  }
0x1d7: {  	v17 =	vsel vm0, v17, v37;
	v21 =	vsub.f32 v25, v28;
	v23 =	vmul.f32 $7.071067690e-01, v23;
	[tilespmem:s6+$0x4920] =	vst v26  }
0x1d8: {  	s22 =	sadd.s32 $0x20, s26;
	v19 =	vmul.f32 $7.071067690e-01, v19;
	[tilespmem:s6+$0x4020] =	vst v24;
	v24 =	vadd.f32 v17, v18  }
0x1d9: {  	v21 =	vmul.f32 $7.071067690e-01, v21;
	[tilespmem:s6+$0x4900] =	vst v23;
	v17 =	vsub.f32 v18, v17;
	v18 =	vor.u32 s22, v5  }
0x1da: {  	[tilespmem:s6+$0x4000] =	vst v19;
	v19 =	vor.u32 s31, v1;
	v20 =	vmul.f32 $7.071067690e-01, v24  }
0x1db: {  	v25 =	vor.u32 s31, v8;
	[tilespmem:s6+$0x4930] =	vst v21;
	v17 =	vmul.f32 $7.071067690e-01, v17  }
0x1dc: {  	v22 =	vmax.f32 @p2 v30, v22;
	v24 =	vor.u32 s22, v1;
	[tilespmem:s6+$0x4010] =	vst v20  }
0x1dd: {  	v27 =	vor.u32 s26, v1;
	v20 =	vpsel p2, v22, v16;
	[tilespmem:s6+$0x4910] =	vst v17;
	p2 =	slt.u32 s0, $0x1C  }
.Ltmp11:
0x1de: {  	v18 =	vld.idx.msk [tilespmem:v18+s12+$0x0], $0xffff;
	(pc) =	sbr.rel @!p2 .LBB2_19-.Ltmp11, $4  }
0x1df: {  	v20 =	vmax.f32 v20, v23;
	v19 =	vld.idx.msk [tilespmem:v19+s12+$0x0], $0xffff  }
0x1e0: {  	v22 =	vld.idx.msk [tilespmem:v25+s12+$0x0], $0xffff;
	v17 =	vmax.f32 v20, v17  }
0x1e1: {  	s31 =	sadd.s32 $0x60, s26;
	v25 =	vor.u32 s26, v2;
	v20 =	vld.idx.msk [tilespmem:v24+s12+$0x0], $0xffff;
	v17 =	vmax.f32 v17, v26  }
0x1e2: {  	v24 =	vor.u32 s31, v10;
	v26 =	vor.u32 s31, v1;
	v17 =	vmax.f32 v17, v21;
	v21 =	vld.idx.msk [tilespmem:v27+s12+$0x0], $0xffff  }
0x1e3: {  	_ =	sdelay $0x2  }
0x1e4: {  	s1 =	sadd.s32 $0x20, s30  }
0x1e5: {  	v23 =	vld.idx.msk [tilespmem:v25+s12+$0x0], $0xffff;
	v27 =	vor.u32 s1, v5  }
0x1e6: {  	s6 =	sadd.s32 $0x40, s30;
	v31 =	vld.idx.msk [tilespmem:v24+s12+$0x0], $0xffff;
	v28 =	vor.u32 s1, v1  }
0x1e7: {  	v32 =	vld.idx.msk [tilespmem:v26+s12+$0x0], $0xffff;
	v33 =	vor.u32 s6, v1  }
0x1e8: {  	s31 =	sadd.s32 $0x60, s30;
	v35 =	vor.u32 s30, v1;
	s0 =	sadd.s32 $0x4, s0;
	v34 =	vor.u32 s6, v8;
	v26 =	vadd.f32 v18, v20  }
0x1e9: {  	v25 =	vor.u32 s30, v2;
	v24 =	vor.u32 s31, v10;
	p2 =	slt.u32 s0, $0x1C;
	v20 =	vsub.f32 v20, v18  }
.Ltmp12:
0x1ea: {  	v36 =	vadd.f32 v22, v19;
	v30 =	vmul.f32 $7.071067690e-01, v26;
	v18 =	vld.idx.msk [tilespmem:v27+s12+$0x0], $0xffff;
	v27 =	vadd.f32 v23, v21;
	(pc) =	sbr.rel @!p2 .LBB2_21-.Ltmp12, $4  }
0x1eb: {  	v37 =	vsub.f32 v19, v22;
	v29 =	vmul.f32 $7.071067690e-01, v20;
	v20 =	vld.idx.msk [tilespmem:v28+s12+$0x0], $0xffff;
	v21 =	vsub.f32 v21, v23  }
0x1ec: {  	v26 =	vor.u32 s31, v1;
	v63 =	vadd.f32 v31, v32;
	v19 =	vld.idx.msk [tilespmem:v33+s12+$0x0], $0xffff;
	[tilespmem:s29+$0xFFFFFFF0] =	vst v30;
	v28 =	vmul.f32 $7.071067690e-01, v27  }
0x1ed: {  	s7 =	sadd.s32 $0x80, s30;
	v32 =	vsub.f32 v32, v31;
	v31 =	vmul.f32 $7.071067690e-01, v36;
	v22 =	vld.idx.msk [tilespmem:v34+s12+$0x0], $0xffff;
	v23 =	vmul.f32 $7.071067690e-01, v21;
	[tilespmem:s28+$0xFFFFFFF0] =	vst v29  }
0x1ee: {  	p1 =	por $0x1, $0x1;
	s6 =	sadd.s32 $0x40, s29;
	s1 =	sadd.s32 $0x40, s28;
	v33 =	vmovc v16;
	v27 =	vmul.f32 $7.071067690e-01, v37;
	v21 =	vld.idx.msk [tilespmem:v35+s12+$0x0], $0xffff;
	[tilespmem:s29+$0xFFFFFFE0] =	vst v28;
	v34 =	vmax.f32 v16, v28;
	v28 =	vmul.f32 $7.071067690e-01, v63  }
.LBB2_22:
0x1ef: {  	s8 =	sadd.s32 $0x20, s7;
	s9 =	sadd.s32 $0x40, s7;
	s17 =	sadd.s32 $0x60, s7;
	v35 =	vld.idx.msk [tilespmem:v25+s12+$0x0], $0xffff;
	v25 =	vmax.f32 v33, v23;
	v30 =	vmax.f32 v34, v30;
	v32 =	vmul.f32 $7.071067690e-01, v32  }
0x1f0: {  	s0 =	sadd.s32 $0x4, s0;
	v34 =	vor.u32 s8, v1;
	v36 =	vor.u32 s8, v5;
	v37 =	vld.idx.msk [tilespmem:v24+s12+$0x0], $0xffff;
	v24 =	vor.u32 s17, v10;
	[tilespmem:s29+$0x0] =	vst v31  }
0x1f1: {  	v38 =	vor.u32 s9, v8;
	p2 =	slt.u32 s0, $0x1C;
	v39 =	vadd.f32 v18, v20;
	v31 =	vmax.f32 v30, v31;
	v40 =	vld.idx.msk [tilespmem:v26+s12+$0x0], $0xffff;
	[tilespmem:s29+$0x10] =	vst v28;
	s29 =	smov.u32 s6  }
0x1f2: {  	v41 =	vor.u32 s9, v1;
	v20 =	vsub.f32 v20, v18;
	v18 =	vmax.f32 v25, v29;
	[tilespmem:s28+$0x10] =	vst v32  }
0x1f3: {  	v42 =	vor.u32 s7, v1;
	v25 =	vor.u32 s7, v2;
	v18 =	vmax.f32 v18, v27;
	[tilespmem:s28+$0x0] =	vst v27  }
0x1f4: {  	v43 =	vadd.f32 v22, v19;
	v33 =	vmax.f32 v18, v32;
	v27 =	vsub.f32 v19, v22;
	[tilespmem:s28+$0xFFFFFFE0] =	vst v23;
	s28 =	smov.u32 s1  }
.Ltmp13:
0x1f5: {  	v30 =	vmul.f32 $7.071067690e-01, v39;
	v29 =	vmul.f32 $7.071067690e-01, v20;
	v22 =	vadd.f32 v35, v21;
	v18 =	vld.idx.msk [tilespmem:v36+s12+$0x0], $0xffff;
	(pc) =	sbr.rel @p2 .LBB2_22-.Ltmp13, $4  }
0x1f6: {  	v26 =	vor.u32 s17, v1;
	v28 =	vmax.f32 v31, v28;
	v21 =	vsub.f32 v21, v35;
	v20 =	vld.idx.msk [tilespmem:v34+s12+$0x0], $0xffff  }
0x1f7: {  	v31 =	vmul.f32 $7.071067690e-01, v22;
	v35 =	vadd.f32 v37, v40;
	v32 =	vsub.f32 v40, v37;
	v19 =	vld.idx.msk [tilespmem:v41+s12+$0x0], $0xffff;
	[tilespmem:s6+$0xFFFFFFF0] =	vst v30  }
0x1f8: {  	v27 =	vmul.f32 $7.071067690e-01, v27;
	v23 =	vmul.f32 $7.071067690e-01, v21;
	v22 =	vld.idx.msk [tilespmem:v38+s12+$0x0], $0xffff;
	[tilespmem:s1+$0xFFFFFFF0] =	vst v29  }
0x1f9: {  	s7 =	sadd.s32 $0x80, s7;
	s6 =	sadd.s32 $0x40, s6;
	v34 =	vmax.f32 v28, v31;
	v28 =	vmul.f32 $7.071067690e-01, v35;
	s1 =	sadd.s32 $0x40, s1;
	v21 =	vld.idx.msk [tilespmem:v42+s12+$0x0], $0xffff;
	[tilespmem:s29+$0xFFFFFFE0] =	vst v31;
	v31 =	vmul.f32 $7.071067690e-01, v43  }
0x1fa: {  	s7 =	smov.u32 s29  }
0x1fb: {  	s0 =	smov.u32 s28;
	s29 =	smov.u32 s6;
	s28 =	smov.u32 s1  }
.LBB2_24:
0x1fc: {  	_ =	sdelay $0x3  }
0x1fd: {  	v25 =	vld.idx.msk [tilespmem:v25+s12+$0x0], $0xffff  }
0x1fe: {  	v33 =	vmax.f32 @p1 v33, v23;
	v24 =	vld.idx.msk [tilespmem:v24+s12+$0x0], $0xffff  }
0x1ff: {  	v30 =	vmax.f32 @p1 v34, v30;
	v32 =	vmul.f32 @p1 $7.071067690e-01, v32;
	v58 =	vadd.f32 v18, v20;
	v26 =	vld.idx.msk [tilespmem:v26+s12+$0x0], $0xffff  }
0x200: {  	v18 =	vsub.f32 v20, v18;
	v30 =	vmax.f32 @p1 v30, v31;
	v20 =	vmax.f32 @p1 v33, v29  }
0x201: {  	v29 =	vadd.f32 v22, v19;
	v19 =	vsub.f32 v19, v22;
	v20 =	vmax.f32 @p1 v20, v27  }
0x202: {  	v59 =	vmul.f32 $7.071067690e-01, v58;
	v18 =	vmul.f32 $7.071067690e-01, v18;
	v22 =	vadd.f32 v25, v21  }
0x203: {  	v20 =	vmax.f32 @p1 v20, v32;
	v19 =	vmul.f32 $7.071067690e-01, v19;
	v21 =	vsub.f32 v21, v25  }
0x204: {  	v25 =	vmax.f32 @p1 v30, v28;
	v60 =	vadd.f32 v24, v26;
	v22 =	vmul.f32 $7.071067690e-01, v22  }
0x205: {  	v24 =	vsub.f32 v26, v24;
	v25 =	vpsel p1, v25, v16;
	v21 =	vmul.f32 $7.071067690e-01, v21  }
0x206: {  	[tilespmem:s7+$0x0] =	vst @p1 v31;
	v26 =	vmul.f32 $7.071067690e-01, v29;
	v16 =	vpsel p1, v20, v16;
	v25 =	vmax.f32 v25, v22  }
0x207: {  	[tilespmem:s7+$0x10] =	vst @p1 v28;
	v20 =	vmul.f32 $7.071067690e-01, v60;
	v16 =	vmax.f32 v16, v21;
	v25 =	vmax.f32 v25, v59  }
0x208: {  	[tilespmem:s0+$0xFFFFFFE0] =	vst @p1 v23;
	v24 =	vmul.f32 $7.071067690e-01, v24;
	v16 =	vmax.f32 v16, v18;
	v25 =	vmax.f32 v25, v26  }
0x209: {  	[tilespmem:s0+$0x0] =	vst @p1 v27;
	v16 =	vmax.f32 v16, v19;
	v25 =	vmax.f32 v25, v20  }
0x20a: {  	[tilespmem:s0+$0x10] =	vst @p1 v32;
	v16 =	vmax.f32 v16, v24;
	(xrf0) =	vmax.scan.msk.f32 $0xffff, v25  }
0x20b: {  	[tilespmem:s29+$0xFFFFFFF0] =	vst v59;
	(xrf0) =	vmax.scan.msk.f32 $0xffff, v16  }
0x20c: {  	[tilespmem:s28+$0xFFFFFFF0] =	vst v18;
	(xrf0) =	vmax.scan.msk.f32 $0xffff, v17  }
0x20d: {  	[tilespmem:s29+$0x0] =	vst v26  }
0x20e: {  	[tilespmem:s28+$0x0] =	vst v19  }
0x20f: {  	[tilespmem:s29+$0xFFFFFFE0] =	vst v22  }
0x210: {  	[tilespmem:s29+$0x10] =	vst v20;
	v16, _, _ =	vpop (xrf0)  }
0x211: {  	[tilespmem:s28+$0x10] =	vst v24;
	v17, _, _ =	vpop (xrf0);
	v16 =	vbroadcast v16, $0xF  }
0x212: {  	[tilespmem:s28+$0xFFFFFFE0] =	vst v21;
	v18, _, _ =	vpop (xrf0);
	v17 =	vbroadcast v17, $0xF  }
0x213: {  	v18 =	vbroadcast v18, $0xF;
	[tilespmem:$0x4600] =	vst v16  }
0x214: {  	[tilespmem:$0x4880] =	vst v17  }
0x215: {  	[tilespmem:$0x4D00] =	vst v18  }
0x216: {  	v19 =	vld.idx.msk [tilespmem:v11+s13+$0x0], $0xffff;
	_ =	sdelay $0x3  }
0x217: {  	s26 =	simm.s32 $0x11  }
0x218: {  	s20 =	simm.s32 $0x0;
	[tilespmem:$0x5580] =	vst v19;
	v19 =	vadd.s32 s26, v0  }
0x219: {  	v24 =	vld [tilespmem:s20+$0x4D90]  }
0x21a: {  	v20 =	vld [tilespmem:s20+$0x4410]  }
0x21b: {  	v21 =	vld [tilespmem:s20+$0x4690]  }
0x21c: {  	v27 =	vld [tilespmem:s20+$0x4910]  }
0x21d: {  	v22 =	vld.idx.msk [tilespmem:v19+s13+$0x0], $0xffff  }
0x21e: {  	v23 =	vld.idx.msk [tilespmem:v19+s15+$0x0], $0xffff  }
0x21f: {  	v25 =	vld.idx.msk [tilespmem:v19+s16+$0x0], $0xffff  }
0x220: {  	s29 =	simm.s32 $0x1;
	v19 =	vld.idx.msk [tilespmem:v19+s14+$0x0], $0xffff  }
0x221: {  	v26 =	vadd.s32 s29, v0  }
0x222: {  	vm1 =	vge.s32 v27, $0x0;
	vm2 =	vlt.s32 v24, $0x0  }
0x223: {  	vm3 =	vgt.s32 v20, $0xFFFFFFFF;
	vm4 =	vlt.s32 v21, $0x0;
	vm5 =	vge.s32 v21, $0x0  }
0x224: {  	vm7 =	vlt.s32 v27, $0x0;
	vm6 =	vge.s32 v23, $0x0;
	vm8 =	vge.s32 v25, $0x0  }
0x225: {  	vm9 =	vlt.s32 v19, $0x0;
	vm10 =	vlt.s32 v23, $0x0;
	vm11 =	vgt.s32 v22, $0xFFFFFFFF  }
0x226: {  	v28 =	vld.idx.msk [tilespmem:v26+s14+$0x0], $0xffff;
	vm12 =	vlt.s32 v25, $0x0;
	vm6 =	vmand vm4, vm6;
	vm8 =	vmand vm7, vm8  }
0x227: {  	v22 =	vld.idx.msk [tilespmem:v26+s15+$0x0], $0xffff;
	vm3 =	vmand vm3, vm9;
	vm5 =	vmand vm10, vm5;
	vm2 =	vmand vm2, vm11  }
0x228: {  	v23 =	vld.idx.msk [tilespmem:v26+s16+$0x0], $0xffff;
	vm4 =	vmxor vm4, vm10;
	vm7 =	vmxor vm7, vm12;
	v25 =	vsel vm3, $0x0, v20  }
0x229: {  	s1 =	simm.s32 $0x0;
	v19 =	vld [tilespmem:s20+$0x4400];
	v29 =	vnsel vm6, $0x0, v21;
	v20 =	vnsel vm3, $0x0, v20;
	v61 =	vsel vm4, $0x0, v21  }
0x22a: {  	s30 =	simm.s32 $0x10;
	s6 =	simm.s32 $0x0;
	s8 =	sand.u32 $0x600, s1;
	v62 =	vsel vm7, $0x0, v27;
	v30 =	vadd.f32 v61, v20;
	v20 =	vnsel vm5, $0x0, v21;
	v21 =	vld [tilespmem:s20+$0x4680]  }
0x22b: {  	s22 =	sand.u32 $0x70, s30;
	s0 =	sand.u32 $0x60, s1;
	s9 =	sadd.s32 $0x7600, s8;
	v29 =	vadd.f32 v29, v25;
	v25 =	vnsel vm8, $0x0, v27;
	v31 =	vadd.f32 v62, v20;
	v20 =	vld [tilespmem:s20+$0x4900]  }
0x22c: {  	s19 =	sadd.s32 $0x7680, s8;
	s7 =	sor.u32 s0, s9;
	s9 =	sor.u32 s22, s9;
	vm1 =	vmand vm12, vm1;
	v63 =	vnsel vm2, $0x0, v24;
	v30 =	vadd.f32 v25, v30  }
0x22d: {  	s17 =	sor.u32 s0, s19;
	s31 =	sor.u32 s22, s19;
	s26 =	sadd.s32 $0x7700, s8;
	v27 =	vnsel vm1, $0x0, v27;
	v25 =	vld.idx.msk [tilespmem:v26+s13+$0x0], $0xffff;
	[tilespmem:s9+$0x0] =	vst v29;
	v29 =	vsel vm2, $0x0, v24;
	v26 =	vadd.f32 v63, v31  }
0x22e: {  	s28 =	sadd.s32 $0x7780, s8;
	s19 =	sor.u32 s22, s26;
	vm4 =	vlt.s32 v28, $0x0;
	v24 =	vld [tilespmem:s20+$0x4D80];
	vm1 =	vlt.s32 v22, $0x0;
	s20 =	simm.s32 $0x20;
	v27 =	vadd.f32 v29, v27;
	[tilespmem:s31+$0x0] =	vst v30  }
.LBB2_25:
0x22f: {  	s8 =	sadd.s32 $0x11, s20;
	vm6 =	vgt.s32 v19, $0xFFFFFFFF;
	vm2 =	vlt.s32 v21, $0x0;
	vm3 =	vlt.s32 v23, $0x0;
	[tilespmem:s19+$0x0] =	vst v26;
	s9 =	sor.u32 s22, s28;
	s1 =	sadd.s32 $0x80, s1  }
0x230: {  	s19 =	sand.u32 $0x60, s20;
	s22 =	sadd.s32 $0x1, s20;
	vm7 =	vge.s32 v21, $0x0;
	vm5 =	vlt.s32 v20, $0x0;
	s21 =	sshra.s32 s1, $0x2;
	v26 =	vadd.s32 s8, v0;
	[tilespmem:s9+$0x0] =	vst v27  }
0x231: {  	s26 =	sor.u32 s0, s26;
	v27 =	vadd.s32 s22, v0;
	vm4 =	vmand vm6, vm4;
	vm6 =	vmand vm1, vm7;
	s22 =	sor.u32 s0, s28;
	s0 =	smov.u32 s19;
	v28 =	vld [tilespmem:s21+$0x4D90]  }
0x232: {  	vm1 =	vmxor vm2, vm1;
	vm7 =	vmxor vm5, vm3;
	v30 =	vnsel vm4, $0x0, v19;
	v29 =	vld [tilespmem:s21+$0x4410]  }
0x233: {  	v32 =	vsel vm1, $0x0, v21;
	v33 =	vnsel vm6, $0x0, v21;
	v34 =	vsel vm7, $0x0, v20;
	v31 =	vld [tilespmem:s21+$0x4690]  }
0x234: {  	vm1 =	vge.s32 v22, $0x0;
	vm6 =	vge.s32 v23, $0x0;
	vm7 =	vgt.s32 v25, $0xFFFFFFFF;
	v35 =	vld [tilespmem:s21+$0x4910]  }
0x235: {  	vm8 =	vge.s32 v20, $0x0;
	vm9 =	vlt.s32 v24, $0x0;
	v22 =	vadd.f32 v32, v30;
	v25 =	vld.idx.msk [tilespmem:v26+s13+$0x0], $0xffff  }
0x236: {  	s6 =	sadd.s32 $0x2, s6;
	vm1 =	vmand vm2, vm1;
	vm2 =	vmand vm3, vm8;
	v23 =	vadd.f32 v34, v33;
	v30 =	vld.idx.msk [tilespmem:v26+s15+$0x0], $0xffff  }
0x237: {  	p1 =	slt.u32 s6, $0x1E;
	v19 =	vsel vm4, $0x0, v19;
	vm3 =	vmand vm5, vm6;
	vm5 =	vmand vm9, vm7;
	v32 =	vld.idx.msk [tilespmem:v26+s16+$0x0], $0xffff  }
0x238: {  	v21 =	vnsel vm1, $0x0, v21;
	v33 =	vnsel vm3, $0x0, v20;
	v34 =	vnsel vm5, $0x0, v24;
	v26 =	vld.idx.msk [tilespmem:v26+s14+$0x0], $0xffff  }
0x239: {  	v20 =	vnsel vm2, $0x0, v20;
	v24 =	vsel vm5, $0x0, v24;
	v33 =	vadd.f32 v33, v22;
	v36 =	vld.idx.msk [tilespmem:v27+s14+$0x0], $0xffff  }
0x23a: {  	v21 =	vadd.f32 v21, v19;
	v34 =	vadd.f32 v34, v23;
	v22 =	vld.idx.msk [tilespmem:v27+s15+$0x0], $0xffff  }
0x23b: {  	v24 =	vadd.f32 v24, v20;
	vm2 =	vlt.s32 v28, $0x0;
	vm1 =	vge.s32 v35, $0x0;
	v23 =	vld.idx.msk [tilespmem:v27+s16+$0x0], $0xffff  }
0x23c: {  	vm4 =	vgt.s32 v29, $0xFFFFFFFF;
	vm5 =	vlt.s32 v31, $0x0;
	vm6 =	vge.s32 v31, $0x0;
	v19 =	vld [tilespmem:s21+$0x4400];
	[tilespmem:s7+$0x0] =	vst v21  }
0x23d: {  	vm7 =	vlt.s32 v35, $0x0;
	vm3 =	vge.s32 v30, $0x0;
	vm8 =	vge.s32 v32, $0x0;
	v21 =	vld [tilespmem:s21+$0x4680];
	[tilespmem:s17+$0x0] =	vst v33  }
0x23e: {  	vm11 =	vgt.s32 v25, $0xFFFFFFFF;
	vm10 =	vlt.s32 v30, $0x0;
	vm9 =	vlt.s32 v26, $0x0;
	v20 =	vld [tilespmem:s21+$0x4900];
	[tilespmem:s26+$0x0] =	vst v34  }
0x23f: {  	vm12 =	vmand vm5, vm3;
	vm3 =	vlt.s32 v32, $0x0;
	vm8 =	vmand vm7, vm8;
	v25 =	vld.idx.msk [tilespmem:v27+s13+$0x0], $0xffff;
	[tilespmem:s22+$0x0] =	vst v24  }
0x240: {  	vm2 =	vmand vm2, vm11;
	vm6 =	vmand vm10, vm6;
	vm4 =	vmand vm4, vm9;
	v24 =	vld [tilespmem:s21+$0x4D80]  }
0x241: {  	vm5 =	vmxor vm5, vm10;
	vm7 =	vmxor vm7, vm3;
	v26 =	vsel vm4, $0x0, v29  }
0x242: {  	s29 =	simm.s32 $0x211;
	s8 =	sand.u32 $0x600, s1;
	v30 =	vsel vm5, $0x0, v31;
	v27 =	vnsel vm12, $0x0, v31;
	v29 =	vnsel vm4, $0x0, v29  }
.Ltmp14:
0x243: {  	s7 =	sadd.s32 $0x10, s20;
	v29 =	vadd.f32 v30, v29;
	v30 =	vnsel vm6, $0x0, v31;
	v31 =	vsel vm7, $0x0, v35;
	s21 =	simm.s32 $0x800;
	(pc) =	sbr.rel @p1 .LBB2_25-.Ltmp14, $4  }
0x244: {  	s9 =	sadd.s32 $0x7600, s8;
	s22 =	sand.u32 $0x70, s7;
	v26 =	vadd.f32 v27, v26;
	v27 =	vnsel vm8, $0x0, v35;
	v30 =	vadd.f32 v31, v30  }
0x245: {  	s19 =	sadd.s32 $0x7680, s8;
	vm1 =	vmand vm3, vm1;
	s7 =	sor.u32 s0, s9;
	s9 =	sor.u32 s22, s9;
	v27 =	vadd.f32 v27, v29;
	v29 =	vnsel vm2, $0x0, v28  }
0x246: {  	s17 =	sor.u32 s0, s19;
	s26 =	sadd.s32 $0x7700, s8;
	v28 =	vsel vm2, $0x0, v28;
	[tilespmem:s9+$0x0] =	vst v26;
	s9 =	sor.u32 s22, s19;
	v26 =	vadd.f32 v29, v30;
	v29 =	vnsel vm1, $0x0, v35  }
0x247: {  	s28 =	sadd.s32 $0x7780, s8;
	s20 =	sadd.s32 $0x20, s20;
	vm4 =	vlt.s32 v36, $0x0;
	vm1 =	vlt.s32 v22, $0x0;
	s19 =	sor.u32 s22, s26;
	[tilespmem:s9+$0x0] =	vst v27;
	v27 =	vadd.f32 v28, v29  }
0x248: {  	vm2 =	vgt.s32 v19, $0xFFFFFFFF  }
0x249: {  	vm3 =	vlt.s32 v21, $0x0;
	vm5 =	vlt.s32 v23, $0x0;
	vm6 =	vge.s32 v21, $0x0  }
0x24a: {  	vm7 =	vlt.s32 v20, $0x0;
	vm15 =	vgt.s32 v25, $0xFFFFFFFF;
	vm8 =	vge.s32 v20, $0x0  }
0x24b: {  	vm2 =	vmand vm2, vm4;
	vm4 =	vmand vm1, vm6;
	vm1 =	vmxor vm3, vm1  }
0x24c: {  	vm14 =	vmxor vm7, vm5;
	vm5 =	vmand vm5, vm8;
	v28 =	vnsel vm2, $0x0, v19  }
0x24d: {  	v29 =	vsel vm1, $0x0, v21;
	v30 =	vnsel vm4, $0x0, v21;
	vm1 =	vge.s32 v22, $0x0  }
0x24e: {  	v22 =	vsel vm14, $0x0, v20;
	vm4 =	vge.s32 v23, $0x0;
	v19 =	vsel vm2, $0x0, v19  }
0x24f: {  	v23 =	vadd.f32 v29, v28;
	vm1 =	vmand vm3, vm1;
	vm3 =	vlt.s32 v24, $0x0  }
0x250: {  	v22 =	vadd.f32 v22, v30;
	vm4 =	vmand vm7, vm4;
	v21 =	vnsel vm1, $0x0, v21  }
0x251: {  	[tilespmem:s19+$0x0] =	vst v26;
	s1 =	sor.u32 s22, s28;
	vm1 =	vmand vm3, vm15;
	v25 =	vnsel vm4, $0x0, v20;
	v19 =	vadd.f32 v21, v19  }
0x252: {  	[tilespmem:s1+$0x0] =	vst v27;
	v21 =	vnsel vm1, $0x0, v24;
	v23 =	vadd.f32 v25, v23;
	v25 =	vadd.s32 s29, v0  }
0x253: {  	v20 =	vnsel vm5, $0x0, v20;
	v24 =	vsel vm1, $0x0, v24;
	v21 =	vadd.f32 v21, v22;
	[tilespmem:s7+$0x0] =	vst v19  }
0x254: {  	s19 =	sor.u32 s0, s26;
	v19 =	vadd.f32 v24, v20;
	[tilespmem:s17+$0x0] =	vst v23  }
0x255: {  	s20 =	sor.u32 s0, s28;
	[tilespmem:s19+$0x0] =	vst v21  }
0x256: {  	s22 =	simm.s32 $0x201;
	[tilespmem:s20+$0x0] =	vst v19  }
0x257: {  	v19 =	vadd.s32 s22, v0;
	v20 =	vld.idx.msk [tilespmem:v25+s16+$0x0], $0xffff  }
0x258: {  	s26 =	simm.s32 $0x200;
	v21 =	vld.idx.msk [tilespmem:v25+s13+$0x0], $0xffff  }
0x259: {  	v22 =	vld [tilespmem:s26+$0x4900]  }
0x25a: {  	v23 =	vld [tilespmem:s26+$0x4D80]  }
0x25b: {  	v26 =	vld [tilespmem:s26+$0x4D90]  }
0x25c: {  	v24 =	vld.idx.msk [tilespmem:v19+s16+$0x0], $0xffff  }
0x25d: {  	v19 =	vld.idx.msk [tilespmem:v19+s13+$0x0], $0xffff  }
0x25e: {  	s6 =	simm.s32 $0x231;
	vm3 =	vge.s32 v20, $0x0  }
0x25f: {  	s28 =	simm.s32 $0x221;
	vm1 =	vlt.s32 v20, $0x0;
	vm2 =	vgt.s32 v21, $0xFFFFFFFF;
	v20 =	vadd.s32 s6, v0  }
0x260: {  	v21 =	vadd.s32 s28, v0;
	vm4 =	vlt.s32 v22, $0x0;
	vm5 =	vge.s32 v22, $0x0  }
0x261: {  	v25 =	vld [tilespmem:s26+$0x4910];
	vm14 =	vlt.s32 v23, $0x0;
	vm15 =	vlt.s32 v26, $0x0;
	vm13 =	vlt.s32 v24, $0x0  }
0x262: {  	vm12 =	vge.s32 v24, $0x0;
	vm9 =	vgt.s32 v19, $0xFFFFFFFF;
	vm5 =	vmand vm13, vm5  }
0x263: {  	s30 =	sand.u32 $0xE00, s21;
	vm6 =	vmand vm4, vm12;
	vm8 =	vmand vm14, vm9;
	vm4 =	vmxor vm4, vm13  }
0x264: {  	s8 =	simm.s32 $0x220;
	s29 =	simm.s32 $0x200;
	s20 =	simm.s32 $0x210;
	v27 =	vld.idx.msk [tilespmem:v20+s16+$0x0], $0xffff;
	v19 =	vnsel vm6, $0x0, v22;
	v28 =	vnsel vm8, $0x0, v23;
	v23 =	vsel vm8, $0x0, v23  }
0x265: {  	s9 =	sadd.s32 $0x7600, s30;
	s31 =	sand.u32 $0x60, s29;
	s20 =	sand.u32 $0x70, s20;
	v29 =	vld.idx.msk [tilespmem:v20+s13+$0x0], $0xffff;
	vm6 =	vmand vm15, vm2;
	v24 =	vadd.f32 v19, v17;
	v19 =	vsel vm4, $0x0, v22  }
0x266: {  	s21 =	sor.u32 s31, s9;
	s9 =	sor.u32 s20, s9;
	v22 =	vnsel vm5, $0x0, v22;
	vm4 =	vlt.s32 v25, $0x0;
	v20 =	vadd.f32 v28, v19;
	v19 =	vld [tilespmem:s8+$0x4900]  }
0x267: {  	s1 =	simm.s32 $0x880;
	s19 =	sadd.s32 $0x7680, s30;
	[tilespmem:s9+$0x0] =	vst v16;
	vm5 =	vge.s32 v25, $0x0;
	v32 =	vnsel vm6, $0x0, v26;
	v28 =	vadd.f32 v23, v22;
	v22 =	vld [tilespmem:s8+$0x4D80]  }
0x268: {  	s7 =	simm.s32 $0x22;
	s17 =	sadd.s32 $0x7700, s30;
	s22 =	sor.u32 s31, s19;
	[tilespmem:s21+$0x0] =	vst v16;
	vm5 =	vmand vm1, vm5;
	vm3 =	vmand vm4, vm3;
	v23 =	vld.idx.msk [tilespmem:v21+s16+$0x0], $0xffff;
	vm1 =	vmxor vm4, vm1  }
0x269: {  	s29 =	sor.u32 s31, s17;
	s30 =	sadd.s32 $0x7780, s30;
	s26 =	simm.s32 $0x230;
	[tilespmem:s22+$0x0] =	vst v24;
	v30 =	vnsel vm3, $0x0, v25;
	v24 =	vld.idx.msk [tilespmem:v21+s13+$0x0], $0xffff;
	v31 =	vsel vm1, $0x0, v25;
	v25 =	vnsel vm5, $0x0, v25  }
0x26a: {  	s31 =	sor.u32 s31, s30;
	s0 =	sand.u32 $0x70, s26;
	s26 =	sor.u32 s20, s19;
	v21 =	vld [tilespmem:s8+$0x4910];
	[tilespmem:s29+$0x0] =	vst v20;
	vm2 =	vge.s32 v27, $0x0;
	vm1 =	vlt.s32 v27, $0x0;
	vm3 =	vgt.s32 v29, $0xFFFFFFFF  }
0x26b: {  	s22 =	sor.u32 s20, s17;
	s20 =	sor.u32 s20, s30;
	s17 =	simm.s32 $0x251;
	v20 =	vld [tilespmem:s8+$0x4D90];
	v27 =	vadd.f32 v30, v17;
	[tilespmem:s31+$0x0] =	vst v28;
	v28 =	vsel vm6, $0x0, v26;
	v26 =	vadd.f32 v32, v31  }
.LBB2_27:
0x26c: {  	s8 =	sadd.s32 $0xFFFFFFF0, s17;
	s9 =	sadd.s32 $0xFFFFFFFF, s17;
	v29 =	vadd.s32 s17, v0;
	v25 =	vadd.f32 v28, v25  }
0x26d: {  	vm4 =	vlt.s32 v19, $0x0;
	vm5 =	vge.s32 v19, $0x0;
	v28 =	vadd.s32 s8, v0;
	s21 =	sand.u32 $0x70, s9;
	[tilespmem:s26+$0x0] =	vst v27  }
0x26e: {  	vm8 =	vlt.s32 v22, $0x0;
	s6 =	sadd.s32 $0xFFFFFFEF, s6;
	vm6 =	vge.s32 v23, $0x0;
	vm7 =	vlt.s32 v23, $0x0;
	[tilespmem:s22+$0x0] =	vst v26  }
0x26f: {  	s7 =	sadd.s32 $0x2, s7;
	s8 =	sand.u32 $0xE00, s1;
	s1 =	sadd.s32 $0x80, s1;
	vm5 =	vmand vm7, vm5;
	vm6 =	vmand vm4, vm6;
	vm9 =	vgt.s32 v24, $0xFFFFFFFF;
	[tilespmem:s20+$0x0] =	vst v25  }
0x270: {  	s6 =	sand.u32 $0x60, s6;
	s9 =	sshra.s32 s1, $0x2;
	s19 =	sadd.s32 $0x7600, s8;
	vm4 =	vmxor vm4, vm7;
	vm8 =	vmand vm8, vm9;
	v23 =	vnsel vm6, $0x0, v19  }
0x271: {  	p1 =	slt.u32 s7, $0x3E;
	s22 =	sadd.s32 $0x7680, s8;
	s20 =	sor.u32 s6, s19;
	v24 =	vsel vm4, $0x0, v19;
	v23 =	vadd.f32 v23, v17;
	v25 =	vnsel vm8, $0x0, v22;
	v26 =	vld.idx.msk [tilespmem:v29+s16+$0x0], $0xffff  }
0x272: {  	s28 =	sadd.s32 $0x7700, s8;
	s8 =	sadd.s32 $0x7780, s8;
	v22 =	vsel vm8, $0x0, v22;
	v24 =	vadd.f32 v25, v24;
	v25 =	vnsel vm5, $0x0, v19;
	v27 =	vld.idx.msk [tilespmem:v29+s13+$0x0], $0xffff;
	[tilespmem:s20+$0x0] =	vst v16;
	s20 =	sor.u32 s6, s22  }
0x273: {  	vm4 =	vlt.s32 v21, $0x0;
	s19 =	sor.u32 s0, s19;
	s26 =	sor.u32 s0, s22;
	vm5 =	vge.s32 v21, $0x0;
	v25 =	vadd.f32 v22, v25;
	v19 =	vld [tilespmem:s9+$0x4900];
	[tilespmem:s20+$0x0] =	vst v23;
	s20 =	sor.u32 s6, s28  }
.Ltmp15:
0x274: {  	vm2 =	vmand vm4, vm2;
	vm6 =	vlt.s32 v20, $0x0;
	vm5 =	vmand vm1, vm5;
	s22 =	sor.u32 s0, s28;
	s6 =	sor.u32 s6, s8;
	v22 =	vld [tilespmem:s9+$0x4D80];
	[tilespmem:s20+$0x0] =	vst v24;
	(pc) =	sbr.rel @p1 .LBB2_27-.Ltmp15, $4  }
0x275: {  	vm3 =	vmand vm6, vm3;
	v29 =	vnsel vm2, $0x0, v21;
	vm1 =	vmxor vm4, vm1;
	s20 =	sor.u32 s0, s8;
	v23 =	vld.idx.msk [tilespmem:v28+s16+$0x0], $0xffff;
	[tilespmem:s6+$0x0] =	vst v25  }
0x276: {  	v31 =	vnsel vm3, $0x0, v20;
	v30 =	vsel vm1, $0x0, v21;
	s0 =	smov.u32 s21;
	v25 =	vnsel vm5, $0x0, v21;
	s6 =	smov.u32 s17;
	v24 =	vld.idx.msk [tilespmem:v28+s13+$0x0], $0xffff;
	[tilespmem:s19+$0x0] =	vst v16  }
0x277: {  	vm2 =	vge.s32 v26, $0x0;
	vm1 =	vlt.s32 v26, $0x0;
	v28 =	vsel vm3, $0x0, v20;
	v21 =	vld [tilespmem:s9+$0x4910]  }
0x278: {  	s17 =	sadd.s32 $0x20, s17;
	v26 =	vadd.f32 v31, v30;
	vm3 =	vgt.s32 v27, $0xFFFFFFFF;
	v27 =	vadd.f32 v29, v17;
	v20 =	vld [tilespmem:s9+$0x4D90]  }
0x279: {  	v25 =	vadd.f32 v28, v25;
	vm4 =	vlt.s32 v19, $0x0  }
0x27a: {  	vm5 =	vge.s32 v19, $0x0;
	vm6 =	vge.s32 v23, $0x0;
	vm7 =	vlt.s32 v23, $0x0  }
0x27b: {  	vm8 =	vlt.s32 v22, $0x0;
	vm5 =	vmand vm7, vm5;
	vm6 =	vmand vm4, vm6  }
0x27c: {  	vm9 =	vgt.s32 v24, $0xFFFFFFFF;
	vm4 =	vmxor vm4, vm7;
	v23 =	vnsel vm6, $0x0, v19  }
0x27d: {  	s6 =	sadd.s32 $0xFFFFFFEF, s6;
	s1 =	sand.u32 $0xE00, s1;
	[tilespmem:s26+$0x0] =	vst v27;
	vm11 =	vmand vm8, vm9;
	v24 =	vsel vm4, $0x0, v19;
	v19 =	vnsel vm5, $0x0, v19  }
0x27e: {  	s6 =	sand.u32 $0x60, s6;
	s7 =	sadd.s32 $0x7600, s1;
	[tilespmem:s22+$0x0] =	vst v26;
	vm12 =	vge.s32 v21, $0x0;
	vm13 =	vlt.s32 v21, $0x0;
	v23 =	vadd.f32 v23, v17  }
0x27f: {  	s9 =	sadd.s32 $0x7680, s1;
	s8 =	sor.u32 s6, s7;
	[tilespmem:s20+$0x0] =	vst v25;
	v26 =	vnsel vm11, $0x0, v22;
	v22 =	vsel vm11, $0x0, v22;
	vm4 =	vmand vm1, vm12  }
0x280: {  	s17 =	sadd.s32 $0x7700, s1;
	s28 =	sor.u32 s6, s9;
	[tilespmem:s8+$0x0] =	vst v16;
	vm14 =	vlt.s32 v20, $0x0;
	vm2 =	vmand vm13, vm2;
	v24 =	vadd.f32 v26, v24  }
0x281: {  	s1 =	sadd.s32 $0x7780, s1;
	s29 =	sor.u32 s6, s17;
	vm1 =	vmxor vm13, vm1;
	v19 =	vadd.f32 v22, v19;
	vm3 =	vmand vm14, vm3;
	[tilespmem:s28+$0x0] =	vst v23  }
0x282: {  	s30 =	simm.s32 $0x471;
	s6 =	sor.u32 s6, s1;
	v22 =	vnsel vm2, $0x0, v21;
	v23 =	vsel vm1, $0x0, v21;
	[tilespmem:s29+$0x0] =	vst v24;
	v24 =	vnsel vm3, $0x0, v20  }
0x283: {  	s31 =	simm.s32 $0x461;
	s7 =	sor.u32 s0, s7;
	[tilespmem:s6+$0x0] =	vst v19;
	v19 =	vnsel vm4, $0x0, v21;
	v21 =	vadd.f32 v22, v17;
	v22 =	vadd.s32 s30, v0  }
0x284: {  	s19 =	sor.u32 s0, s9;
	[tilespmem:s7+$0x0] =	vst v16;
	v20 =	vsel vm3, $0x0, v20;
	v23 =	vadd.f32 v24, v23;
	v24 =	vadd.s32 s31, v0  }
0x285: {  	s20 =	sor.u32 s0, s17;
	v19 =	vadd.f32 v20, v19;
	[tilespmem:s19+$0x0] =	vst v21  }
0x286: {  	s21 =	simm.s32 $0x401;
	s22 =	sor.u32 s0, s1;
	[tilespmem:s20+$0x0] =	vst v23  }
0x287: {  	s30 =	simm.s32 $0x441;
	v20 =	vadd.s32 s21, v0;
	[tilespmem:s22+$0x0] =	vst v19  }
0x288: {  	s28 =	simm.s32 $0x421;
	v25 =	vadd.s32 s30, v0;
	v22 =	vld.idx.msk [tilespmem:v22+s13+$0x0], $0xffff  }
0x289: {  	s0 =	simm.s32 $0x51F0;
	s29 =	simm.s32 $0x431;
	v21 =	vadd.s32 s28, v0;
	v24 =	vld.idx.msk [tilespmem:v24+s13+$0x0], $0xffff  }
0x28a: {  	s26 =	simm.s32 $0x411;
	v23 =	vadd.s32 s29, v0;
	v26 =	vld [tilespmem:s0+$0xFFFFFFF0]  }
0x28b: {  	s31 =	simm.s32 $0x451;
	v19 =	vadd.s32 s26, v0;
	v30 =	vld [tilespmem:s0+$0xFFFFFFC0]  }
0x28c: {  	v27 =	vadd.s32 s31, v0;
	v20 =	vld.idx.msk [tilespmem:v20+s13+$0x0], $0xffff  }
0x28d: {  	v25 =	vld.idx.msk [tilespmem:v25+s13+$0x0], $0xffff  }
0x28e: {  	v21 =	vld.idx.msk [tilespmem:v21+s13+$0x0], $0xffff  }
0x28f: {  	v23 =	vld.idx.msk [tilespmem:v23+s13+$0x0], $0xffff  }
0x290: {  	v19 =	vld.idx.msk [tilespmem:v19+s13+$0x0], $0xffff  }
0x291: {  	vm2 =	vgt.s32 v24, $0xFFFFFFFF;
	v24 =	vld.idx.msk [tilespmem:v27+s13+$0x0], $0xffff  }
0x292: {  	v27 =	vld [tilespmem:s0+$0xFFFFFFA0]  }
0x293: {  	s1 =	simm.s32 $0x87F0;
	v29 =	vld [tilespmem:s0+$0xFFFFFFB0];
	vm1 =	vlt.s32 v26, $0x0;
	vm14 =	vlt.s32 v30, $0x0  }
0x294: {  	v31 =	vld [tilespmem:s0+$0xFFFFFFD0];
	[tilespmem:s1+$0xFFFFFE50] =	vst v16;
	vm1 =	vmand vm1, vm2;
	vm2 =	vgt.s32 v22, $0xFFFFFFFF;
	vm3 =	vgt.s32 v20, $0xFFFFFFFF  }
0x295: {  	[tilespmem:s1+$0xFFFFFE30] =	vst v16;
	vm13 =	vgt.s32 v25, $0xFFFFFFFF;
	v28 =	vnsel vm1, $0x0, v26;
	vm15 =	vgt.s32 v21, $0xFFFFFFFF;
	v21 =	vld [tilespmem:s0+$0x0]  }
0x296: {  	v32 =	vld [tilespmem:s0+$0xFFFFFFE0];
	[tilespmem:s1+$0xFFFFFEB0] =	vst v17;
	v26 =	vsel vm1, $0x0, v26;
	v28 =	vadd.f32 v28, v18;
	vm6 =	vgt.s32 v23, $0xFFFFFFFF  }
0x297: {  	[tilespmem:s1+$0xFFFFFE40] =	vst v16;
	vm1 =	vgt.s32 v19, $0xFFFFFFFF;
	vm5 =	vmand vm14, vm6;
	vm12 =	vlt.s32 v27, $0x0  }
0x298: {  	[tilespmem:s1+$0xFFFFFEC0] =	vst v17;
	v19 =	vld [tilespmem:s0+$0xFFFFFF90];
	vm8 =	vgt.s32 v24, $0xFFFFFFFF;
	v23 =	vnsel vm5, $0x0, v30;
	vm4 =	vmand vm12, vm1  }
0x299: {  	[tilespmem:s1+$0xFFFFFE20] =	vst v16;
	vm1 =	vlt.s32 v29, $0x0;
	v23 =	vadd.f32 v23, v18;
	v20 =	vnsel vm4, $0x0, v27  }
0x29a: {  	[tilespmem:s1+$0xFFFFFEA0] =	vst v17;
	vm1 =	vmand vm1, vm15;
	vm15 =	vlt.s32 v31, $0x0;
	vm14 =	vlt.s32 v21, $0x0  }
0x29b: {  	[tilespmem:s1+$0xFFFFFFF0] =	vst v26;
	v22 =	vnsel vm1, $0x0, v29;
	vm12 =	vmand vm15, vm13;
	vm13 =	vlt.s32 v32, $0x0  }
0x29c: {  	[tilespmem:s1+$0xFFFFFE10] =	vst v16;
	vm2 =	vmand vm14, vm2;
	v20 =	vadd.f32 v20, v18;
	v24 =	vnsel vm12, $0x0, v31  }
0x29d: {  	p1 =	por $0x1, $0x1;
	[tilespmem:s1+$0xFFFFFE90] =	vst v17;
	vm7 =	vmand vm13, vm8;
	vm15 =	vlt.s32 v19, $0x0;
	v26 =	vnsel vm2, $0x0, v21  }
.Ltmp16:
0x29e: {  	[tilespmem:s1+$0xFFFFFF70] =	vst v28;
	v22 =	vadd.f32 v22, v18;
	v21 =	vsel vm2, $0x0, v21;
	vm3 =	vmand vm15, vm3;
	(pc) =	sbr.rel @!p1 .LBB2_30-.Ltmp16, $4  }
0x29f: {  	v25 =	vnsel vm7, $0x0, v32;
	[tilespmem:s1+$0xFFFFFF20] =	vst v20;
	v20 =	vsel vm4, $0x0, v27;
	v28 =	vnsel vm3, $0x0, v19  }
0x2a0: {  	[tilespmem:s1+$0xFFFFFF40] =	vst v23;
	v26 =	vadd.f32 v26, v18;
	v23 =	vsel vm7, $0x0, v32;
	v33 =	vadd.f32 v28, v18  }
0x2a1: {  	v19 =	vsel vm3, $0x0, v19;
	[tilespmem:s1+$0xFFFFFF30] =	vst v22;
	v27 =	vadd.f32 v25, v18;
	v28 =	vadd.f32 v24, v18  }
0x2a2: {  	s7 =	simm.s32 $0x4F1;
	s6 =	simm.s32 $0x40;
	v25 =	vsel vm1, $0x0, v29;
	v22 =	vsel vm12, $0x0, v31;
	v24 =	vsel vm5, $0x0, v30;
	[tilespmem:s1+$0xFFFFFF10] =	vst v33  }
.LBB2_29:
0x2a3: {  	s8 =	sadd.s32 $0xFFFFFF90, s7;
	s9 =	sadd.s32 $0xFFFFFFF0, s7;
	v29 =	vadd.s32 s7, v0;
	s6 =	sadd.s32 $0x8, s6;
	[tilespmem:s1+$0xFFFFFF50] =	vst v28  }
0x2a4: {  	s17 =	sadd.s32 $0xFFFFFFB0, s7;
	v28 =	vadd.s32 s8, v0;
	s8 =	sadd.s32 $0xFFFFFFA0, s7;
	v30 =	vadd.s32 s9, v0;
	p1 =	slt.u32 s6, $0x78;
	[tilespmem:s1+$0xFFFFFF60] =	vst v27  }
0x2a5: {  	v31 =	vadd.s32 s17, v0;
	s9 =	sadd.s32 $0xFFFFFFD0, s7;
	s17 =	sadd.s32 $0xFFFFFFE0, s7;
	v27 =	vadd.s32 s8, v0;
	s8 =	sadd.s32 $0xFFFFFFC0, s7;
	[tilespmem:s1+$0xFFFFFF80] =	vst v26  }
0x2a6: {  	v32 =	vadd.s32 s9, v0;
	v33 =	vadd.s32 s17, v0;
	v26 =	vadd.s32 s8, v0;
	[tilespmem:s1+$0xFFFFFF90] =	vst v19  }
0x2a7: {  	[tilespmem:s1+$0xFFFFFFA0] =	vst v20  }
0x2a8: {  	v19 =	vld.idx.msk [tilespmem:v29+s13+$0x0], $0xffff;
	[tilespmem:s1+$0xFFFFFFB0] =	vst v25  }
0x2a9: {  	s0 =	sadd.s32 $0x80, s0;
	v20 =	vld.idx.msk [tilespmem:v30+s13+$0x0], $0xffff;
	[tilespmem:s1+$0xFFFFFFC0] =	vst v24  }
0x2aa: {  	v24 =	vld [tilespmem:s0+$0xFFFFFFF0];
	[tilespmem:s1+$0xFFFFFFD0] =	vst v22  }
0x2ab: {  	v22 =	vld.idx.msk [tilespmem:v28+s13+$0x0], $0xffff;
	[tilespmem:s1+$0xFFFFFFE0] =	vst v23  }
0x2ac: {  	v23 =	vld.idx.msk [tilespmem:v27+s13+$0x0], $0xffff;
	[tilespmem:s1+$0x0] =	vst v21  }
0x2ad: {  	v21 =	vld.idx.msk [tilespmem:v31+s13+$0x0], $0xffff;
	[tilespmem:s1+$0xFFFFFED0] =	vst v17  }
0x2ae: {  	vm1 =	vgt.s32 v19, $0xFFFFFFFF;
	v25 =	vld.idx.msk [tilespmem:v26+s13+$0x0], $0xffff;
	[tilespmem:s1+$0xFFFFFE60] =	vst v16  }
0x2af: {  	vm3 =	vgt.s32 v20, $0xFFFFFFFF;
	v19 =	vld.idx.msk [tilespmem:v32+s13+$0x0], $0xffff;
	vm2 =	vlt.s32 v24, $0x0;
	[tilespmem:s1+$0xFFFFFEE0] =	vst v17  }
0x2b0: {  	v20 =	vld.idx.msk [tilespmem:v33+s13+$0x0], $0xffff;
	vm3 =	vmand vm2, vm3;
	[tilespmem:s1+$0xFFFFFE70] =	vst v16  }
0x2b1: {  	vm2 =	vgt.s32 v22, $0xFFFFFFFF;
	v22 =	vld [tilespmem:s0+$0xFFFFFFA0];
	v26 =	vnsel vm3, $0x0, v24;
	v24 =	vsel vm3, $0x0, v24;
	[tilespmem:s1+$0xFFFFFEF0] =	vst v17  }
0x2b2: {  	vm3 =	vgt.s32 v23, $0xFFFFFFFF;
	v23 =	vld [tilespmem:s0+$0xFFFFFFB0];
	v26 =	vadd.f32 v26, v18;
	[tilespmem:s1+$0xFFFFFE80] =	vst v16  }
0x2b3: {  	vm5 =	vgt.s32 v21, $0xFFFFFFFF;
	v21 =	vld [tilespmem:s0+$0xFFFFFFC0];
	[tilespmem:s1+$0xFFFFFF00] =	vst v17;
	s1 =	sadd.s32 $0x200, s1  }
0x2b4: {  	vm6 =	vgt.s32 v25, $0xFFFFFFFF;
	v29 =	vld [tilespmem:s0+$0xFFFFFFD0];
	[tilespmem:s1+$0xFFFFFF70] =	vst v26  }
0x2b5: {  	vm7 =	vgt.s32 v19, $0xFFFFFFFF;
	v30 =	vld [tilespmem:s0+$0xFFFFFFE0];
	[tilespmem:s1+$0xFFFFFFF0] =	vst v24  }
0x2b6: {  	vm8 =	vgt.s32 v20, $0xFFFFFFFF;
	vm4 =	vlt.s32 v22, $0x0;
	[tilespmem:s1+$0xFFFFFE20] =	vst v16;
	v31 =	vld [tilespmem:s0+$0x0]  }
0x2b7: {  	v19 =	vld [tilespmem:s0+$0xFFFFFF90];
	[tilespmem:s1+$0xFFFFFE10] =	vst v16;
	vm4 =	vmand vm4, vm3;
	vm3 =	vlt.s32 v23, $0x0  }
0x2b8: {  	[tilespmem:s1+$0xFFFFFE90] =	vst v17;
	v20 =	vnsel vm4, $0x0, v22;
	vm3 =	vmand vm3, vm5;
	vm5 =	vlt.s32 v21, $0x0  }
0x2b9: {  	[tilespmem:s1+$0xFFFFFEA0] =	vst v17;
	v24 =	vnsel vm3, $0x0, v23;
	vm5 =	vmand vm5, vm6;
	vm6 =	vlt.s32 v29, $0x0  }
0x2ba: {  	[tilespmem:s1+$0xFFFFFE30] =	vst v16;
	v25 =	vnsel vm5, $0x0, v21;
	vm6 =	vmand vm6, vm7;
	vm7 =	vlt.s32 v30, $0x0  }
0x2bb: {  	[tilespmem:s1+$0xFFFFFEB0] =	vst v17;
	v26 =	vnsel vm6, $0x0, v29;
	vm7 =	vmand vm7, vm8;
	vm8 =	vlt.s32 v31, $0x0  }
0x2bc: {  	vm9 =	vlt.s32 v19, $0x0;
	[tilespmem:s1+$0xFFFFFE40] =	vst v16;
	v27 =	vnsel vm7, $0x0, v30;
	vm1 =	vmand vm8, vm1  }
0x2bd: {  	v20 =	vadd.f32 v20, v18;
	vm2 =	vmand vm9, vm2;
	[tilespmem:s1+$0xFFFFFEC0] =	vst v17;
	v32 =	vnsel vm1, $0x0, v31  }
.Ltmp17:
0x2be: {  	v24 =	vadd.f32 v24, v18;
	v33 =	vadd.f32 v25, v18;
	v28 =	vnsel vm2, $0x0, v19;
	[tilespmem:s1+$0xFFFFFE50] =	vst v16;
	(pc) =	sbr.rel @p1 .LBB2_29-.Ltmp17, $4  }
0x2bf: {  	v19 =	vsel vm2, $0x0, v19;
	v25 =	vadd.f32 v28, v18;
	[tilespmem:s1+$0xFFFFFF20] =	vst v20;
	v28 =	vadd.f32 v26, v18  }
0x2c0: {  	v27 =	vadd.f32 v27, v18;
	v20 =	vsel vm4, $0x0, v22;
	v26 =	vadd.f32 v32, v18;
	[tilespmem:s1+$0xFFFFFF30] =	vst v24  }
0x2c1: {  	v22 =	vsel vm6, $0x0, v29;
	v24 =	vsel vm5, $0x0, v21;
	[tilespmem:s1+$0xFFFFFF10] =	vst v25;
	v25 =	vsel vm3, $0x0, v23  }
0x2c2: {  	s7 =	sadd.s32 $0x80, s7;
	v21 =	vsel vm1, $0x0, v31;
	v23 =	vsel vm7, $0x0, v30;
	[tilespmem:s1+$0xFFFFFF40] =	vst v33  }
.LBB2_30:
0x2c3: {  	[tilespmem:s1+$0xFFFFFF50] =	vst v28  }
0x2c4: {  	[tilespmem:s1+$0xFFFFFF60] =	vst v27  }
0x2c5: {  	[tilespmem:s1+$0xFFFFFF80] =	vst v26  }
0x2c6: {  	[tilespmem:s1+$0xFFFFFF90] =	vst v19  }
0x2c7: {  	[tilespmem:s1+$0xFFFFFFA0] =	vst v20  }
0x2c8: {  	[tilespmem:s1+$0xFFFFFFB0] =	vst v25  }
0x2c9: {  	[tilespmem:s1+$0xFFFFFFC0] =	vst v24  }
0x2ca: {  	[tilespmem:s1+$0xFFFFFFD0] =	vst v22  }
0x2cb: {  	[tilespmem:s1+$0xFFFFFFE0] =	vst v23  }
0x2cc: {  	[tilespmem:s1+$0x0] =	vst v21  }
0x2cd: {  	[tilespmem:s1+$0xFFFFFED0] =	vst v17  }
0x2ce: {  	[tilespmem:s1+$0xFFFFFE60] =	vst v16  }
0x2cf: {  	[tilespmem:s1+$0xFFFFFEE0] =	vst v17  }
0x2d0: {  	[tilespmem:s1+$0xFFFFFE70] =	vst v16  }
0x2d1: {  	[tilespmem:s1+$0xFFFFFEF0] =	vst v17  }
0x2d2: {  	[tilespmem:s1+$0xFFFFFE80] =	vst v16;
	s0 =	sshll.u32 s24, $0xA;
	s25 =	sor.u32 $0x1, s25  }
0x2d3: {  	[tilespmem:s1+$0xFFFFFF00] =	vst v17;
	s24 =	simm.s32 $0x5600;
	s0 =	sadd.s32 s3, s0;
	s26 =	sshll.u32 s25, $0x1  }
0x2d4: {  	[hbm4b:s0+s4] =	stream.linear.scatter [tilespmem:s24], [sflag:$0x3], $0x4000, $0x38;
	[tilespmem:$0xD600] =	vst v63  }
0x2d5: {  	p1 =	sgt.u32 s25, $0x1E;
	s24 =	sadd.s32 s5, s26  }
0x2d6: {  	s1 =	simm.s32 $0x40;
	s0 =	simm.s32 $0x80;
	s6 =	sadd.s32 @!p1 $0x2, s24  }
0x2d7: {  	v16 =	vmov s1;
	s8 =	simm.s32 @!p1 $0x400;
	s9 =	simm.s32 @!p1 $0x0;
	v17 =	vmov s0;
	s7 =	sshll.u32 @!p1 s6, $0x4  }
0x2d8: {  	v16 =	vshll.u32 v16, $0x1;
	_ =	swait.ge [sflag:s18], $0x2000;
	s6 =	sshll.u32 @!p1 s6, $0x9;
	v17 =	vshll.u32 v17, $0x1;
	s7 =	sand.u32 @!p1 $0x40, s7  }
0x2d9: {  	v16 =	vand.u32 $0x1E00, v16;
	[sflag:s18] =	ssyncset.done $0x0;
	s6 =	sand.u32 @!p1 $0xFFFF000, s6;
	v17 =	vbroadcast v17, $0x0;
	s7 =	sadd.s32 @!p1 s2, s7  }
0x2da: {  	v16 =	vbroadcast v16, $0x0;
	[sflag:s18] =	ssyncadd.s32 $0xFFFFE000;
	s6 =	sadd.s32 @!p1 s6, s7;
	s7 =	simm.s32 @!p1 $0x100  }
0x2db: {  	v18 =	vor.u32 v1, v17;
	[tilespmem:s9], [sflag:$0x1] =	stream.strided.gather @!p1 [hbm4b:s6+s7], $0x2000, s8, s7, $0x38;
	[tilespmem:$0xD600] =	vst v63  }
0x2dc: {  	v19 =	vor.u32 v8, v16;
	s6 =	simm.s32 @!p0 $0x4  }
0x2dd: {  	s30 =	simm.s32 $0xC0;
	v20 =	vor.u32 v2, v17;
	_ =	swait.ge @!p0 [sflag:s6], $0x4000  }
0x2de: {  	v23 =	vmov s30;
	v22 =	vor.u32 v5, v17;
	[sflag:s6] =	ssyncset.done @!p0 $0x0  }
0x2df: {  	v23 =	vshll.u32 v23, $0x1;
	v17 =	vor.u32 v4, v17;
	[sflag:s6] =	ssyncadd.s32 @!p0 $0xFFFFC000  }
0x2e0: {  	v23 =	vand.u32 $0x1F00, v23;
	v25 =	vor.u32 v7, v16;
	s6 =	simm.s32 $0x0;
	v18 =	vld.idx.msk [tilespmem:v18+s11+$0x0], $0xffff  }
0x2e1: {  	v23 =	vbroadcast v23, $0x0;
	v21 =	vor.u32 v10, v16;
	v24 =	vmov s6;
	v19 =	vld.idx.msk [tilespmem:v19+s11+$0x0], $0xffff  }
0x2e2: {  	v16 =	vor.u32 v9, v16;
	v20 =	vld.idx.msk [tilespmem:v20+s11+$0x0], $0xffff;
	v24 =	vshll.u32 v24, $0x1  }
0x2e3: {  	v27 =	vor.u32 v8, v23;
	v22 =	vld.idx.msk [tilespmem:v22+s11+$0x0], $0xffff;
	v24 =	vbroadcast v24, $0x0  }
0x2e4: {  	v29 =	vor.u32 v10, v23;
	v17 =	vld.idx.msk [tilespmem:v17+s11+$0x0], $0xffff  }
0x2e5: {  	v28 =	vld.idx.msk [tilespmem:v25+s11+$0x0], $0xffff;
	v26 =	vor.u32 v4, v24  }
0x2e6: {  	v21 =	vld.idx.msk [tilespmem:v21+s11+$0x0], $0xffff;
	v25 =	vor.u32 v9, v23  }
0x2e7: {  	v30 =	vor.u32 v7, v23;
	v16 =	vld.idx.msk [tilespmem:v16+s11+$0x0], $0xffff  }
0x2e8: {  	v23 =	vld.idx.msk [tilespmem:v27+s11+$0x0], $0xffff;
	v31 =	vor.u32 v5, v24  }
0x2e9: {  	v29 =	vld.idx.msk [tilespmem:v29+s11+$0x0], $0xffff;
	v33 =	vor.u32 v2, v24;
	v27 =	vadd.f32 v22, v17  }
0x2ea: {  	v24 =	vor.u32 v1, v24;
	v34 =	vadd.f32 v19, v28;
	v32 =	vld.idx.msk [tilespmem:v26+s11+$0x0], $0xffff;
	v26 =	vsub.f32 v18, v20  }
0x2eb: {  	v17 =	vsub.f32 v17, v22;
	v27 =	vmul.f32 $7.071067690e-01, v27;
	v18 =	vadd.f32 v20, v18;
	v20 =	vld.idx.msk [tilespmem:v25+s11+$0x0], $0xffff  }
0x2ec: {  	v25 =	vld.idx.msk [tilespmem:v30+s11+$0x0], $0xffff;
	v30 =	vmul.f32 $7.071067690e-01, v34;
	v35 =	vmul.f32 $7.071067690e-01, v26;
	v26 =	vadd.f32 v21, v16  }
0x2ed: {  	v40 =	vmul.f32 $7.071067690e-01, v17;
	v62 =	vld.idx.msk [tilespmem:v31+s11+$0x0], $0xffff;
	v18 =	vmul.f32 $7.071067690e-01, v18  }
0x2ee: {  	v37 =	vld.idx.msk [tilespmem:v33+s11+$0x0], $0xffff;
	v16 =	vsub.f32 v16, v21;
	v21 =	vperm.xlane v30, v3;
	v36 =	vmul.f32 $7.071067690e-01, v26  }
0x2ef: {  	v19 =	vsub.f32 v28, v19;
	v38 =	vld.idx.msk [tilespmem:v24+s11+$0x0], $0xffff;
	v26 =	vperm.xlane v27, v6;
	v22 =	vperm.xlane v18, v3  }
0x2f0: {  	v17 =	vmul.f32 $7.071067690e-01, v16;
	v31 =	vperm.xlane v18, v6;
	v16 =	vsub.f32 v20, v29  }
0x2f1: {  	v18 =	vperm.xlane v27, v3;
	v27 =	vadd.f32 v23, v25;
	v28 =	vadd.f32 v29, v20  }
0x2f2: {  	v30 =	vperm.xlane v30, v6;
	v63 =	vadd.f32 v62, v32;
	v32 =	vsub.f32 v32, v62  }
0x2f3: {  	v39 =	vperm.xlane v36, v3;
	v36 =	vperm.xlane v36, v6;
	v20 =	vsel vm0, v22, v18  }
0x2f4: {  	v22 =	vadd.f32 v37, v38;
	v24 =	vmul.f32 $7.071067690e-01, v16;
	v18 =	vmul.f32 $7.071067690e-01, v28  }
0x2f5: {  	v16 =	vimm.f32 $-Inf;
	v29 =	vmul.f32 $7.071067690e-01, v27;
	v33 =	vmul.f32 $7.071067690e-01, v63  }
0x2f6: {  	s20 =	simm.s32 $0x4DC0;
	s31 =	simm.s32 $0x40;
	s28 =	simm.s32 $0x0;
	v21 =	vsel vm0, v21, v39;
	v34 =	vmul.f32 $7.071067690e-01, v22;
	v22 =	vsel vm0, v30, v36  }
0x2f7: {  	s29 =	simm.s32 $0x100;
	s22 =	simm.s32 $0xE0;
	s8 =	sor.u32 $0x50, s31;
	[tilespmem:s20+$0x0] =	vst v35;
	v36 =	vsub.f32 v38, v37;
	v27 =	vperm.xlane v18, v3;
	v28 =	vperm.xlane v18, v6  }
0x2f8: {  	s17 =	simm.s32 $0x4E40;
	s26 =	simm.s32 $0x0;
	s7 =	simm.s32 $0x60;
	[tilespmem:s8+$0x4D80] =	vst v40;
	v35 =	vperm.xlane v33, v3;
	v30 =	vperm.xlane v29, v3;
	v18 =	vimm.f32 $-Inf  }
.LBB2_31:
0x2f9: {  	s8 =	sadd.s32 $0x40, s29;
	s9 =	sadd.s32 $0x80, s29;
	s19 =	sadd.s32 $0xC0, s29;
	v37 =	vperm.xlane v34, v3;
	v38 =	vsub.f32 v21, v22;
	v26 =	vsel vm0, v31, v26  }
0x2fa: {  	s28 =	sadd.s32 $0x4, s28;
	v31 =	vmov s8;
	v39 =	vmov s9;
	v40 =	vsub.f32 v20, v26  }
0x2fb: {  	v23 =	vsub.f32 v25, v23;
	p0 =	slt.u32 s28, $0x3C;
	v31 =	vshll.u32 v31, $0x1;
	v39 =	vshll.u32 v39, $0x1  }
0x2fc: {  	v36 =	vmul.f32 $7.071067690e-01, v36;
	v25 =	vand.u32 $0x1E00, v31;
	v31 =	vbroadcast v39, $0x0  }
0x2fd: {  	v32 =	vmul.f32 $7.071067690e-01, v32;
	v39 =	vmov s19;
	v25 =	vbroadcast v25, $0x0  }
0x2fe: {  	v33 =	vperm.xlane v33, v6;
	v41 =	vor.u32 v1, v31;
	v42 =	vor.u32 v2, v31;
	[tilespmem:s20+$0xFFFFFFC0] =	vst v36  }
0x2ff: {  	v36 =	vor.u32 v7, v25;
	v43 =	vor.u32 v8, v25;
	[tilespmem:s20+$0xFFFFFFD0] =	vst v32;
	v32 =	vperm.xlane v34, v6  }
0x300: {  	v35 =	vsel vm0, v37, v35;
	v34 =	vmov s29;
	v44 =	vor.u32 v10, v25  }
0x301: {  	v25 =	vor.u32 v9, v25;
	v34 =	vshll.u32 v34, $0x1;
	v32 =	vsel vm0, v32, v33  }
0x302: {  	v37 =	vshll.u32 v39, $0x1;
	v33 =	vbroadcast v34, $0x0;
	v34 =	vor.u32 v5, v31  }
0x303: {  	v29 =	vperm.xlane v29, v6;
	v37 =	vand.u32 $0x1F00, v37;
	v31 =	vor.u32 v4, v31;
	v39 =	vld.idx.msk [tilespmem:v41+s11+$0x0], $0xffff  }
0x304: {  	v46 =	vadd.f32 v32, v35;
	v41 =	vor.u32 v2, v33;
	v45 =	vor.u32 v4, v33;
	v43 =	vld.idx.msk [tilespmem:v43+s11+$0x0], $0xffff  }
0x305: {  	v37 =	vbroadcast v37, $0x0;
	v32 =	vsub.f32 v35, v32;
	v47 =	vor.u32 v5, v33;
	v42 =	vld.idx.msk [tilespmem:v42+s11+$0x0], $0xffff  }
0x306: {  	v27 =	vsel vm0, v30, v27;
	v23 =	vmul.f32 $7.071067690e-01, v23;
	v28 =	vsel vm0, v29, v28;
	v35 =	vld.idx.msk [tilespmem:v44+s11+$0x0], $0xffff  }
0x307: {  	v30 =	vor.u32 v7, v37;
	v32 =	vmul.f32 $7.071067690e-01, v32;
	v29 =	vld.idx.msk [tilespmem:v34+s11+$0x0], $0xffff;
	v34 =	vor.u32 v8, v37  }
0x308: {  	s8 =	sor.u32 $0x70, s7;
	v33 =	vor.u32 v1, v33;
	v46 =	vmul.f32 $7.071067690e-01, v46;
	v44 =	vor.u32 v10, v37;
	v31 =	vld.idx.msk [tilespmem:v31+s11+$0x0], $0xffff;
	[tilespmem:s20+$0x20] =	vst v23  }
0x309: {  	s21 =	sshra.s32 s26, $0x2;
	s26 =	smov.u32 s29;
	v38 =	vmul.f32 $7.071067690e-01, v38;
	v37 =	vor.u32 v9, v37;
	v23 =	vsub.f32 v27, v28;
	v36 =	vld.idx.msk [tilespmem:v36+s11+$0x0], $0xffff;
	[tilespmem:s8+$0x4D80] =	vst v24  }
0x30a: {  	v18 =	vmax.f32 v18, v32;
	v27 =	vadd.f32 v28, v27;
	v24 =	vld.idx.msk [tilespmem:v25+s11+$0x0], $0xffff;
	[tilespmem:s21+$0x4000] =	vst v46;
	v25 =	vmul.f32 $7.071067690e-01, v40  }
0x30b: {  	v18 =	vmax.f32 v18, v38;
	v40 =	vsub.f32 v39, v42;
	v28 =	vld.idx.msk [tilespmem:v45+s11+$0x0], $0xffff;
	[tilespmem:s21+$0x4900] =	vst v32;
	v32 =	vmul.f32 $7.071067690e-01, v23  }
0x30c: {  	v19 =	vmul.f32 $7.071067690e-01, v19;
	v27 =	vmul.f32 $7.071067690e-01, v27;
	v41 =	vld.idx.msk [tilespmem:v41+s11+$0x0], $0xffff;
	[tilespmem:s21+$0x4920] =	vst v25;
	v18 =	vmax.f32 v18, v25  }
0x30d: {  	v21 =	vadd.f32 v22, v21;
	v25 =	vadd.f32 v42, v39;
	v23 =	vld.idx.msk [tilespmem:v34+s11+$0x0], $0xffff;
	v18 =	vmax.f32 v18, v32  }
0x30e: {  	v20 =	vadd.f32 v26, v20;
	v22 =	vmul.f32 $7.071067690e-01, v40;
	v34 =	vadd.f32 v29, v31;
	v37 =	vld.idx.msk [tilespmem:v37+s11+$0x0], $0xffff;
	[tilespmem:s20+$0xFFFFFFE0] =	vst v19;
	s20 =	smov.u32 s17  }
0x30f: {  	v21 =	vmul.f32 $7.071067690e-01, v21;
	s8 =	sadd.s32 $0xFFFFFFC0, s7;
	s7 =	smov.u32 s22;
	v26 =	vadd.f32 v43, v36;
	v39 =	vmul.f32 $7.071067690e-01, v25;
	v40 =	vld.idx.msk [tilespmem:v44+s11+$0x0], $0xffff;
	[tilespmem:s21+$0x4930] =	vst v32  }
0x310: {  	s8 =	sor.u32 $0x30, s8;
	v19 =	vsub.f32 v36, v43;
	v32 =	vadd.f32 v35, v24;
	v34 =	vmul.f32 $7.071067690e-01, v34;
	v25 =	vld.idx.msk [tilespmem:v30+s11+$0x0], $0xffff;
	[tilespmem:s21+$0x4030] =	vst v27  }
0x311: {  	v24 =	vsub.f32 v24, v35;
	v30 =	vmul.f32 $7.071067690e-01, v26;
	v27 =	vld.idx.msk [tilespmem:v47+s11+$0x0], $0xffff;
	[tilespmem:s8+$0x4D80] =	vst v17;
	v17 =	vmul.f32 $7.071067690e-01, v20  }
0x312: {  	v29 =	vsub.f32 v31, v29;
	v20 =	vmul.f32 $7.071067690e-01, v32;
	v26 =	vperm.xlane v34, v6;
	v35 =	vld.idx.msk [tilespmem:v33+s11+$0x0], $0xffff;
	[tilespmem:s21+$0x4010] =	vst v21  }
0x313: {  	v32 =	vperm.xlane v39, v3;
	v21 =	vperm.xlane v30, v3;
	[tilespmem:s21+$0x4020] =	vst v17  }
0x314: {  	v29 =	vmul.f32 $7.071067690e-01, v29;
	s8 =	sadd.s32 $0xFFFFFFE0, s22;
	v36 =	vperm.xlane v20, v3;
	[tilespmem:s21+$0x4910] =	vst v38  }
0x315: {  	v31 =	vperm.xlane v39, v6;
	s8 =	sor.u32 $0x50, s8;
	v17 =	vmul.f32 $7.071067690e-01, v24;
	[tilespmem:s17+$0x0] =	vst v22;
	v22 =	vsub.f32 v37, v40  }
0x316: {  	v24 =	vperm.xlane v34, v3;
	v33 =	vadd.f32 v40, v37;
	[tilespmem:s8+$0x4D80] =	vst v29;
	v29 =	vadd.f32 v23, v25  }
0x317: {  	v30 =	vperm.xlane v30, v6;
	v37 =	vperm.xlane v20, v6;
	v34 =	vadd.f32 v27, v28  }
.Ltmp18:
0x318: {  	v20 =	vsel vm0, v32, v24;
	v38 =	vmul.f32 $7.071067690e-01, v33;
	v24 =	vmul.f32 $7.071067690e-01, v22;
	(pc) =	sbr.rel @p0 .LBB2_31-.Ltmp18, $4  }
0x319: {  	v32 =	vsub.f32 v28, v27;
	v22 =	vadd.f32 v41, v35;
	v29 =	vmul.f32 $7.071067690e-01, v29  }
0x31a: {  	v21 =	vsel vm0, v21, v36;
	v33 =	vmul.f32 $7.071067690e-01, v34;
	v27 =	vperm.xlane v38, v3  }
0x31b: {  	s25 =	simm.s32 $0x4420;
	s21 =	simm.s32 $0x46A0;
	v28 =	vperm.xlane v38, v6;
	v34 =	vmul.f32 $7.071067690e-01, v22;
	v22 =	vsel vm0, v30, v37  }
0x31c: {  	s29 =	sadd.s32 $0x100, s29;
	s22 =	sadd.s32 $0x80, s22;
	s17 =	sadd.s32 $0x80, s17;
	v36 =	vsub.f32 v35, v41;
	v35 =	vperm.xlane v33, v3;
	v30 =	vperm.xlane v29, v3  }
0x31d: {  	v32 =	vmul.f32 $7.071067690e-01, v32  }
0x31e: {  	v19 =	vmul.f32 $7.071067690e-01, v19  }
0x31f: {  	v37 =	vperm.xlane v34, v3;
	v23 =	vsub.f32 v25, v23;
	v25 =	vmul.f32 $7.071067690e-01, v36;
	[tilespmem:s20+$0xFFFFFFD0] =	vst v32  }
0x320: {  	v33 =	vperm.xlane v33, v6;
	v55 =	vperm.xlane v34, v6;
	v26 =	vsel vm0, v31, v26;
	s22 =	sadd.s32 $0xFFFFFFC0, s7;
	[tilespmem:s20+$0xFFFFFFE0] =	vst v19  }
0x321: {  	s8 =	sor.u32 $0x70, s7;
	v56 =	vsub.f32 v20, v26;
	s7 =	sor.u32 $0x30, s22;
	v23 =	vmul.f32 $7.071067690e-01, v23;
	v19 =	vadd.f32 v26, v20;
	[tilespmem:s20+$0xFFFFFFC0] =	vst v25  }
0x322: {  	v35 =	vsel vm0, v37, v35;
	v33 =	vsel vm0, v55, v33;
	v20 =	vsub.f32 v21, v22;
	[tilespmem:s7+$0x4D80] =	vst v17  }
0x323: {  	v29 =	vperm.xlane v29, v6;
	v25 =	vadd.f32 v33, v35;
	[tilespmem:s20+$0x20] =	vst v23;
	v17 =	vmul.f32 $7.071067690e-01, v19  }
0x324: {  	s9 =	sshra.s32 s26, $0x2;
	v31 =	vsub.f32 v35, v33;
	v20 =	vmul.f32 $7.071067690e-01, v20;
	[tilespmem:s8+$0x4D80] =	vst v24  }
0x325: {  	v23 =	vsel vm0, v30, v27;
	v27 =	vsel vm0, v29, v28;
	v25 =	vmul.f32 $7.071067690e-01, v25;
	[tilespmem:s9+$0x4020] =	vst v17  }
0x326: {  	v28 =	vmul.f32 $7.071067690e-01, v31;
	v24 =	vsub.f32 v23, v27;
	[tilespmem:s9+$0x4910] =	vst v20  }
0x327: {  	s26 =	simm.s32 $0x20;
	v23 =	vadd.f32 v27, v23;
	[tilespmem:s9+$0x4000] =	vst v25;
	v25 =	vmul.f32 $7.071067690e-01, v56  }
0x328: {  	v27 =	vadd.f32 v22, v21;
	v22 =	vor.u32 s26, v5;
	[tilespmem:s9+$0x4900] =	vst v28;
	v24 =	vmul.f32 $7.071067690e-01, v24  }
0x329: {  	v19 =	vor.u32 s26, v1;
	v23 =	vmul.f32 $7.071067690e-01, v23;
	[tilespmem:s9+$0x4920] =	vst v25  }
0x32a: {  	v26 =	vor.u32 s6, v2;
	v21 =	vmul.f32 $7.071067690e-01, v27;
	[tilespmem:s9+$0x4930] =	vst v24  }
0x32b: {  	v17 =	vor.u32 s1, v8;
	[tilespmem:s9+$0x4030] =	vst v23  }
0x32c: {  	[tilespmem:s9+$0x4010] =	vst v21;
	v21 =	vor.u32 s1, v1  }
0x32d: {  	s28 =	simm.s32 $0x60;
	v23 =	vor.u32 s6, v1;
	v22 =	vld.idx.msk [tilespmem:v22+s12+$0x0], $0xffff  }
0x32e: {  	v27 =	vor.u32 s28, v10;
	v19 =	vld.idx.msk [tilespmem:v19+s12+$0x0], $0xffff  }
0x32f: {  	v29 =	vor.u32 s28, v1;
	v58 =	vld.idx.msk [tilespmem:v26+s12+$0x0], $0xffff  }
0x330: {  	v31 =	vld.idx.msk [tilespmem:v17+s12+$0x0], $0xffff  }
0x331: {  	s30 =	simm.s32 $0xC0;
	v17 =	vmax.f32 v18, v28;
	v21 =	vld.idx.msk [tilespmem:v21+s12+$0x0], $0xffff  }
0x332: {  	s29 =	simm.s32 $0xA0;
	v59 =	vor.u32 s30, v1;
	v17 =	vmax.f32 v17, v20;
	v57 =	vld.idx.msk [tilespmem:v23+s12+$0x0], $0xffff  }
0x333: {  	v20 =	vor.u32 s29, v5;
	v27 =	vld.idx.msk [tilespmem:v27+s12+$0x0], $0xffff;
	v17 =	vmax.f32 v17, v25  }
0x334: {  	v25 =	vor.u32 s29, v1;
	v17 =	vmax.f32 v17, v24;
	v24 =	vld.idx.msk [tilespmem:v29+s12+$0x0], $0xffff  }
0x335: {  	s31 =	simm.s32 $0xE0;
	v61 =	vor.u32 s0, v1;
	v60 =	vor.u32 s30, v8;
	v23 =	vadd.f32 v22, v19  }
0x336: {  	v18 =	vor.u32 s31, v10;
	v28 =	vor.u32 s0, v2;
	v19 =	vsub.f32 v19, v22  }
0x337: {  	v22 =	vld.idx.msk [tilespmem:v59+s12+$0x0], $0xffff;
	v30 =	vmul.f32 $7.071067690e-01, v23;
	v62 =	vadd.f32 v31, v21;
	v38 =	vadd.f32 v58, v57  }
0x338: {  	v20 =	vld.idx.msk [tilespmem:v20+s12+$0x0], $0xffff;
	v23 =	vmul.f32 $7.071067690e-01, v19;
	v21 =	vsub.f32 v21, v31;
	v19 =	vsub.f32 v57, v58  }
0x339: {  	v29 =	vor.u32 s31, v1;
	v26 =	vld.idx.msk [tilespmem:v25+s12+$0x0], $0xffff;
	[tilespmem:s25+$0xFFFFFFF0] =	vst v30;
	v63 =	vadd.f32 v27, v24;
	v31 =	vmul.f32 $7.071067690e-01, v38  }
0x33a: {  	s7 =	simm.s32 $0x100;
	v25 =	vld.idx.msk [tilespmem:v61+s12+$0x0], $0xffff;
	v32 =	vsub.f32 v24, v27;
	[tilespmem:s21+$0xFFFFFFF0] =	vst v23;
	v19 =	vmul.f32 $7.071067690e-01, v19;
	v21 =	vmul.f32 $7.071067690e-01, v21  }
0x33b: {  	s6 =	simm.s32 $0x4;
	s1 =	simm.s32 $0x4460;
	s0 =	simm.s32 $0x46E0;
	v27 =	vld.idx.msk [tilespmem:v60+s12+$0x0], $0xffff;
	v24 =	vmul.f32 $7.071067690e-01, v63;
	[tilespmem:s25+$0xFFFFFFE0] =	vst v31;
	v33 =	vmax.f32 v16, v31;
	v31 =	vmul.f32 $7.071067690e-01, v62  }
.LBB2_33:
0x33c: {  	s8 =	sadd.s32 $0x20, s7;
	s9 =	sadd.s32 $0x40, s7;
	s17 =	sadd.s32 $0x60, s7;
	v34 =	vld.idx.msk [tilespmem:v28+s12+$0x0], $0xffff;
	v16 =	vmax.f32 v16, v19;
	v28 =	vmax.f32 v33, v30;
	v30 =	vmul.f32 $7.071067690e-01, v32  }
0x33d: {  	s6 =	sadd.s32 $0x4, s6;
	v32 =	vor.u32 s8, v1;
	v33 =	vor.u32 s8, v5;
	v35 =	vld.idx.msk [tilespmem:v18+s12+$0x0], $0xffff;
	v18 =	vor.u32 s17, v10;
	[tilespmem:s25+$0x0] =	vst v31  }
0x33e: {  	v36 =	vor.u32 s9, v8;
	p0 =	slt.u32 s6, $0x1C;
	v37 =	vadd.f32 v20, v26;
	v31 =	vmax.f32 v28, v31;
	v38 =	vld.idx.msk [tilespmem:v29+s12+$0x0], $0xffff;
	[tilespmem:s25+$0x10] =	vst v24;
	s25 =	smov.u32 s1  }
0x33f: {  	v39 =	vor.u32 s9, v1;
	v26 =	vsub.f32 v26, v20;
	v16 =	vmax.f32 v16, v23;
	[tilespmem:s21+$0x10] =	vst v30  }
0x340: {  	v40 =	vor.u32 s7, v1;
	v28 =	vor.u32 s7, v2;
	v16 =	vmax.f32 v16, v21;
	[tilespmem:s21+$0x0] =	vst v21  }
0x341: {  	v41 =	vadd.f32 v27, v22;
	v16 =	vmax.f32 v16, v30;
	v21 =	vsub.f32 v22, v27;
	[tilespmem:s21+$0xFFFFFFE0] =	vst v19;
	s21 =	smov.u32 s0  }
.Ltmp19:
0x342: {  	v30 =	vmul.f32 $7.071067690e-01, v37;
	v23 =	vmul.f32 $7.071067690e-01, v26;
	v19 =	vadd.f32 v34, v25;
	v20 =	vld.idx.msk [tilespmem:v33+s12+$0x0], $0xffff;
	(pc) =	sbr.rel @p0 .LBB2_33-.Ltmp19, $4  }
0x343: {  	v29 =	vor.u32 s17, v1;
	v24 =	vmax.f32 v31, v24;
	v25 =	vsub.f32 v25, v34;
	v26 =	vld.idx.msk [tilespmem:v32+s12+$0x0], $0xffff  }
0x344: {  	v31 =	vmul.f32 $7.071067690e-01, v19;
	v34 =	vadd.f32 v35, v38;
	v32 =	vsub.f32 v38, v35;
	v22 =	vld.idx.msk [tilespmem:v39+s12+$0x0], $0xffff;
	[tilespmem:s1+$0xFFFFFFF0] =	vst v30  }
0x345: {  	v21 =	vmul.f32 $7.071067690e-01, v21;
	v19 =	vmul.f32 $7.071067690e-01, v25;
	v27 =	vld.idx.msk [tilespmem:v36+s12+$0x0], $0xffff;
	[tilespmem:s0+$0xFFFFFFF0] =	vst v23  }
0x346: {  	s7 =	sadd.s32 $0x80, s7;
	s1 =	sadd.s32 $0x40, s1;
	v33 =	vmax.f32 v24, v31;
	v24 =	vmul.f32 $7.071067690e-01, v34;
	s0 =	sadd.s32 $0x40, s0;
	v25 =	vld.idx.msk [tilespmem:v40+s12+$0x0], $0xffff;
	[tilespmem:s25+$0xFFFFFFE0] =	vst v31;
	v31 =	vmul.f32 $7.071067690e-01, v41  }
0x347: {  	_ =	sdelay $0x3  }
0x348: {  	v28 =	vld.idx.msk [tilespmem:v28+s12+$0x0], $0xffff;
	_ =	sdelay $0x1  }
0x349: {  	v16 =	vmax.f32 v16, v19;
	v30 =	vmax.f32 v33, v30;
	v18 =	vld.idx.msk [tilespmem:v18+s12+$0x0], $0xffff  }
0x34a: {  	v32 =	vmul.f32 $7.071067690e-01, v32;
	v29 =	vld.idx.msk [tilespmem:v29+s12+$0x0], $0xffff;
	v59 =	vadd.f32 v20, v26;
	v30 =	vmax.f32 v30, v31  }
0x34b: {  	v20 =	vsub.f32 v26, v20;
	v16 =	vmax.f32 v16, v23;
	v23 =	vadd.f32 v27, v22  }
0x34c: {  	v16 =	vmax.f32 v16, v21;
	v22 =	vsub.f32 v22, v27;
	v26 =	vadd.f32 v28, v25  }
0x34d: {  	v16 =	vmax.f32 v16, v32;
	v27 =	vmul.f32 $7.071067690e-01, v59;
	v25 =	vsub.f32 v25, v28  }
0x34e: {  	v20 =	vmul.f32 $7.071067690e-01, v20;
	v28 =	vmax.f32 v30, v24;
	v26 =	vmul.f32 $7.071067690e-01, v26  }
0x34f: {  	v60 =	vadd.f32 v18, v29;
	v18 =	vsub.f32 v29, v18;
	v25 =	vmul.f32 $7.071067690e-01, v25  }
0x350: {  	[tilespmem:s21+$0xFFFFFFE0] =	vst v19;
	v22 =	vmul.f32 $7.071067690e-01, v22;
	v23 =	vmul.f32 $7.071067690e-01, v23;
	v28 =	vmax.f32 v28, v26  }
0x351: {  	[tilespmem:s25+$0x10] =	vst v24;
	v24 =	vmul.f32 $7.071067690e-01, v60;
	v16 =	vmax.f32 v16, v25;
	v28 =	vmax.f32 v28, v27  }
0x352: {  	[tilespmem:s25+$0x0] =	vst v31;
	v18 =	vmul.f32 $7.071067690e-01, v18;
	v16 =	vmax.f32 v16, v20;
	v28 =	vmax.f32 v28, v23  }
0x353: {  	[tilespmem:s21+$0x0] =	vst v21;
	v16 =	vmax.f32 v16, v22;
	v21 =	vmax.f32 v28, v24  }
0x354: {  	[tilespmem:s21+$0x10] =	vst v32;
	v16 =	vmax.f32 v16, v18;
	(xrf0) =	vmax.scan.msk.f32 $0xffff, v21  }
0x355: {  	[tilespmem:s1+$0xFFFFFFF0] =	vst v27;
	(xrf0) =	vmax.scan.msk.f32 $0xffff, v16  }
0x356: {  	[tilespmem:s0+$0xFFFFFFF0] =	vst v20;
	(xrf0) =	vmax.scan.msk.f32 $0xffff, v17  }
0x357: {  	[tilespmem:s1+$0x0] =	vst v23  }
0x358: {  	[tilespmem:s0+$0x0] =	vst v22  }
0x359: {  	[tilespmem:s1+$0xFFFFFFE0] =	vst v26  }
0x35a: {  	[tilespmem:s1+$0x10] =	vst v24;
	v16, _, _ =	vpop (xrf0)  }
0x35b: {  	[tilespmem:s0+$0x10] =	vst v18;
	v17, _, _ =	vpop (xrf0);
	v16 =	vbroadcast v16, $0xF  }
0x35c: {  	[tilespmem:s0+$0xFFFFFFE0] =	vst v25;
	v18, _, _ =	vpop (xrf0);
	v17 =	vbroadcast v17, $0xF  }
0x35d: {  	v18 =	vbroadcast v18, $0xF;
	[tilespmem:$0x4600] =	vst v16  }
0x35e: {  	[tilespmem:$0x4880] =	vst v17  }
0x35f: {  	[tilespmem:$0x4D00] =	vst v18  }
0x360: {  	v19 =	vld.idx.msk [tilespmem:v11+s13+$0x0], $0xffff;
	_ =	sdelay $0x3  }
0x361: {  	s28 =	simm.s32 $0x11  }
0x362: {  	s17 =	simm.s32 $0x0;
	[tilespmem:$0x5580] =	vst v19;
	v19 =	vadd.s32 s28, v0  }
0x363: {  	v24 =	vld [tilespmem:s17+$0x4D90]  }
0x364: {  	v20 =	vld [tilespmem:s17+$0x4410]  }
0x365: {  	v21 =	vld [tilespmem:s17+$0x4690]  }
0x366: {  	v27 =	vld [tilespmem:s17+$0x4910]  }
0x367: {  	v22 =	vld.idx.msk [tilespmem:v19+s13+$0x0], $0xffff  }
0x368: {  	v23 =	vld.idx.msk [tilespmem:v19+s15+$0x0], $0xffff  }
0x369: {  	v25 =	vld.idx.msk [tilespmem:v19+s16+$0x0], $0xffff  }
0x36a: {  	s29 =	simm.s32 $0x1;
	v19 =	vld.idx.msk [tilespmem:v19+s14+$0x0], $0xffff  }
0x36b: {  	v26 =	vadd.s32 s29, v0  }
0x36c: {  	vm1 =	vge.s32 v27, $0x0;
	vm2 =	vlt.s32 v24, $0x0  }
0x36d: {  	vm3 =	vgt.s32 v20, $0xFFFFFFFF;
	vm4 =	vlt.s32 v21, $0x0;
	vm5 =	vge.s32 v21, $0x0  }
0x36e: {  	vm7 =	vlt.s32 v27, $0x0;
	vm6 =	vge.s32 v23, $0x0;
	vm8 =	vge.s32 v25, $0x0  }
0x36f: {  	vm9 =	vlt.s32 v19, $0x0;
	vm10 =	vlt.s32 v23, $0x0;
	vm11 =	vgt.s32 v22, $0xFFFFFFFF  }
0x370: {  	v28 =	vld.idx.msk [tilespmem:v26+s14+$0x0], $0xffff;
	vm12 =	vlt.s32 v25, $0x0;
	vm6 =	vmand vm4, vm6;
	vm8 =	vmand vm7, vm8  }
0x371: {  	v22 =	vld.idx.msk [tilespmem:v26+s15+$0x0], $0xffff;
	vm3 =	vmand vm3, vm9;
	vm5 =	vmand vm10, vm5;
	vm2 =	vmand vm2, vm11  }
0x372: {  	v23 =	vld.idx.msk [tilespmem:v26+s16+$0x0], $0xffff;
	vm4 =	vmxor vm4, vm10;
	vm7 =	vmxor vm7, vm12;
	v25 =	vsel vm3, $0x0, v20  }
0x373: {  	s0 =	simm.s32 $0x0;
	v19 =	vld [tilespmem:s17+$0x4400];
	v29 =	vnsel vm6, $0x0, v21;
	v20 =	vnsel vm3, $0x0, v20;
	v61 =	vsel vm4, $0x0, v21  }
0x374: {  	s8 =	simm.s32 $0x10;
	s30 =	sand.u32 $0x600, s0;
	v21 =	vnsel vm5, $0x0, v21;
	v62 =	vsel vm7, $0x0, v27;
	v30 =	vadd.f32 v61, v20;
	v20 =	vld [tilespmem:s17+$0x4680]  }
0x375: {  	s31 =	sand.u32 $0x70, s8;
	s6 =	sadd.s32 $0x9600, s30;
	v29 =	vadd.f32 v29, v25;
	v25 =	vnsel vm8, $0x0, v27;
	v31 =	vadd.f32 v62, v21;
	v21 =	vld [tilespmem:s17+$0x4900]  }
0x376: {  	s20 =	simm.s32 $0x0;
	s7 =	sor.u32 s0, s0;
	s21 =	sor.u32 s31, s6;
	vm1 =	vmand vm12, vm1;
	v63 =	vnsel vm2, $0x0, v24;
	v30 =	vadd.f32 v25, v30  }
0x377: {  	s9 =	sand.u32 $0x60, s0;
	s25 =	sor.u32 s8, s0;
	s1 =	sor.u32 $0x180, s7;
	v27 =	vnsel vm1, $0x0, v27;
	v25 =	vld.idx.msk [tilespmem:v26+s13+$0x0], $0xffff;
	[tilespmem:s21+$0x0] =	vst v29;
	v26 =	vadd.f32 v63, v31;
	v29 =	vsel vm2, $0x0, v24  }
0x378: {  	s7 =	simm.s32 $0x0;
	s6 =	sor.u32 s9, s6;
	vm4 =	vlt.s32 v28, $0x0;
	v24 =	vld [tilespmem:s17+$0x4D80];
	vm1 =	vlt.s32 v22, $0x0;
	s17 =	simm.s32 $0x20;
	v27 =	vadd.f32 v29, v27;
	[tilespmem:s21+$0x80] =	vst v30  }
.LBB2_35:
0x379: {  	s8 =	sadd.s32 $0x11, s17;
	vm6 =	vgt.s32 v19, $0xFFFFFFFF;
	vm2 =	vlt.s32 v20, $0x0;
	vm3 =	vlt.s32 v23, $0x0;
	[tilespmem:s21+$0x100] =	vst v26;
	s9 =	sor.u32 $0x180, s25;
	s20 =	sadd.s32 $0x80, s20  }
0x37a: {  	s19 =	sadd.s32 $0x1, s17;
	vm7 =	vge.s32 v20, $0x0;
	vm5 =	vlt.s32 v21, $0x0;
	s22 =	sshra.s32 s20, $0x2;
	s25 =	sor.u32 s17, s20;
	v26 =	vadd.s32 s8, v0;
	[tilespmem:s9+$0x9600] =	vst v27  }
0x37b: {  	s21 =	sand.u32 $0x60, s17;
	v27 =	vadd.s32 s19, v0;
	vm4 =	vmand vm6, vm4;
	vm6 =	vmand vm1, vm7;
	s25 =	sor.u32 $0x180, s25;
	v28 =	vld [tilespmem:s22+$0x4D90]  }
0x37c: {  	vm1 =	vmxor vm2, vm1;
	vm7 =	vmxor vm5, vm3;
	v30 =	vnsel vm4, $0x0, v19;
	v29 =	vld [tilespmem:s22+$0x4410]  }
0x37d: {  	v32 =	vsel vm1, $0x0, v20;
	v33 =	vnsel vm6, $0x0, v20;
	v34 =	vsel vm7, $0x0, v21;
	v31 =	vld [tilespmem:s22+$0x4690]  }
0x37e: {  	vm1 =	vge.s32 v22, $0x0;
	vm6 =	vge.s32 v23, $0x0;
	vm7 =	vgt.s32 v25, $0xFFFFFFFF;
	v35 =	vld [tilespmem:s22+$0x4910]  }
0x37f: {  	vm8 =	vge.s32 v21, $0x0;
	vm9 =	vlt.s32 v24, $0x0;
	v22 =	vadd.f32 v32, v30;
	v25 =	vld.idx.msk [tilespmem:v26+s13+$0x0], $0xffff  }
0x380: {  	s7 =	sadd.s32 $0x2, s7;
	vm1 =	vmand vm2, vm1;
	vm2 =	vmand vm3, vm8;
	v23 =	vadd.f32 v34, v33;
	v30 =	vld.idx.msk [tilespmem:v26+s15+$0x0], $0xffff  }
0x381: {  	p0 =	slt.u32 s7, $0x1E;
	v19 =	vsel vm4, $0x0, v19;
	vm3 =	vmand vm5, vm6;
	vm5 =	vmand vm9, vm7;
	v32 =	vld.idx.msk [tilespmem:v26+s16+$0x0], $0xffff  }
0x382: {  	v20 =	vnsel vm1, $0x0, v20;
	v33 =	vnsel vm3, $0x0, v21;
	v34 =	vnsel vm5, $0x0, v24;
	v26 =	vld.idx.msk [tilespmem:v26+s14+$0x0], $0xffff  }
0x383: {  	v21 =	vnsel vm2, $0x0, v21;
	v24 =	vsel vm5, $0x0, v24;
	v33 =	vadd.f32 v33, v22;
	v36 =	vld.idx.msk [tilespmem:v27+s14+$0x0], $0xffff  }
0x384: {  	v37 =	vadd.f32 v20, v19;
	v20 =	vadd.f32 v34, v23;
	v22 =	vld.idx.msk [tilespmem:v27+s15+$0x0], $0xffff  }
0x385: {  	v24 =	vadd.f32 v24, v21;
	vm2 =	vlt.s32 v28, $0x0;
	vm1 =	vge.s32 v35, $0x0;
	v23 =	vld.idx.msk [tilespmem:v27+s16+$0x0], $0xffff;
	[tilespmem:s6+$0x80] =	vst v33  }
0x386: {  	vm3 =	vgt.s32 v29, $0xFFFFFFFF;
	vm4 =	vlt.s32 v31, $0x0;
	vm5 =	vge.s32 v31, $0x0;
	v19 =	vld [tilespmem:s22+$0x4400];
	[tilespmem:s6+$0x100] =	vst v20  }
0x387: {  	vm7 =	vlt.s32 v35, $0x0;
	vm6 =	vge.s32 v30, $0x0;
	vm8 =	vge.s32 v32, $0x0;
	v20 =	vld [tilespmem:s22+$0x4680];
	[tilespmem:s6+$0x0] =	vst v37  }
0x388: {  	vm11 =	vgt.s32 v25, $0xFFFFFFFF;
	vm10 =	vlt.s32 v30, $0x0;
	vm9 =	vlt.s32 v26, $0x0;
	v21 =	vld [tilespmem:s22+$0x4900];
	[tilespmem:s1+$0x9600] =	vst v24;
	s1 =	smov.u32 s25  }
0x389: {  	vm6 =	vmand vm4, vm6;
	vm12 =	vlt.s32 v32, $0x0;
	vm8 =	vmand vm7, vm8;
	v25 =	vld.idx.msk [tilespmem:v27+s13+$0x0], $0xffff  }
0x38a: {  	vm2 =	vmand vm2, vm11;
	vm5 =	vmand vm10, vm5;
	vm3 =	vmand vm3, vm9;
	v24 =	vld [tilespmem:s22+$0x4D80]  }
0x38b: {  	vm4 =	vmxor vm4, vm10;
	vm7 =	vmxor vm7, vm12;
	v26 =	vsel vm3, $0x0, v29  }
0x38c: {  	v30 =	vsel vm4, $0x0, v31;
	v27 =	vnsel vm6, $0x0, v31;
	v29 =	vnsel vm3, $0x0, v29  }
.Ltmp20:
0x38d: {  	s8 =	sadd.s32 $0x10, s17;
	s6 =	sand.u32 $0x600, s20;
	v29 =	vadd.f32 v30, v29;
	v30 =	vnsel vm5, $0x0, v31;
	v31 =	vsel vm7, $0x0, v35;
	(pc) =	sbr.rel @p0 .LBB2_35-.Ltmp20, $4  }
0x38e: {  	s19 =	sand.u32 $0x70, s8;
	s9 =	sadd.s32 $0x9600, s6;
	v26 =	vadd.f32 v27, v26;
	v27 =	vnsel vm8, $0x0, v35;
	v30 =	vadd.f32 v31, v30  }
0x38f: {  	vm1 =	vmand vm12, vm1;
	s6 =	sor.u32 s21, s9;
	s21 =	sor.u32 s19, s9;
	v27 =	vadd.f32 v27, v29;
	v29 =	vnsel vm2, $0x0, v28  }
0x390: {  	s19 =	simm.s32 $0x211;
	s22 =	simm.s32 $0x800;
	v28 =	vsel vm2, $0x0, v28;
	[tilespmem:s21+$0x0] =	vst v26;
	v26 =	vadd.f32 v29, v30;
	v29 =	vnsel vm1, $0x0, v35  }
0x391: {  	s17 =	sadd.s32 $0x20, s17;
	vm4 =	vlt.s32 v36, $0x0;
	s25 =	sor.u32 s8, s20;
	vm1 =	vlt.s32 v22, $0x0;
	[tilespmem:s21+$0x80] =	vst v27;
	v27 =	vadd.f32 v28, v29  }
0x392: {  	vm2 =	vgt.s32 v19, $0xFFFFFFFF  }
0x393: {  	vm3 =	vlt.s32 v20, $0x0;
	vm5 =	vlt.s32 v23, $0x0;
	vm6 =	vge.s32 v20, $0x0  }
0x394: {  	vm7 =	vlt.s32 v21, $0x0;
	vm15 =	vgt.s32 v25, $0xFFFFFFFF;
	vm8 =	vge.s32 v21, $0x0  }
0x395: {  	vm2 =	vmand vm2, vm4;
	vm4 =	vmand vm1, vm6;
	vm1 =	vmxor vm3, vm1  }
0x396: {  	vm14 =	vmxor vm7, vm5;
	vm5 =	vmand vm5, vm8;
	v28 =	vnsel vm2, $0x0, v19  }
0x397: {  	v29 =	vsel vm1, $0x0, v20;
	v30 =	vnsel vm4, $0x0, v20;
	vm1 =	vge.s32 v22, $0x0  }
0x398: {  	v22 =	vsel vm14, $0x0, v21;
	vm4 =	vge.s32 v23, $0x0;
	v19 =	vsel vm2, $0x0, v19  }
0x399: {  	v23 =	vadd.f32 v29, v28;
	vm1 =	vmand vm3, vm1;
	vm4 =	vmand vm7, vm4  }
0x39a: {  	vm3 =	vlt.s32 v24, $0x0;
	v22 =	vadd.f32 v22, v30;
	v25 =	vnsel vm4, $0x0, v21  }
0x39b: {  	[tilespmem:s21+$0x100] =	vst v26;
	s7 =	sor.u32 $0x180, s25;
	vm3 =	vmand vm3, vm15;
	v20 =	vnsel vm1, $0x0, v20;
	v23 =	vadd.f32 v25, v23  }
0x39c: {  	[tilespmem:s7+$0x9600] =	vst v27;
	v26 =	vnsel vm3, $0x0, v24;
	v25 =	vadd.s32 s19, v0;
	v19 =	vadd.f32 v20, v19  }
0x39d: {  	v21 =	vnsel vm5, $0x0, v21;
	v24 =	vsel vm3, $0x0, v24;
	v22 =	vadd.f32 v26, v22;
	[tilespmem:s6+$0x80] =	vst v23  }
0x39e: {  	v20 =	vadd.f32 v24, v21;
	[tilespmem:s6+$0x0] =	vst v19  }
0x39f: {  	[tilespmem:s6+$0x100] =	vst v22  }
0x3a0: {  	s9 =	simm.s32 $0x201;
	[tilespmem:s1+$0x9600] =	vst v20  }
0x3a1: {  	v19 =	vadd.s32 s9, v0;
	v20 =	vld.idx.msk [tilespmem:v25+s16+$0x0], $0xffff  }
0x3a2: {  	s17 =	simm.s32 $0x200;
	v21 =	vld.idx.msk [tilespmem:v25+s13+$0x0], $0xffff  }
0x3a3: {  	v22 =	vld [tilespmem:s17+$0x4900]  }
0x3a4: {  	v23 =	vld [tilespmem:s17+$0x4D80]  }
0x3a5: {  	v26 =	vld [tilespmem:s17+$0x4D90]  }
0x3a6: {  	v24 =	vld.idx.msk [tilespmem:v19+s16+$0x0], $0xffff  }
0x3a7: {  	v19 =	vld.idx.msk [tilespmem:v19+s13+$0x0], $0xffff  }
0x3a8: {  	s20 =	simm.s32 $0x231;
	vm3 =	vge.s32 v20, $0x0  }
0x3a9: {  	s19 =	simm.s32 $0x221;
	vm1 =	vlt.s32 v20, $0x0;
	vm2 =	vgt.s32 v21, $0xFFFFFFFF;
	v20 =	vadd.s32 s20, v0  }
0x3aa: {  	v21 =	vadd.s32 s19, v0;
	vm4 =	vlt.s32 v22, $0x0;
	vm5 =	vge.s32 v22, $0x0  }
0x3ab: {  	s21 =	sand.u32 $0x7, s0;
	v25 =	vld [tilespmem:s17+$0x4910];
	vm14 =	vlt.s32 v23, $0x0;
	vm15 =	vlt.s32 v26, $0x0;
	vm13 =	vlt.s32 v24, $0x0  }
0x3ac: {  	s26 =	simm.s32 $0x210;
	s25 =	sshll.u32 s21, $0x4;
	vm12 =	vge.s32 v24, $0x0;
	vm9 =	vgt.s32 v19, $0xFFFFFFFF;
	vm5 =	vmand vm13, vm5  }
0x3ad: {  	s29 =	simm.s32 $0x200;
	s30 =	sand.u32 $0xE00, s22;
	s6 =	sadd.s32 $0x800, s25;
	vm6 =	vmand vm4, vm12;
	vm8 =	vmand vm14, vm9;
	vm4 =	vmxor vm4, vm13  }
0x3ae: {  	s8 =	sadd.s32 $0x9600, s30;
	s7 =	simm.s32 $0x2;
	s6 =	sadd.s32 $0x10, s6;
	v19 =	vnsel vm6, $0x0, v22;
	v28 =	vnsel vm8, $0x0, v23;
	v23 =	vsel vm8, $0x0, v23;
	v27 =	vld.idx.msk [tilespmem:v20+s16+$0x0], $0xffff  }
0x3af: {  	s9 =	simm.s32 $0x220;
	s21 =	sor.u32 $0x180, s6;
	s6 =	sand.u32 $0x60, s29;
	vm6 =	vmand vm15, vm2;
	v24 =	vadd.f32 v19, v17;
	v19 =	vsel vm4, $0x0, v22;
	v29 =	vld.idx.msk [tilespmem:v20+s13+$0x0], $0xffff  }
0x3b0: {  	s25 =	simm.s32 $0x230;
	s17 =	sand.u32 $0x3, s0;
	s31 =	sor.u32 s6, s8;
	v22 =	vnsel vm5, $0x0, v22;
	vm4 =	vlt.s32 v25, $0x0;
	v20 =	vadd.f32 v28, v19;
	v19 =	vld [tilespmem:s9+$0x4900]  }
0x3b1: {  	s1 =	sand.u32 $0x70, s26;
	s26 =	sand.u32 $0x7, s7;
	s17 =	sshll.u32 s17, $0x5;
	[tilespmem:s31+$0x0] =	vst v16;
	vm5 =	vge.s32 v25, $0x0;
	v32 =	vnsel vm6, $0x0, v26;
	v28 =	vadd.f32 v23, v22;
	v22 =	vld [tilespmem:s9+$0x4D80]  }
0x3b2: {  	s22 =	sshll.u32 s26, $0x4;
	s28 =	sor.u32 s1, s8;
	s29 =	sadd.s32 $0x800, s17;
	vm5 =	vmand vm1, vm5;
	vm3 =	vmand vm4, vm3;
	v23 =	vld.idx.msk [tilespmem:v21+s16+$0x0], $0xffff;
	vm1 =	vmxor vm4, vm1;
	[tilespmem:s31+$0x80] =	vst v24  }
0x3b3: {  	s6 =	sand.u32 $0x70, s25;
	s26 =	sadd.s32 $0x880, s22;
	s30 =	sor.u32 $0x180, s29;
	v30 =	vnsel vm3, $0x0, v25;
	v24 =	vld.idx.msk [tilespmem:v21+s13+$0x0], $0xffff;
	v31 =	vsel vm1, $0x0, v25;
	v25 =	vnsel vm5, $0x0, v25;
	[tilespmem:s31+$0x100] =	vst v20  }
0x3b4: {  	s22 =	simm.s32 $0x22;
	s25 =	simm.s32 $0x251;
	v21 =	vld [tilespmem:s9+$0x4D90];
	s31 =	sadd.s32 $0x10, s26;
	[tilespmem:s30+$0x9600] =	vst v28;
	v28 =	vsel vm6, $0x0, v26;
	v26 =	vadd.f32 v32, v31;
	vm2 =	vge.s32 v27, $0x0  }
0x3b5: {  	[tilespmem:s28+$0x0] =	vst v16;
	s17 =	simm.s32 $0x880;
	v20 =	vld [tilespmem:s9+$0x4910];
	s26 =	simm.s32 $0x880;
	s1 =	sor.u32 $0x180, s31;
	vm1 =	vlt.s32 v27, $0x0;
	vm3 =	vgt.s32 v29, $0xFFFFFFFF;
	v27 =	vadd.f32 v30, v17  }
.LBB2_37:
0x3b6: {  	s8 =	sadd.s32 $0xFFFFFFF0, s25;
	s9 =	sadd.s32 $0xFFFFFFFF, s25;
	v29 =	vadd.s32 s25, v0;
	s7 =	sadd.s32 $0x2, s7;
	v25 =	vadd.f32 v28, v25  }
0x3b7: {  	vm4 =	vlt.s32 v19, $0x0;
	vm5 =	vge.s32 v19, $0x0;
	s19 =	sand.u32 $0x7, s7;
	v28 =	vadd.s32 s8, v0;
	s29 =	sand.u32 $0x70, s9;
	[tilespmem:s28+$0x80] =	vst v27  }
0x3b8: {  	vm8 =	vlt.s32 v22, $0x0;
	vm6 =	vge.s32 v23, $0x0;
	vm7 =	vlt.s32 v23, $0x0;
	s8 =	sshll.u32 s19, $0x4;
	[tilespmem:s28+$0x100] =	vst v26  }
0x3b9: {  	s26 =	sadd.s32 $0x80, s26;
	s9 =	sadd.s32 $0xFFFFFFEF, s20;
	vm5 =	vmand vm7, vm5;
	vm6 =	vmand vm4, vm6;
	vm9 =	vgt.s32 v24, $0xFFFFFFFF;
	s19 =	sand.u32 $0xE00, s17;
	[tilespmem:s21+$0x9600] =	vst v25  }
0x3ba: {  	s0 =	sadd.s32 $0x1, s0;
	s9 =	sand.u32 $0x60, s9;
	vm4 =	vmxor vm4, vm7;
	vm8 =	vmand vm8, vm9;
	s19 =	sadd.s32 $0x9600, s19;
	v23 =	vnsel vm6, $0x0, v19  }
0x3bb: {  	s22 =	sadd.s32 $0x2, s22;
	s20 =	sand.u32 $0x3, s0;
	v24 =	vsel vm4, $0x0, v19;
	s9 =	sor.u32 s9, s19;
	v23 =	vadd.f32 v23, v17;
	v25 =	vnsel vm8, $0x0, v22;
	v26 =	vld.idx.msk [tilespmem:v29+s16+$0x0], $0xffff  }
0x3bc: {  	s30 =	sshra.s32 s26, $0x2;
	p0 =	slt.u32 s22, $0x3E;
	s20 =	sshll.u32 s20, $0x5;
	v22 =	vsel vm8, $0x0, v22;
	v24 =	vadd.f32 v25, v24;
	v25 =	vnsel vm5, $0x0, v19;
	v27 =	vld.idx.msk [tilespmem:v29+s13+$0x0], $0xffff;
	[tilespmem:s9+$0x0] =	vst v16  }
0x3bd: {  	s8 =	sadd.s32 s26, s8;
	s17 =	sadd.s32 s17, s20;
	vm4 =	vlt.s32 v20, $0x0;
	s28 =	sor.u32 s6, s19;
	vm5 =	vge.s32 v20, $0x0;
	v25 =	vadd.f32 v22, v25;
	v19 =	vld [tilespmem:s30+$0x4900];
	[tilespmem:s9+$0x80] =	vst v23  }
.Ltmp21:
0x3be: {  	s6 =	sadd.s32 $0x10, s8;
	s8 =	sor.u32 $0x180, s17;
	vm2 =	vmand vm4, vm2;
	vm6 =	vlt.s32 v21, $0x0;
	vm5 =	vmand vm1, vm5;
	v22 =	vld [tilespmem:s30+$0x4D80];
	[tilespmem:s9+$0x100] =	vst v24;
	(pc) =	sbr.rel @p0 .LBB2_37-.Ltmp21, $4  }
0x3bf: {  	vm3 =	vmand vm6, vm3;
	v29 =	vnsel vm2, $0x0, v20;
	vm1 =	vmxor vm4, vm1;
	s9 =	sor.u32 $0x180, s6;
	v23 =	vld.idx.msk [tilespmem:v28+s16+$0x0], $0xffff;
	[tilespmem:s8+$0x9600] =	vst v25  }
0x3c0: {  	s21 =	smov.u32 s1;
	s17 =	smov.u32 s26;
	v31 =	vnsel vm3, $0x0, v21;
	v30 =	vsel vm1, $0x0, v20;
	s6 =	smov.u32 s29;
	v25 =	vnsel vm5, $0x0, v20;
	v24 =	vld.idx.msk [tilespmem:v28+s13+$0x0], $0xffff;
	[tilespmem:s28+$0x0] =	vst v16  }
0x3c1: {  	s20 =	smov.u32 s25;
	s1 =	smov.u32 s9;
	vm2 =	vge.s32 v26, $0x0;
	vm1 =	vlt.s32 v26, $0x0;
	v28 =	vsel vm3, $0x0, v21;
	v20 =	vld [tilespmem:s30+$0x4910]  }
0x3c2: {  	s25 =	sadd.s32 $0x20, s25;
	v26 =	vadd.f32 v31, v30;
	vm3 =	vgt.s32 v27, $0xFFFFFFFF;
	v27 =	vadd.f32 v29, v17;
	v21 =	vld [tilespmem:s30+$0x4D90]  }
0x3c3: {  	v25 =	vadd.f32 v28, v25  }
0x3c4: {  	vm4 =	vlt.s32 v19, $0x0;
	vm5 =	vge.s32 v19, $0x0;
	vm7 =	vlt.s32 v23, $0x0  }
0x3c5: {  	vm8 =	vlt.s32 v22, $0x0;
	vm6 =	vge.s32 v23, $0x0;
	vm5 =	vmand vm7, vm5  }
0x3c6: {  	vm6 =	vmand vm4, vm6;
	vm9 =	vgt.s32 v24, $0xFFFFFFFF;
	vm4 =	vmxor vm4, vm7  }
0x3c7: {  	s7 =	sadd.s32 $0xFFFFFFEF, s20;
	s8 =	sand.u32 $0xE00, s17;
	[tilespmem:s28+$0x80] =	vst v27;
	v23 =	vnsel vm6, $0x0, v19;
	vm11 =	vmand vm8, vm9;
	v24 =	vsel vm4, $0x0, v19  }
0x3c8: {  	s0 =	sadd.s32 $0x1, s0;
	[tilespmem:s28+$0x100] =	vst v26;
	s7 =	sand.u32 $0x60, s7;
	s8 =	sadd.s32 $0x9600, s8;
	v19 =	vnsel vm5, $0x0, v19;
	vm12 =	vge.s32 v20, $0x0;
	vm13 =	vlt.s32 v20, $0x0  }
0x3c9: {  	s0 =	sand.u32 $0x3, s0;
	[tilespmem:s21+$0x9600] =	vst v25;
	s7 =	sor.u32 s7, s8;
	v23 =	vadd.f32 v23, v17;
	v26 =	vnsel vm11, $0x0, v22;
	v22 =	vsel vm11, $0x0, v22  }
0x3ca: {  	s0 =	sshll.u32 s0, $0x5;
	[tilespmem:s7+$0x0] =	vst v16;
	vm4 =	vmand vm1, vm12;
	vm14 =	vlt.s32 v21, $0x0;
	v24 =	vadd.f32 v26, v24  }
0x3cb: {  	s0 =	sadd.s32 s17, s0;
	vm2 =	vmand vm13, vm2;
	vm1 =	vmxor vm13, vm1;
	v19 =	vadd.f32 v22, v19;
	[tilespmem:s7+$0x80] =	vst v23  }
0x3cc: {  	s0 =	sor.u32 $0x180, s0;
	vm3 =	vmand vm14, vm3;
	v22 =	vnsel vm2, $0x0, v20;
	v23 =	vsel vm1, $0x0, v20;
	[tilespmem:s7+$0x100] =	vst v24  }
0x3cd: {  	s30 =	simm.s32 $0x441;
	s6 =	sor.u32 s6, s8;
	v24 =	vnsel vm3, $0x0, v21;
	[tilespmem:s0+$0x9600] =	vst v19;
	v19 =	vnsel vm4, $0x0, v20;
	v20 =	vadd.f32 v22, v17  }
0x3ce: {  	v25 =	vadd.s32 s30, v0;
	[tilespmem:s6+$0x0] =	vst v16;
	v21 =	vsel vm3, $0x0, v21;
	v23 =	vadd.f32 v24, v23  }
0x3cf: {  	s19 =	simm.s32 $0x471;
	v19 =	vadd.f32 v21, v19;
	[tilespmem:s6+$0x80] =	vst v20  }
0x3d0: {  	s20 =	simm.s32 $0x461;
	v22 =	vadd.s32 s19, v0;
	[tilespmem:s6+$0x100] =	vst v23  }
0x3d1: {  	s25 =	simm.s32 $0x421;
	v24 =	vadd.s32 s20, v0;
	[tilespmem:s1+$0x9600] =	vst v19;
	s1 =	simm.s32 $0x51F0  }
0x3d2: {  	s21 =	simm.s32 $0x401;
	v21 =	vadd.s32 s25, v0;
	v26 =	vld [tilespmem:s1+$0xFFFFFFF0]  }
0x3d3: {  	s26 =	simm.s32 $0x431;
	v20 =	vadd.s32 s21, v0;
	v25 =	vld.idx.msk [tilespmem:v25+s13+$0x0], $0xffff  }
0x3d4: {  	s22 =	simm.s32 $0x411;
	v23 =	vadd.s32 s26, v0;
	v31 =	vld [tilespmem:s1+$0xFFFFFFC0]  }
0x3d5: {  	s31 =	simm.s32 $0x451;
	v19 =	vadd.s32 s22, v0;
	v22 =	vld.idx.msk [tilespmem:v22+s13+$0x0], $0xffff  }
0x3d6: {  	v27 =	vadd.s32 s31, v0;
	v24 =	vld.idx.msk [tilespmem:v24+s13+$0x0], $0xffff  }
0x3d7: {  	v21 =	vld.idx.msk [tilespmem:v21+s13+$0x0], $0xffff  }
0x3d8: {  	v20 =	vld.idx.msk [tilespmem:v20+s13+$0x0], $0xffff  }
0x3d9: {  	v23 =	vld.idx.msk [tilespmem:v23+s13+$0x0], $0xffff  }
0x3da: {  	v19 =	vld.idx.msk [tilespmem:v19+s13+$0x0], $0xffff  }
0x3db: {  	vm2 =	vgt.s32 v24, $0xFFFFFFFF;
	v24 =	vld.idx.msk [tilespmem:v27+s13+$0x0], $0xffff  }
0x3dc: {  	v27 =	vld [tilespmem:s1+$0xFFFFFFA0]  }
0x3dd: {  	s0 =	simm.s32 $0xA7F0;
	v30 =	vld [tilespmem:s1+$0xFFFFFFB0];
	vm1 =	vlt.s32 v26, $0x0;
	vm13 =	vgt.s32 v25, $0xFFFFFFFF;
	vm14 =	vlt.s32 v31, $0x0  }
0x3de: {  	v32 =	vld [tilespmem:s1+$0xFFFFFFD0];
	[tilespmem:s0+$0xFFFFFE50] =	vst v16;
	vm2 =	vmand vm1, vm2;
	vm1 =	vgt.s32 v22, $0xFFFFFFFF;
	vm15 =	vgt.s32 v21, $0xFFFFFFFF  }
0x3df: {  	v33 =	vld [tilespmem:s1+$0xFFFFFFE0];
	[tilespmem:s0+$0xFFFFFE30] =	vst v16;
	v28 =	vnsel vm2, $0x0, v26;
	v22 =	vsel vm2, $0x0, v26;
	vm3 =	vgt.s32 v20, $0xFFFFFFFF  }
0x3e0: {  	vm6 =	vgt.s32 v23, $0xFFFFFFFF;
	v28 =	vadd.f32 v28, v18;
	vm2 =	vgt.s32 v19, $0xFFFFFFFF;
	[tilespmem:s0+$0xFFFFFFF0] =	vst v22;
	v22 =	vld [tilespmem:s1+$0x0]  }
0x3e1: {  	[tilespmem:s0+$0xFFFFFEB0] =	vst v17;
	v20 =	vld [tilespmem:s1+$0xFFFFFF90];
	vm6 =	vmand vm14, vm6;
	vm12 =	vlt.s32 v27, $0x0;
	vm8 =	vgt.s32 v24, $0xFFFFFFFF  }
0x3e2: {  	[tilespmem:s0+$0xFFFFFE40] =	vst v16;
	v24 =	vnsel vm6, $0x0, v31;
	vm4 =	vmand vm12, vm2;
	vm2 =	vlt.s32 v30, $0x0  }
0x3e3: {  	[tilespmem:s0+$0xFFFFFEC0] =	vst v17;
	v19 =	vimm.f32 $-Inf;
	v24 =	vadd.f32 v24, v18;
	vm2 =	vmand vm2, vm15  }
0x3e4: {  	[tilespmem:s0+$0xFFFFFE20] =	vst v16;
	v21 =	vnsel vm4, $0x0, v27;
	vm15 =	vlt.s32 v32, $0x0;
	v23 =	vnsel vm2, $0x0, v30  }
0x3e5: {  	[tilespmem:s0+$0xFFFFFEA0] =	vst v17;
	vm12 =	vmand vm15, vm13;
	vm13 =	vlt.s32 v33, $0x0;
	vm14 =	vlt.s32 v22, $0x0  }
0x3e6: {  	[tilespmem:s0+$0xFFFFFE10] =	vst v16;
	vm15 =	vlt.s32 v20, $0x0;
	v21 =	vadd.f32 v21, v18;
	v25 =	vnsel vm12, $0x0, v32  }
0x3e7: {  	p0 =	por $0x1, $0x1;
	[tilespmem:s0+$0xFFFFFE90] =	vst v17;
	vm7 =	vmand vm13, vm8;
	vm1 =	vmand vm14, vm1;
	vm3 =	vmand vm15, vm3  }
.Ltmp22:
0x3e8: {  	[tilespmem:s0+$0xFFFFFF70] =	vst v28;
	v23 =	vadd.f32 v23, v18;
	v26 =	vnsel vm7, $0x0, v33;
	v34 =	vnsel vm1, $0x0, v22;
	(pc) =	sbr.rel @!p0 .LBB2_40-.Ltmp22, $4  }
0x3e9: {  	[tilespmem:s0+$0xFFFFFF40] =	vst v24;
	v28 =	vnsel vm3, $0x0, v20;
	v20 =	vsel vm3, $0x0, v20;
	v29 =	vadd.f32 v25, v18  }
0x3ea: {  	[tilespmem:s0+$0xFFFFFF20] =	vst v21;
	v21 =	vsel vm4, $0x0, v27;
	v25 =	vsel vm6, $0x0, v31;
	v35 =	vadd.f32 v28, v18  }
0x3eb: {  	s29 =	simm.s32 $0x60;
	s28 =	simm.s32 $0x4DC0;
	s7 =	simm.s32 $0x4F1;
	v24 =	vsel vm7, $0x0, v33;
	v22 =	vsel vm1, $0x0, v22;
	[tilespmem:s0+$0xFFFFFF30] =	vst v23;
	v28 =	vadd.f32 v26, v18  }
0x3ec: {  	s25 =	simm.s32 $0x0;
	s6 =	simm.s32 $0x40;
	s26 =	simm.s32 $0xFFFFFFFC;
	v27 =	vadd.f32 v34, v18;
	v26 =	vsel vm2, $0x0, v30;
	v23 =	vsel vm12, $0x0, v32;
	[tilespmem:s0+$0xFFFFFF10] =	vst v35  }
.LBB2_39:
0x3ed: {  	s8 =	sadd.s32 $0xFFFFFF90, s7;
	s9 =	sadd.s32 $0xFFFFFFF0, s7;
	v30 =	vadd.s32 s7, v0;
	s6 =	sadd.s32 $0x8, s6;
	[tilespmem:s0+$0xFFFFFF50] =	vst v29  }
0x3ee: {  	s17 =	sadd.s32 $0xFFFFFFB0, s7;
	v29 =	vadd.s32 s8, v0;
	s8 =	sadd.s32 $0xFFFFFFA0, s7;
	v31 =	vadd.s32 s9, v0;
	p0 =	slt.u32 s6, $0x78;
	[tilespmem:s0+$0xFFFFFF60] =	vst v28  }
0x3ef: {  	v32 =	vadd.s32 s17, v0;
	s9 =	sadd.s32 $0xFFFFFFD0, s7;
	s17 =	sadd.s32 $0xFFFFFFE0, s7;
	v28 =	vadd.s32 s8, v0;
	s8 =	sadd.s32 $0xFFFFFFC0, s7;
	[tilespmem:s0+$0xFFFFFF80] =	vst v27  }
0x3f0: {  	v33 =	vadd.s32 s9, v0;
	v34 =	vadd.s32 s17, v0;
	v27 =	vadd.s32 s8, v0;
	[tilespmem:s0+$0xFFFFFF90] =	vst v20  }
0x3f1: {  	[tilespmem:s0+$0xFFFFFFA0] =	vst v21  }
0x3f2: {  	v20 =	vld.idx.msk [tilespmem:v30+s13+$0x0], $0xffff;
	[tilespmem:s0+$0xFFFFFFB0] =	vst v26  }
0x3f3: {  	s1 =	sadd.s32 $0x80, s1;
	v21 =	vld.idx.msk [tilespmem:v31+s13+$0x0], $0xffff;
	[tilespmem:s0+$0xFFFFFFC0] =	vst v25  }
0x3f4: {  	v25 =	vld [tilespmem:s1+$0xFFFFFFF0];
	[tilespmem:s0+$0xFFFFFFD0] =	vst v23  }
0x3f5: {  	v23 =	vld.idx.msk [tilespmem:v29+s13+$0x0], $0xffff;
	[tilespmem:s0+$0xFFFFFFE0] =	vst v24  }
0x3f6: {  	v24 =	vld.idx.msk [tilespmem:v28+s13+$0x0], $0xffff;
	[tilespmem:s0+$0x0] =	vst v22  }
0x3f7: {  	v22 =	vld.idx.msk [tilespmem:v32+s13+$0x0], $0xffff;
	[tilespmem:s0+$0xFFFFFED0] =	vst v17  }
0x3f8: {  	vm1 =	vgt.s32 v20, $0xFFFFFFFF;
	v26 =	vld.idx.msk [tilespmem:v27+s13+$0x0], $0xffff;
	[tilespmem:s0+$0xFFFFFE60] =	vst v16  }
0x3f9: {  	vm3 =	vgt.s32 v21, $0xFFFFFFFF;
	v20 =	vld.idx.msk [tilespmem:v33+s13+$0x0], $0xffff;
	vm2 =	vlt.s32 v25, $0x0;
	[tilespmem:s0+$0xFFFFFEE0] =	vst v17  }
0x3fa: {  	v21 =	vld.idx.msk [tilespmem:v34+s13+$0x0], $0xffff;
	vm3 =	vmand vm2, vm3;
	[tilespmem:s0+$0xFFFFFE70] =	vst v16  }
0x3fb: {  	vm2 =	vgt.s32 v23, $0xFFFFFFFF;
	v23 =	vld [tilespmem:s1+$0xFFFFFFA0];
	v27 =	vnsel vm3, $0x0, v25;
	v25 =	vsel vm3, $0x0, v25;
	[tilespmem:s0+$0xFFFFFEF0] =	vst v17  }
0x3fc: {  	vm3 =	vgt.s32 v24, $0xFFFFFFFF;
	v24 =	vld [tilespmem:s1+$0xFFFFFFB0];
	v27 =	vadd.f32 v27, v18;
	[tilespmem:s0+$0xFFFFFE80] =	vst v16  }
0x3fd: {  	vm5 =	vgt.s32 v22, $0xFFFFFFFF;
	v22 =	vld [tilespmem:s1+$0xFFFFFFC0];
	[tilespmem:s0+$0xFFFFFF00] =	vst v17;
	s0 =	sadd.s32 $0x200, s0  }
0x3fe: {  	vm6 =	vgt.s32 v26, $0xFFFFFFFF;
	v30 =	vld [tilespmem:s1+$0xFFFFFFD0];
	[tilespmem:s0+$0xFFFFFF70] =	vst v27  }
0x3ff: {  	vm7 =	vgt.s32 v20, $0xFFFFFFFF;
	v31 =	vld [tilespmem:s1+$0xFFFFFFE0];
	[tilespmem:s0+$0xFFFFFFF0] =	vst v25  }
0x400: {  	vm8 =	vgt.s32 v21, $0xFFFFFFFF;
	vm4 =	vlt.s32 v23, $0x0;
	[tilespmem:s0+$0xFFFFFE20] =	vst v16;
	v32 =	vld [tilespmem:s1+$0x0]  }
0x401: {  	v20 =	vld [tilespmem:s1+$0xFFFFFF90];
	[tilespmem:s0+$0xFFFFFE10] =	vst v16;
	vm4 =	vmand vm4, vm3;
	vm3 =	vlt.s32 v24, $0x0  }
0x402: {  	[tilespmem:s0+$0xFFFFFE90] =	vst v17;
	v21 =	vnsel vm4, $0x0, v23;
	vm3 =	vmand vm3, vm5;
	vm5 =	vlt.s32 v22, $0x0  }
0x403: {  	[tilespmem:s0+$0xFFFFFEA0] =	vst v17;
	v25 =	vnsel vm3, $0x0, v24;
	vm5 =	vmand vm5, vm6;
	vm6 =	vlt.s32 v30, $0x0  }
0x404: {  	[tilespmem:s0+$0xFFFFFE30] =	vst v16;
	v26 =	vnsel vm5, $0x0, v22;
	vm6 =	vmand vm6, vm7;
	vm7 =	vlt.s32 v31, $0x0  }
0x405: {  	[tilespmem:s0+$0xFFFFFEB0] =	vst v17;
	v27 =	vnsel vm6, $0x0, v30;
	vm7 =	vmand vm7, vm8;
	vm8 =	vlt.s32 v32, $0x0  }
0x406: {  	vm9 =	vlt.s32 v20, $0x0;
	[tilespmem:s0+$0xFFFFFE40] =	vst v16;
	v28 =	vnsel vm7, $0x0, v31;
	vm1 =	vmand vm8, vm1  }
0x407: {  	v21 =	vadd.f32 v21, v18;
	vm2 =	vmand vm9, vm2;
	[tilespmem:s0+$0xFFFFFEC0] =	vst v17;
	v33 =	vnsel vm1, $0x0, v32  }
.Ltmp23:
0x408: {  	v25 =	vadd.f32 v25, v18;
	v34 =	vadd.f32 v26, v18;
	v29 =	vnsel vm2, $0x0, v20;
	[tilespmem:s0+$0xFFFFFE50] =	vst v16;
	(pc) =	sbr.rel @p0 .LBB2_39-.Ltmp23, $4  }
0x409: {  	v20 =	vsel vm2, $0x0, v20;
	v26 =	vadd.f32 v29, v18;
	[tilespmem:s0+$0xFFFFFF20] =	vst v21;
	v29 =	vadd.f32 v27, v18  }
0x40a: {  	v28 =	vadd.f32 v28, v18;
	v21 =	vsel vm4, $0x0, v23;
	v27 =	vadd.f32 v33, v18;
	[tilespmem:s0+$0xFFFFFF30] =	vst v25  }
0x40b: {  	v23 =	vsel vm6, $0x0, v30;
	v25 =	vsel vm5, $0x0, v22;
	[tilespmem:s0+$0xFFFFFF10] =	vst v26;
	v26 =	vsel vm3, $0x0, v24  }
0x40c: {  	s7 =	sadd.s32 $0x80, s7;
	v22 =	vsel vm1, $0x0, v32;
	v24 =	vsel vm7, $0x0, v31;
	[tilespmem:s0+$0xFFFFFF40] =	vst v34  }
.LBB2_40:
0x40d: {  	[tilespmem:s0+$0xFFFFFF50] =	vst v29  }
0x40e: {  	[tilespmem:s0+$0xFFFFFF60] =	vst v28  }
0x40f: {  	[tilespmem:s0+$0xFFFFFF90] =	vst v20  }
0x410: {  	[tilespmem:s0+$0xFFFFFFA0] =	vst v21  }
0x411: {  	[tilespmem:s0+$0xFFFFFFB0] =	vst v26  }
0x412: {  	[tilespmem:s0+$0xFFFFFFC0] =	vst v25  }
0x413: {  	[tilespmem:s0+$0xFFFFFFD0] =	vst v23  }
0x414: {  	s6 =	sadd.s32 $0x40, s25;
	[tilespmem:s0+$0xFFFFFFE0] =	vst v24  }
0x415: {  	[tilespmem:s0+$0x0] =	vst v22;
	v18 =	vmov s6  }
0x416: {  	[tilespmem:s0+$0xFFFFFED0] =	vst v17;
	v18 =	vshll.u32 v18, $0x1  }
0x417: {  	[tilespmem:s0+$0xFFFFFE60] =	vst v16;
	v18 =	vbroadcast v18, $0x0  }
0x418: {  	s1 =	sadd.s32 $0x80, s25;
	[tilespmem:s0+$0xFFFFFEE0] =	vst v17  }
0x419: {  	[tilespmem:s0+$0xFFFFFE70] =	vst v16;
	v20 =	vmov s1;
	v21 =	vor.u32 v7, v18  }
0x41a: {  	[tilespmem:s0+$0xFFFFFEF0] =	vst v17;
	v20 =	vshll.u32 v20, $0x1;
	v23 =	vor.u32 v10, v18  }
0x41b: {  	[tilespmem:s0+$0xFFFFFE80] =	vst v16;
	v20 =	vbroadcast v20, $0x0;
	v24 =	vor.u32 v8, v18  }
0x41c: {  	[tilespmem:s0+$0xFFFFFF00] =	vst v17;
	v16 =	vor.u32 v9, v18  }
0x41d: {  	v22 =	vmov s25;
	[tilespmem:s0+$0xFFFFFF80] =	vst v27;
	v17 =	vor.u32 v12, v20  }
0x41e: {  	s21 =	sadd.s32 $0xC0, s25;
	v22 =	vshll.u32 v22, $0x1;
	v26 =	vor.u32 v15, v20;
	v21 =	vld.idx.msk [tilespmem:v21+s11+$0x0], $0xffff  }
0x41f: {  	v18 =	vbroadcast v22, $0x0;
	v22 =	vmov s21;
	v27 =	vor.u32 v14, v20;
	v23 =	vld.idx.msk [tilespmem:v23+s11+$0x0], $0xffff  }
0x420: {  	v20 =	vor.u32 v13, v20;
	v22 =	vshll.u32 v22, $0x1;
	v24 =	vld.idx.msk [tilespmem:v24+s11+$0x0], $0xffff  }
0x421: {  	v25 =	vor.u32 v12, v18;
	v22 =	vbroadcast v22, $0x0;
	v16 =	vld.idx.msk [tilespmem:v16+s11+$0x0], $0xffff  }
0x422: {  	v17 =	vld.idx.msk [tilespmem:v17+s11+$0x0], $0xffff  }
0x423: {  	v28 =	vor.u32 v7, v22;
	v26 =	vld.idx.msk [tilespmem:v26+s11+$0x0], $0xffff  }
0x424: {  	v31 =	vor.u32 v8, v22;
	v27 =	vld.idx.msk [tilespmem:v27+s11+$0x0], $0xffff  }
0x425: {  	v29 =	vor.u32 v14, v18;
	v20 =	vld.idx.msk [tilespmem:v20+s11+$0x0], $0xffff  }
0x426: {  	v30 =	vld.idx.msk [tilespmem:v25+s11+$0x0], $0xffff;
	v25 =	vor.u32 v13, v18  }
0x427: {  	v33 =	vor.u32 v9, v22;
	v18 =	vor.u32 v15, v18  }
0x428: {  	v22 =	vor.u32 v10, v22;
	v28 =	vld.idx.msk [tilespmem:v28+s11+$0x0], $0xffff;
	v32 =	vadd.f32 v24, v21;
	v34 =	vadd.f32 v23, v16  }
0x429: {  	v31 =	vld.idx.msk [tilespmem:v31+s11+$0x0], $0xffff;
	v16 =	vsub.f32 v16, v23;
	v21 =	vsub.f32 v21, v24  }
0x42a: {  	v23 =	vld.idx.msk [tilespmem:v29+s11+$0x0], $0xffff;
	v58 =	vadd.f32 v17, v26;
	v17 =	vsub.f32 v26, v17;
	v32 =	vmul.f32 $7.071067690e-01, v32  }
0x42b: {  	v37 =	vadd.f32 v27, v20;
	v29 =	vld.idx.msk [tilespmem:v25+s11+$0x0], $0xffff;
	v24 =	vmul.f32 $7.071067690e-01, v34;
	v59 =	vmul.f32 $7.071067690e-01, v16  }
0x42c: {  	v20 =	vsub.f32 v20, v27;
	v36 =	vld.idx.msk [tilespmem:v18+s11+$0x0], $0xffff;
	v38 =	vmul.f32 $7.071067690e-01, v21;
	v27 =	vmul.f32 $7.071067690e-01, v58  }
0x42d: {  	v18 =	vld.idx.msk [tilespmem:v22+s11+$0x0], $0xffff;
	v17 =	vmul.f32 $7.071067690e-01, v17;
	v22 =	vmul.f32 $7.071067690e-01, v37  }
0x42e: {  	v20 =	vmul.f32 $7.071067690e-01, v20;
	v35 =	vperm.xlane v32, v6  }
0x42f: {  	v16 =	vld.idx.msk [tilespmem:v33+s11+$0x0], $0xffff;
	v25 =	vperm.xlane v32, v3;
	v26 =	vperm.xlane v24, v3  }
0x430: {  	s7 =	sadd.s32 $0x4, s26;
	v60 =	vperm.xlane v24, v6;
	v21 =	vsub.f32 v28, v31;
	v31 =	vadd.f32 v31, v28  }
0x431: {  	p0 =	slt.u32 s7, $0x3C;
	v37 =	vperm.xlane v22, v3;
	v62 =	vperm.xlane v27, v3;
	v24 =	vsel vm0, v25, v26  }
.Ltmp24:
0x432: {  	v25 =	vperm.xlane v27, v6;
	v26 =	vperm.xlane v22, v6;
	v61 =	vadd.f32 v23, v29;
	(pc) =	sbr.rel @!p0 .LBB2_41-.Ltmp24, $4  }
0x433: {  	s22 =	sadd.s32 $0xFFFFFFC0, s29;
	[tilespmem:s28+$0xFFFFFFE0] =	vst v38;
	v32 =	vsel vm0, v35, v60;
	v23 =	vsub.f32 v29, v23;
	v22 =	vadd.f32 v30, v36  }
0x434: {  	s31 =	sadd.s32 $0xFFFFFFE0, s29;
	s30 =	simm.s32 $0x4420;
	s0 =	sor.u32 $0x30, s22;
	[tilespmem:s28+$0x0] =	vst v20;
	v29 =	vsub.f32 v36, v30;
	v63 =	vadd.f32 v18, v16;
	v28 =	vmul.f32 $7.071067690e-01, v61  }
0x435: {  	s17 =	sadd.s32 $0x100, s25;
	s20 =	smov.u32 s25;
	s8 =	sor.u32 $0x50, s31;
	[tilespmem:s0+$0x4D80] =	vst v59;
	v20 =	vadd.f32 v32, v24;
	v23 =	vmul.f32 $7.071067690e-01, v23;
	v30 =	vmul.f32 $7.071067690e-01, v22  }
0x436: {  	s22 =	sadd.s32 $0x80, s28;
	s21 =	sadd.s32 $0x80, s29;
	s0 =	simm.s32 $0x46A0;
	[tilespmem:s8+$0x4D80] =	vst v17;
	v17 =	vmovc v19;
	v22 =	vsel vm0, v37, v62;
	v33 =	vmul.f32 $7.071067690e-01, v63;
	v27 =	vperm.xlane v28, v3  }
.LBB2_42:
0x437: {  	s8 =	sadd.s32 $0x40, s17;
	s9 =	sadd.s32 $0x80, s17;
	s7 =	sadd.s32 $0x4, s7;
	v24 =	vsub.f32 v24, v32;
	v25 =	vsel vm0, v26, v25;
	v26 =	vmul.f32 $7.071067690e-01, v31  }
0x438: {  	v31 =	vmov s8;
	v32 =	vmov s9;
	p0 =	slt.u32 s7, $0x3C;
	v34 =	vperm.xlane v33, v3  }
0x439: {  	v33 =	vperm.xlane v33, v6;
	v31 =	vshll.u32 v31, $0x1;
	v32 =	vshll.u32 v32, $0x1  }
0x43a: {  	s8 =	sadd.s32 $0xC0, s17;
	v35 =	vsub.f32 v22, v25;
	v36 =	vperm.xlane v26, v3;
	v31 =	vbroadcast v31, $0x0  }
0x43b: {  	v29 =	vmul.f32 $7.071067690e-01, v29;
	v37 =	vmov s8;
	v32 =	vbroadcast v32, $0x0  }
0x43c: {  	v28 =	vperm.xlane v28, v6;
	v38 =	vor.u32 v7, v31;
	v39 =	vor.u32 v8, v31  }
0x43d: {  	v40 =	vmov s17;
	v41 =	vor.u32 v10, v31;
	[tilespmem:s28+$0xFFFFFFD0] =	vst v29;
	v29 =	vperm.xlane v30, v6  }
0x43e: {  	v40 =	vshll.u32 v40, $0x1;
	v31 =	vor.u32 v9, v31;
	v30 =	vperm.xlane v30, v3  }
0x43f: {  	v40 =	vbroadcast v40, $0x0;
	v37 =	vshll.u32 v37, $0x1;
	v28 =	vsel vm0, v28, v29  }
0x440: {  	v26 =	vperm.xlane v26, v6;
	v37 =	vbroadcast v37, $0x0;
	v29 =	vor.u32 v15, v32  }
0x441: {  	v42 =	vor.u32 v14, v40;
	v43 =	vor.u32 v12, v40;
	v44 =	vor.u32 v12, v32;
	v38 =	vld.idx.msk [tilespmem:v38+s11+$0x0], $0xffff  }
0x442: {  	v45 =	vor.u32 v13, v40;
	v40 =	vor.u32 v15, v40;
	v27 =	vsel vm0, v27, v30;
	v41 =	vld.idx.msk [tilespmem:v41+s11+$0x0], $0xffff  }
0x443: {  	v46 =	vor.u32 v8, v37;
	v47 =	vor.u32 v9, v37;
	v30 =	vld.idx.msk [tilespmem:v39+s11+$0x0], $0xffff;
	v39 =	vor.u32 v14, v32  }
0x444: {  	v48 =	vor.u32 v7, v37;
	v49 =	vsub.f32 v27, v28;
	v32 =	vor.u32 v13, v32  }
0x445: {  	v26 =	vsel vm0, v26, v33;
	v27 =	vadd.f32 v28, v27;
	v28 =	vsel vm0, v36, v34;
	v31 =	vld.idx.msk [tilespmem:v31+s11+$0x0], $0xffff  }
0x446: {  	v24 =	vmul.f32 $7.071067690e-01, v24;
	v34 =	vor.u32 v10, v37;
	v36 =	vsub.f32 v28, v26;
	v33 =	vld.idx.msk [tilespmem:v44+s11+$0x0], $0xffff  }
0x447: {  	s31 =	sshra.s32 s20, $0x2;
	s20 =	smov.u32 s17;
	v26 =	vadd.f32 v26, v28;
	v27 =	vmul.f32 $7.071067690e-01, v27;
	v37 =	vld.idx.msk [tilespmem:v43+s11+$0x0], $0xffff;
	[tilespmem:s28+$0xFFFFFFC0] =	vst v23;
	v23 =	vmul.f32 $7.071067690e-01, v49  }
0x448: {  	v21 =	vmul.f32 $7.071067690e-01, v21;
	v16 =	vsub.f32 v16, v18;
	v18 =	vmul.f32 $7.071067690e-01, v36;
	v28 =	vld.idx.msk [tilespmem:v29+s11+$0x0], $0xffff;
	[tilespmem:s31+$0x4910] =	vst v24  }
0x449: {  	v29 =	vadd.f32 v30, v38;
	v36 =	vld.idx.msk [tilespmem:v39+s11+$0x0], $0xffff;
	[tilespmem:s31+$0x4900] =	vst v23;
	v17 =	vmax.f32 v17, v23;
	v23 =	vmul.f32 $7.071067690e-01, v35  }
0x44a: {  	v22 =	vadd.f32 v25, v22;
	v32 =	vld.idx.msk [tilespmem:v32+s11+$0x0], $0xffff;
	[tilespmem:s31+$0x4000] =	vst v27;
	v17 =	vmax.f32 v17, v24;
	v24 =	vmul.f32 $7.071067690e-01, v16  }
0x44b: {  	s8 =	sor.u32 $0x70, s29;
	s29 =	smov.u32 s21;
	v25 =	vsub.f32 v31, v41;
	v27 =	vmul.f32 $7.071067690e-01, v29;
	v29 =	vld.idx.msk [tilespmem:v48+s11+$0x0], $0xffff;
	v17 =	vmax.f32 v17, v23;
	[tilespmem:s28+$0x20] =	vst v21;
	s28 =	smov.u32 s22  }
0x44c: {  	v20 =	vmul.f32 $7.071067690e-01, v20;
	v21 =	vadd.f32 v41, v31;
	v16 =	vld.idx.msk [tilespmem:v47+s11+$0x0], $0xffff;
	[tilespmem:s8+$0x4D80] =	vst v24;
	v17 =	vmax.f32 v17, v18  }
0x44d: {  	v24 =	vsub.f32 v38, v30;
	v30 =	vperm.xlane v27, v6;
	v31 =	vld.idx.msk [tilespmem:v42+s11+$0x0], $0xffff;
	[tilespmem:s31+$0x4920] =	vst v23;
	v23 =	vmul.f32 $7.071067690e-01, v26  }
0x44e: {  	v21 =	vmul.f32 $7.071067690e-01, v21;
	v26 =	vperm.xlane v27, v3;
	v27 =	vadd.f32 v33, v28;
	v35 =	vld.idx.msk [tilespmem:v45+s11+$0x0], $0xffff;
	[tilespmem:s31+$0x4010] =	vst v20  }
0x44f: {  	v22 =	vmul.f32 $7.071067690e-01, v22;
	v38 =	vmul.f32 $7.071067690e-01, v25;
	v25 =	vsub.f32 v28, v33;
	v20 =	vld.idx.msk [tilespmem:v40+s11+$0x0], $0xffff;
	[tilespmem:s31+$0x4930] =	vst v18  }
0x450: {  	v28 =	vperm.xlane v21, v3;
	v33 =	vperm.xlane v21, v6;
	v21 =	vadd.f32 v36, v32;
	v39 =	vld.idx.msk [tilespmem:v46+s11+$0x0], $0xffff  }
0x451: {  	v40 =	vmul.f32 $7.071067690e-01, v24;
	v32 =	vsub.f32 v32, v36;
	v27 =	vmul.f32 $7.071067690e-01, v27;
	v18 =	vld.idx.msk [tilespmem:v34+s11+$0x0], $0xffff;
	[tilespmem:s31+$0x4020] =	vst v22  }
0x452: {  	s8 =	sadd.s32 $0xFFFFFFC0, s21;
	v24 =	vsel vm0, v26, v28;
	v22 =	vmul.f32 $7.071067690e-01, v25;
	v21 =	vmul.f32 $7.071067690e-01, v21;
	[tilespmem:s31+$0x4030] =	vst v23  }
0x453: {  	s8 =	sor.u32 $0x30, s8;
	v25 =	vperm.xlane v27, v6;
	v23 =	vmul.f32 $7.071067690e-01, v32;
	[tilespmem:s22+$0xFFFFFFE0] =	vst v40  }
0x454: {  	v28 =	vadd.f32 v31, v35;
	v34 =	vperm.xlane v21, v3;
	v26 =	vperm.xlane v21, v6;
	[tilespmem:s8+$0x4D80] =	vst v38;
	s8 =	sadd.s32 $0xFFFFFFE0, s21  }
.Ltmp25:
0x455: {  	v35 =	vsub.f32 v35, v31;
	v36 =	vadd.f32 v37, v20;
	v38 =	vperm.xlane v27, v3;
	[tilespmem:s22+$0x0] =	vst v23;
	s8 =	sor.u32 $0x50, s8;
	(pc) =	sbr.rel @p0 .LBB2_42-.Ltmp25, $4  }
0x456: {  	v28 =	vmul.f32 $7.071067690e-01, v28;
	v21 =	vsub.f32 v29, v39;
	v31 =	vadd.f32 v39, v29;
	[tilespmem:s8+$0x4D80] =	vst v22  }
0x457: {  	v32 =	vsel vm0, v30, v33;
	v29 =	vsub.f32 v20, v37;
	v33 =	vadd.f32 v18, v16  }
0x458: {  	v23 =	vmul.f32 $7.071067690e-01, v35;
	v20 =	vadd.f32 v32, v24;
	v30 =	vmul.f32 $7.071067690e-01, v36  }
0x459: {  	s17 =	sadd.s32 $0x100, s17;
	s21 =	sadd.s32 $0x80, s21;
	s22 =	sadd.s32 $0x80, s22;
	v22 =	vsel vm0, v34, v38;
	v27 =	vperm.xlane v28, v3;
	v33 =	vmul.f32 $7.071067690e-01, v33  }
.LBB2_43:
0x45a: {  	v12 =	vperm.xlane v28, v6  }
0x45b: {  	v13 =	vperm.xlane v30, v6;
	v14 =	vperm.xlane v30, v3  }
0x45c: {  	v58 =	vmul.f32 $7.071067690e-01, v29;
	v21 =	vmul.f32 $7.071067690e-01, v21  }
0x45d: {  	v15 =	vsub.f32 v24, v32;
	v20 =	vmul.f32 $7.071067690e-01, v20;
	v59 =	vperm.xlane v33, v3  }
0x45e: {  	[tilespmem:s28+$0xFFFFFFC0] =	vst v23;
	v12 =	vsel vm0, v12, v13;
	v13 =	vsel vm0, v27, v14;
	v14 =	vmul.f32 $7.071067690e-01, v31  }
0x45f: {  	v61 =	vperm.xlane v33, v6;
	[tilespmem:s28+$0xFFFFFFD0] =	vst v58;
	v60 =	vsub.f32 v13, v12;
	v12 =	vadd.f32 v12, v13  }
0x460: {  	s7 =	sshra.s32 s20, $0x2;
	v16 =	vsub.f32 v16, v18;
	v15 =	vmul.f32 $7.071067690e-01, v15;
	[tilespmem:s28+$0x20] =	vst v21;
	v62 =	vperm.xlane v14, v3  }
0x461: {  	[tilespmem:s7+$0x4010] =	vst v20;
	v13 =	vsel vm0, v26, v25;
	v14 =	vperm.xlane v14, v6;
	v12 =	vmul.f32 $7.071067690e-01, v12  }
0x462: {  	[tilespmem:s7+$0x4910] =	vst v15;
	v18 =	vsub.f32 v22, v13;
	v13 =	vadd.f32 v13, v22;
	v23 =	vmul.f32 $7.071067690e-01, v60  }
0x463: {  	v24 =	vsel vm0, v62, v59;
	v14 =	vsel vm0, v14, v61;
	[tilespmem:s7+$0x4000] =	vst v12;
	v12 =	vmul.f32 $7.071067690e-01, v16  }
0x464: {  	s8 =	sor.u32 $0x70, s29;
	s29 =	sadd.s32 $0x20, s25;
	v18 =	vmul.f32 $7.071067690e-01, v18;
	[tilespmem:s7+$0x4900] =	vst v23;
	v16 =	vsub.f32 v24, v14  }
0x465: {  	v13 =	vmul.f32 $7.071067690e-01, v13;
	[tilespmem:s8+$0x4D80] =	vst v12;
	v12 =	vadd.f32 v14, v24;
	v14 =	vor.u32 s29, v5  }
0x466: {  	v20 =	vor.u32 s29, v1;
	[tilespmem:s7+$0x4920] =	vst v18;
	v16 =	vmul.f32 $7.071067690e-01, v16  }
0x467: {  	v21 =	vor.u32 s6, v1;
	[tilespmem:s7+$0x4020] =	vst v13;
	v12 =	vmul.f32 $7.071067690e-01, v12  }
0x468: {  	v22 =	vor.u32 s6, v8;
	s6 =	sadd.s32 $0x4, s26;
	[tilespmem:s7+$0x4930] =	vst v16  }
0x469: {  	v63 =	vor.u32 s25, v1;
	p1 =	slt.u32 s6, $0x1C;
	[tilespmem:s7+$0x4030] =	vst v12  }
.Ltmp26:
0x46a: {  	v12 =	vmax.f32 v17, v23;
	v13 =	vld.idx.msk [tilespmem:v14+s12+$0x0], $0xffff;
	(pc) =	sbr.rel @!p1 .LBB2_44-.Ltmp26, $4  }
0x46b: {  	v12 =	vmax.f32 v12, v15;
	v15 =	vld.idx.msk [tilespmem:v20+s12+$0x0], $0xffff  }
0x46c: {  	s31 =	sadd.s32 $0x60, s25;
	v14 =	vld.idx.msk [tilespmem:v21+s12+$0x0], $0xffff  }
0x46d: {  	v17 =	vld.idx.msk [tilespmem:v22+s12+$0x0], $0xffff;
	v20 =	vor.u32 s31, v10;
	v12 =	vmax.f32 v12, v18  }
0x46e: {  	p0 =	por $0x0, $0x0;
	v21 =	vor.u32 s25, v2;
	v22 =	vor.u32 s31, v1;
	v12 =	vmax.f32 v12, v16;
	v16 =	vld.idx.msk [tilespmem:v63+s12+$0x0], $0xffff  }
0x46f: {  	_ =	sdelay $0x3  }
0x470: {  	s7 =	sadd.s32 $0x20, s1;
	v18 =	vld.idx.msk [tilespmem:v21+s12+$0x0], $0xffff  }
0x471: {  	s8 =	sadd.s32 $0x40, s1;
	v27 =	vld.idx.msk [tilespmem:v20+s12+$0x0], $0xffff;
	v23 =	vor.u32 s7, v5  }
0x472: {  	v28 =	vld.idx.msk [tilespmem:v22+s12+$0x0], $0xffff;
	v29 =	vor.u32 s8, v1;
	_ =	sdelay $0x1  }
0x473: {  	v31 =	vor.u32 s1, v1;
	v24 =	vor.u32 s7, v1  }
0x474: {  	s6 =	sadd.s32 $0x4, s6;
	v30 =	vor.u32 s8, v8;
	v22 =	vadd.f32 v13, v15;
	v15 =	vsub.f32 v15, v13  }
0x475: {  	v21 =	vor.u32 s1, v2;
	p1 =	slt.u32 s6, $0x1C;
	v32 =	vadd.f32 v17, v14;
	v33 =	vsub.f32 v14, v17;
	v13 =	vld.idx.msk [tilespmem:v23+s12+$0x0], $0xffff  }
.Ltmp27:
0x476: {  	s31 =	sadd.s32 $0x60, s1;
	v26 =	vmul.f32 $7.071067690e-01, v22;
	v23 =	vadd.f32 v18, v16;
	v14 =	vld.idx.msk [tilespmem:v29+s12+$0x0], $0xffff;
	v29 =	vadd.f32 v27, v28;
	(pc) =	sbr.rel @!p1 .LBB2_46-.Ltmp27, $4  }
0x477: {  	v20 =	vor.u32 s31, v10;
	v25 =	vmul.f32 $7.071067690e-01, v15;
	v16 =	vsub.f32 v16, v18  }
0x478: {  	v22 =	vor.u32 s31, v1;
	[tilespmem:s30+$0xFFFFFFF0] =	vst v26;
	v15 =	vld.idx.msk [tilespmem:v24+s12+$0x0], $0xffff;
	v24 =	vmul.f32 $7.071067690e-01, v23  }
0x479: {  	s17 =	sadd.s32 $0x80, s1;
	v28 =	vsub.f32 v28, v27;
	v17 =	vld.idx.msk [tilespmem:v30+s12+$0x0], $0xffff;
	[tilespmem:s0+$0xFFFFFFF0] =	vst v25;
	v27 =	vmul.f32 $7.071067690e-01, v32;
	v18 =	vmul.f32 $7.071067690e-01, v16  }
0x47a: {  	s1 =	sadd.s32 $0x40, s0;
	p0 =	por $0x1, $0x1;
	s7 =	sadd.s32 $0x40, s30;
	v23 =	vmul.f32 $7.071067690e-01, v33;
	v16 =	vld.idx.msk [tilespmem:v31+s12+$0x0], $0xffff;
	[tilespmem:s30+$0xFFFFFFE0] =	vst v24;
	v30 =	vmax.f32 v19, v24;
	v24 =	vmul.f32 $7.071067690e-01, v29;
	v29 =	vmovc v19  }
.LBB2_47:
0x47b: {  	s8 =	sadd.s32 $0x20, s17;
	s9 =	sadd.s32 $0x40, s17;
	s19 =	sadd.s32 $0x60, s17;
	v31 =	vld.idx.msk [tilespmem:v21+s12+$0x0], $0xffff;
	v21 =	vmax.f32 v29, v18;
	v26 =	vmax.f32 v30, v26;
	v28 =	vmul.f32 $7.071067690e-01, v28  }
0x47c: {  	s6 =	sadd.s32 $0x4, s6;
	v30 =	vor.u32 s8, v1;
	v32 =	vor.u32 s8, v5;
	v33 =	vld.idx.msk [tilespmem:v20+s12+$0x0], $0xffff;
	v20 =	vor.u32 s19, v10;
	[tilespmem:s30+$0x0] =	vst v27  }
0x47d: {  	v34 =	vor.u32 s9, v8;
	p1 =	slt.u32 s6, $0x1C;
	v35 =	vadd.f32 v13, v15;
	v27 =	vmax.f32 v26, v27;
	v36 =	vld.idx.msk [tilespmem:v22+s12+$0x0], $0xffff;
	[tilespmem:s30+$0x10] =	vst v24;
	s30 =	smov.u32 s7  }
0x47e: {  	v37 =	vor.u32 s9, v1;
	v15 =	vsub.f32 v15, v13;
	v13 =	vmax.f32 v21, v25;
	[tilespmem:s0+$0x10] =	vst v28  }
0x47f: {  	v38 =	vor.u32 s17, v1;
	v21 =	vor.u32 s17, v2;
	v13 =	vmax.f32 v13, v23;
	[tilespmem:s0+$0x0] =	vst v23  }
0x480: {  	v39 =	vadd.f32 v17, v14;
	v29 =	vmax.f32 v13, v28;
	v23 =	vsub.f32 v14, v17;
	[tilespmem:s0+$0xFFFFFFE0] =	vst v18;
	s0 =	smov.u32 s1  }
.Ltmp28:
0x481: {  	v26 =	vmul.f32 $7.071067690e-01, v35;
	v25 =	vmul.f32 $7.071067690e-01, v15;
	v17 =	vadd.f32 v31, v16;
	v13 =	vld.idx.msk [tilespmem:v32+s12+$0x0], $0xffff;
	(pc) =	sbr.rel @p1 .LBB2_47-.Ltmp28, $4  }
0x482: {  	v22 =	vor.u32 s19, v1;
	v24 =	vmax.f32 v27, v24;
	v16 =	vsub.f32 v16, v31;
	v15 =	vld.idx.msk [tilespmem:v30+s12+$0x0], $0xffff  }
0x483: {  	v27 =	vmul.f32 $7.071067690e-01, v17;
	v31 =	vadd.f32 v33, v36;
	v28 =	vsub.f32 v36, v33;
	v14 =	vld.idx.msk [tilespmem:v37+s12+$0x0], $0xffff;
	[tilespmem:s7+$0xFFFFFFF0] =	vst v26  }
0x484: {  	v23 =	vmul.f32 $7.071067690e-01, v23;
	v18 =	vmul.f32 $7.071067690e-01, v16;
	v17 =	vld.idx.msk [tilespmem:v34+s12+$0x0], $0xffff;
	[tilespmem:s1+$0xFFFFFFF0] =	vst v25  }
0x485: {  	s17 =	sadd.s32 $0x80, s17;
	s7 =	sadd.s32 $0x40, s7;
	v30 =	vmax.f32 v24, v27;
	v24 =	vmul.f32 $7.071067690e-01, v31;
	s1 =	sadd.s32 $0x40, s1;
	v16 =	vld.idx.msk [tilespmem:v38+s12+$0x0], $0xffff;
	[tilespmem:s30+$0xFFFFFFE0] =	vst v27;
	v27 =	vmul.f32 $7.071067690e-01, v39  }
0x486: {  	s17 =	smov.u32 s30  }
0x487: {  	s6 =	smov.u32 s0;
	s30 =	smov.u32 s7;
	s0 =	smov.u32 s1  }
.LBB2_49:
0x488: {  	_ =	sdelay $0x3  }
0x489: {  	v21 =	vld.idx.msk [tilespmem:v21+s12+$0x0], $0xffff  }
0x48a: {  	v29 =	vmax.f32 @p0 v29, v18  }
0x48b: {  	v20 =	vld.idx.msk [tilespmem:v20+s12+$0x0], $0xffff;
	v26 =	vmax.f32 @p0 v30, v26;
	v28 =	vmul.f32 @p0 $7.071067690e-01, v28;
	v55 =	vadd.f32 v13, v15  }
0x48c: {  	v22 =	vld.idx.msk [tilespmem:v22+s12+$0x0], $0xffff;
	v13 =	vsub.f32 v15, v13;
	v26 =	vmax.f32 @p0 v26, v27;
	v15 =	vmax.f32 @p0 v29, v25  }
0x48d: {  	v56 =	vadd.f32 v17, v14;
	v14 =	vsub.f32 v14, v17;
	v15 =	vmax.f32 @p0 v15, v23  }
0x48e: {  	v57 =	vmul.f32 $7.071067690e-01, v55;
	v13 =	vmul.f32 $7.071067690e-01, v13;
	v17 =	vadd.f32 v21, v16  }
0x48f: {  	v15 =	vmax.f32 @p0 v15, v28;
	v14 =	vmul.f32 $7.071067690e-01, v14;
	v16 =	vsub.f32 v16, v21  }
0x490: {  	v15 =	vpsel p0, v15, v19;
	v21 =	vmax.f32 @p0 v26, v24;
	v17 =	vmul.f32 $7.071067690e-01, v17  }
0x491: {  	v58 =	vadd.f32 v20, v22;
	v21 =	vpsel p0, v21, v19;
	v16 =	vmul.f32 $7.071067690e-01, v16  }
0x492: {  	[tilespmem:s17+$0x0] =	vst @p0 v27;
	v20 =	vsub.f32 v22, v20;
	v22 =	vmul.f32 $7.071067690e-01, v56;
	v21 =	vmax.f32 v21, v17  }
0x493: {  	[tilespmem:s17+$0x10] =	vst @p0 v24;
	v19 =	vmul.f32 $7.071067690e-01, v58;
	v15 =	vmax.f32 v15, v16;
	v21 =	vmax.f32 v21, v57  }
0x494: {  	[tilespmem:s6+$0xFFFFFFE0] =	vst @p0 v18;
	v20 =	vmul.f32 $7.071067690e-01, v20;
	v15 =	vmax.f32 v15, v13;
	v21 =	vmax.f32 v21, v22  }
0x495: {  	[tilespmem:s6+$0x0] =	vst @p0 v23;
	v15 =	vmax.f32 v15, v14;
	v21 =	vmax.f32 v21, v19  }
0x496: {  	[tilespmem:s6+$0x10] =	vst @p0 v28;
	v15 =	vmax.f32 v15, v20;
	(xrf0) =	vmax.scan.msk.f32 $0xffff, v21  }
0x497: {  	[tilespmem:s30+$0xFFFFFFF0] =	vst v57;
	(xrf0) =	vmax.scan.msk.f32 $0xffff, v15  }
0x498: {  	[tilespmem:s0+$0xFFFFFFF0] =	vst v13;
	(xrf0) =	vmax.scan.msk.f32 $0xffff, v12  }
0x499: {  	[tilespmem:s30+$0x0] =	vst v22  }
0x49a: {  	[tilespmem:s0+$0x0] =	vst v14  }
0x49b: {  	[tilespmem:s30+$0xFFFFFFE0] =	vst v17  }
0x49c: {  	[tilespmem:s30+$0x10] =	vst v19;
	v12, _, _ =	vpop (xrf0)  }
0x49d: {  	[tilespmem:s0+$0x10] =	vst v20;
	v13, _, _ =	vpop (xrf0);
	v12 =	vbroadcast v12, $0xF  }
0x49e: {  	[tilespmem:s0+$0xFFFFFFE0] =	vst v16;
	v14, _, _ =	vpop (xrf0);
	v13 =	vbroadcast v13, $0xF  }
0x49f: {  	v14 =	vbroadcast v14, $0xF;
	[tilespmem:$0x4600] =	vst v12  }
0x4a0: {  	[tilespmem:$0x4880] =	vst v13  }
0x4a1: {  	[tilespmem:$0x4D00] =	vst v14  }
0x4a2: {  	v15 =	vld.idx.msk [tilespmem:v11+s13+$0x0], $0xffff;
	_ =	sdelay $0x3  }
0x4a3: {  	s29 =	simm.s32 $0x11  }
0x4a4: {  	s20 =	simm.s32 $0x0;
	[tilespmem:$0x5580] =	vst v15;
	v15 =	vadd.s32 s29, v0  }
0x4a5: {  	v20 =	vld [tilespmem:s20+$0x4D90]  }
0x4a6: {  	v16 =	vld [tilespmem:s20+$0x4410]  }
0x4a7: {  	v17 =	vld [tilespmem:s20+$0x4690]  }
0x4a8: {  	v23 =	vld [tilespmem:s20+$0x4910]  }
0x4a9: {  	v18 =	vld.idx.msk [tilespmem:v15+s13+$0x0], $0xffff  }
0x4aa: {  	v19 =	vld.idx.msk [tilespmem:v15+s15+$0x0], $0xffff  }
0x4ab: {  	v21 =	vld.idx.msk [tilespmem:v15+s16+$0x0], $0xffff  }
0x4ac: {  	s30 =	simm.s32 $0x1;
	v15 =	vld.idx.msk [tilespmem:v15+s14+$0x0], $0xffff  }
0x4ad: {  	v22 =	vadd.s32 s30, v0  }
0x4ae: {  	vm1 =	vge.s32 v23, $0x0;
	vm2 =	vlt.s32 v20, $0x0  }
0x4af: {  	vm3 =	vgt.s32 v16, $0xFFFFFFFF;
	vm4 =	vlt.s32 v17, $0x0;
	vm5 =	vge.s32 v17, $0x0  }
0x4b0: {  	vm7 =	vlt.s32 v23, $0x0;
	vm6 =	vge.s32 v19, $0x0;
	vm8 =	vge.s32 v21, $0x0  }
0x4b1: {  	vm9 =	vlt.s32 v15, $0x0;
	vm10 =	vlt.s32 v19, $0x0;
	vm11 =	vgt.s32 v18, $0xFFFFFFFF  }
0x4b2: {  	v24 =	vld.idx.msk [tilespmem:v22+s14+$0x0], $0xffff;
	vm12 =	vlt.s32 v21, $0x0;
	vm6 =	vmand vm4, vm6;
	vm8 =	vmand vm7, vm8  }
0x4b3: {  	v18 =	vld.idx.msk [tilespmem:v22+s15+$0x0], $0xffff;
	vm3 =	vmand vm3, vm9;
	vm5 =	vmand vm10, vm5;
	vm2 =	vmand vm2, vm11  }
0x4b4: {  	v19 =	vld.idx.msk [tilespmem:v22+s16+$0x0], $0xffff;
	vm4 =	vmxor vm4, vm10;
	vm7 =	vmxor vm7, vm12;
	v21 =	vsel vm3, $0x0, v16  }
0x4b5: {  	s1 =	simm.s32 $0x0;
	s7 =	simm.s32 $0x10;
	v15 =	vld [tilespmem:s20+$0x4400];
	v59 =	vnsel vm6, $0x0, v17;
	v16 =	vnsel vm3, $0x0, v16;
	v60 =	vsel vm4, $0x0, v17  }
0x4b6: {  	s8 =	sand.u32 $0x600, s1;
	s22 =	sand.u32 $0x70, s7;
	v61 =	vsel vm7, $0x0, v23;
	v26 =	vadd.f32 v60, v16;
	v16 =	vnsel vm5, $0x0, v17;
	v17 =	vld [tilespmem:s20+$0x4680]  }
0x4b7: {  	s6 =	simm.s32 $0x0;
	s9 =	sadd.s32 $0xB600, s8;
	s0 =	sand.u32 $0x60, s1;
	v25 =	vadd.f32 v59, v21;
	v21 =	vnsel vm8, $0x0, v23;
	v27 =	vadd.f32 v61, v16;
	v16 =	vld [tilespmem:s20+$0x4900]  }
0x4b8: {  	s19 =	sadd.s32 $0xB680, s8;
	s7 =	sor.u32 s0, s9;
	s9 =	sor.u32 s22, s9;
	vm1 =	vmand vm12, vm1;
	v62 =	vnsel vm2, $0x0, v20;
	v26 =	vadd.f32 v21, v26  }
0x4b9: {  	s25 =	sadd.s32 $0xB700, s8;
	s26 =	sadd.s32 $0xB780, s8;
	s31 =	sor.u32 s22, s19;
	v63 =	vsel vm2, $0x0, v20;
	v23 =	vnsel vm1, $0x0, v23;
	v21 =	vld.idx.msk [tilespmem:v22+s13+$0x0], $0xffff;
	[tilespmem:s9+$0x0] =	vst v25;
	v22 =	vadd.f32 v62, v27  }
0x4ba: {  	s17 =	sor.u32 s0, s19;
	s19 =	sor.u32 s22, s25;
	v20 =	vld [tilespmem:s20+$0x4D80];
	vm4 =	vlt.s32 v24, $0x0;
	v23 =	vadd.f32 v63, v23;
	s20 =	simm.s32 $0x20;
	vm1 =	vlt.s32 v18, $0x0;
	[tilespmem:s31+$0x0] =	vst v26  }
.LBB2_50:
0x4bb: {  	s8 =	sadd.s32 $0x11, s20;
	vm6 =	vgt.s32 v15, $0xFFFFFFFF;
	vm2 =	vlt.s32 v17, $0x0;
	vm3 =	vlt.s32 v19, $0x0;
	[tilespmem:s19+$0x0] =	vst v22;
	s9 =	sor.u32 s22, s26;
	s1 =	sadd.s32 $0x80, s1  }
0x4bc: {  	s19 =	sand.u32 $0x60, s20;
	s22 =	sadd.s32 $0x1, s20;
	vm7 =	vge.s32 v17, $0x0;
	vm5 =	vlt.s32 v16, $0x0;
	s21 =	sshra.s32 s1, $0x2;
	v22 =	vadd.s32 s8, v0;
	[tilespmem:s9+$0x0] =	vst v23  }
0x4bd: {  	s25 =	sor.u32 s0, s25;
	v23 =	vadd.s32 s22, v0;
	vm4 =	vmand vm6, vm4;
	vm6 =	vmand vm1, vm7;
	s22 =	sor.u32 s0, s26;
	s0 =	smov.u32 s19;
	v24 =	vld [tilespmem:s21+$0x4D90]  }
0x4be: {  	vm1 =	vmxor vm2, vm1;
	vm7 =	vmxor vm5, vm3;
	v26 =	vnsel vm4, $0x0, v15;
	v25 =	vld [tilespmem:s21+$0x4410]  }
0x4bf: {  	v28 =	vsel vm1, $0x0, v17;
	v29 =	vnsel vm6, $0x0, v17;
	v30 =	vsel vm7, $0x0, v16;
	v27 =	vld [tilespmem:s21+$0x4690]  }
0x4c0: {  	vm1 =	vge.s32 v18, $0x0;
	vm6 =	vge.s32 v19, $0x0;
	vm7 =	vgt.s32 v21, $0xFFFFFFFF;
	v31 =	vld [tilespmem:s21+$0x4910]  }
0x4c1: {  	vm8 =	vge.s32 v16, $0x0;
	vm9 =	vlt.s32 v20, $0x0;
	v18 =	vadd.f32 v28, v26;
	v21 =	vld.idx.msk [tilespmem:v22+s13+$0x0], $0xffff  }
0x4c2: {  	s6 =	sadd.s32 $0x2, s6;
	vm1 =	vmand vm2, vm1;
	vm2 =	vmand vm3, vm8;
	v19 =	vadd.f32 v30, v29;
	v26 =	vld.idx.msk [tilespmem:v22+s15+$0x0], $0xffff  }
0x4c3: {  	p0 =	slt.u32 s6, $0x1E;
	v15 =	vsel vm4, $0x0, v15;
	vm3 =	vmand vm5, vm6;
	vm5 =	vmand vm9, vm7;
	v28 =	vld.idx.msk [tilespmem:v22+s16+$0x0], $0xffff  }
0x4c4: {  	v17 =	vnsel vm1, $0x0, v17;
	v29 =	vnsel vm3, $0x0, v16;
	v30 =	vnsel vm5, $0x0, v20;
	v22 =	vld.idx.msk [tilespmem:v22+s14+$0x0], $0xffff  }
0x4c5: {  	v16 =	vnsel vm2, $0x0, v16;
	v20 =	vsel vm5, $0x0, v20;
	v29 =	vadd.f32 v29, v18;
	v32 =	vld.idx.msk [tilespmem:v23+s14+$0x0], $0xffff  }
0x4c6: {  	v17 =	vadd.f32 v17, v15;
	v30 =	vadd.f32 v30, v19;
	v18 =	vld.idx.msk [tilespmem:v23+s15+$0x0], $0xffff  }
0x4c7: {  	v20 =	vadd.f32 v20, v16;
	vm2 =	vlt.s32 v24, $0x0;
	vm1 =	vge.s32 v31, $0x0;
	v19 =	vld.idx.msk [tilespmem:v23+s16+$0x0], $0xffff  }
0x4c8: {  	vm4 =	vgt.s32 v25, $0xFFFFFFFF;
	vm5 =	vlt.s32 v27, $0x0;
	vm6 =	vge.s32 v27, $0x0;
	v15 =	vld [tilespmem:s21+$0x4400];
	[tilespmem:s7+$0x0] =	vst v17  }
0x4c9: {  	vm7 =	vlt.s32 v31, $0x0;
	vm3 =	vge.s32 v26, $0x0;
	vm8 =	vge.s32 v28, $0x0;
	v17 =	vld [tilespmem:s21+$0x4680];
	[tilespmem:s17+$0x0] =	vst v29  }
0x4ca: {  	vm11 =	vgt.s32 v21, $0xFFFFFFFF;
	vm10 =	vlt.s32 v26, $0x0;
	vm9 =	vlt.s32 v22, $0x0;
	v16 =	vld [tilespmem:s21+$0x4900];
	[tilespmem:s25+$0x0] =	vst v30  }
0x4cb: {  	vm12 =	vmand vm5, vm3;
	vm3 =	vlt.s32 v28, $0x0;
	vm8 =	vmand vm7, vm8;
	v21 =	vld.idx.msk [tilespmem:v23+s13+$0x0], $0xffff;
	[tilespmem:s22+$0x0] =	vst v20  }
0x4cc: {  	vm2 =	vmand vm2, vm11;
	vm6 =	vmand vm10, vm6;
	vm4 =	vmand vm4, vm9;
	v20 =	vld [tilespmem:s21+$0x4D80]  }
0x4cd: {  	vm5 =	vmxor vm5, vm10;
	vm7 =	vmxor vm7, vm3;
	v22 =	vsel vm4, $0x0, v25  }
0x4ce: {  	s28 =	simm.s32 $0x211;
	s8 =	sand.u32 $0x600, s1;
	v26 =	vsel vm5, $0x0, v27;
	v23 =	vnsel vm12, $0x0, v27;
	v25 =	vnsel vm4, $0x0, v25  }
.Ltmp29:
0x4cf: {  	s7 =	sadd.s32 $0x10, s20;
	v25 =	vadd.f32 v26, v25;
	v26 =	vnsel vm6, $0x0, v27;
	v27 =	vsel vm7, $0x0, v31;
	s21 =	simm.s32 $0x800;
	(pc) =	sbr.rel @p0 .LBB2_50-.Ltmp29, $4  }
0x4d0: {  	s9 =	sadd.s32 $0xB600, s8;
	s22 =	sand.u32 $0x70, s7;
	v22 =	vadd.f32 v23, v22;
	v23 =	vnsel vm8, $0x0, v31;
	v26 =	vadd.f32 v27, v26  }
0x4d1: {  	s19 =	sadd.s32 $0xB680, s8;
	vm1 =	vmand vm3, vm1;
	s7 =	sor.u32 s0, s9;
	s9 =	sor.u32 s22, s9;
	v23 =	vadd.f32 v23, v25;
	v25 =	vnsel vm2, $0x0, v24  }
0x4d2: {  	s17 =	sor.u32 s0, s19;
	s25 =	sadd.s32 $0xB700, s8;
	v24 =	vsel vm2, $0x0, v24;
	[tilespmem:s9+$0x0] =	vst v22;
	s9 =	sor.u32 s22, s19;
	v22 =	vadd.f32 v25, v26;
	v25 =	vnsel vm1, $0x0, v31  }
0x4d3: {  	s26 =	sadd.s32 $0xB780, s8;
	s20 =	sadd.s32 $0x20, s20;
	vm4 =	vlt.s32 v32, $0x0;
	vm1 =	vlt.s32 v18, $0x0;
	s19 =	sor.u32 s22, s25;
	[tilespmem:s9+$0x0] =	vst v23;
	v23 =	vadd.f32 v24, v25  }
0x4d4: {  	vm2 =	vgt.s32 v15, $0xFFFFFFFF  }
0x4d5: {  	vm3 =	vlt.s32 v17, $0x0;
	vm5 =	vlt.s32 v19, $0x0;
	vm6 =	vge.s32 v17, $0x0  }
0x4d6: {  	vm7 =	vlt.s32 v16, $0x0;
	vm15 =	vgt.s32 v21, $0xFFFFFFFF;
	vm8 =	vge.s32 v16, $0x0  }
0x4d7: {  	vm2 =	vmand vm2, vm4;
	vm4 =	vmand vm1, vm6;
	vm1 =	vmxor vm3, vm1  }
0x4d8: {  	vm14 =	vmxor vm7, vm5;
	vm5 =	vmand vm5, vm8;
	v24 =	vnsel vm2, $0x0, v15  }
0x4d9: {  	v25 =	vsel vm1, $0x0, v17;
	v26 =	vnsel vm4, $0x0, v17;
	vm1 =	vge.s32 v18, $0x0  }
0x4da: {  	v18 =	vsel vm14, $0x0, v16;
	vm4 =	vge.s32 v19, $0x0;
	v15 =	vsel vm2, $0x0, v15  }
0x4db: {  	v19 =	vadd.f32 v25, v24;
	vm1 =	vmand vm3, vm1;
	vm3 =	vlt.s32 v20, $0x0  }
0x4dc: {  	v18 =	vadd.f32 v18, v26;
	vm4 =	vmand vm7, vm4;
	v17 =	vnsel vm1, $0x0, v17  }
0x4dd: {  	[tilespmem:s19+$0x0] =	vst v22;
	s1 =	sor.u32 s22, s26;
	vm1 =	vmand vm3, vm15;
	v21 =	vnsel vm4, $0x0, v16;
	v15 =	vadd.f32 v17, v15  }
0x4de: {  	[tilespmem:s1+$0x0] =	vst v23;
	v17 =	vnsel vm1, $0x0, v20;
	v19 =	vadd.f32 v21, v19;
	v21 =	vadd.s32 s28, v0  }
0x4df: {  	v16 =	vnsel vm5, $0x0, v16;
	v20 =	vsel vm1, $0x0, v20;
	v17 =	vadd.f32 v17, v18;
	[tilespmem:s7+$0x0] =	vst v15  }
0x4e0: {  	s20 =	sor.u32 s0, s25;
	v15 =	vadd.f32 v20, v16;
	[tilespmem:s17+$0x0] =	vst v19  }
0x4e1: {  	s22 =	sor.u32 s0, s26;
	[tilespmem:s20+$0x0] =	vst v17  }
0x4e2: {  	s25 =	simm.s32 $0x201;
	[tilespmem:s22+$0x0] =	vst v15  }
0x4e3: {  	v15 =	vadd.s32 s25, v0;
	v16 =	vld.idx.msk [tilespmem:v21+s16+$0x0], $0xffff  }
0x4e4: {  	s26 =	simm.s32 $0x200;
	v17 =	vld.idx.msk [tilespmem:v21+s13+$0x0], $0xffff  }
0x4e5: {  	v18 =	vld [tilespmem:s26+$0x4900]  }
0x4e6: {  	v19 =	vld [tilespmem:s26+$0x4D80]  }
0x4e7: {  	v22 =	vld [tilespmem:s26+$0x4D90]  }
0x4e8: {  	v20 =	vld.idx.msk [tilespmem:v15+s16+$0x0], $0xffff  }
0x4e9: {  	v15 =	vld.idx.msk [tilespmem:v15+s13+$0x0], $0xffff  }
0x4ea: {  	s6 =	simm.s32 $0x231;
	vm3 =	vge.s32 v16, $0x0  }
0x4eb: {  	s28 =	simm.s32 $0x221;
	vm1 =	vlt.s32 v16, $0x0;
	vm2 =	vgt.s32 v17, $0xFFFFFFFF;
	v16 =	vadd.s32 s6, v0  }
0x4ec: {  	v17 =	vadd.s32 s28, v0;
	vm4 =	vlt.s32 v18, $0x0;
	vm5 =	vge.s32 v18, $0x0  }
0x4ed: {  	v21 =	vld [tilespmem:s26+$0x4910];
	vm14 =	vlt.s32 v19, $0x0;
	vm15 =	vlt.s32 v22, $0x0;
	vm13 =	vlt.s32 v20, $0x0  }
0x4ee: {  	vm12 =	vge.s32 v20, $0x0;
	vm9 =	vgt.s32 v15, $0xFFFFFFFF;
	vm5 =	vmand vm13, vm5  }
0x4ef: {  	s29 =	simm.s32 $0x200;
	vm6 =	vmand vm4, vm12;
	vm8 =	vmand vm14, vm9;
	vm4 =	vmxor vm4, vm13  }
0x4f0: {  	s30 =	sand.u32 $0xE00, s21;
	s8 =	simm.s32 $0x220;
	s21 =	simm.s32 $0x210;
	v23 =	vld.idx.msk [tilespmem:v16+s16+$0x0], $0xffff;
	v15 =	vnsel vm6, $0x0, v18;
	v24 =	vnsel vm8, $0x0, v19;
	v19 =	vsel vm8, $0x0, v19  }
0x4f1: {  	s31 =	sand.u32 $0x60, s29;
	s9 =	sadd.s32 $0xB600, s30;
	s20 =	sand.u32 $0x70, s21;
	v25 =	vld.idx.msk [tilespmem:v16+s13+$0x0], $0xffff;
	vm6 =	vmand vm15, vm2;
	v20 =	vadd.f32 v15, v13;
	v15 =	vsel vm4, $0x0, v18  }
0x4f2: {  	s22 =	sor.u32 s31, s9;
	s9 =	sor.u32 s20, s9;
	v18 =	vnsel vm5, $0x0, v18;
	vm4 =	vlt.s32 v21, $0x0;
	v16 =	vadd.f32 v24, v15;
	v15 =	vld [tilespmem:s8+$0x4900]  }
0x4f3: {  	s19 =	sadd.s32 $0xB680, s30;
	s1 =	simm.s32 $0x880;
	[tilespmem:s9+$0x0] =	vst v12;
	vm5 =	vge.s32 v21, $0x0;
	v28 =	vnsel vm6, $0x0, v22;
	v24 =	vadd.f32 v19, v18;
	v18 =	vld [tilespmem:s8+$0x4D80]  }
0x4f4: {  	s7 =	simm.s32 $0x22;
	s25 =	sor.u32 s31, s19;
	s26 =	sadd.s32 $0xB700, s30;
	[tilespmem:s22+$0x0] =	vst v12;
	vm5 =	vmand vm1, vm5;
	vm3 =	vmand vm4, vm3;
	v19 =	vld.idx.msk [tilespmem:v17+s16+$0x0], $0xffff;
	vm1 =	vmxor vm4, vm1  }
0x4f5: {  	s17 =	simm.s32 $0x251;
	s30 =	sadd.s32 $0xB780, s30;
	s29 =	sor.u32 s31, s26;
	[tilespmem:s25+$0x0] =	vst v20;
	v26 =	vnsel vm3, $0x0, v21;
	v20 =	vld.idx.msk [tilespmem:v17+s13+$0x0], $0xffff;
	v27 =	vsel vm1, $0x0, v21;
	v21 =	vnsel vm5, $0x0, v21  }
0x4f6: {  	s31 =	sor.u32 s31, s30;
	s22 =	sor.u32 s20, s26;
	s28 =	simm.s32 $0x230;
	v17 =	vld [tilespmem:s8+$0x4910];
	[tilespmem:s29+$0x0] =	vst v16;
	vm2 =	vge.s32 v23, $0x0;
	vm1 =	vlt.s32 v23, $0x0;
	vm3 =	vgt.s32 v25, $0xFFFFFFFF  }
0x4f7: {  	s0 =	sand.u32 $0x70, s28;
	s25 =	sor.u32 s20, s19;
	s20 =	sor.u32 s20, s30;
	v16 =	vld [tilespmem:s8+$0x4D90];
	v23 =	vadd.f32 v26, v13;
	[tilespmem:s31+$0x0] =	vst v24;
	v24 =	vsel vm6, $0x0, v22;
	v22 =	vadd.f32 v28, v27  }
.LBB2_52:
0x4f8: {  	s8 =	sadd.s32 $0xFFFFFFF0, s17;
	s9 =	sadd.s32 $0xFFFFFFFF, s17;
	v25 =	vadd.s32 s17, v0;
	v21 =	vadd.f32 v24, v21  }
0x4f9: {  	vm4 =	vlt.s32 v15, $0x0;
	vm5 =	vge.s32 v15, $0x0;
	v24 =	vadd.s32 s8, v0;
	s21 =	sand.u32 $0x70, s9;
	[tilespmem:s25+$0x0] =	vst v23  }
0x4fa: {  	vm8 =	vlt.s32 v18, $0x0;
	s6 =	sadd.s32 $0xFFFFFFEF, s6;
	vm6 =	vge.s32 v19, $0x0;
	vm7 =	vlt.s32 v19, $0x0;
	[tilespmem:s22+$0x0] =	vst v22  }
0x4fb: {  	s7 =	sadd.s32 $0x2, s7;
	s8 =	sand.u32 $0xE00, s1;
	s1 =	sadd.s32 $0x80, s1;
	vm5 =	vmand vm7, vm5;
	vm6 =	vmand vm4, vm6;
	vm9 =	vgt.s32 v20, $0xFFFFFFFF;
	[tilespmem:s20+$0x0] =	vst v21  }
0x4fc: {  	s6 =	sand.u32 $0x60, s6;
	s9 =	sshra.s32 s1, $0x2;
	s19 =	sadd.s32 $0xB600, s8;
	vm4 =	vmxor vm4, vm7;
	vm8 =	vmand vm8, vm9;
	v19 =	vnsel vm6, $0x0, v15  }
0x4fd: {  	p0 =	slt.u32 s7, $0x3E;
	s22 =	sadd.s32 $0xB680, s8;
	s20 =	sor.u32 s6, s19;
	v20 =	vsel vm4, $0x0, v15;
	v19 =	vadd.f32 v19, v13;
	v21 =	vnsel vm8, $0x0, v18;
	v22 =	vld.idx.msk [tilespmem:v25+s16+$0x0], $0xffff  }
0x4fe: {  	s26 =	sadd.s32 $0xB700, s8;
	s8 =	sadd.s32 $0xB780, s8;
	v18 =	vsel vm8, $0x0, v18;
	v20 =	vadd.f32 v21, v20;
	v21 =	vnsel vm5, $0x0, v15;
	v23 =	vld.idx.msk [tilespmem:v25+s13+$0x0], $0xffff;
	[tilespmem:s20+$0x0] =	vst v12;
	s20 =	sor.u32 s6, s22  }
0x4ff: {  	vm4 =	vlt.s32 v17, $0x0;
	s19 =	sor.u32 s0, s19;
	s25 =	sor.u32 s0, s22;
	vm5 =	vge.s32 v17, $0x0;
	v21 =	vadd.f32 v18, v21;
	v15 =	vld [tilespmem:s9+$0x4900];
	[tilespmem:s20+$0x0] =	vst v19;
	s20 =	sor.u32 s6, s26  }
.Ltmp30:
0x500: {  	vm2 =	vmand vm4, vm2;
	vm6 =	vlt.s32 v16, $0x0;
	vm5 =	vmand vm1, vm5;
	s22 =	sor.u32 s0, s26;
	s6 =	sor.u32 s6, s8;
	v18 =	vld [tilespmem:s9+$0x4D80];
	[tilespmem:s20+$0x0] =	vst v20;
	(pc) =	sbr.rel @p0 .LBB2_52-.Ltmp30, $4  }
0x501: {  	vm3 =	vmand vm6, vm3;
	v25 =	vnsel vm2, $0x0, v17;
	vm1 =	vmxor vm4, vm1;
	s20 =	sor.u32 s0, s8;
	v19 =	vld.idx.msk [tilespmem:v24+s16+$0x0], $0xffff;
	[tilespmem:s6+$0x0] =	vst v21  }
0x502: {  	v27 =	vnsel vm3, $0x0, v16;
	v26 =	vsel vm1, $0x0, v17;
	s0 =	smov.u32 s21;
	v21 =	vnsel vm5, $0x0, v17;
	s6 =	smov.u32 s17;
	v20 =	vld.idx.msk [tilespmem:v24+s13+$0x0], $0xffff;
	[tilespmem:s19+$0x0] =	vst v12  }
0x503: {  	vm2 =	vge.s32 v22, $0x0;
	vm1 =	vlt.s32 v22, $0x0;
	v24 =	vsel vm3, $0x0, v16;
	v17 =	vld [tilespmem:s9+$0x4910]  }
0x504: {  	s17 =	sadd.s32 $0x20, s17;
	v22 =	vadd.f32 v27, v26;
	vm3 =	vgt.s32 v23, $0xFFFFFFFF;
	v23 =	vadd.f32 v25, v13;
	v16 =	vld [tilespmem:s9+$0x4D90]  }
0x505: {  	v21 =	vadd.f32 v24, v21;
	vm4 =	vlt.s32 v15, $0x0  }
0x506: {  	vm5 =	vge.s32 v15, $0x0;
	vm6 =	vge.s32 v19, $0x0;
	vm7 =	vlt.s32 v19, $0x0  }
0x507: {  	vm8 =	vlt.s32 v18, $0x0;
	vm5 =	vmand vm7, vm5;
	vm6 =	vmand vm4, vm6  }
0x508: {  	vm9 =	vgt.s32 v20, $0xFFFFFFFF;
	vm4 =	vmxor vm4, vm7;
	v19 =	vnsel vm6, $0x0, v15  }
0x509: {  	s6 =	sadd.s32 $0xFFFFFFEF, s6;
	s1 =	sand.u32 $0xE00, s1;
	[tilespmem:s25+$0x0] =	vst v23;
	vm11 =	vmand vm8, vm9;
	v20 =	vsel vm4, $0x0, v15;
	v15 =	vnsel vm5, $0x0, v15  }
0x50a: {  	s6 =	sand.u32 $0x60, s6;
	s7 =	sadd.s32 $0xB600, s1;
	[tilespmem:s22+$0x0] =	vst v22;
	vm12 =	vge.s32 v17, $0x0;
	vm13 =	vlt.s32 v17, $0x0;
	v19 =	vadd.f32 v19, v13  }
0x50b: {  	s9 =	sadd.s32 $0xB680, s1;
	s8 =	sor.u32 s6, s7;
	[tilespmem:s20+$0x0] =	vst v21;
	v22 =	vnsel vm11, $0x0, v18;
	v18 =	vsel vm11, $0x0, v18;
	vm4 =	vmand vm1, vm12  }
0x50c: {  	s17 =	sadd.s32 $0xB700, s1;
	s29 =	sor.u32 s6, s9;
	[tilespmem:s8+$0x0] =	vst v12;
	vm14 =	vlt.s32 v16, $0x0;
	vm2 =	vmand vm13, vm2;
	v20 =	vadd.f32 v22, v20  }
0x50d: {  	s1 =	sadd.s32 $0xB780, s1;
	s30 =	sor.u32 s6, s17;
	vm1 =	vmxor vm13, vm1;
	v15 =	vadd.f32 v18, v15;
	vm3 =	vmand vm14, vm3;
	[tilespmem:s29+$0x0] =	vst v19  }
0x50e: {  	s31 =	simm.s32 $0x471;
	s6 =	sor.u32 s6, s1;
	v18 =	vnsel vm2, $0x0, v17;
	v19 =	vsel vm1, $0x0, v17;
	[tilespmem:s30+$0x0] =	vst v20;
	v20 =	vnsel vm3, $0x0, v16  }
0x50f: {  	s19 =	simm.s32 $0x461;
	s7 =	sor.u32 s0, s7;
	[tilespmem:s6+$0x0] =	vst v15;
	v15 =	vnsel vm4, $0x0, v17;
	v17 =	vadd.f32 v18, v13;
	v18 =	vadd.s32 s31, v0  }
0x510: {  	s20 =	sor.u32 s0, s9;
	[tilespmem:s7+$0x0] =	vst v12;
	v16 =	vsel vm3, $0x0, v16;
	v19 =	vadd.f32 v20, v19;
	v20 =	vadd.s32 s19, v0  }
0x511: {  	s21 =	sor.u32 s0, s17;
	s30 =	simm.s32 $0x441;
	v15 =	vadd.f32 v16, v15;
	[tilespmem:s20+$0x0] =	vst v17  }
0x512: {  	s25 =	sor.u32 s0, s1;
	v21 =	vadd.s32 s30, v0;
	[tilespmem:s21+$0x0] =	vst v19  }
0x513: {  	s22 =	simm.s32 $0x401;
	[tilespmem:s25+$0x0] =	vst v15  }
0x514: {  	s28 =	simm.s32 $0x421;
	v16 =	vadd.s32 s22, v0;
	v18 =	vld.idx.msk [tilespmem:v18+s13+$0x0], $0xffff  }
0x515: {  	s0 =	simm.s32 $0x51F0;
	s29 =	simm.s32 $0x431;
	v17 =	vadd.s32 s28, v0;
	v20 =	vld.idx.msk [tilespmem:v20+s13+$0x0], $0xffff  }
0x516: {  	s26 =	simm.s32 $0x411;
	v19 =	vadd.s32 s29, v0;
	v22 =	vld [tilespmem:s0+$0xFFFFFFF0]  }
0x517: {  	s31 =	simm.s32 $0x451;
	v15 =	vadd.s32 s26, v0;
	v21 =	vld.idx.msk [tilespmem:v21+s13+$0x0], $0xffff  }
0x518: {  	v23 =	vadd.s32 s31, v0;
	v26 =	vld [tilespmem:s0+$0xFFFFFFC0]  }
0x519: {  	v16 =	vld.idx.msk [tilespmem:v16+s13+$0x0], $0xffff  }
0x51a: {  	v17 =	vld.idx.msk [tilespmem:v17+s13+$0x0], $0xffff  }
0x51b: {  	v19 =	vld.idx.msk [tilespmem:v19+s13+$0x0], $0xffff  }
0x51c: {  	v15 =	vld.idx.msk [tilespmem:v15+s13+$0x0], $0xffff  }
0x51d: {  	vm2 =	vgt.s32 v20, $0xFFFFFFFF;
	v20 =	vld.idx.msk [tilespmem:v23+s13+$0x0], $0xffff  }
0x51e: {  	v23 =	vld [tilespmem:s0+$0xFFFFFFA0]  }
0x51f: {  	s1 =	simm.s32 $0xC7F0;
	v25 =	vld [tilespmem:s0+$0xFFFFFFB0];
	vm1 =	vlt.s32 v22, $0x0;
	vm13 =	vgt.s32 v21, $0xFFFFFFFF  }
0x520: {  	v27 =	vld [tilespmem:s0+$0xFFFFFFD0];
	[tilespmem:s1+$0xFFFFFE50] =	vst v12;
	vm14 =	vlt.s32 v26, $0x0;
	vm1 =	vmand vm1, vm2;
	vm2 =	vgt.s32 v18, $0xFFFFFFFF  }
0x521: {  	[tilespmem:s1+$0xFFFFFE30] =	vst v12;
	vm3 =	vgt.s32 v16, $0xFFFFFFFF;
	v24 =	vnsel vm1, $0x0, v22;
	vm15 =	vgt.s32 v17, $0xFFFFFFFF;
	v17 =	vld [tilespmem:s0+$0x0]  }
0x522: {  	v28 =	vld [tilespmem:s0+$0xFFFFFFE0];
	[tilespmem:s1+$0xFFFFFEB0] =	vst v13;
	v22 =	vsel vm1, $0x0, v22;
	v24 =	vadd.f32 v24, v14;
	vm6 =	vgt.s32 v19, $0xFFFFFFFF  }
0x523: {  	[tilespmem:s1+$0xFFFFFE40] =	vst v12;
	vm1 =	vgt.s32 v15, $0xFFFFFFFF;
	vm5 =	vmand vm14, vm6;
	vm12 =	vlt.s32 v23, $0x0  }
0x524: {  	[tilespmem:s1+$0xFFFFFEC0] =	vst v13;
	v15 =	vld [tilespmem:s0+$0xFFFFFF90];
	vm8 =	vgt.s32 v20, $0xFFFFFFFF;
	v19 =	vnsel vm5, $0x0, v26;
	vm4 =	vmand vm12, vm1  }
0x525: {  	[tilespmem:s1+$0xFFFFFE20] =	vst v12;
	vm1 =	vlt.s32 v25, $0x0;
	v19 =	vadd.f32 v19, v14;
	v16 =	vnsel vm4, $0x0, v23  }
0x526: {  	[tilespmem:s1+$0xFFFFFEA0] =	vst v13;
	vm1 =	vmand vm1, vm15;
	vm15 =	vlt.s32 v27, $0x0;
	vm14 =	vlt.s32 v17, $0x0  }
0x527: {  	[tilespmem:s1+$0xFFFFFFF0] =	vst v22;
	v18 =	vnsel vm1, $0x0, v25;
	vm12 =	vmand vm15, vm13;
	vm13 =	vlt.s32 v28, $0x0  }
0x528: {  	[tilespmem:s1+$0xFFFFFE10] =	vst v12;
	vm2 =	vmand vm14, vm2;
	v16 =	vadd.f32 v16, v14;
	v20 =	vnsel vm12, $0x0, v27  }
0x529: {  	p0 =	por $0x1, $0x1;
	[tilespmem:s1+$0xFFFFFE90] =	vst v13;
	vm7 =	vmand vm13, vm8;
	vm15 =	vlt.s32 v15, $0x0;
	v22 =	vnsel vm2, $0x0, v17  }
.Ltmp31:
0x52a: {  	[tilespmem:s1+$0xFFFFFF70] =	vst v24;
	v18 =	vadd.f32 v18, v14;
	v17 =	vsel vm2, $0x0, v17;
	vm3 =	vmand vm15, vm3;
	(pc) =	sbr.rel @!p0 .LBB2_55-.Ltmp31, $4  }
0x52b: {  	v21 =	vnsel vm7, $0x0, v28;
	[tilespmem:s1+$0xFFFFFF20] =	vst v16;
	v16 =	vsel vm4, $0x0, v23;
	v24 =	vnsel vm3, $0x0, v15  }
0x52c: {  	[tilespmem:s1+$0xFFFFFF40] =	vst v19;
	v22 =	vadd.f32 v22, v14;
	v19 =	vsel vm7, $0x0, v28;
	v29 =	vadd.f32 v24, v14  }
0x52d: {  	v15 =	vsel vm3, $0x0, v15;
	[tilespmem:s1+$0xFFFFFF30] =	vst v18;
	v23 =	vadd.f32 v21, v14;
	v24 =	vadd.f32 v20, v14  }
0x52e: {  	s7 =	simm.s32 $0x4F1;
	s6 =	simm.s32 $0x40;
	v21 =	vsel vm1, $0x0, v25;
	v18 =	vsel vm12, $0x0, v27;
	v20 =	vsel vm5, $0x0, v26;
	[tilespmem:s1+$0xFFFFFF10] =	vst v29  }
.LBB2_54:
0x52f: {  	s8 =	sadd.s32 $0xFFFFFF90, s7;
	s9 =	sadd.s32 $0xFFFFFFF0, s7;
	v25 =	vadd.s32 s7, v0;
	s6 =	sadd.s32 $0x8, s6;
	[tilespmem:s1+$0xFFFFFF50] =	vst v24  }
0x530: {  	s17 =	sadd.s32 $0xFFFFFFB0, s7;
	v24 =	vadd.s32 s8, v0;
	s8 =	sadd.s32 $0xFFFFFFA0, s7;
	v26 =	vadd.s32 s9, v0;
	p0 =	slt.u32 s6, $0x78;
	[tilespmem:s1+$0xFFFFFF60] =	vst v23  }
0x531: {  	v27 =	vadd.s32 s17, v0;
	s9 =	sadd.s32 $0xFFFFFFD0, s7;
	s17 =	sadd.s32 $0xFFFFFFE0, s7;
	v23 =	vadd.s32 s8, v0;
	s8 =	sadd.s32 $0xFFFFFFC0, s7;
	[tilespmem:s1+$0xFFFFFF80] =	vst v22  }
0x532: {  	v28 =	vadd.s32 s9, v0;
	v29 =	vadd.s32 s17, v0;
	v22 =	vadd.s32 s8, v0;
	[tilespmem:s1+$0xFFFFFF90] =	vst v15  }
0x533: {  	[tilespmem:s1+$0xFFFFFFA0] =	vst v16  }
0x534: {  	v15 =	vld.idx.msk [tilespmem:v25+s13+$0x0], $0xffff;
	[tilespmem:s1+$0xFFFFFFB0] =	vst v21  }
0x535: {  	s0 =	sadd.s32 $0x80, s0;
	v16 =	vld.idx.msk [tilespmem:v26+s13+$0x0], $0xffff;
	[tilespmem:s1+$0xFFFFFFC0] =	vst v20  }
0x536: {  	v20 =	vld [tilespmem:s0+$0xFFFFFFF0];
	[tilespmem:s1+$0xFFFFFFD0] =	vst v18  }
0x537: {  	v18 =	vld.idx.msk [tilespmem:v24+s13+$0x0], $0xffff;
	[tilespmem:s1+$0xFFFFFFE0] =	vst v19  }
0x538: {  	v19 =	vld.idx.msk [tilespmem:v23+s13+$0x0], $0xffff;
	[tilespmem:s1+$0x0] =	vst v17  }
0x539: {  	v17 =	vld.idx.msk [tilespmem:v27+s13+$0x0], $0xffff;
	[tilespmem:s1+$0xFFFFFED0] =	vst v13  }
0x53a: {  	vm1 =	vgt.s32 v15, $0xFFFFFFFF;
	v21 =	vld.idx.msk [tilespmem:v22+s13+$0x0], $0xffff;
	[tilespmem:s1+$0xFFFFFE60] =	vst v12  }
0x53b: {  	vm3 =	vgt.s32 v16, $0xFFFFFFFF;
	v15 =	vld.idx.msk [tilespmem:v28+s13+$0x0], $0xffff;
	vm2 =	vlt.s32 v20, $0x0;
	[tilespmem:s1+$0xFFFFFEE0] =	vst v13  }
0x53c: {  	v16 =	vld.idx.msk [tilespmem:v29+s13+$0x0], $0xffff;
	vm3 =	vmand vm2, vm3;
	[tilespmem:s1+$0xFFFFFE70] =	vst v12  }
0x53d: {  	vm2 =	vgt.s32 v18, $0xFFFFFFFF;
	v18 =	vld [tilespmem:s0+$0xFFFFFFA0];
	v22 =	vnsel vm3, $0x0, v20;
	v20 =	vsel vm3, $0x0, v20;
	[tilespmem:s1+$0xFFFFFEF0] =	vst v13  }
0x53e: {  	vm3 =	vgt.s32 v19, $0xFFFFFFFF;
	v19 =	vld [tilespmem:s0+$0xFFFFFFB0];
	v22 =	vadd.f32 v22, v14;
	[tilespmem:s1+$0xFFFFFE80] =	vst v12  }
0x53f: {  	vm5 =	vgt.s32 v17, $0xFFFFFFFF;
	v17 =	vld [tilespmem:s0+$0xFFFFFFC0];
	[tilespmem:s1+$0xFFFFFF00] =	vst v13;
	s1 =	sadd.s32 $0x200, s1  }
0x540: {  	vm6 =	vgt.s32 v21, $0xFFFFFFFF;
	v25 =	vld [tilespmem:s0+$0xFFFFFFD0];
	[tilespmem:s1+$0xFFFFFF70] =	vst v22  }
0x541: {  	vm7 =	vgt.s32 v15, $0xFFFFFFFF;
	v26 =	vld [tilespmem:s0+$0xFFFFFFE0];
	[tilespmem:s1+$0xFFFFFFF0] =	vst v20  }
0x542: {  	vm8 =	vgt.s32 v16, $0xFFFFFFFF;
	vm4 =	vlt.s32 v18, $0x0;
	[tilespmem:s1+$0xFFFFFE20] =	vst v12;
	v27 =	vld [tilespmem:s0+$0x0]  }
0x543: {  	v15 =	vld [tilespmem:s0+$0xFFFFFF90];
	[tilespmem:s1+$0xFFFFFE10] =	vst v12;
	vm4 =	vmand vm4, vm3;
	vm3 =	vlt.s32 v19, $0x0  }
0x544: {  	[tilespmem:s1+$0xFFFFFE90] =	vst v13;
	v16 =	vnsel vm4, $0x0, v18;
	vm3 =	vmand vm3, vm5;
	vm5 =	vlt.s32 v17, $0x0  }
0x545: {  	[tilespmem:s1+$0xFFFFFEA0] =	vst v13;
	v20 =	vnsel vm3, $0x0, v19;
	vm5 =	vmand vm5, vm6;
	vm6 =	vlt.s32 v25, $0x0  }
0x546: {  	[tilespmem:s1+$0xFFFFFE30] =	vst v12;
	v21 =	vnsel vm5, $0x0, v17;
	vm6 =	vmand vm6, vm7;
	vm7 =	vlt.s32 v26, $0x0  }
0x547: {  	[tilespmem:s1+$0xFFFFFEB0] =	vst v13;
	v22 =	vnsel vm6, $0x0, v25;
	vm7 =	vmand vm7, vm8;
	vm8 =	vlt.s32 v27, $0x0  }
0x548: {  	vm9 =	vlt.s32 v15, $0x0;
	[tilespmem:s1+$0xFFFFFE40] =	vst v12;
	v23 =	vnsel vm7, $0x0, v26;
	vm1 =	vmand vm8, vm1  }
0x549: {  	v16 =	vadd.f32 v16, v14;
	vm2 =	vmand vm9, vm2;
	[tilespmem:s1+$0xFFFFFEC0] =	vst v13;
	v28 =	vnsel vm1, $0x0, v27  }
.Ltmp32:
0x54a: {  	v20 =	vadd.f32 v20, v14;
	v29 =	vadd.f32 v21, v14;
	v24 =	vnsel vm2, $0x0, v15;
	[tilespmem:s1+$0xFFFFFE50] =	vst v12;
	(pc) =	sbr.rel @p0 .LBB2_54-.Ltmp32, $4  }
0x54b: {  	v15 =	vsel vm2, $0x0, v15;
	v21 =	vadd.f32 v24, v14;
	[tilespmem:s1+$0xFFFFFF20] =	vst v16;
	v24 =	vadd.f32 v22, v14  }
0x54c: {  	v23 =	vadd.f32 v23, v14;
	v16 =	vsel vm4, $0x0, v18;
	v22 =	vadd.f32 v28, v14;
	[tilespmem:s1+$0xFFFFFF30] =	vst v20  }
0x54d: {  	v18 =	vsel vm6, $0x0, v25;
	v20 =	vsel vm5, $0x0, v17;
	[tilespmem:s1+$0xFFFFFF10] =	vst v21;
	v21 =	vsel vm3, $0x0, v19  }
0x54e: {  	s7 =	sadd.s32 $0x80, s7;
	v17 =	vsel vm1, $0x0, v27;
	v19 =	vsel vm7, $0x0, v26;
	[tilespmem:s1+$0xFFFFFF40] =	vst v29  }
.LBB2_55:
0x54f: {  	[tilespmem:s1+$0xFFFFFF50] =	vst v24  }
0x550: {  	[tilespmem:s1+$0xFFFFFF60] =	vst v23  }
0x551: {  	[tilespmem:s1+$0xFFFFFF80] =	vst v22  }
0x552: {  	[tilespmem:s1+$0xFFFFFF90] =	vst v15  }
0x553: {  	[tilespmem:s1+$0xFFFFFFA0] =	vst v16  }
0x554: {  	[tilespmem:s1+$0xFFFFFFB0] =	vst v21  }
0x555: {  	[tilespmem:s1+$0xFFFFFFC0] =	vst v20  }
0x556: {  	[tilespmem:s1+$0xFFFFFFD0] =	vst v18  }
0x557: {  	[tilespmem:s1+$0xFFFFFFE0] =	vst v19  }
0x558: {  	[tilespmem:s1+$0x0] =	vst v17  }
0x559: {  	[tilespmem:s1+$0xFFFFFED0] =	vst v13  }
0x55a: {  	[tilespmem:s1+$0xFFFFFE60] =	vst v12;
	s23 =	sadd.s32 $0x1, s23  }
0x55b: {  	[tilespmem:s1+$0xFFFFFEE0] =	vst v13;
	p0 =	sne.s32 s23, $0x10  }
.Ltmp33:
0x55c: {  	[tilespmem:s1+$0xFFFFFE70] =	vst v12;
	(pc) =	sbr.rel @p0 .LBB2_2-.Ltmp33, $4  }
.Ltmp34:
0x55d: {  	[tilespmem:s1+$0xFFFFFEF0] =	vst v13;
	s0 =	sshll.u32 s24, $0xA;
	(pc) =	sbr.rel @!p0 .LBB2_56-.Ltmp34, $4  }
0x55e: {  	[tilespmem:s1+$0xFFFFFE80] =	vst v12;
	s0 =	sand.u32 $0x1FFFF800, s0  }
0x55f: {  	[tilespmem:s1+$0xFFFFFF00] =	vst v13;
	s31 =	simm.s32 $0x9600;
	s0 =	sadd.s32 s3, s0  }
0x560: {  	[hbm4b:s0+s4] =	stream.linear.scatter [tilespmem:s31], [sflag:$0x4], $0x4000, $0x38;
	[tilespmem:$0xD600] =	vst v63  }
0x561: {  	_ = 	snop  }
.LBB2_13:
.Ltmp35:
0x562: {  	(pc) =	sbr.rel .LBB2_18-.Ltmp35, $2  }
0x563: {  	_ =	sdelay $0x2  }
0x564: {  	s6 =	smov.u32 s26;
	p2 =	por $0x0, $0x0  }
.LBB2_19:
.Ltmp36:
0x565: {  	(pc) =	sbr.rel .LBB2_24-.Ltmp36, $2  }
0x566: {  	_ =	sdelay $0x2  }
0x567: {  	v33 =	vmov v16  }
.LBB2_41:
.Ltmp37:
0x568: {  	(pc) =	sbr.rel .LBB2_43-.Ltmp37, $2  }
0x569: {  	_ =	sdelay $0x2  }
0x56a: {  	s20 =	smov.u32 s25;
	v17 =	vmov v19  }
.LBB2_44:
.Ltmp38:
0x56b: {  	(pc) =	sbr.rel .LBB2_49-.Ltmp38, $2  }
0x56c: {  	_ =	sdelay $0x2  }
0x56d: {  	v29 =	vmov v19  }
.LBB2_15:
.Ltmp39:
0x56e: {  	(pc) =	sbr.rel .LBB2_18-.Ltmp39, $2  }
0x56f: {  	_ =	sdelay $0x2  }
0x570: {  	s21 =	smov.u32 s1;
	s20 =	smov.u32 s7  }
.LBB2_21:
.Ltmp40:
0x571: {  	(pc) =	sbr.rel .LBB2_24-.Ltmp40, $3  }
0x572: {  	_ =	sdelay $0x1  }
0x573: {  	s7 =	smov.u32 s29  }
0x574: {  	s0 =	smov.u32 s28;
	v33 =	vmov v16;
	s29 =	smov.u32 s6;
	s28 =	smov.u32 s1  }
.LBB2_46:
.Ltmp41:
0x575: {  	(pc) =	sbr.rel .LBB2_49-.Ltmp41, $3  }
0x576: {  	_ =	sdelay $0x1  }
0x577: {  	s17 =	smov.u32 s30  }
0x578: {  	s6 =	smov.u32 s0;
	v29 =	vmov v19;
	s30 =	smov.u32 s7;
	s0 =	smov.u32 s1  }
.LBB2_57:
0x579: {  	_ =	sfence.sel $0x180000  }
0x57a: {  	[bflag:$0x0] =	sbarrier.arrive $0xFFFF  }
0x57b: {  	_ =	strace $0x90000047  }
0x57c: {  	s0 =	stileid.u32;
	[bflag:$0x2] =	sbarrier.arrive $0xFFFF  }
0x57d: {  	p0 =	sne.s32 s0, $0x0;
	s0 =	rddreg [dreg:$0x2]  }
0x57e: {  	s0 =	sadd.s32 @!p0 $0x100000, s0  }
0x57f: {  	[sflag:s0] =	ssyncadd.tile.s32 @!p0 $0x1;
	_ =	shalt  }
.Lfunc_end2:
_tile_overlayer_lowered:
.L_overlay_start_2:
0x580: {  	(tag) =	ssettag $0x2  }
0x581: {  	s0 =	rddreg [dreg:$0x0];
	s2 =	stileid.u32  }
0x582: {  	s1 =	rddreg [dreg:$0x1];
	p0 =	sne.s32 s2, $0x0  }
0x583: {  	s3 =	rddreg [dreg:$0x2];
	[bflag:$0x3] =	sbarrier.arrive $0xFFFF;
	s2 =	simm.s32 @!p0 $0x1C05  }
0x584: {  	[timem:s3], [sflag:s2] =	dma.local @!p0 [hbm:s0], s1  }
0x585: {  	s0 =	simm.s32 @!p0 $0x5  }
0x586: {  	_ =	swait.ge @!p0 [sflag:s0], s1  }
0x587: {  	s1 =	ssub.s32 @!p0 $0x0, s1;
	[sflag:s0] =	ssyncset.done @!p0 $0x0  }
0x588: {  	[sflag:s0] =	ssyncadd.s32 @!p0 s1  }
0x589: {  	[bflag:$0x3] =	sbarrier.arrive $0xFFFF  }
0x58a: {  	_ =	shalt  }

</sc_bundles>
